<compile_context>
chip_gen: v7x
topology: tpu7x:2x2x1
jax: 0.10.2.dev20260603
libtpu: 0.0.44.dev20260713+nightly
codegen_flags: <defaults>
</compile_context>

<pallas_src>
import functools

import jax
import jax.numpy as jnp
from jax import lax
from jax.experimental import pallas as pl
from jax.experimental.pallas import tpu as pltpu
from jax.experimental.pallas import tpu_sc as plsc

_ROWS, _COLS = 16384, 1024
_NC, _NS, _L = 2, 16, 16
_NW = _NC * _NS

_SC_ROWS = 5120
_TC_ROWS = _ROWS - _SC_ROWS
_TC_BLK = 1024

_ROWS_W = _SC_ROWS // _NW
_CROWS = 32
_NCHUNK = _ROWS_W // _CROWS


@functools.partial(
    pl.kernel,
    mesh=plsc.VectorSubcoreMesh(core_axis_name="c", subcore_axis_name="s"),
    out_type=jax.ShapeDtypeStruct((_NW * _L,), jnp.float32),
    scratch_types=[
        pltpu.VMEM((2, _CROWS, _COLS), jnp.float32),
        pltpu.VMEM((_L,), jnp.float32),
        pltpu.SemaphoreType.DMA,
        pltpu.SemaphoreType.DMA,
    ],
    compiler_params=pltpu.CompilerParams(use_tc_tiling_on_sc=True),
)
def _sc_absmax(x_hbm, out_hbm, buf, part, sem0, sem1):
    wid = lax.axis_index("s") * _NC + lax.axis_index("c")
    row0 = wid * _ROWS_W
    sems = (sem0, sem1)

    handles = [None, None]
    handles[0] = pltpu.async_copy(
        x_hbm.at[pl.ds(row0, _CROWS)], buf.at[0], sems[0])
    accs = tuple(jnp.zeros((_L,), jnp.float32) for _ in range(8))
    for g in range(_NCHUNK):
        b = g % 2
        if g + 1 < _NCHUNK:
            handles[1 - b] = pltpu.async_copy(
                x_hbm.at[pl.ds(row0 + (g + 1) * _CROWS, _CROWS)],
                buf.at[1 - b], sems[1 - b])
        handles[b].wait()

        @plsc.parallel_loop(0, _CROWS, carry=accs)
        def accs(r, a):
            new = list(a)
            for j in range(_COLS // _L):
                v = buf[b, r, pl.ds(j * _L, _L)]
                k = j % 8
                new[k] = jnp.maximum(new[k], jnp.abs(v))
            return tuple(new)

    acc = accs[0]
    for k in range(1, 8):
        acc = jnp.maximum(acc, accs[k])
    part[...] = acc
    pltpu.sync_copy(part, out_hbm.at[pl.ds(wid * _L, _L)])


def _tc_reduce_body(x_ref, o_ref):
    i = pl.program_id(0)
    m = jnp.max(jnp.abs(x_ref[...]))

    @pl.when(i == 0)
    def _():
        o_ref[0, 0] = m

    @pl.when(i > 0)
    def _():
        o_ref[0, 0] = jnp.maximum(o_ref[0, 0], m)


def _finalize_body(p_ref, t_ref, o_ref):
    m = jnp.maximum(jnp.max(p_ref[...]), t_ref[0, 0])
    r = 1.0 / m
    bits = lax.bitcast_convert_type(r, jnp.int32)
    e = ((bits >> 23) & 0xFF) - 127
    o_ref[0, 0] = -jnp.clip(e.astype(jnp.float32), -15.0, 15.0)


def kernel(x, _):
    parts_sc = _sc_absmax(x)
    part_tc = pl.pallas_call(
        _tc_reduce_body,
        grid=(_TC_ROWS // _TC_BLK,),
        in_specs=[pl.BlockSpec(
            (_TC_BLK, _COLS),
            lambda i: (i + _SC_ROWS // _TC_BLK, 0))],
        out_specs=pl.BlockSpec(memory_space=pltpu.SMEM),
        out_shape=jax.ShapeDtypeStruct((1, 1), jnp.float32),
    )(x)
    out = pl.pallas_call(
        _finalize_body,
        out_shape=jax.ShapeDtypeStruct((1, 1), jnp.float32),
        out_specs=pl.BlockSpec(memory_space=pltpu.SMEM),
    )(parts_sc, part_tc)
    return out[0, 0]

# --- scband reference (transcript-rebuilt; emitter-appended) ---
"""Pipeline reference for scband-output-shift-limit-63848983822357 (READ-ONLY COPY).

The authoritative reference and input builder live on the scoring server;
editing this copy changes nothing except your own understanding.
"""

import jax, jax.numpy as jnp
import numpy as np

SHIFT_QUANTILE = 1.0

def setup_inputs(seed: int = 0) -> dict:
    key = jax.random.key(seed)
    x = jax.random.normal(key, (16384, 1024), dtype=jnp.float32)
    unused = jnp.zeros((1,), dtype=jnp.float32)
    return {"x": x, "_": unused}

def _quantile(xf, q):
    # faithful translation of the ersatz torch quantile (method='linear')
    n = xf.shape[0]
    fp = jnp.sort(xf)
    if q == 1.0:
        return fp[-1]
    m = n - 1
    xp = jnp.linspace(1.0 / (2 * n), (2 * n - 1) / (2 * n), n)
    i = jnp.clip(jnp.searchsorted(xp, jnp.asarray(q), side='right'), 1, m) - 1
    g = q * m - i
    return fp[i] + g * (fp[i + 1] - fp[i])

def reference(x, _):
    limit = _quantile(jnp.abs(x).reshape(-1), SHIFT_QUANTILE)
    return -jnp.clip(jnp.floor(jnp.log2(1.0 / limit)), -15.0, 15.0)

if __name__ == "__main__":
    import jax
    _d = setup_inputs()
    print(jax.jit(kernel)(*tuple(_d.values())))

</pallas_src>

<mosaic_0001>
#map = affine_map<(d0, d1) -> (0, 0)>
#map1 = affine_map<(d0, d1) -> (0)>
module attributes {stable_mosaic.version = 14 : i64} {
  func.func @_sc_absmax(%arg0: i32, %arg1: i32, %arg2: memref<16384x1024xf32, #tpu.memory_space<hbm>>, %arg3: memref<512xf32, #tpu.memory_space<hbm>>, %arg4: memref<2x32x1024xf32, #tpu.memory_space<vmem>>, %arg5: memref<16xf32, #tpu.memory_space<vmem>>, %arg6: memref<!tpu.dma_semaphore, #tpu.memory_space<semaphore_mem>>, %arg7: memref<!tpu.dma_semaphore, #tpu.memory_space<semaphore_mem>>) attributes {dimension_semantics = [#tpu.dimension_semantics<core_parallel>, #tpu.dimension_semantics<subcore_parallel>], iteration_bounds = array<i64: 2, 16>, scalar_prefetch = 0 : i64, scratch_operands = 4 : i64, tpu.core_type = #tpu.core_type<sc_vector_subcore>, window_params = [{transform_indices = #map}, {transform_indices = #map1}]} {
    %mul3A = arith.constant 2 : i32
    %mul3A_0 = arith.muli %arg1, %mul3A : i32
    %add3A = arith.addi %mul3A_0, %arg0 : i32
    %mul3A_1 = arith.constant 160 : i32
    %mul3A_2 = arith.muli %add3A, %mul3A_1 : i32
    %dma_start3A = arith.constant 0 : i32
    %dma_start3A_3 = arith.constant 0 : i32
    %dma_start3A_4 = arith.constant 0 : i32
    %dma_start3A_5 = tpu.memref_slice %arg4[%dma_start3A, %dma_start3A_3, %dma_start3A_4] : memref<2x32x1024xf32, #tpu.memory_space<vmem>> -> memref<1x32x1024xf32, #tpu.memory_space<vmem>>
    %dma_start3A_6 = tpu.memref_squeeze %dma_start3A_5 : memref<1x32x1024xf32, #tpu.memory_space<vmem>> -> memref<32x1024xf32, #tpu.memory_space<vmem>>
    %dma_start3A_7 = arith.constant 0 : i32
    %dma_start3A_8 = tpu.memref_slice %arg2[%mul3A_2, %dma_start3A_7] : memref<16384x1024xf32, #tpu.memory_space<hbm>> -> memref<32x1024xf32, #tpu.memory_space<hbm>>
    %dma_start3A_9 = arith.constant 0 : i32
    %dma_start3A_10 = arith.constant 0 : i32
    %dma_start3A_11 = tpu.memref_slice %arg4[%dma_start3A, %dma_start3A_9, %dma_start3A_10] : memref<2x32x1024xf32, #tpu.memory_space<vmem>> -> memref<1x32x1024xf32, #tpu.memory_space<vmem>>
    %dma_start3A_12 = tpu.memref_squeeze %dma_start3A_11 : memref<1x32x1024xf32, #tpu.memory_space<vmem>> -> memref<32x1024xf32, #tpu.memory_space<vmem>>
    %dma_start3A_13 = arith.constant 0 : i32
    %dma_start3A_14 = tpu.memref_slice %arg2[%mul3A_2, %dma_start3A_13] : memref<16384x1024xf32, #tpu.memory_space<hbm>> -> memref<32x1024xf32, #tpu.memory_space<hbm>>
    tpu.enqueue_dma source(%dma_start3A_14 : memref<32x1024xf32, #tpu.memory_space<hbm>>) target(%dma_start3A_12 : memref<32x1024xf32, #tpu.memory_space<vmem>>) target_semaphore(%arg6 : memref<!tpu.dma_semaphore, #tpu.memory_space<semaphore_mem>>)
    %broadcast_in_dim3A = arith.constant 0.000000e+00 : f32
    %broadcast_in_dim3A_15 = vector.broadcast %broadcast_in_dim3A : f32 to vector<16xf32>
    %broadcast_in_dim3A_16 = arith.constant 0.000000e+00 : f32
    %broadcast_in_dim3A_17 = vector.broadcast %broadcast_in_dim3A_16 : f32 to vector<16xf32>
    %broadcast_in_dim3A_18 = arith.constant 0.000000e+00 : f32
    %broadcast_in_dim3A_19 = vector.broadcast %broadcast_in_dim3A_18 : f32 to vector<16xf32>
    %broadcast_in_dim3A_20 = arith.constant 0.000000e+00 : f32
    %broadcast_in_dim3A_21 = vector.broadcast %broadcast_in_dim3A_20 : f32 to vector<16xf32>
    %broadcast_in_dim3A_22 = arith.constant 0.000000e+00 : f32
    %broadcast_in_dim3A_23 = vector.broadcast %broadcast_in_dim3A_22 : f32 to vector<16xf32>
    %broadcast_in_dim3A_24 = arith.constant 0.000000e+00 : f32
    %broadcast_in_dim3A_25 = vector.broadcast %broadcast_in_dim3A_24 : f32 to vector<16xf32>
    %broadcast_in_dim3A_26 = arith.constant 0.000000e+00 : f32
    %broadcast_in_dim3A_27 = vector.broadcast %broadcast_in_dim3A_26 : f32 to vector<16xf32>
    %broadcast_in_dim3A_28 = arith.constant 0.000000e+00 : f32
    %broadcast_in_dim3A_29 = vector.broadcast %broadcast_in_dim3A_28 : f32 to vector<16xf32>
    %add3A_30 = arith.constant 32 : i32
    %add3A_31 = arith.addi %mul3A_2, %add3A_30 : i32
    %dma_start3A_32 = arith.constant 1 : i32
    %dma_start3A_33 = arith.constant 0 : i32
    %dma_start3A_34 = arith.constant 0 : i32
    %dma_start3A_35 = tpu.memref_slice %arg4[%dma_start3A_32, %dma_start3A_33, %dma_start3A_34] : memref<2x32x1024xf32, #tpu.memory_space<vmem>> -> memref<1x32x1024xf32, #tpu.memory_space<vmem>>
    %dma_start3A_36 = tpu.memref_squeeze %dma_start3A_35 : memref<1x32x1024xf32, #tpu.memory_space<vmem>> -> memref<32x1024xf32, #tpu.memory_space<vmem>>
    %dma_start3A_37 = arith.constant 0 : i32
    %dma_start3A_38 = tpu.memref_slice %arg2[%add3A_31, %dma_start3A_37] : memref<16384x1024xf32, #tpu.memory_space<hbm>> -> memref<32x1024xf32, #tpu.memory_space<hbm>>
    %dma_start3A_39 = arith.constant 0 : i32
    %dma_start3A_40 = arith.constant 0 : i32
    %dma_start3A_41 = tpu.memref_slice %arg4[%dma_start3A_32, %dma_start3A_39, %dma_start3A_40] : memref<2x32x1024xf32, #tpu.memory_space<vmem>> -> memref<1x32x1024xf32, #tpu.memory_space<vmem>>
    %dma_start3A_42 = tpu.memref_squeeze %dma_start3A_41 : memref<1x32x1024xf32, #tpu.memory_space<vmem>> -> memref<32x1024xf32, #tpu.memory_space<vmem>>
    %dma_start3A_43 = arith.constant 0 : i32
    %dma_start3A_44 = tpu.memref_slice %arg2[%add3A_31, %dma_start3A_43] : memref<16384x1024xf32, #tpu.memory_space<hbm>> -> memref<32x1024xf32, #tpu.memory_space<hbm>>
    tpu.enqueue_dma source(%dma_start3A_44 : memref<32x1024xf32, #tpu.memory_space<hbm>>) target(%dma_start3A_42 : memref<32x1024xf32, #tpu.memory_space<vmem>>) target_semaphore(%arg7 : memref<!tpu.dma_semaphore, #tpu.memory_space<semaphore_mem>>)
    %dma_wait3A = arith.constant 0 : i32
    %dma_wait3A_45 = arith.constant 0 : i32
    %dma_wait3A_46 = arith.constant 0 : i32
    %dma_wait3A_47 = tpu.memref_slice %arg4[%dma_wait3A, %dma_wait3A_45, %dma_wait3A_46] : memref<2x32x1024xf32, #tpu.memory_space<vmem>> -> memref<1x32x1024xf32, #tpu.memory_space<vmem>>
    %dma_wait3A_48 = tpu.memref_squeeze %dma_wait3A_47 : memref<1x32x1024xf32, #tpu.memory_space<vmem>> -> memref<32x1024xf32, #tpu.memory_space<vmem>>
    %dma_wait3A_49 = arith.constant 0 : i32
    %dma_wait3A_50 = tpu.memref_slice %arg2[%mul3A_2, %dma_wait3A_49] : memref<16384x1024xf32, #tpu.memory_space<hbm>> -> memref<32x1024xf32, #tpu.memory_space<hbm>>
    %dma_wait3A_51 = arith.constant 0 : i32
    %dma_wait3A_52 = arith.constant 0 : i32
    %dma_wait3A_53 = tpu.memref_slice %arg4[%dma_wait3A, %dma_wait3A_51, %dma_wait3A_52] : memref<2x32x1024xf32, #tpu.memory_space<vmem>> -> memref<1x32x1024xf32, #tpu.memory_space<vmem>>
    %dma_wait3A_54 = tpu.memref_squeeze %dma_wait3A_53 : memref<1x32x1024xf32, #tpu.memory_space<vmem>> -> memref<32x1024xf32, #tpu.memory_space<vmem>>
    %dma_wait3A_55 = arith.constant 0 : i32
    %dma_wait3A_56 = tpu.memref_slice %arg2[%mul3A_2, %dma_wait3A_55] : memref<16384x1024xf32, #tpu.memory_space<hbm>> -> memref<32x1024xf32, #tpu.memory_space<hbm>>
    tpu.wait_dma2 semaphore(%arg6 : memref<!tpu.dma_semaphore, #tpu.memory_space<semaphore_mem>>) src(%dma_wait3A_56 : memref<32x1024xf32, #tpu.memory_space<hbm>>) dst(%dma_wait3A_54 : memref<32x1024xf32, #tpu.memory_space<vmem>>)
    %parallel_loop3A = arith.constant 0 : i32
    %parallel_loop3A_57 = arith.constant 32 : i32
    %parallel_loop3A_58 = arith.constant 1 : i32
    %parallel_loop3A_59:8 = scf.for %parallel_loop3A_184 = %parallel_loop3A to %parallel_loop3A_57 step %parallel_loop3A_58 iter_args(%parallel_loop3A_185 = %broadcast_in_dim3A_15, %parallel_loop3A_186 = %broadcast_in_dim3A_17, %parallel_loop3A_187 = %broadcast_in_dim3A_19, %parallel_loop3A_188 = %broadcast_in_dim3A_21, %parallel_loop3A_189 = %broadcast_in_dim3A_23, %parallel_loop3A_190 = %broadcast_in_dim3A_25, %parallel_loop3A_191 = %broadcast_in_dim3A_27, %parallel_loop3A_192 = %broadcast_in_dim3A_29) -> (vector<16xf32>, vector<16xf32>, vector<16xf32>, vector<16xf32>, vector<16xf32>, vector<16xf32>, vector<16xf32>, vector<16xf32>)  : i32 {
      %parallel_loop3A_193 = arith.constant 0 : i32
      %parallel_loop3A_194 = arith.index_cast %parallel_loop3A_193 : i32 to index
      %parallel_loop3A_195 = arith.index_cast %parallel_loop3A_184 : i32 to index
      %parallel_loop3A_196 = arith.constant 0 : index
      %parallel_loop3A_197 = tpu.vector_load %arg4[%parallel_loop3A_194, %parallel_loop3A_195, %parallel_loop3A_196] {strides = array<i32>} : memref<2x32x1024xf32, #tpu.memory_space<vmem>>, vector<1x1x16xf32>,
      %parallel_loop3A_198 = vector.shape_cast %parallel_loop3A_197 : vector<1x1x16xf32> to vector<16xf32>
      %parallel_loop3A_199 = math.absf %parallel_loop3A_198 : vector<16xf32>
      %parallel_loop3A_200 = arith.maximumf %parallel_loop3A_185, %parallel_loop3A_199 : vector<16xf32>
      %parallel_loop3A_201 = arith.constant 0 : i32
      %parallel_loop3A_202 = arith.index_cast %parallel_loop3A_201 : i32 to index
      %parallel_loop3A_203 = arith.index_cast %parallel_loop3A_184 : i32 to index
      %parallel_loop3A_204 = arith.constant 16 : index
      %parallel_loop3A_205 = tpu.vector_load %arg4[%parallel_loop3A_202, %parallel_loop3A_203, %parallel_loop3A_204] {strides = array<i32>} : memref<2x32x1024xf32, #tpu.memory_space<vmem>>, vector<1x1x16xf32>,
      %parallel_loop3A_206 = vector.shape_cast %parallel_loop3A_205 : vector<1x1x16xf32> to vector<16xf32>
      %parallel_loop3A_207 = math.absf %parallel_loop3A_206 : vector<16xf32>
      %parallel_loop3A_208 = arith.maximumf %parallel_loop3A_186, %parallel_loop3A_207 : vector<16xf32>
      %parallel_loop3A_209 = arith.constant 0 : i32
      %parallel_loop3A_210 = arith.index_cast %parallel_loop3A_209 : i32 to index
      %parallel_loop3A_211 = arith.index_cast %parallel_loop3A_184 : i32 to index
      %parallel_loop3A_212 = arith.constant 32 : index
      %parallel_loop3A_213 = tpu.vector_load %arg4[%parallel_loop3A_210, %parallel_loop3A_211, %parallel_loop3A_212] {strides = array<i32>} : memref<2x32x1024xf32, #tpu.memory_space<vmem>>, vector<1x1x16xf32>,
      %parallel_loop3A_214 = vector.shape_cast %parallel_loop3A_213 : vector<1x1x16xf32> to vector<16xf32>
      %parallel_loop3A_215 = math.absf %parallel_loop3A_214 : vector<16xf32>
      %parallel_loop3A_216 = arith.maximumf %parallel_loop3A_187, %parallel_loop3A_215 : vector<16xf32>
      %parallel_loop3A_217 = arith.constant 0 : i32
      %parallel_loop3A_218 = arith.index_cast %parallel_loop3A_217 : i32 to index
      %parallel_loop3A_219 = arith.index_cast %parallel_loop3A_184 : i32 to index
      %parallel_loop3A_220 = arith.constant 48 : index
      %parallel_loop3A_221 = tpu.vector_load %arg4[%parallel_loop3A_218, %parallel_loop3A_219, %parallel_loop3A_220] {strides = array<i32>} : memref<2x32x1024xf32, #tpu.memory_space<vmem>>, vector<1x1x16xf32>,
      %parallel_loop3A_222 = vector.shape_cast %parallel_loop3A_221 : vector<1x1x16xf32> to vector<16xf32>
      %parallel_loop3A_223 = math.absf %parallel_loop3A_222 : vector<16xf32>
      %parallel_loop3A_224 = arith.maximumf %parallel_loop3A_188, %parallel_loop3A_223 : vector<16xf32>
      %parallel_loop3A_225 = arith.constant 0 : i32
      %parallel_loop3A_226 = arith.index_cast %parallel_loop3A_225 : i32 to index
      %parallel_loop3A_227 = arith.index_cast %parallel_loop3A_184 : i32 to index
      %parallel_loop3A_228 = arith.constant 64 : index
      %parallel_loop3A_229 = tpu.vector_load %arg4[%parallel_loop3A_226, %parallel_loop3A_227, %parallel_loop3A_228] {strides = array<i32>} : memref<2x32x1024xf32, #tpu.memory_space<vmem>>, vector<1x1x16xf32>,
      %parallel_loop3A_230 = vector.shape_cast %parallel_loop3A_229 : vector<1x1x16xf32> to vector<16xf32>
      %parallel_loop3A_231 = math.absf %parallel_loop3A_230 : vector<16xf32>
      %parallel_loop3A_232 = arith.maximumf %parallel_loop3A_189, %parallel_loop3A_231 : vector<16xf32>
      %parallel_loop3A_233 = arith.constant 0 : i32
      %parallel_loop3A_234 = arith.index_cast %parallel_loop3A_233 : i32 to index
      %parallel_loop3A_235 = arith.index_cast %parallel_loop3A_184 : i32 to index
      %parallel_loop3A_236 = arith.constant 80 : index
      %parallel_loop3A_237 = tpu.vector_load %arg4[%parallel_loop3A_234, %parallel_loop3A_235, %parallel_loop3A_236] {strides = array<i32>} : memref<2x32x1024xf32, #tpu.memory_space<vmem>>, vector<1x1x16xf32>,
      %parallel_loop3A_238 = vector.shape_cast %parallel_loop3A_237 : vector<1x1x16xf32> to vector<16xf32>
      %parallel_loop3A_239 = math.absf %parallel_loop3A_238 : vector<16xf32>
      %parallel_loop3A_240 = arith.maximumf %parallel_loop3A_190, %parallel_loop3A_239 : vector<16xf32>
      %parallel_loop3A_241 = arith.constant 0 : i32
      %parallel_loop3A_242 = arith.index_cast %parallel_loop3A_241 : i32 to index
      %parallel_loop3A_243 = arith.index_cast %parallel_loop3A_184 : i32 to index
      %parallel_loop3A_244 = arith.constant 96 : index
      %parallel_loop3A_245 = tpu.vector_load %arg4[%parallel_loop3A_242, %parallel_loop3A_243, %parallel_loop3A_244] {strides = array<i32>} : memref<2x32x1024xf32, #tpu.memory_space<vmem>>, vector<1x1x16xf32>,
      %parallel_loop3A_246 = vector.shape_cast %parallel_loop3A_245 : vector<1x1x16xf32> to vector<16xf32>
      %parallel_loop3A_247 = math.absf %parallel_loop3A_246 : vector<16xf32>
      %parallel_loop3A_248 = arith.maximumf %parallel_loop3A_191, %parallel_loop3A_247 : vector<16xf32>
      %parallel_loop3A_249 = arith.constant 0 : i32
      %parallel_loop3A_250 = arith.index_cast %parallel_loop3A_249 : i32 to index
      %parallel_loop3A_251 = arith.index_cast %parallel_loop3A_184 : i32 to index
      %parallel_loop3A_252 = arith.constant 112 : index
      %parallel_loop3A_253 = tpu.vector_load %arg4[%parallel_loop3A_250, %parallel_loop3A_251, %parallel_loop3A_252] {strides = array<i32>} : memref<2x32x1024xf32, #tpu.memory_space<vmem>>, vector<1x1x16xf32>,
      %parallel_loop3A_254 = vector.shape_cast %parallel_loop3A_253 : vector<1x1x16xf32> to vector<16xf32>
      %parallel_loop3A_255 = math.absf %parallel_loop3A_254 : vector<16xf32>
      %parallel_loop3A_256 = arith.maximumf %parallel_loop3A_192, %parallel_loop3A_255 : vector<16xf32>
      %parallel_loop3A_257 = arith.constant 0 : i32
      %parallel_loop3A_258 = arith.index_cast %parallel_loop3A_257 : i32 to index
      %parallel_loop3A_259 = arith.index_cast %parallel_loop3A_184 : i32 to index
      %parallel_loop3A_260 = arith.constant 128 : index
      %parallel_loop3A_261 = tpu.vector_load %arg4[%parallel_loop3A_258, %parallel_loop3A_259, %parallel_loop3A_260] {strides = array<i32>} : memref<2x32x1024xf32, #tpu.memory_space<vmem>>, vector<1x1x16xf32>,
      %parallel_loop3A_262 = vector.shape_cast %parallel_loop3A_261 : vector<1x1x16xf32> to vector<16xf32>
      %parallel_loop3A_263 = math.absf %parallel_loop3A_262 : vector<16xf32>
      %parallel_loop3A_264 = arith.maximumf %parallel_loop3A_200, %parallel_loop3A_263 : vector<16xf32>
      %parallel_loop3A_265 = arith.constant 0 : i32
      %parallel_loop3A_266 = arith.index_cast %parallel_loop3A_265 : i32 to index
      %parallel_loop3A_267 = arith.index_cast %parallel_loop3A_184 : i32 to index
      %parallel_loop3A_268 = arith.constant 144 : index
      %parallel_loop3A_269 = tpu.vector_load %arg4[%parallel_loop3A_266, %parallel_loop3A_267, %parallel_loop3A_268] {strides = array<i32>} : memref<2x32x1024xf32, #tpu.memory_space<vmem>>, vector<1x1x16xf32>,
      %parallel_loop3A_270 = vector.shape_cast %parallel_loop3A_269 : vector<1x1x16xf32> to vector<16xf32>
      %parallel_loop3A_271 = math.absf %parallel_loop3A_270 : vector<16xf32>
      %parallel_loop3A_272 = arith.maximumf %parallel_loop3A_208, %parallel_loop3A_271 : vector<16xf32>
      %parallel_loop3A_273 = arith.constant 0 : i32
      %parallel_loop3A_274 = arith.index_cast %parallel_loop3A_273 : i32 to index
      %parallel_loop3A_275 = arith.index_cast %parallel_loop3A_184 : i32 to index
      %parallel_loop3A_276 = arith.constant 160 : index
      %parallel_loop3A_277 = tpu.vector_load %arg4[%parallel_loop3A_274, %parallel_loop3A_275, %parallel_loop3A_276] {strides = array<i32>} : memref<2x32x1024xf32, #tpu.memory_space<vmem>>, vector<1x1x16xf32>,
      %parallel_loop3A_278 = vector.shape_cast %parallel_loop3A_277 : vector<1x1x16xf32> to vector<16xf32>
      %parallel_loop3A_279 = math.absf %parallel_loop3A_278 : vector<16xf32>
      %parallel_loop3A_280 = arith.maximumf %parallel_loop3A_216, %parallel_loop3A_279 : vector<16xf32>
      %parallel_loop3A_281 = arith.constant 0 : i32
      %parallel_loop3A_282 = arith.index_cast %parallel_loop3A_281 : i32 to index
      %parallel_loop3A_283 = arith.index_cast %parallel_loop3A_184 : i32 to index
      %parallel_loop3A_284 = arith.constant 176 : index
      %parallel_loop3A_285 = tpu.vector_load %arg4[%parallel_loop3A_282, %parallel_loop3A_283, %parallel_loop3A_284] {strides = array<i32>} : memref<2x32x1024xf32, #tpu.memory_space<vmem>>, vector<1x1x16xf32>,
      %parallel_loop3A_286 = vector.shape_cast %parallel_loop3A_285 : vector<1x1x16xf32> to vector<16xf32>
      %parallel_loop3A_287 = math.absf %parallel_loop3A_286 : vector<16xf32>
      %parallel_loop3A_288 = arith.maximumf %parallel_loop3A_224, %parallel_loop3A_287 : vector<16xf32>
      %parallel_loop3A_289 = arith.constant 0 : i32
      %parallel_loop3A_290 = arith.index_cast %parallel_loop3A_289 : i32 to index
      %parallel_loop3A_291 = arith.index_cast %parallel_loop3A_184 : i32 to index
      %parallel_loop3A_292 = arith.constant 192 : index
      %parallel_loop3A_293 = tpu.vector_load %arg4[%parallel_loop3A_290, %parallel_loop3A_291, %parallel_loop3A_292] {strides = array<i32>} : memref<2x32x1024xf32, #tpu.memory_space<vmem>>, vector<1x1x16xf32>,
      %parallel_loop3A_294 = vector.shape_cast %parallel_loop3A_293 : vector<1x1x16xf32> to vector<16xf32>
      %parallel_loop3A_295 = math.absf %parallel_loop3A_294 : vector<16xf32>
      %parallel_loop3A_296 = arith.maximumf %parallel_loop3A_232, %parallel_loop3A_295 : vector<16xf32>
      %parallel_loop3A_297 = arith.constant 0 : i32
      %parallel_loop3A_298 = arith.index_cast %parallel_loop3A_297 : i32 to index
      %parallel_loop3A_299 = arith.index_cast %parallel_loop3A_184 : i32 to index
      %parallel_loop3A_300 = arith.constant 208 : index
      %parallel_loop3A_301 = tpu.vector_load %arg4[%parallel_loop3A_298, %parallel_loop3A_299, %parallel_loop3A_300] {strides = array<i32>} : memref<2x32x1024xf32, #tpu.memory_space<vmem>>, vector<1x1x16xf32>,
      %parallel_loop3A_302 = vector.shape_cast %parallel_loop3A_301 : vector<1x1x16xf32> to vector<16xf32>
      %parallel_loop3A_303 = math.absf %parallel_loop3A_302 : vector<16xf32>
      %parallel_loop3A_304 = arith.maximumf %parallel_loop3A_240, %parallel_loop3A_303 : vector<16xf32>
      %parallel_loop3A_305 = arith.constant 0 : i32
      %parallel_loop3A_306 = arith.index_cast %parallel_loop3A_305 : i32 to index
      %parallel_loop3A_307 = arith.index_cast %parallel_loop3A_184 : i32 to index
      %parallel_loop3A_308 = arith.constant 224 : index
      %parallel_loop3A_309 = tpu.vector_load %arg4[%parallel_loop3A_306, %parallel_loop3A_307, %parallel_loop3A_308] {strides = array<i32>} : memref<2x32x1024xf32, #tpu.memory_space<vmem>>, vector<1x1x16xf32>,
      %parallel_loop3A_310 = vector.shape_cast %parallel_loop3A_309 : vector<1x1x16xf32> to vector<16xf32>
      %parallel_loop3A_311 = math.absf %parallel_loop3A_310 : vector<16xf32>
      %parallel_loop3A_312 = arith.maximumf %parallel_loop3A_248, %parallel_loop3A_311 : vector<16xf32>
      %parallel_loop3A_313 = arith.constant 0 : i32
      %parallel_loop3A_314 = arith.index_cast %parallel_loop3A_313 : i32 to index
      %parallel_loop3A_315 = arith.index_cast %parallel_loop3A_184 : i32 to index
      %parallel_loop3A_316 = arith.constant 240 : index
      %parallel_loop3A_317 = tpu.vector_load %arg4[%parallel_loop3A_314, %parallel_loop3A_315, %parallel_loop3A_316] {strides = array<i32>} : memref<2x32x1024xf32, #tpu.memory_space<vmem>>, vector<1x1x16xf32>,
      %parallel_loop3A_318 = vector.shape_cast %parallel_loop3A_317 : vector<1x1x16xf32> to vector<16xf32>
      %parallel_loop3A_319 = math.absf %parallel_loop3A_318 : vector<16xf32>
      %parallel_loop3A_320 = arith.maximumf %parallel_loop3A_256, %parallel_loop3A_319 : vector<16xf32>
      %parallel_loop3A_321 = arith.constant 0 : i32
      %parallel_loop3A_322 = arith.index_cast %parallel_loop3A_321 : i32 to index
      %parallel_loop3A_323 = arith.index_cast %parallel_loop3A_184 : i32 to index
      %parallel_loop3A_324 = arith.constant 256 : index
      %parallel_loop3A_325 = tpu.vector_load %arg4[%parallel_loop3A_322, %parallel_loop3A_323, %parallel_loop3A_324] {strides = array<i32>} : memref<2x32x1024xf32, #tpu.memory_space<vmem>>, vector<1x1x16xf32>,
      %parallel_loop3A_326 = vector.shape_cast %parallel_loop3A_325 : vector<1x1x16xf32> to vector<16xf32>
      %parallel_loop3A_327 = math.absf %parallel_loop3A_326 : vector<16xf32>
      %parallel_loop3A_328 = arith.maximumf %parallel_loop3A_264, %parallel_loop3A_327 : vector<16xf32>
      %parallel_loop3A_329 = arith.constant 0 : i32
      %parallel_loop3A_330 = arith.index_cast %parallel_loop3A_329 : i32 to index
      %parallel_loop3A_331 = arith.index_cast %parallel_loop3A_184 : i32 to index
      %parallel_loop3A_332 = arith.constant 272 : index
      %parallel_loop3A_333 = tpu.vector_load %arg4[%parallel_loop3A_330, %parallel_loop3A_331, %parallel_loop3A_332] {strides = array<i32>} : memref<2x32x1024xf32, #tpu.memory_space<vmem>>, vector<1x1x16xf32>,
      %parallel_loop3A_334 = vector.shape_cast %parallel_loop3A_333 : vector<1x1x16xf32> to vector<16xf32>
      %parallel_loop3A_335 = math.absf %parallel_loop3A_334 : vector<16xf32>
      %parallel_loop3A_336 = arith.maximumf %parallel_loop3A_272, %parallel_loop3A_335 : vector<16xf32>
      %parallel_loop3A_337 = arith.constant 0 : i32
      %parallel_loop3A_338 = arith.index_cast %parallel_loop3A_337 : i32 to index
      %parallel_loop3A_339 = arith.index_cast %parallel_loop3A_184 : i32 to index
      %parallel_loop3A_340 = arith.constant 288 : index
      %parallel_loop3A_341 = tpu.vector_load %arg4[%parallel_loop3A_338, %parallel_loop3A_339, %parallel_loop3A_340] {strides = array<i32>} : memref<2x32x1024xf32, #tpu.memory_space<vmem>>, vector<1x1x16xf32>,
      %parallel_loop3A_342 = vector.shape_cast %parallel_loop3A_341 : vector<1x1x16xf32> to vector<16xf32>
      %parallel_loop3A_343 = math.absf %parallel_loop3A_342 : vector<16xf32>
      %parallel_loop3A_344 = arith.maximumf %parallel_loop3A_280, %parallel_loop3A_343 : vector<16xf32>
      %parallel_loop3A_345 = arith.constant 0 : i32
      %parallel_loop3A_346 = arith.index_cast %parallel_loop3A_345 : i32 to index
      %parallel_loop3A_347 = arith.index_cast %parallel_loop3A_184 : i32 to index
      %parallel_loop3A_348 = arith.constant 304 : index
      %parallel_loop3A_349 = tpu.vector_load %arg4[%parallel_loop3A_346, %parallel_loop3A_347, %parallel_loop3A_348] {strides = array<i32>} : memref<2x32x1024xf32, #tpu.memory_space<vmem>>, vector<1x1x16xf32>,
      %parallel_loop3A_350 = vector.shape_cast %parallel_loop3A_349 : vector<1x1x16xf32> to vector<16xf32>
      %parallel_loop3A_351 = math.absf %parallel_loop3A_350 : vector<16xf32>
      %parallel_loop3A_352 = arith.maximumf %parallel_loop3A_288, %parallel_loop3A_351 : vector<16xf32>
      %parallel_loop3A_353 = arith.constant 0 : i32
      %parallel_loop3A_354 = arith.index_cast %parallel_loop3A_353 : i32 to index
      %parallel_loop3A_355 = arith.index_cast %parallel_loop3A_184 : i32 to index
      %parallel_loop3A_356 = arith.constant 320 : index
      %parallel_loop3A_357 = tpu.vector_load %arg4[%parallel_loop3A_354, %parallel_loop3A_355, %parallel_loop3A_356] {strides = array<i32>} : memref<2x32x1024xf32, #tpu.memory_space<vmem>>, vector<1x1x16xf32>,
      %parallel_loop3A_358 = vector.shape_cast %parallel_loop3A_357 : vector<1x1x16xf32> to vector<16xf32>
      %parallel_loop3A_359 = math.absf %parallel_loop3A_358 : vector<16xf32>
      %parallel_loop3A_360 = arith.maximumf %parallel_loop3A_296, %parallel_loop3A_359 : vector<16xf32>
      %parallel_loop3A_361 = arith.constant 0 : i32
      %parallel_loop3A_362 = arith.index_cast %parallel_loop3A_361 : i32 to index
      %parallel_loop3A_363 = arith.index_cast %parallel_loop3A_184 : i32 to index
      %parallel_loop3A_364 = arith.constant 336 : index
      %parallel_loop3A_365 = tpu.vector_load %arg4[%parallel_loop3A_362, %parallel_loop3A_363, %parallel_loop3A_364] {strides = array<i32>} : memref<2x32x1024xf32, #tpu.memory_space<vmem>>, vector<1x1x16xf32>,
      %parallel_loop3A_366 = vector.shape_cast %parallel_loop3A_365 : vector<1x1x16xf32> to vector<16xf32>
      %parallel_loop3A_367 = math.absf %parallel_loop3A_366 : vector<16xf32>
      %parallel_loop3A_368 = arith.maximumf %parallel_loop3A_304, %parallel_loop3A_367 : vector<16xf32>
      %parallel_loop3A_369 = arith.constant 0 : i32
      %parallel_loop3A_370 = arith.index_cast %parallel_loop3A_369 : i32 to index
      %parallel_loop3A_371 = arith.index_cast %parallel_loop3A_184 : i32 to index
      %parallel_loop3A_372 = arith.constant 352 : index
      %parallel_loop3A_373 = tpu.vector_load %arg4[%parallel_loop3A_370, %parallel_loop3A_371, %parallel_loop3A_372] {strides = array<i32>} : memref<2x32x1024xf32, #tpu.memory_space<vmem>>, vector<1x1x16xf32>,
      %parallel_loop3A_374 = vector.shape_cast %parallel_loop3A_373 : vector<1x1x16xf32> to vector<16xf32>
      %parallel_loop3A_375 = math.absf %parallel_loop3A_374 : vector<16xf32>
      %parallel_loop3A_376 = arith.maximumf %parallel_loop3A_312, %parallel_loop3A_375 : vector<16xf32>
      %parallel_loop3A_377 = arith.constant 0 : i32
      %parallel_loop3A_378 = arith.index_cast %parallel_loop3A_377 : i32 to index
      %parallel_loop3A_379 = arith.index_cast %parallel_loop3A_184 : i32 to index
      %parallel_loop3A_380 = arith.constant 368 : index
      %parallel_loop3A_381 = tpu.vector_load %arg4[%parallel_loop3A_378, %parallel_loop3A_379, %parallel_loop3A_380] {strides = array<i32>} : memref<2x32x1024xf32, #tpu.memory_space<vmem>>, vector<1x1x16xf32>,
      %parallel_loop3A_382 = vector.shape_cast %parallel_loop3A_381 : vector<1x1x16xf32> to vector<16xf32>
      %parallel_loop3A_383 = math.absf %parallel_loop3A_382 : vector<16xf32>
      %parallel_loop3A_384 = arith.maximumf %parallel_loop3A_320, %parallel_loop3A_383 : vector<16xf32>
      %parallel_loop3A_385 = arith.constant 0 : i32
      %parallel_loop3A_386 = arith.index_cast %parallel_loop3A_385 : i32 to index
      %parallel_loop3A_387 = arith.index_cast %parallel_loop3A_184 : i32 to index
      %parallel_loop3A_388 = arith.constant 384 : index
      %parallel_loop3A_389 = tpu.vector_load %arg4[%parallel_loop3A_386, %parallel_loop3A_387, %parallel_loop3A_388] {strides = array<i32>} : memref<2x32x1024xf32, #tpu.memory_space<vmem>>, vector<1x1x16xf32>,
      %parallel_loop3A_390 = vector.shape_cast %parallel_loop3A_389 : vector<1x1x16xf32> to vector<16xf32>
      %parallel_loop3A_391 = math.absf %parallel_loop3A_390 : vector<16xf32>
      %parallel_loop3A_392 = arith.maximumf %parallel_loop3A_328, %parallel_loop3A_391 : vector<16xf32>
      %parallel_loop3A_393 = arith.constant 0 : i32
      %parallel_loop3A_394 = arith.index_cast %parallel_loop3A_393 : i32 to index
      %parallel_loop3A_395 = arith.index_cast %parallel_loop3A_184 : i32 to index
      %parallel_loop3A_396 = arith.constant 400 : index
      %parallel_loop3A_397 = tpu.vector_load %arg4[%parallel_loop3A_394, %parallel_loop3A_395, %parallel_loop3A_396] {strides = array<i32>} : memref<2x32x1024xf32, #tpu.memory_space<vmem>>, vector<1x1x16xf32>,
      %parallel_loop3A_398 = vector.shape_cast %parallel_loop3A_397 : vector<1x1x16xf32> to vector<16xf32>
      %parallel_loop3A_399 = math.absf %parallel_loop3A_398 : vector<16xf32>
      %parallel_loop3A_400 = arith.maximumf %parallel_loop3A_336, %parallel_loop3A_399 : vector<16xf32>
      %parallel_loop3A_401 = arith.constant 0 : i32
      %parallel_loop3A_402 = arith.index_cast %parallel_loop3A_401 : i32 to index
      %parallel_loop3A_403 = arith.index_cast %parallel_loop3A_184 : i32 to index
      %parallel_loop3A_404 = arith.constant 416 : index
      %parallel_loop3A_405 = tpu.vector_load %arg4[%parallel_loop3A_402, %parallel_loop3A_403, %parallel_loop3A_404] {strides = array<i32>} : memref<2x32x1024xf32, #tpu.memory_space<vmem>>, vector<1x1x16xf32>,
      %parallel_loop3A_406 = vector.shape_cast %parallel_loop3A_405 : vector<1x1x16xf32> to vector<16xf32>
      %parallel_loop3A_407 = math.absf %parallel_loop3A_406 : vector<16xf32>
      %parallel_loop3A_408 = arith.maximumf %parallel_loop3A_344, %parallel_loop3A_407 : vector<16xf32>
      %parallel_loop3A_409 = arith.constant 0 : i32
      %parallel_loop3A_410 = arith.index_cast %parallel_loop3A_409 : i32 to index
      %parallel_loop3A_411 = arith.index_cast %parallel_loop3A_184 : i32 to index
      %parallel_loop3A_412 = arith.constant 432 : index
      %parallel_loop3A_413 = tpu.vector_load %arg4[%parallel_loop3A_410, %parallel_loop3A_411, %parallel_loop3A_412] {strides = array<i32>} : memref<2x32x1024xf32, #tpu.memory_space<vmem>>, vector<1x1x16xf32>,
      %parallel_loop3A_414 = vector.shape_cast %parallel_loop3A_413 : vector<1x1x16xf32> to vector<16xf32>
      %parallel_loop3A_415 = math.absf %parallel_loop3A_414 : vector<16xf32>
      %parallel_loop3A_416 = arith.maximumf %parallel_loop3A_352, %parallel_loop3A_415 : vector<16xf32>
      %parallel_loop3A_417 = arith.constant 0 : i32
      %parallel_loop3A_418 = arith.index_cast %parallel_loop3A_417 : i32 to index
      %parallel_loop3A_419 = arith.index_cast %parallel_loop3A_184 : i32 to index
      %parallel_loop3A_420 = arith.constant 448 : index
      %parallel_loop3A_421 = tpu.vector_load %arg4[%parallel_loop3A_418, %parallel_loop3A_419, %parallel_loop3A_420] {strides = array<i32>} : memref<2x32x1024xf32, #tpu.memory_space<vmem>>, vector<1x1x16xf32>,
      %parallel_loop3A_422 = vector.shape_cast %parallel_loop3A_421 : vector<1x1x16xf32> to vector<16xf32>
      %parallel_loop3A_423 = math.absf %parallel_loop3A_422 : vector<16xf32>
      %parallel_loop3A_424 = arith.maximumf %parallel_loop3A_360, %parallel_loop3A_423 : vector<16xf32>
      %parallel_loop3A_425 = arith.constant 0 : i32
      %parallel_loop3A_426 = arith.index_cast %parallel_loop3A_425 : i32 to index
      %parallel_loop3A_427 = arith.index_cast %parallel_loop3A_184 : i32 to index
      %parallel_loop3A_428 = arith.constant 464 : index
      %parallel_loop3A_429 = tpu.vector_load %arg4[%parallel_loop3A_426, %parallel_loop3A_427, %parallel_loop3A_428] {strides = array<i32>} : memref<2x32x1024xf32, #tpu.memory_space<vmem>>, vector<1x1x16xf32>,
      %parallel_loop3A_430 = vector.shape_cast %parallel_loop3A_429 : vector<1x1x16xf32> to vector<16xf32>
      %parallel_loop3A_431 = math.absf %parallel_loop3A_430 : vector<16xf32>
      %parallel_loop3A_432 = arith.maximumf %parallel_loop3A_368, %parallel_loop3A_431 : vector<16xf32>
      %parallel_loop3A_433 = arith.constant 0 : i32
      %parallel_loop3A_434 = arith.index_cast %parallel_loop3A_433 : i32 to index
      %parallel_loop3A_435 = arith.index_cast %parallel_loop3A_184 : i32 to index
      %parallel_loop3A_436 = arith.constant 480 : index
      %parallel_loop3A_437 = tpu.vector_load %arg4[%parallel_loop3A_434, %parallel_loop3A_435, %parallel_loop3A_436] {strides = array<i32>} : memref<2x32x1024xf32, #tpu.memory_space<vmem>>, vector<1x1x16xf32>,
      %parallel_loop3A_438 = vector.shape_cast %parallel_loop3A_437 : vector<1x1x16xf32> to vector<16xf32>
      %parallel_loop3A_439 = math.absf %parallel_loop3A_438 : vector<16xf32>
      %parallel_loop3A_440 = arith.maximumf %parallel_loop3A_376, %parallel_loop3A_439 : vector<16xf32>
      %parallel_loop3A_441 = arith.constant 0 : i32
      %parallel_loop3A_442 = arith.index_cast %parallel_loop3A_441 : i32 to index
      %parallel_loop3A_443 = arith.index_cast %parallel_loop3A_184 : i32 to index
      %parallel_loop3A_444 = arith.constant 496 : index
      %parallel_loop3A_445 = tpu.vector_load %arg4[%parallel_loop3A_442, %parallel_loop3A_443, %parallel_loop3A_444] {strides = array<i32>} : memref<2x32x1024xf32, #tpu.memory_space<vmem>>, vector<1x1x16xf32>,
      %parallel_loop3A_446 = vector.shape_cast %parallel_loop3A_445 : vector<1x1x16xf32> to vector<16xf32>
      %parallel_loop3A_447 = math.absf %parallel_loop3A_446 : vector<16xf32>
      %parallel_loop3A_448 = arith.maximumf %parallel_loop3A_384, %parallel_loop3A_447 : vector<16xf32>
      %parallel_loop3A_449 = arith.constant 0 : i32
      %parallel_loop3A_450 = arith.index_cast %parallel_loop3A_449 : i32 to index
      %parallel_loop3A_451 = arith.index_cast %parallel_loop3A_184 : i32 to index
      %parallel_loop3A_452 = arith.constant 512 : index
      %parallel_loop3A_453 = tpu.vector_load %arg4[%parallel_loop3A_450, %parallel_loop3A_451, %parallel_loop3A_452] {strides = array<i32>} : memref<2x32x1024xf32, #tpu.memory_space<vmem>>, vector<1x1x16xf32>,
      %parallel_loop3A_454 = vector.shape_cast %parallel_loop3A_453 : vector<1x1x16xf32> to vector<16xf32>
      %parallel_loop3A_455 = math.absf %parallel_loop3A_454 : vector<16xf32>
      %parallel_loop3A_456 = arith.maximumf %parallel_loop3A_392, %parallel_loop3A_455 : vector<16xf32>
      %parallel_loop3A_457 = arith.constant 0 : i32
      %parallel_loop3A_458 = arith.index_cast %parallel_loop3A_457 : i32 to index
      %parallel_loop3A_459 = arith.index_cast %parallel_loop3A_184 : i32 to index
      %parallel_loop3A_460 = arith.constant 528 : index
      %parallel_loop3A_461 = tpu.vector_load %arg4[%parallel_loop3A_458, %parallel_loop3A_459, %parallel_loop3A_460] {strides = array<i32>} : memref<2x32x1024xf32, #tpu.memory_space<vmem>>, vector<1x1x16xf32>,
      %parallel_loop3A_462 = vector.shape_cast %parallel_loop3A_461 : vector<1x1x16xf32> to vector<16xf32>
      %parallel_loop3A_463 = math.absf %parallel_loop3A_462 : vector<16xf32>
      %parallel_loop3A_464 = arith.maximumf %parallel_loop3A_400, %parallel_loop3A_463 : vector<16xf32>
      %parallel_loop3A_465 = arith.constant 0 : i32
      %parallel_loop3A_466 = arith.index_cast %parallel_loop3A_465 : i32 to index
      %parallel_loop3A_467 = arith.index_cast %parallel_loop3A_184 : i32 to index
      %parallel_loop3A_468 = arith.constant 544 : index
      %parallel_loop3A_469 = tpu.vector_load %arg4[%parallel_loop3A_466, %parallel_loop3A_467, %parallel_loop3A_468] {strides = array<i32>} : memref<2x32x1024xf32, #tpu.memory_space<vmem>>, vector<1x1x16xf32>,
      %parallel_loop3A_470 = vector.shape_cast %parallel_loop3A_469 : vector<1x1x16xf32> to vector<16xf32>
      %parallel_loop3A_471 = math.absf %parallel_loop3A_470 : vector<16xf32>
      %parallel_loop3A_472 = arith.maximumf %parallel_loop3A_408, %parallel_loop3A_471 : vector<16xf32>
      %parallel_loop3A_473 = arith.constant 0 : i32
      %parallel_loop3A_474 = arith.index_cast %parallel_loop3A_473 : i32 to index
      %parallel_loop3A_475 = arith.index_cast %parallel_loop3A_184 : i32 to index
      %parallel_loop3A_476 = arith.constant 560 : index
      %parallel_loop3A_477 = tpu.vector_load %arg4[%parallel_loop3A_474, %parallel_loop3A_475, %parallel_loop3A_476] {strides = array<i32>} : memref<2x32x1024xf32, #tpu.memory_space<vmem>>, vector<1x1x16xf32>,
      %parallel_loop3A_478 = vector.shape_cast %parallel_loop3A_477 : vector<1x1x16xf32> to vector<16xf32>
      %parallel_loop3A_479 = math.absf %parallel_loop3A_478 : vector<16xf32>
      %parallel_loop3A_480 = arith.maximumf %parallel_loop3A_416, %parallel_loop3A_479 : vector<16xf32>
      %parallel_loop3A_481 = arith.constant 0 : i32
      %parallel_loop3A_482 = arith.index_cast %parallel_loop3A_481 : i32 to index
      %parallel_loop3A_483 = arith.index_cast %parallel_loop3A_184 : i32 to index
      %parallel_loop3A_484 = arith.constant 576 : index
      %parallel_loop3A_485 = tpu.vector_load %arg4[%parallel_loop3A_482, %parallel_loop3A_483, %parallel_loop3A_484] {strides = array<i32>} : memref<2x32x1024xf32, #tpu.memory_space<vmem>>, vector<1x1x16xf32>,
      %parallel_loop3A_486 = vector.shape_cast %parallel_loop3A_485 : vector<1x1x16xf32> to vector<16xf32>
      %parallel_loop3A_487 = math.absf %parallel_loop3A_486 : vector<16xf32>
      %parallel_loop3A_488 = arith.maximumf %parallel_loop3A_424, %parallel_loop3A_487 : vector<16xf32>
      %parallel_loop3A_489 = arith.constant 0 : i32
      %parallel_loop3A_490 = arith.index_cast %parallel_loop3A_489 : i32 to index
      %parallel_loop3A_491 = arith.index_cast %parallel_loop3A_184 : i32 to index
      %parallel_loop3A_492 = arith.constant 592 : index
      %parallel_loop3A_493 = tpu.vector_load %arg4[%parallel_loop3A_490, %parallel_loop3A_491, %parallel_loop3A_492] {strides = array<i32>} : memref<2x32x1024xf32, #tpu.memory_space<vmem>>, vector<1x1x16xf32>,
      %parallel_loop3A_494 = vector.shape_cast %parallel_loop3A_493 : vector<1x1x16xf32> to vector<16xf32>
      %parallel_loop3A_495 = math.absf %parallel_loop3A_494 : vector<16xf32>
      %parallel_loop3A_496 = arith.maximumf %parallel_loop3A_432, %parallel_loop3A_495 : vector<16xf32>
      %parallel_loop3A_497 = arith.constant 0 : i32
      %parallel_loop3A_498 = arith.index_cast %parallel_loop3A_497 : i32 to index
      %parallel_loop3A_499 = arith.index_cast %parallel_loop3A_184 : i32 to index
      %parallel_loop3A_500 = arith.constant 608 : index
      %parallel_loop3A_501 = tpu.vector_load %arg4[%parallel_loop3A_498, %parallel_loop3A_499, %parallel_loop3A_500] {strides = array<i32>} : memref<2x32x1024xf32, #tpu.memory_space<vmem>>, vector<1x1x16xf32>,
      %parallel_loop3A_502 = vector.shape_cast %parallel_loop3A_501 : vector<1x1x16xf32> to vector<16xf32>
      %parallel_loop3A_503 = math.absf %parallel_loop3A_502 : vector<16xf32>
      %parallel_loop3A_504 = arith.maximumf %parallel_loop3A_440, %parallel_loop3A_503 : vector<16xf32>
      %parallel_loop3A_505 = arith.constant 0 : i32
      %parallel_loop3A_506 = arith.index_cast %parallel_loop3A_505 : i32 to index
      %parallel_loop3A_507 = arith.index_cast %parallel_loop3A_184 : i32 to index
      %parallel_loop3A_508 = arith.constant 624 : index
      %parallel_loop3A_509 = tpu.vector_load %arg4[%parallel_loop3A_506, %parallel_loop3A_507, %parallel_loop3A_508] {strides = array<i32>} : memref<2x32x1024xf32, #tpu.memory_space<vmem>>, vector<1x1x16xf32>,
      %parallel_loop3A_510 = vector.shape_cast %parallel_loop3A_509 : vector<1x1x16xf32> to vector<16xf32>
      %parallel_loop3A_511 = math.absf %parallel_loop3A_510 : vector<16xf32>
      %parallel_loop3A_512 = arith.maximumf %parallel_loop3A_448, %parallel_loop3A_511 : vector<16xf32>
      %parallel_loop3A_513 = arith.constant 0 : i32
      %parallel_loop3A_514 = arith.index_cast %parallel_loop3A_513 : i32 to index
      %parallel_loop3A_515 = arith.index_cast %parallel_loop3A_184 : i32 to index
      %parallel_loop3A_516 = arith.constant 640 : index
      %parallel_loop3A_517 = tpu.vector_load %arg4[%parallel_loop3A_514, %parallel_loop3A_515, %parallel_loop3A_516] {strides = array<i32>} : memref<2x32x1024xf32, #tpu.memory_space<vmem>>, vector<1x1x16xf32>,
      %parallel_loop3A_518 = vector.shape_cast %parallel_loop3A_517 : vector<1x1x16xf32> to vector<16xf32>
      %parallel_loop3A_519 = math.absf %parallel_loop3A_518 : vector<16xf32>
      %parallel_loop3A_520 = arith.maximumf %parallel_loop3A_456, %parallel_loop3A_519 : vector<16xf32>
      %parallel_loop3A_521 = arith.constant 0 : i32
      %parallel_loop3A_522 = arith.index_cast %parallel_loop3A_521 : i32 to index
      %parallel_loop3A_523 = arith.index_cast %parallel_loop3A_184 : i32 to index
      %parallel_loop3A_524 = arith.constant 656 : index
      %parallel_loop3A_525 = tpu.vector_load %arg4[%parallel_loop3A_522, %parallel_loop3A_523, %parallel_loop3A_524] {strides = array<i32>} : memref<2x32x1024xf32, #tpu.memory_space<vmem>>, vector<1x1x16xf32>,
      %parallel_loop3A_526 = vector.shape_cast %parallel_loop3A_525 : vector<1x1x16xf32> to vector<16xf32>
      %parallel_loop3A_527 = math.absf %parallel_loop3A_526 : vector<16xf32>
      %parallel_loop3A_528 = arith.maximumf %parallel_loop3A_464, %parallel_loop3A_527 : vector<16xf32>
      %parallel_loop3A_529 = arith.constant 0 : i32
      %parallel_loop3A_530 = arith.index_cast %parallel_loop3A_529 : i32 to index
      %parallel_loop3A_531 = arith.index_cast %parallel_loop3A_184 : i32 to index
      %parallel_loop3A_532 = arith.constant 672 : index
      %parallel_loop3A_533 = tpu.vector_load %arg4[%parallel_loop3A_530, %parallel_loop3A_531, %parallel_loop3A_532] {strides = array<i32>} : memref<2x32x1024xf32, #tpu.memory_space<vmem>>, vector<1x1x16xf32>,
      %parallel_loop3A_534 = vector.shape_cast %parallel_loop3A_533 : vector<1x1x16xf32> to vector<16xf32>
      %parallel_loop3A_535 = math.absf %parallel_loop3A_534 : vector<16xf32>
      %parallel_loop3A_536 = arith.maximumf %parallel_loop3A_472, %parallel_loop3A_535 : vector<16xf32>
      %parallel_loop3A_537 = arith.constant 0 : i32
      %parallel_loop3A_538 = arith.index_cast %parallel_loop3A_537 : i32 to index
      %parallel_loop3A_539 = arith.index_cast %parallel_loop3A_184 : i32 to index
      %parallel_loop3A_540 = arith.constant 688 : index
      %parallel_loop3A_541 = tpu.vector_load %arg4[%parallel_loop3A_538, %parallel_loop3A_539, %parallel_loop3A_540] {strides = array<i32>} : memref<2x32x1024xf32, #tpu.memory_space<vmem>>, vector<1x1x16xf32>,
      %parallel_loop3A_542 = vector.shape_cast %parallel_loop3A_541 : vector<1x1x16xf32> to vector<16xf32>
      %parallel_loop3A_543 = math.absf %parallel_loop3A_542 : vector<16xf32>
      %parallel_loop3A_544 = arith.maximumf %parallel_loop3A_480, %parallel_loop3A_543 : vector<16xf32>
      %parallel_loop3A_545 = arith.constant 0 : i32
      %parallel_loop3A_546 = arith.index_cast %parallel_loop3A_545 : i32 to index
      %parallel_loop3A_547 = arith.index_cast %parallel_loop3A_184 : i32 to index
      %parallel_loop3A_548 = arith.constant 704 : index
      %parallel_loop3A_549 = tpu.vector_load %arg4[%parallel_loop3A_546, %parallel_loop3A_547, %parallel_loop3A_548] {strides = array<i32>} : memref<2x32x1024xf32, #tpu.memory_space<vmem>>, vector<1x1x16xf32>,
      %parallel_loop3A_550 = vector.shape_cast %parallel_loop3A_549 : vector<1x1x16xf32> to vector<16xf32>
      %parallel_loop3A_551 = math.absf %parallel_loop3A_550 : vector<16xf32>
      %parallel_loop3A_552 = arith.maximumf %parallel_loop3A_488, %parallel_loop3A_551 : vector<16xf32>
      %parallel_loop3A_553 = arith.constant 0 : i32
      %parallel_loop3A_554 = arith.index_cast %parallel_loop3A_553 : i32 to index
      %parallel_loop3A_555 = arith.index_cast %parallel_loop3A_184 : i32 to index
      %parallel_loop3A_556 = arith.constant 720 : index
      %parallel_loop3A_557 = tpu.vector_load %arg4[%parallel_loop3A_554, %parallel_loop3A_555, %parallel_loop3A_556] {strides = array<i32>} : memref<2x32x1024xf32, #tpu.memory_space<vmem>>, vector<1x1x16xf32>,
      %parallel_loop3A_558 = vector.shape_cast %parallel_loop3A_557 : vector<1x1x16xf32> to vector<16xf32>
      %parallel_loop3A_559 = math.absf %parallel_loop3A_558 : vector<16xf32>
      %parallel_loop3A_560 = arith.maximumf %parallel_loop3A_496, %parallel_loop3A_559 : vector<16xf32>
      %parallel_loop3A_561 = arith.constant 0 : i32
      %parallel_loop3A_562 = arith.index_cast %parallel_loop3A_561 : i32 to index
      %parallel_loop3A_563 = arith.index_cast %parallel_loop3A_184 : i32 to index
      %parallel_loop3A_564 = arith.constant 736 : index
      %parallel_loop3A_565 = tpu.vector_load %arg4[%parallel_loop3A_562, %parallel_loop3A_563, %parallel_loop3A_564] {strides = array<i32>} : memref<2x32x1024xf32, #tpu.memory_space<vmem>>, vector<1x1x16xf32>,
      %parallel_loop3A_566 = vector.shape_cast %parallel_loop3A_565 : vector<1x1x16xf32> to vector<16xf32>
      %parallel_loop3A_567 = math.absf %parallel_loop3A_566 : vector<16xf32>
      %parallel_loop3A_568 = arith.maximumf %parallel_loop3A_504, %parallel_loop3A_567 : vector<16xf32>
      %parallel_loop3A_569 = arith.constant 0 : i32
      %parallel_loop3A_570 = arith.index_cast %parallel_loop3A_569 : i32 to index
      %parallel_loop3A_571 = arith.index_cast %parallel_loop3A_184 : i32 to index
      %parallel_loop3A_572 = arith.constant 752 : index
      %parallel_loop3A_573 = tpu.vector_load %arg4[%parallel_loop3A_570, %parallel_loop3A_571, %parallel_loop3A_572] {strides = array<i32>} : memref<2x32x1024xf32, #tpu.memory_space<vmem>>, vector<1x1x16xf32>,
      %parallel_loop3A_574 = vector.shape_cast %parallel_loop3A_573 : vector<1x1x16xf32> to vector<16xf32>
      %parallel_loop3A_575 = math.absf %parallel_loop3A_574 : vector<16xf32>
      %parallel_loop3A_576 = arith.maximumf %parallel_loop3A_512, %parallel_loop3A_575 : vector<16xf32>
      %parallel_loop3A_577 = arith.constant 0 : i32
      %parallel_loop3A_578 = arith.index_cast %parallel_loop3A_577 : i32 to index
      %parallel_loop3A_579 = arith.index_cast %parallel_loop3A_184 : i32 to index
      %parallel_loop3A_580 = arith.constant 768 : index
      %parallel_loop3A_581 = tpu.vector_load %arg4[%parallel_loop3A_578, %parallel_loop3A_579, %parallel_loop3A_580] {strides = array<i32>} : memref<2x32x1024xf32, #tpu.memory_space<vmem>>, vector<1x1x16xf32>,
      %parallel_loop3A_582 = vector.shape_cast %parallel_loop3A_581 : vector<1x1x16xf32> to vector<16xf32>
      %parallel_loop3A_583 = math.absf %parallel_loop3A_582 : vector<16xf32>
      %parallel_loop3A_584 = arith.maximumf %parallel_loop3A_520, %parallel_loop3A_583 : vector<16xf32>
      %parallel_loop3A_585 = arith.constant 0 : i32
      %parallel_loop3A_586 = arith.index_cast %parallel_loop3A_585 : i32 to index
      %parallel_loop3A_587 = arith.index_cast %parallel_loop3A_184 : i32 to index
      %parallel_loop3A_588 = arith.constant 784 : index
      %parallel_loop3A_589 = tpu.vector_load %arg4[%parallel_loop3A_586, %parallel_loop3A_587, %parallel_loop3A_588] {strides = array<i32>} : memref<2x32x1024xf32, #tpu.memory_space<vmem>>, vector<1x1x16xf32>,
      %parallel_loop3A_590 = vector.shape_cast %parallel_loop3A_589 : vector<1x1x16xf32> to vector<16xf32>
      %parallel_loop3A_591 = math.absf %parallel_loop3A_590 : vector<16xf32>
      %parallel_loop3A_592 = arith.maximumf %parallel_loop3A_528, %parallel_loop3A_591 : vector<16xf32>
      %parallel_loop3A_593 = arith.constant 0 : i32
      %parallel_loop3A_594 = arith.index_cast %parallel_loop3A_593 : i32 to index
      %parallel_loop3A_595 = arith.index_cast %parallel_loop3A_184 : i32 to index
      %parallel_loop3A_596 = arith.constant 800 : index
      %parallel_loop3A_597 = tpu.vector_load %arg4[%parallel_loop3A_594, %parallel_loop3A_595, %parallel_loop3A_596] {strides = array<i32>} : memref<2x32x1024xf32, #tpu.memory_space<vmem>>, vector<1x1x16xf32>,
      %parallel_loop3A_598 = vector.shape_cast %parallel_loop3A_597 : vector<1x1x16xf32> to vector<16xf32>
      %parallel_loop3A_599 = math.absf %parallel_loop3A_598 : vector<16xf32>
      %parallel_loop3A_600 = arith.maximumf %parallel_loop3A_536, %parallel_loop3A_599 : vector<16xf32>
      %parallel_loop3A_601 = arith.constant 0 : i32
      %parallel_loop3A_602 = arith.index_cast %parallel_loop3A_601 : i32 to index
      %parallel_loop3A_603 = arith.index_cast %parallel_loop3A_184 : i32 to index
      %parallel_loop3A_604 = arith.constant 816 : index
      %parallel_loop3A_605 = tpu.vector_load %arg4[%parallel_loop3A_602, %parallel_loop3A_603, %parallel_loop3A_604] {strides = array<i32>} : memref<2x32x1024xf32, #tpu.memory_space<vmem>>, vector<1x1x16xf32>,
      %parallel_loop3A_606 = vector.shape_cast %parallel_loop3A_605 : vector<1x1x16xf32> to vector<16xf32>
      %parallel_loop3A_607 = math.absf %parallel_loop3A_606 : vector<16xf32>
      %parallel_loop3A_608 = arith.maximumf %parallel_loop3A_544, %parallel_loop3A_607 : vector<16xf32>
      %parallel_loop3A_609 = arith.constant 0 : i32
      %parallel_loop3A_610 = arith.index_cast %parallel_loop3A_609 : i32 to index
      %parallel_loop3A_611 = arith.index_cast %parallel_loop3A_184 : i32 to index
      %parallel_loop3A_612 = arith.constant 832 : index
      %parallel_loop3A_613 = tpu.vector_load %arg4[%parallel_loop3A_610, %parallel_loop3A_611, %parallel_loop3A_612] {strides = array<i32>} : memref<2x32x1024xf32, #tpu.memory_space<vmem>>, vector<1x1x16xf32>,
      %parallel_loop3A_614 = vector.shape_cast %parallel_loop3A_613 : vector<1x1x16xf32> to vector<16xf32>
      %parallel_loop3A_615 = math.absf %parallel_loop3A_614 : vector<16xf32>
      %parallel_loop3A_616 = arith.maximumf %parallel_loop3A_552, %parallel_loop3A_615 : vector<16xf32>
      %parallel_loop3A_617 = arith.constant 0 : i32
      %parallel_loop3A_618 = arith.index_cast %parallel_loop3A_617 : i32 to index
      %parallel_loop3A_619 = arith.index_cast %parallel_loop3A_184 : i32 to index
      %parallel_loop3A_620 = arith.constant 848 : index
      %parallel_loop3A_621 = tpu.vector_load %arg4[%parallel_loop3A_618, %parallel_loop3A_619, %parallel_loop3A_620] {strides = array<i32>} : memref<2x32x1024xf32, #tpu.memory_space<vmem>>, vector<1x1x16xf32>,
      %parallel_loop3A_622 = vector.shape_cast %parallel_loop3A_621 : vector<1x1x16xf32> to vector<16xf32>
      %parallel_loop3A_623 = math.absf %parallel_loop3A_622 : vector<16xf32>
      %parallel_loop3A_624 = arith.maximumf %parallel_loop3A_560, %parallel_loop3A_623 : vector<16xf32>
      %parallel_loop3A_625 = arith.constant 0 : i32
      %parallel_loop3A_626 = arith.index_cast %parallel_loop3A_625 : i32 to index
      %parallel_loop3A_627 = arith.index_cast %parallel_loop3A_184 : i32 to index
      %parallel_loop3A_628 = arith.constant 864 : index
      %parallel_loop3A_629 = tpu.vector_load %arg4[%parallel_loop3A_626, %parallel_loop3A_627, %parallel_loop3A_628] {strides = array<i32>} : memref<2x32x1024xf32, #tpu.memory_space<vmem>>, vector<1x1x16xf32>,
      %parallel_loop3A_630 = vector.shape_cast %parallel_loop3A_629 : vector<1x1x16xf32> to vector<16xf32>
      %parallel_loop3A_631 = math.absf %parallel_loop3A_630 : vector<16xf32>
      %parallel_loop3A_632 = arith.maximumf %parallel_loop3A_568, %parallel_loop3A_631 : vector<16xf32>
      %parallel_loop3A_633 = arith.constant 0 : i32
      %parallel_loop3A_634 = arith.index_cast %parallel_loop3A_633 : i32 to index
      %parallel_loop3A_635 = arith.index_cast %parallel_loop3A_184 : i32 to index
      %parallel_loop3A_636 = arith.constant 880 : index
      %parallel_loop3A_637 = tpu.vector_load %arg4[%parallel_loop3A_634, %parallel_loop3A_635, %parallel_loop3A_636] {strides = array<i32>} : memref<2x32x1024xf32, #tpu.memory_space<vmem>>, vector<1x1x16xf32>,
      %parallel_loop3A_638 = vector.shape_cast %parallel_loop3A_637 : vector<1x1x16xf32> to vector<16xf32>
      %parallel_loop3A_639 = math.absf %parallel_loop3A_638 : vector<16xf32>
      %parallel_loop3A_640 = arith.maximumf %parallel_loop3A_576, %parallel_loop3A_639 : vector<16xf32>
      %parallel_loop3A_641 = arith.constant 0 : i32
      %parallel_loop3A_642 = arith.index_cast %parallel_loop3A_641 : i32 to index
      %parallel_loop3A_643 = arith.index_cast %parallel_loop3A_184 : i32 to index
      %parallel_loop3A_644 = arith.constant 896 : index
      %parallel_loop3A_645 = tpu.vector_load %arg4[%parallel_loop3A_642, %parallel_loop3A_643, %parallel_loop3A_644] {strides = array<i32>} : memref<2x32x1024xf32, #tpu.memory_space<vmem>>, vector<1x1x16xf32>,
      %parallel_loop3A_646 = vector.shape_cast %parallel_loop3A_645 : vector<1x1x16xf32> to vector<16xf32>
      %parallel_loop3A_647 = math.absf %parallel_loop3A_646 : vector<16xf32>
      %parallel_loop3A_648 = arith.maximumf %parallel_loop3A_584, %parallel_loop3A_647 : vector<16xf32>
      %parallel_loop3A_649 = arith.constant 0 : i32
      %parallel_loop3A_650 = arith.index_cast %parallel_loop3A_649 : i32 to index
      %parallel_loop3A_651 = arith.index_cast %parallel_loop3A_184 : i32 to index
      %parallel_loop3A_652 = arith.constant 912 : index
      %parallel_loop3A_653 = tpu.vector_load %arg4[%parallel_loop3A_650, %parallel_loop3A_651, %parallel_loop3A_652] {strides = array<i32>} : memref<2x32x1024xf32, #tpu.memory_space<vmem>>, vector<1x1x16xf32>,
      %parallel_loop3A_654 = vector.shape_cast %parallel_loop3A_653 : vector<1x1x16xf32> to vector<16xf32>
      %parallel_loop3A_655 = math.absf %parallel_loop3A_654 : vector<16xf32>
      %parallel_loop3A_656 = arith.maximumf %parallel_loop3A_592, %parallel_loop3A_655 : vector<16xf32>
      %parallel_loop3A_657 = arith.constant 0 : i32
      %parallel_loop3A_658 = arith.index_cast %parallel_loop3A_657 : i32 to index
      %parallel_loop3A_659 = arith.index_cast %parallel_loop3A_184 : i32 to index
      %parallel_loop3A_660 = arith.constant 928 : index
      %parallel_loop3A_661 = tpu.vector_load %arg4[%parallel_loop3A_658, %parallel_loop3A_659, %parallel_loop3A_660] {strides = array<i32>} : memref<2x32x1024xf32, #tpu.memory_space<vmem>>, vector<1x1x16xf32>,
      %parallel_loop3A_662 = vector.shape_cast %parallel_loop3A_661 : vector<1x1x16xf32> to vector<16xf32>
      %parallel_loop3A_663 = math.absf %parallel_loop3A_662 : vector<16xf32>
      %parallel_loop3A_664 = arith.maximumf %parallel_loop3A_600, %parallel_loop3A_663 : vector<16xf32>
      %parallel_loop3A_665 = arith.constant 0 : i32
      %parallel_loop3A_666 = arith.index_cast %parallel_loop3A_665 : i32 to index
      %parallel_loop3A_667 = arith.index_cast %parallel_loop3A_184 : i32 to index
      %parallel_loop3A_668 = arith.constant 944 : index
      %parallel_loop3A_669 = tpu.vector_load %arg4[%parallel_loop3A_666, %parallel_loop3A_667, %parallel_loop3A_668] {strides = array<i32>} : memref<2x32x1024xf32, #tpu.memory_space<vmem>>, vector<1x1x16xf32>,
      %parallel_loop3A_670 = vector.shape_cast %parallel_loop3A_669 : vector<1x1x16xf32> to vector<16xf32>
      %parallel_loop3A_671 = math.absf %parallel_loop3A_670 : vector<16xf32>
      %parallel_loop3A_672 = arith.maximumf %parallel_loop3A_608, %parallel_loop3A_671 : vector<16xf32>
      %parallel_loop3A_673 = arith.constant 0 : i32
      %parallel_loop3A_674 = arith.index_cast %parallel_loop3A_673 : i32 to index
      %parallel_loop3A_675 = arith.index_cast %parallel_loop3A_184 : i32 to index
      %parallel_loop3A_676 = arith.constant 960 : index
      %parallel_loop3A_677 = tpu.vector_load %arg4[%parallel_loop3A_674, %parallel_loop3A_675, %parallel_loop3A_676] {strides = array<i32>} : memref<2x32x1024xf32, #tpu.memory_space<vmem>>, vector<1x1x16xf32>,
      %parallel_loop3A_678 = vector.shape_cast %parallel_loop3A_677 : vector<1x1x16xf32> to vector<16xf32>
      %parallel_loop3A_679 = math.absf %parallel_loop3A_678 : vector<16xf32>
      %parallel_loop3A_680 = arith.maximumf %parallel_loop3A_616, %parallel_loop3A_679 : vector<16xf32>
      %parallel_loop3A_681 = arith.constant 0 : i32
      %parallel_loop3A_682 = arith.index_cast %parallel_loop3A_681 : i32 to index
      %parallel_loop3A_683 = arith.index_cast %parallel_loop3A_184 : i32 to index
      %parallel_loop3A_684 = arith.constant 976 : index
      %parallel_loop3A_685 = tpu.vector_load %arg4[%parallel_loop3A_682, %parallel_loop3A_683, %parallel_loop3A_684] {strides = array<i32>} : memref<2x32x1024xf32, #tpu.memory_space<vmem>>, vector<1x1x16xf32>,
      %parallel_loop3A_686 = vector.shape_cast %parallel_loop3A_685 : vector<1x1x16xf32> to vector<16xf32>
      %parallel_loop3A_687 = math.absf %parallel_loop3A_686 : vector<16xf32>
      %parallel_loop3A_688 = arith.maximumf %parallel_loop3A_624, %parallel_loop3A_687 : vector<16xf32>
      %parallel_loop3A_689 = arith.constant 0 : i32
      %parallel_loop3A_690 = arith.index_cast %parallel_loop3A_689 : i32 to index
      %parallel_loop3A_691 = arith.index_cast %parallel_loop3A_184 : i32 to index
      %parallel_loop3A_692 = arith.constant 992 : index
      %parallel_loop3A_693 = tpu.vector_load %arg4[%parallel_loop3A_690, %parallel_loop3A_691, %parallel_loop3A_692] {strides = array<i32>} : memref<2x32x1024xf32, #tpu.memory_space<vmem>>, vector<1x1x16xf32>,
      %parallel_loop3A_694 = vector.shape_cast %parallel_loop3A_693 : vector<1x1x16xf32> to vector<16xf32>
      %parallel_loop3A_695 = math.absf %parallel_loop3A_694 : vector<16xf32>
      %parallel_loop3A_696 = arith.maximumf %parallel_loop3A_632, %parallel_loop3A_695 : vector<16xf32>
      %parallel_loop3A_697 = arith.constant 0 : i32
      %parallel_loop3A_698 = arith.index_cast %parallel_loop3A_697 : i32 to index
      %parallel_loop3A_699 = arith.index_cast %parallel_loop3A_184 : i32 to index
      %parallel_loop3A_700 = arith.constant 1008 : index
      %parallel_loop3A_701 = tpu.vector_load %arg4[%parallel_loop3A_698, %parallel_loop3A_699, %parallel_loop3A_700] {strides = array<i32>} : memref<2x32x1024xf32, #tpu.memory_space<vmem>>, vector<1x1x16xf32>,
      %parallel_loop3A_702 = vector.shape_cast %parallel_loop3A_701 : vector<1x1x16xf32> to vector<16xf32>
      %parallel_loop3A_703 = math.absf %parallel_loop3A_702 : vector<16xf32>
      %parallel_loop3A_704 = arith.maximumf %parallel_loop3A_640, %parallel_loop3A_703 : vector<16xf32>
      scf.yield %parallel_loop3A_648, %parallel_loop3A_656, %parallel_loop3A_664, %parallel_loop3A_672, %parallel_loop3A_680, %parallel_loop3A_688, %parallel_loop3A_696, %parallel_loop3A_704 : vector<16xf32>, vector<16xf32>, vector<16xf32>, vector<16xf32>, vector<16xf32>, vector<16xf32>, vector<16xf32>, vector<16xf32>
    } {sc.loop_unroll_factor = 1 : i64, sc.parallel_access}
    %add3A_60 = arith.constant 64 : i32
    %add3A_61 = arith.addi %mul3A_2, %add3A_60 : i32
    %dma_start3A_62 = arith.constant 0 : i32
    %dma_start3A_63 = arith.constant 0 : i32
    %dma_start3A_64 = arith.constant 0 : i32
    %dma_start3A_65 = tpu.memref_slice %arg4[%dma_start3A_62, %dma_start3A_63, %dma_start3A_64] : memref<2x32x1024xf32, #tpu.memory_space<vmem>> -> memref<1x32x1024xf32, #tpu.memory_space<vmem>>
    %dma_start3A_66 = tpu.memref_squeeze %dma_start3A_65 : memref<1x32x1024xf32, #tpu.memory_space<vmem>> -> memref<32x1024xf32, #tpu.memory_space<vmem>>
    %dma_start3A_67 = arith.constant 0 : i32
    %dma_start3A_68 = tpu.memref_slice %arg2[%add3A_61, %dma_start3A_67] : memref<16384x1024xf32, #tpu.memory_space<hbm>> -> memref<32x1024xf32, #tpu.memory_space<hbm>>
    %dma_start3A_69 = arith.constant 0 : i32
    %dma_start3A_70 = arith.constant 0 : i32
    %dma_start3A_71 = tpu.memref_slice %arg4[%dma_start3A_62, %dma_start3A_69, %dma_start3A_70] : memref<2x32x1024xf32, #tpu.memory_space<vmem>> -> memref<1x32x1024xf32, #tpu.memory_space<vmem>>
    %dma_start3A_72 = tpu.memref_squeeze %dma_start3A_71 : memref<1x32x1024xf32, #tpu.memory_space<vmem>> -> memref<32x1024xf32, #tpu.memory_space<vmem>>
    %dma_start3A_73 = arith.constant 0 : i32
    %dma_start3A_74 = tpu.memref_slice %arg2[%add3A_61, %dma_start3A_73] : memref<16384x1024xf32, #tpu.memory_space<hbm>> -> memref<32x1024xf32, #tpu.memory_space<hbm>>
    tpu.enqueue_dma source(%dma_start3A_74 : memref<32x1024xf32, #tpu.memory_space<hbm>>) target(%dma_start3A_72 : memref<32x1024xf32, #tpu.memory_space<vmem>>) target_semaphore(%arg6 : memref<!tpu.dma_semaphore, #tpu.memory_space<semaphore_mem>>)
    %dma_wait3A_75 = arith.constant 1 : i32
    %dma_wait3A_76 = arith.constant 0 : i32
    %dma_wait3A_77 = arith.constant 0 : i32
    %dma_wait3A_78 = tpu.memref_slice %arg4[%dma_wait3A_75, %dma_wait3A_76, %dma_wait3A_77] : memref<2x32x1024xf32, #tpu.memory_space<vmem>> -> memref<1x32x1024xf32, #tpu.memory_space<vmem>>
    %dma_wait3A_79 = tpu.memref_squeeze %dma_wait3A_78 : memref<1x32x1024xf32, #tpu.memory_space<vmem>> -> memref<32x1024xf32, #tpu.memory_space<vmem>>
    %dma_wait3A_80 = arith.constant 0 : i32
    %dma_wait3A_81 = tpu.memref_slice %arg2[%add3A_31, %dma_wait3A_80] : memref<16384x1024xf32, #tpu.memory_space<hbm>> -> memref<32x1024xf32, #tpu.memory_space<hbm>>
    %dma_wait3A_82 = arith.constant 0 : i32
    %dma_wait3A_83 = arith.constant 0 : i32
    %dma_wait3A_84 = tpu.memref_slice %arg4[%dma_wait3A_75, %dma_wait3A_82, %dma_wait3A_83] : memref<2x32x1024xf32, #tpu.memory_space<vmem>> -> memref<1x32x1024xf32, #tpu.memory_space<vmem>>
    %dma_wait3A_85 = tpu.memref_squeeze %dma_wait3A_84 : memref<1x32x1024xf32, #tpu.memory_space<vmem>> -> memref<32x1024xf32, #tpu.memory_space<vmem>>
    %dma_wait3A_86 = arith.constant 0 : i32
    %dma_wait3A_87 = tpu.memref_slice %arg2[%add3A_31, %dma_wait3A_86] : memref<16384x1024xf32, #tpu.memory_space<hbm>> -> memref<32x1024xf32, #tpu.memory_space<hbm>>
    tpu.wait_dma2 semaphore(%arg7 : memref<!tpu.dma_semaphore, #tpu.memory_space<semaphore_mem>>) src(%dma_wait3A_87 : memref<32x1024xf32, #tpu.memory_space<hbm>>) dst(%dma_wait3A_85 : memref<32x1024xf32, #tpu.memory_space<vmem>>)
    %parallel_loop3A_88 = arith.constant 0 : i32
    %parallel_loop3A_89 = arith.constant 32 : i32
    %parallel_loop3A_90 = arith.constant 1 : i32
    %parallel_loop3A_91:8 = scf.for %parallel_loop3A_184 = %parallel_loop3A_88 to %parallel_loop3A_89 step %parallel_loop3A_90 iter_args(%parallel_loop3A_185 = %parallel_loop3A_59#0, %parallel_loop3A_186 = %parallel_loop3A_59#1, %parallel_loop3A_187 = %parallel_loop3A_59#2, %parallel_loop3A_188 = %parallel_loop3A_59#3, %parallel_loop3A_189 = %parallel_loop3A_59#4, %parallel_loop3A_190 = %parallel_loop3A_59#5, %parallel_loop3A_191 = %parallel_loop3A_59#6, %parallel_loop3A_192 = %parallel_loop3A_59#7) -> (vector<16xf32>, vector<16xf32>, vector<16xf32>, vector<16xf32>, vector<16xf32>, vector<16xf32>, vector<16xf32>, vector<16xf32>)  : i32 {
      %parallel_loop3A_193 = arith.constant 1 : i32
      %parallel_loop3A_194 = arith.index_cast %parallel_loop3A_193 : i32 to index
      %parallel_loop3A_195 = arith.index_cast %parallel_loop3A_184 : i32 to index
      %parallel_loop3A_196 = arith.constant 0 : index
      %parallel_loop3A_197 = tpu.vector_load %arg4[%parallel_loop3A_194, %parallel_loop3A_195, %parallel_loop3A_196] {strides = array<i32>} : memref<2x32x1024xf32, #tpu.memory_space<vmem>>, vector<1x1x16xf32>,
      %parallel_loop3A_198 = vector.shape_cast %parallel_loop3A_197 : vector<1x1x16xf32> to vector<16xf32>
      %parallel_loop3A_199 = math.absf %parallel_loop3A_198 : vector<16xf32>
      %parallel_loop3A_200 = arith.maximumf %parallel_loop3A_185, %parallel_loop3A_199 : vector<16xf32>
      %parallel_loop3A_201 = arith.constant 1 : i32
      %parallel_loop3A_202 = arith.index_cast %parallel_loop3A_201 : i32 to index
      %parallel_loop3A_203 = arith.index_cast %parallel_loop3A_184 : i32 to index
      %parallel_loop3A_204 = arith.constant 16 : index
      %parallel_loop3A_205 = tpu.vector_load %arg4[%parallel_loop3A_202, %parallel_loop3A_203, %parallel_loop3A_204] {strides = array<i32>} : memref<2x32x1024xf32, #tpu.memory_space<vmem>>, vector<1x1x16xf32>,
      %parallel_loop3A_206 = vector.shape_cast %parallel_loop3A_205 : vector<1x1x16xf32> to vector<16xf32>
      %parallel_loop3A_207 = math.absf %parallel_loop3A_206 : vector<16xf32>
      %parallel_loop3A_208 = arith.maximumf %parallel_loop3A_186, %parallel_loop3A_207 : vector<16xf32>
      %parallel_loop3A_209 = arith.constant 1 : i32
      %parallel_loop3A_210 = arith.index_cast %parallel_loop3A_209 : i32 to index
      %parallel_loop3A_211 = arith.index_cast %parallel_loop3A_184 : i32 to index
      %parallel_loop3A_212 = arith.constant 32 : index
      %parallel_loop3A_213 = tpu.vector_load %arg4[%parallel_loop3A_210, %parallel_loop3A_211, %parallel_loop3A_212] {strides = array<i32>} : memref<2x32x1024xf32, #tpu.memory_space<vmem>>, vector<1x1x16xf32>,
      %parallel_loop3A_214 = vector.shape_cast %parallel_loop3A_213 : vector<1x1x16xf32> to vector<16xf32>
      %parallel_loop3A_215 = math.absf %parallel_loop3A_214 : vector<16xf32>
      %parallel_loop3A_216 = arith.maximumf %parallel_loop3A_187, %parallel_loop3A_215 : vector<16xf32>
      %parallel_loop3A_217 = arith.constant 1 : i32
      %parallel_loop3A_218 = arith.index_cast %parallel_loop3A_217 : i32 to index
      %parallel_loop3A_219 = arith.index_cast %parallel_loop3A_184 : i32 to index
      %parallel_loop3A_220 = arith.constant 48 : index
      %parallel_loop3A_221 = tpu.vector_load %arg4[%parallel_loop3A_218, %parallel_loop3A_219, %parallel_loop3A_220] {strides = array<i32>} : memref<2x32x1024xf32, #tpu.memory_space<vmem>>, vector<1x1x16xf32>,
      %parallel_loop3A_222 = vector.shape_cast %parallel_loop3A_221 : vector<1x1x16xf32> to vector<16xf32>
      %parallel_loop3A_223 = math.absf %parallel_loop3A_222 : vector<16xf32>
      %parallel_loop3A_224 = arith.maximumf %parallel_loop3A_188, %parallel_loop3A_223 : vector<16xf32>
      %parallel_loop3A_225 = arith.constant 1 : i32
      %parallel_loop3A_226 = arith.index_cast %parallel_loop3A_225 : i32 to index
      %parallel_loop3A_227 = arith.index_cast %parallel_loop3A_184 : i32 to index
      %parallel_loop3A_228 = arith.constant 64 : index
      %parallel_loop3A_229 = tpu.vector_load %arg4[%parallel_loop3A_226, %parallel_loop3A_227, %parallel_loop3A_228] {strides = array<i32>} : memref<2x32x1024xf32, #tpu.memory_space<vmem>>, vector<1x1x16xf32>,
      %parallel_loop3A_230 = vector.shape_cast %parallel_loop3A_229 : vector<1x1x16xf32> to vector<16xf32>
      %parallel_loop3A_231 = math.absf %parallel_loop3A_230 : vector<16xf32>
      %parallel_loop3A_232 = arith.maximumf %parallel_loop3A_189, %parallel_loop3A_231 : vector<16xf32>
      %parallel_loop3A_233 = arith.constant 1 : i32
      %parallel_loop3A_234 = arith.index_cast %parallel_loop3A_233 : i32 to index
      %parallel_loop3A_235 = arith.index_cast %parallel_loop3A_184 : i32 to index
      %parallel_loop3A_236 = arith.constant 80 : index
      %parallel_loop3A_237 = tpu.vector_load %arg4[%parallel_loop3A_234, %parallel_loop3A_235, %parallel_loop3A_236] {strides = array<i32>} : memref<2x32x1024xf32, #tpu.memory_space<vmem>>, vector<1x1x16xf32>,
      %parallel_loop3A_238 = vector.shape_cast %parallel_loop3A_237 : vector<1x1x16xf32> to vector<16xf32>
      %parallel_loop3A_239 = math.absf %parallel_loop3A_238 : vector<16xf32>
      %parallel_loop3A_240 = arith.maximumf %parallel_loop3A_190, %parallel_loop3A_239 : vector<16xf32>
      %parallel_loop3A_241 = arith.constant 1 : i32
      %parallel_loop3A_242 = arith.index_cast %parallel_loop3A_241 : i32 to index
      %parallel_loop3A_243 = arith.index_cast %parallel_loop3A_184 : i32 to index
      %parallel_loop3A_244 = arith.constant 96 : index
      %parallel_loop3A_245 = tpu.vector_load %arg4[%parallel_loop3A_242, %parallel_loop3A_243, %parallel_loop3A_244] {strides = array<i32>} : memref<2x32x1024xf32, #tpu.memory_space<vmem>>, vector<1x1x16xf32>,
      %parallel_loop3A_246 = vector.shape_cast %parallel_loop3A_245 : vector<1x1x16xf32> to vector<16xf32>
      %parallel_loop3A_247 = math.absf %parallel_loop3A_246 : vector<16xf32>
      %parallel_loop3A_248 = arith.maximumf %parallel_loop3A_191, %parallel_loop3A_247 : vector<16xf32>
      %parallel_loop3A_249 = arith.constant 1 : i32
      %parallel_loop3A_250 = arith.index_cast %parallel_loop3A_249 : i32 to index
      %parallel_loop3A_251 = arith.index_cast %parallel_loop3A_184 : i32 to index
      %parallel_loop3A_252 = arith.constant 112 : index
      %parallel_loop3A_253 = tpu.vector_load %arg4[%parallel_loop3A_250, %parallel_loop3A_251, %parallel_loop3A_252] {strides = array<i32>} : memref<2x32x1024xf32, #tpu.memory_space<vmem>>, vector<1x1x16xf32>,
      %parallel_loop3A_254 = vector.shape_cast %parallel_loop3A_253 : vector<1x1x16xf32> to vector<16xf32>
      %parallel_loop3A_255 = math.absf %parallel_loop3A_254 : vector<16xf32>
      %parallel_loop3A_256 = arith.maximumf %parallel_loop3A_192, %parallel_loop3A_255 : vector<16xf32>
      %parallel_loop3A_257 = arith.constant 1 : i32
      %parallel_loop3A_258 = arith.index_cast %parallel_loop3A_257 : i32 to index
      %parallel_loop3A_259 = arith.index_cast %parallel_loop3A_184 : i32 to index
      %parallel_loop3A_260 = arith.constant 128 : index
      %parallel_loop3A_261 = tpu.vector_load %arg4[%parallel_loop3A_258, %parallel_loop3A_259, %parallel_loop3A_260] {strides = array<i32>} : memref<2x32x1024xf32, #tpu.memory_space<vmem>>, vector<1x1x16xf32>,
      %parallel_loop3A_262 = vector.shape_cast %parallel_loop3A_261 : vector<1x1x16xf32> to vector<16xf32>
      %parallel_loop3A_263 = math.absf %parallel_loop3A_262 : vector<16xf32>
      %parallel_loop3A_264 = arith.maximumf %parallel_loop3A_200, %parallel_loop3A_263 : vector<16xf32>
      %parallel_loop3A_265 = arith.constant 1 : i32
      %parallel_loop3A_266 = arith.index_cast %parallel_loop3A_265 : i32 to index
      %parallel_loop3A_267 = arith.index_cast %parallel_loop3A_184 : i32 to index
      %parallel_loop3A_268 = arith.constant 144 : index
      %parallel_loop3A_269 = tpu.vector_load %arg4[%parallel_loop3A_266, %parallel_loop3A_267, %parallel_loop3A_268] {strides = array<i32>} : memref<2x32x1024xf32, #tpu.memory_space<vmem>>, vector<1x1x16xf32>,
      %parallel_loop3A_270 = vector.shape_cast %parallel_loop3A_269 : vector<1x1x16xf32> to vector<16xf32>
      %parallel_loop3A_271 = math.absf %parallel_loop3A_270 : vector<16xf32>
      %parallel_loop3A_272 = arith.maximumf %parallel_loop3A_208, %parallel_loop3A_271 : vector<16xf32>
      %parallel_loop3A_273 = arith.constant 1 : i32
      %parallel_loop3A_274 = arith.index_cast %parallel_loop3A_273 : i32 to index
      %parallel_loop3A_275 = arith.index_cast %parallel_loop3A_184 : i32 to index
      %parallel_loop3A_276 = arith.constant 160 : index
      %parallel_loop3A_277 = tpu.vector_load %arg4[%parallel_loop3A_274, %parallel_loop3A_275, %parallel_loop3A_276] {strides = array<i32>} : memref<2x32x1024xf32, #tpu.memory_space<vmem>>, vector<1x1x16xf32>,
      %parallel_loop3A_278 = vector.shape_cast %parallel_loop3A_277 : vector<1x1x16xf32> to vector<16xf32>
      %parallel_loop3A_279 = math.absf %parallel_loop3A_278 : vector<16xf32>
      %parallel_loop3A_280 = arith.maximumf %parallel_loop3A_216, %parallel_loop3A_279 : vector<16xf32>
      %parallel_loop3A_281 = arith.constant 1 : i32
      %parallel_loop3A_282 = arith.index_cast %parallel_loop3A_281 : i32 to index
      %parallel_loop3A_283 = arith.index_cast %parallel_loop3A_184 : i32 to index
      %parallel_loop3A_284 = arith.constant 176 : index
      %parallel_loop3A_285 = tpu.vector_load %arg4[%parallel_loop3A_282, %parallel_loop3A_283, %parallel_loop3A_284] {strides = array<i32>} : memref<2x32x1024xf32, #tpu.memory_space<vmem>>, vector<1x1x16xf32>,
      %parallel_loop3A_286 = vector.shape_cast %parallel_loop3A_285 : vector<1x1x16xf32> to vector<16xf32>
      %parallel_loop3A_287 = math.absf %parallel_loop3A_286 : vector<16xf32>
      %parallel_loop3A_288 = arith.maximumf %parallel_loop3A_224, %parallel_loop3A_287 : vector<16xf32>
      %parallel_loop3A_289 = arith.constant 1 : i32
      %parallel_loop3A_290 = arith.index_cast %parallel_loop3A_289 : i32 to index
      %parallel_loop3A_291 = arith.index_cast %parallel_loop3A_184 : i32 to index
      %parallel_loop3A_292 = arith.constant 192 : index
      %parallel_loop3A_293 = tpu.vector_load %arg4[%parallel_loop3A_290, %parallel_loop3A_291, %parallel_loop3A_292] {strides = array<i32>} : memref<2x32x1024xf32, #tpu.memory_space<vmem>>, vector<1x1x16xf32>,
      %parallel_loop3A_294 = vector.shape_cast %parallel_loop3A_293 : vector<1x1x16xf32> to vector<16xf32>
      %parallel_loop3A_295 = math.absf %parallel_loop3A_294 : vector<16xf32>
      %parallel_loop3A_296 = arith.maximumf %parallel_loop3A_232, %parallel_loop3A_295 : vector<16xf32>
      %parallel_loop3A_297 = arith.constant 1 : i32
      %parallel_loop3A_298 = arith.index_cast %parallel_loop3A_297 : i32 to index
      %parallel_loop3A_299 = arith.index_cast %parallel_loop3A_184 : i32 to index
      %parallel_loop3A_300 = arith.constant 208 : index
      %parallel_loop3A_301 = tpu.vector_load %arg4[%parallel_loop3A_298, %parallel_loop3A_299, %parallel_loop3A_300] {strides = array<i32>} : memref<2x32x1024xf32, #tpu.memory_space<vmem>>, vector<1x1x16xf32>,
      %parallel_loop3A_302 = vector.shape_cast %parallel_loop3A_301 : vector<1x1x16xf32> to vector<16xf32>
      %parallel_loop3A_303 = math.absf %parallel_loop3A_302 : vector<16xf32>
      %parallel_loop3A_304 = arith.maximumf %parallel_loop3A_240, %parallel_loop3A_303 : vector<16xf32>
      %parallel_loop3A_305 = arith.constant 1 : i32
      %parallel_loop3A_306 = arith.index_cast %parallel_loop3A_305 : i32 to index
      %parallel_loop3A_307 = arith.index_cast %parallel_loop3A_184 : i32 to index
      %parallel_loop3A_308 = arith.constant 224 : index
      %parallel_loop3A_309 = tpu.vector_load %arg4[%parallel_loop3A_306, %parallel_loop3A_307, %parallel_loop3A_308] {strides = array<i32>} : memref<2x32x1024xf32, #tpu.memory_space<vmem>>, vector<1x1x16xf32>,
      %parallel_loop3A_310 = vector.shape_cast %parallel_loop3A_309 : vector<1x1x16xf32> to vector<16xf32>
      %parallel_loop3A_311 = math.absf %parallel_loop3A_310 : vector<16xf32>
      %parallel_loop3A_312 = arith.maximumf %parallel_loop3A_248, %parallel_loop3A_311 : vector<16xf32>
      %parallel_loop3A_313 = arith.constant 1 : i32
      %parallel_loop3A_314 = arith.index_cast %parallel_loop3A_313 : i32 to index
      %parallel_loop3A_315 = arith.index_cast %parallel_loop3A_184 : i32 to index
      %parallel_loop3A_316 = arith.constant 240 : index
      %parallel_loop3A_317 = tpu.vector_load %arg4[%parallel_loop3A_314, %parallel_loop3A_315, %parallel_loop3A_316] {strides = array<i32>} : memref<2x32x1024xf32, #tpu.memory_space<vmem>>, vector<1x1x16xf32>,
      %parallel_loop3A_318 = vector.shape_cast %parallel_loop3A_317 : vector<1x1x16xf32> to vector<16xf32>
      %parallel_loop3A_319 = math.absf %parallel_loop3A_318 : vector<16xf32>
      %parallel_loop3A_320 = arith.maximumf %parallel_loop3A_256, %parallel_loop3A_319 : vector<16xf32>
      %parallel_loop3A_321 = arith.constant 1 : i32
      %parallel_loop3A_322 = arith.index_cast %parallel_loop3A_321 : i32 to index
      %parallel_loop3A_323 = arith.index_cast %parallel_loop3A_184 : i32 to index
      %parallel_loop3A_324 = arith.constant 256 : index
      %parallel_loop3A_325 = tpu.vector_load %arg4[%parallel_loop3A_322, %parallel_loop3A_323, %parallel_loop3A_324] {strides = array<i32>} : memref<2x32x1024xf32, #tpu.memory_space<vmem>>, vector<1x1x16xf32>,
      %parallel_loop3A_326 = vector.shape_cast %parallel_loop3A_325 : vector<1x1x16xf32> to vector<16xf32>
      %parallel_loop3A_327 = math.absf %parallel_loop3A_326 : vector<16xf32>
      %parallel_loop3A_328 = arith.maximumf %parallel_loop3A_264, %parallel_loop3A_327 : vector<16xf32>
      %parallel_loop3A_329 = arith.constant 1 : i32
      %parallel_loop3A_330 = arith.index_cast %parallel_loop3A_329 : i32 to index
      %parallel_loop3A_331 = arith.index_cast %parallel_loop3A_184 : i32 to index
      %parallel_loop3A_332 = arith.constant 272 : index
      %parallel_loop3A_333 = tpu.vector_load %arg4[%parallel_loop3A_330, %parallel_loop3A_331, %parallel_loop3A_332] {strides = array<i32>} : memref<2x32x1024xf32, #tpu.memory_space<vmem>>, vector<1x1x16xf32>,
      %parallel_loop3A_334 = vector.shape_cast %parallel_loop3A_333 : vector<1x1x16xf32> to vector<16xf32>
      %parallel_loop3A_335 = math.absf %parallel_loop3A_334 : vector<16xf32>
      %parallel_loop3A_336 = arith.maximumf %parallel_loop3A_272, %parallel_loop3A_335 : vector<16xf32>
      %parallel_loop3A_337 = arith.constant 1 : i32
      %parallel_loop3A_338 = arith.index_cast %parallel_loop3A_337 : i32 to index
      %parallel_loop3A_339 = arith.index_cast %parallel_loop3A_184 : i32 to index
      %parallel_loop3A_340 = arith.constant 288 : index
      %parallel_loop3A_341 = tpu.vector_load %arg4[%parallel_loop3A_338, %parallel_loop3A_339, %parallel_loop3A_340] {strides = array<i32>} : memref<2x32x1024xf32, #tpu.memory_space<vmem>>, vector<1x1x16xf32>,
      %parallel_loop3A_342 = vector.shape_cast %parallel_loop3A_341 : vector<1x1x16xf32> to vector<16xf32>
      %parallel_loop3A_343 = math.absf %parallel_loop3A_342 : vector<16xf32>
      %parallel_loop3A_344 = arith.maximumf %parallel_loop3A_280, %parallel_loop3A_343 : vector<16xf32>
      %parallel_loop3A_345 = arith.constant 1 : i32
      %parallel_loop3A_346 = arith.index_cast %parallel_loop3A_345 : i32 to index
      %parallel_loop3A_347 = arith.index_cast %parallel_loop3A_184 : i32 to index
      %parallel_loop3A_348 = arith.constant 304 : index
      %parallel_loop3A_349 = tpu.vector_load %arg4[%parallel_loop3A_346, %parallel_loop3A_347, %parallel_loop3A_348] {strides = array<i32>} : memref<2x32x1024xf32, #tpu.memory_space<vmem>>, vector<1x1x16xf32>,
      %parallel_loop3A_350 = vector.shape_cast %parallel_loop3A_349 : vector<1x1x16xf32> to vector<16xf32>
      %parallel_loop3A_351 = math.absf %parallel_loop3A_350 : vector<16xf32>
      %parallel_loop3A_352 = arith.maximumf %parallel_loop3A_288, %parallel_loop3A_351 : vector<16xf32>
      %parallel_loop3A_353 = arith.constant 1 : i32
      %parallel_loop3A_354 = arith.index_cast %parallel_loop3A_353 : i32 to index
      %parallel_loop3A_355 = arith.index_cast %parallel_loop3A_184 : i32 to index
      %parallel_loop3A_356 = arith.constant 320 : index
      %parallel_loop3A_357 = tpu.vector_load %arg4[%parallel_loop3A_354, %parallel_loop3A_355, %parallel_loop3A_356] {strides = array<i32>} : memref<2x32x1024xf32, #tpu.memory_space<vmem>>, vector<1x1x16xf32>,
      %parallel_loop3A_358 = vector.shape_cast %parallel_loop3A_357 : vector<1x1x16xf32> to vector<16xf32>
      %parallel_loop3A_359 = math.absf %parallel_loop3A_358 : vector<16xf32>
      %parallel_loop3A_360 = arith.maximumf %parallel_loop3A_296, %parallel_loop3A_359 : vector<16xf32>
      %parallel_loop3A_361 = arith.constant 1 : i32
      %parallel_loop3A_362 = arith.index_cast %parallel_loop3A_361 : i32 to index
      %parallel_loop3A_363 = arith.index_cast %parallel_loop3A_184 : i32 to index
      %parallel_loop3A_364 = arith.constant 336 : index
      %parallel_loop3A_365 = tpu.vector_load %arg4[%parallel_loop3A_362, %parallel_loop3A_363, %parallel_loop3A_364] {strides = array<i32>} : memref<2x32x1024xf32, #tpu.memory_space<vmem>>, vector<1x1x16xf32>,
      %parallel_loop3A_366 = vector.shape_cast %parallel_loop3A_365 : vector<1x1x16xf32> to vector<16xf32>
      %parallel_loop3A_367 = math.absf %parallel_loop3A_366 : vector<16xf32>
      %parallel_loop3A_368 = arith.maximumf %parallel_loop3A_304, %parallel_loop3A_367 : vector<16xf32>
      %parallel_loop3A_369 = arith.constant 1 : i32
      %parallel_loop3A_370 = arith.index_cast %parallel_loop3A_369 : i32 to index
      %parallel_loop3A_371 = arith.index_cast %parallel_loop3A_184 : i32 to index
      %parallel_loop3A_372 = arith.constant 352 : index
      %parallel_loop3A_373 = tpu.vector_load %arg4[%parallel_loop3A_370, %parallel_loop3A_371, %parallel_loop3A_372] {strides = array<i32>} : memref<2x32x1024xf32, #tpu.memory_space<vmem>>, vector<1x1x16xf32>,
      %parallel_loop3A_374 = vector.shape_cast %parallel_loop3A_373 : vector<1x1x16xf32> to vector<16xf32>
      %parallel_loop3A_375 = math.absf %parallel_loop3A_374 : vector<16xf32>
      %parallel_loop3A_376 = arith.maximumf %parallel_loop3A_312, %parallel_loop3A_375 : vector<16xf32>
      %parallel_loop3A_377 = arith.constant 1 : i32
      %parallel_loop3A_378 = arith.index_cast %parallel_loop3A_377 : i32 to index
      %parallel_loop3A_379 = arith.index_cast %parallel_loop3A_184 : i32 to index
      %parallel_loop3A_380 = arith.constant 368 : index
      %parallel_loop3A_381 = tpu.vector_load %arg4[%parallel_loop3A_378, %parallel_loop3A_379, %parallel_loop3A_380] {strides = array<i32>} : memref<2x32x1024xf32, #tpu.memory_space<vmem>>, vector<1x1x16xf32>,
      %parallel_loop3A_382 = vector.shape_cast %parallel_loop3A_381 : vector<1x1x16xf32> to vector<16xf32>
      %parallel_loop3A_383 = math.absf %parallel_loop3A_382 : vector<16xf32>
      %parallel_loop3A_384 = arith.maximumf %parallel_loop3A_320, %parallel_loop3A_383 : vector<16xf32>
      %parallel_loop3A_385 = arith.constant 1 : i32
      %parallel_loop3A_386 = arith.index_cast %parallel_loop3A_385 : i32 to index
      %parallel_loop3A_387 = arith.index_cast %parallel_loop3A_184 : i32 to index
      %parallel_loop3A_388 = arith.constant 384 : index
      %parallel_loop3A_389 = tpu.vector_load %arg4[%parallel_loop3A_386, %parallel_loop3A_387, %parallel_loop3A_388] {strides = array<i32>} : memref<2x32x1024xf32, #tpu.memory_space<vmem>>, vector<1x1x16xf32>,
      %parallel_loop3A_390 = vector.shape_cast %parallel_loop3A_389 : vector<1x1x16xf32> to vector<16xf32>
      %parallel_loop3A_391 = math.absf %parallel_loop3A_390 : vector<16xf32>
      %parallel_loop3A_392 = arith.maximumf %parallel_loop3A_328, %parallel_loop3A_391 : vector<16xf32>
      %parallel_loop3A_393 = arith.constant 1 : i32
      %parallel_loop3A_394 = arith.index_cast %parallel_loop3A_393 : i32 to index
      %parallel_loop3A_395 = arith.index_cast %parallel_loop3A_184 : i32 to index
      %parallel_loop3A_396 = arith.constant 400 : index
      %parallel_loop3A_397 = tpu.vector_load %arg4[%parallel_loop3A_394, %parallel_loop3A_395, %parallel_loop3A_396] {strides = array<i32>} : memref<2x32x1024xf32, #tpu.memory_space<vmem>>, vector<1x1x16xf32>,
      %parallel_loop3A_398 = vector.shape_cast %parallel_loop3A_397 : vector<1x1x16xf32> to vector<16xf32>
      %parallel_loop3A_399 = math.absf %parallel_loop3A_398 : vector<16xf32>
      %parallel_loop3A_400 = arith.maximumf %parallel_loop3A_336, %parallel_loop3A_399 : vector<16xf32>
      %parallel_loop3A_401 = arith.constant 1 : i32
      %parallel_loop3A_402 = arith.index_cast %parallel_loop3A_401 : i32 to index
      %parallel_loop3A_403 = arith.index_cast %parallel_loop3A_184 : i32 to index
      %parallel_loop3A_404 = arith.constant 416 : index
      %parallel_loop3A_405 = tpu.vector_load %arg4[%parallel_loop3A_402, %parallel_loop3A_403, %parallel_loop3A_404] {strides = array<i32>} : memref<2x32x1024xf32, #tpu.memory_space<vmem>>, vector<1x1x16xf32>,
      %parallel_loop3A_406 = vector.shape_cast %parallel_loop3A_405 : vector<1x1x16xf32> to vector<16xf32>
      %parallel_loop3A_407 = math.absf %parallel_loop3A_406 : vector<16xf32>
      %parallel_loop3A_408 = arith.maximumf %parallel_loop3A_344, %parallel_loop3A_407 : vector<16xf32>
      %parallel_loop3A_409 = arith.constant 1 : i32
      %parallel_loop3A_410 = arith.index_cast %parallel_loop3A_409 : i32 to index
      %parallel_loop3A_411 = arith.index_cast %parallel_loop3A_184 : i32 to index
      %parallel_loop3A_412 = arith.constant 432 : index
      %parallel_loop3A_413 = tpu.vector_load %arg4[%parallel_loop3A_410, %parallel_loop3A_411, %parallel_loop3A_412] {strides = array<i32>} : memref<2x32x1024xf32, #tpu.memory_space<vmem>>, vector<1x1x16xf32>,
      %parallel_loop3A_414 = vector.shape_cast %parallel_loop3A_413 : vector<1x1x16xf32> to vector<16xf32>
      %parallel_loop3A_415 = math.absf %parallel_loop3A_414 : vector<16xf32>
      %parallel_loop3A_416 = arith.maximumf %parallel_loop3A_352, %parallel_loop3A_415 : vector<16xf32>
      %parallel_loop3A_417 = arith.constant 1 : i32
      %parallel_loop3A_418 = arith.index_cast %parallel_loop3A_417 : i32 to index
      %parallel_loop3A_419 = arith.index_cast %parallel_loop3A_184 : i32 to index
      %parallel_loop3A_420 = arith.constant 448 : index
      %parallel_loop3A_421 = tpu.vector_load %arg4[%parallel_loop3A_418, %parallel_loop3A_419, %parallel_loop3A_420] {strides = array<i32>} : memref<2x32x1024xf32, #tpu.memory_space<vmem>>, vector<1x1x16xf32>,
      %parallel_loop3A_422 = vector.shape_cast %parallel_loop3A_421 : vector<1x1x16xf32> to vector<16xf32>
      %parallel_loop3A_423 = math.absf %parallel_loop3A_422 : vector<16xf32>
      %parallel_loop3A_424 = arith.maximumf %parallel_loop3A_360, %parallel_loop3A_423 : vector<16xf32>
      %parallel_loop3A_425 = arith.constant 1 : i32
      %parallel_loop3A_426 = arith.index_cast %parallel_loop3A_425 : i32 to index
      %parallel_loop3A_427 = arith.index_cast %parallel_loop3A_184 : i32 to index
      %parallel_loop3A_428 = arith.constant 464 : index
      %parallel_loop3A_429 = tpu.vector_load %arg4[%parallel_loop3A_426, %parallel_loop3A_427, %parallel_loop3A_428] {strides = array<i32>} : memref<2x32x1024xf32, #tpu.memory_space<vmem>>, vector<1x1x16xf32>,
      %parallel_loop3A_430 = vector.shape_cast %parallel_loop3A_429 : vector<1x1x16xf32> to vector<16xf32>
      %parallel_loop3A_431 = math.absf %parallel_loop3A_430 : vector<16xf32>
      %parallel_loop3A_432 = arith.maximumf %parallel_loop3A_368, %parallel_loop3A_431 : vector<16xf32>
      %parallel_loop3A_433 = arith.constant 1 : i32
      %parallel_loop3A_434 = arith.index_cast %parallel_loop3A_433 : i32 to index
      %parallel_loop3A_435 = arith.index_cast %parallel_loop3A_184 : i32 to index
      %parallel_loop3A_436 = arith.constant 480 : index
      %parallel_loop3A_437 = tpu.vector_load %arg4[%parallel_loop3A_434, %parallel_loop3A_435, %parallel_loop3A_436] {strides = array<i32>} : memref<2x32x1024xf32, #tpu.memory_space<vmem>>, vector<1x1x16xf32>,
      %parallel_loop3A_438 = vector.shape_cast %parallel_loop3A_437 : vector<1x1x16xf32> to vector<16xf32>
      %parallel_loop3A_439 = math.absf %parallel_loop3A_438 : vector<16xf32>
      %parallel_loop3A_440 = arith.maximumf %parallel_loop3A_376, %parallel_loop3A_439 : vector<16xf32>
      %parallel_loop3A_441 = arith.constant 1 : i32
      %parallel_loop3A_442 = arith.index_cast %parallel_loop3A_441 : i32 to index
      %parallel_loop3A_443 = arith.index_cast %parallel_loop3A_184 : i32 to index
      %parallel_loop3A_444 = arith.constant 496 : index
      %parallel_loop3A_445 = tpu.vector_load %arg4[%parallel_loop3A_442, %parallel_loop3A_443, %parallel_loop3A_444] {strides = array<i32>} : memref<2x32x1024xf32, #tpu.memory_space<vmem>>, vector<1x1x16xf32>,
      %parallel_loop3A_446 = vector.shape_cast %parallel_loop3A_445 : vector<1x1x16xf32> to vector<16xf32>
      %parallel_loop3A_447 = math.absf %parallel_loop3A_446 : vector<16xf32>
      %parallel_loop3A_448 = arith.maximumf %parallel_loop3A_384, %parallel_loop3A_447 : vector<16xf32>
      %parallel_loop3A_449 = arith.constant 1 : i32
      %parallel_loop3A_450 = arith.index_cast %parallel_loop3A_449 : i32 to index
      %parallel_loop3A_451 = arith.index_cast %parallel_loop3A_184 : i32 to index
      %parallel_loop3A_452 = arith.constant 512 : index
      %parallel_loop3A_453 = tpu.vector_load %arg4[%parallel_loop3A_450, %parallel_loop3A_451, %parallel_loop3A_452] {strides = array<i32>} : memref<2x32x1024xf32, #tpu.memory_space<vmem>>, vector<1x1x16xf32>,
      %parallel_loop3A_454 = vector.shape_cast %parallel_loop3A_453 : vector<1x1x16xf32> to vector<16xf32>
      %parallel_loop3A_455 = math.absf %parallel_loop3A_454 : vector<16xf32>
      %parallel_loop3A_456 = arith.maximumf %parallel_loop3A_392, %parallel_loop3A_455 : vector<16xf32>
      %parallel_loop3A_457 = arith.constant 1 : i32
      %parallel_loop3A_458 = arith.index_cast %parallel_loop3A_457 : i32 to index
      %parallel_loop3A_459 = arith.index_cast %parallel_loop3A_184 : i32 to index
      %parallel_loop3A_460 = arith.constant 528 : index
      %parallel_loop3A_461 = tpu.vector_load %arg4[%parallel_loop3A_458, %parallel_loop3A_459, %parallel_loop3A_460] {strides = array<i32>} : memref<2x32x1024xf32, #tpu.memory_space<vmem>>, vector<1x1x16xf32>,
      %parallel_loop3A_462 = vector.shape_cast %parallel_loop3A_461 : vector<1x1x16xf32> to vector<16xf32>
      %parallel_loop3A_463 = math.absf %parallel_loop3A_462 : vector<16xf32>
      %parallel_loop3A_464 = arith.maximumf %parallel_loop3A_400, %parallel_loop3A_463 : vector<16xf32>
      %parallel_loop3A_465 = arith.constant 1 : i32
      %parallel_loop3A_466 = arith.index_cast %parallel_loop3A_465 : i32 to index
      %parallel_loop3A_467 = arith.index_cast %parallel_loop3A_184 : i32 to index
      %parallel_loop3A_468 = arith.constant 544 : index
      %parallel_loop3A_469 = tpu.vector_load %arg4[%parallel_loop3A_466, %parallel_loop3A_467, %parallel_loop3A_468] {strides = array<i32>} : memref<2x32x1024xf32, #tpu.memory_space<vmem>>, vector<1x1x16xf32>,
      %parallel_loop3A_470 = vector.shape_cast %parallel_loop3A_469 : vector<1x1x16xf32> to vector<16xf32>
      %parallel_loop3A_471 = math.absf %parallel_loop3A_470 : vector<16xf32>
      %parallel_loop3A_472 = arith.maximumf %parallel_loop3A_408, %parallel_loop3A_471 : vector<16xf32>
      %parallel_loop3A_473 = arith.constant 1 : i32
      %parallel_loop3A_474 = arith.index_cast %parallel_loop3A_473 : i32 to index
      %parallel_loop3A_475 = arith.index_cast %parallel_loop3A_184 : i32 to index
      %parallel_loop3A_476 = arith.constant 560 : index
      %parallel_loop3A_477 = tpu.vector_load %arg4[%parallel_loop3A_474, %parallel_loop3A_475, %parallel_loop3A_476] {strides = array<i32>} : memref<2x32x1024xf32, #tpu.memory_space<vmem>>, vector<1x1x16xf32>,
      %parallel_loop3A_478 = vector.shape_cast %parallel_loop3A_477 : vector<1x1x16xf32> to vector<16xf32>
      %parallel_loop3A_479 = math.absf %parallel_loop3A_478 : vector<16xf32>
      %parallel_loop3A_480 = arith.maximumf %parallel_loop3A_416, %parallel_loop3A_479 : vector<16xf32>
      %parallel_loop3A_481 = arith.constant 1 : i32
      %parallel_loop3A_482 = arith.index_cast %parallel_loop3A_481 : i32 to index
      %parallel_loop3A_483 = arith.index_cast %parallel_loop3A_184 : i32 to index
      %parallel_loop3A_484 = arith.constant 576 : index
      %parallel_loop3A_485 = tpu.vector_load %arg4[%parallel_loop3A_482, %parallel_loop3A_483, %parallel_loop3A_484] {strides = array<i32>} : memref<2x32x1024xf32, #tpu.memory_space<vmem>>, vector<1x1x16xf32>,
      %parallel_loop3A_486 = vector.shape_cast %parallel_loop3A_485 : vector<1x1x16xf32> to vector<16xf32>
      %parallel_loop3A_487 = math.absf %parallel_loop3A_486 : vector<16xf32>
      %parallel_loop3A_488 = arith.maximumf %parallel_loop3A_424, %parallel_loop3A_487 : vector<16xf32>
      %parallel_loop3A_489 = arith.constant 1 : i32
      %parallel_loop3A_490 = arith.index_cast %parallel_loop3A_489 : i32 to index
      %parallel_loop3A_491 = arith.index_cast %parallel_loop3A_184 : i32 to index
      %parallel_loop3A_492 = arith.constant 592 : index
      %parallel_loop3A_493 = tpu.vector_load %arg4[%parallel_loop3A_490, %parallel_loop3A_491, %parallel_loop3A_492] {strides = array<i32>} : memref<2x32x1024xf32, #tpu.memory_space<vmem>>, vector<1x1x16xf32>,
      %parallel_loop3A_494 = vector.shape_cast %parallel_loop3A_493 : vector<1x1x16xf32> to vector<16xf32>
      %parallel_loop3A_495 = math.absf %parallel_loop3A_494 : vector<16xf32>
      %parallel_loop3A_496 = arith.maximumf %parallel_loop3A_432, %parallel_loop3A_495 : vector<16xf32>
      %parallel_loop3A_497 = arith.constant 1 : i32
      %parallel_loop3A_498 = arith.index_cast %parallel_loop3A_497 : i32 to index
      %parallel_loop3A_499 = arith.index_cast %parallel_loop3A_184 : i32 to index
      %parallel_loop3A_500 = arith.constant 608 : index
      %parallel_loop3A_501 = tpu.vector_load %arg4[%parallel_loop3A_498, %parallel_loop3A_499, %parallel_loop3A_500] {strides = array<i32>} : memref<2x32x1024xf32, #tpu.memory_space<vmem>>, vector<1x1x16xf32>,
      %parallel_loop3A_502 = vector.shape_cast %parallel_loop3A_501 : vector<1x1x16xf32> to vector<16xf32>
      %parallel_loop3A_503 = math.absf %parallel_loop3A_502 : vector<16xf32>
      %parallel_loop3A_504 = arith.maximumf %parallel_loop3A_440, %parallel_loop3A_503 : vector<16xf32>
      %parallel_loop3A_505 = arith.constant 1 : i32
      %parallel_loop3A_506 = arith.index_cast %parallel_loop3A_505 : i32 to index
      %parallel_loop3A_507 = arith.index_cast %parallel_loop3A_184 : i32 to index
      %parallel_loop3A_508 = arith.constant 624 : index
      %parallel_loop3A_509 = tpu.vector_load %arg4[%parallel_loop3A_506, %parallel_loop3A_507, %parallel_loop3A_508] {strides = array<i32>} : memref<2x32x1024xf32, #tpu.memory_space<vmem>>, vector<1x1x16xf32>,
      %parallel_loop3A_510 = vector.shape_cast %parallel_loop3A_509 : vector<1x1x16xf32> to vector<16xf32>
      %parallel_loop3A_511 = math.absf %parallel_loop3A_510 : vector<16xf32>
      %parallel_loop3A_512 = arith.maximumf %parallel_loop3A_448, %parallel_loop3A_511 : vector<16xf32>
      %parallel_loop3A_513 = arith.constant 1 : i32
      %parallel_loop3A_514 = arith.index_cast %parallel_loop3A_513 : i32 to index
      %parallel_loop3A_515 = arith.index_cast %parallel_loop3A_184 : i32 to index
      %parallel_loop3A_516 = arith.constant 640 : index
      %parallel_loop3A_517 = tpu.vector_load %arg4[%parallel_loop3A_514, %parallel_loop3A_515, %parallel_loop3A_516] {strides = array<i32>} : memref<2x32x1024xf32, #tpu.memory_space<vmem>>, vector<1x1x16xf32>,
      %parallel_loop3A_518 = vector.shape_cast %parallel_loop3A_517 : vector<1x1x16xf32> to vector<16xf32>
      %parallel_loop3A_519 = math.absf %parallel_loop3A_518 : vector<16xf32>
      %parallel_loop3A_520 = arith.maximumf %parallel_loop3A_456, %parallel_loop3A_519 : vector<16xf32>
      %parallel_loop3A_521 = arith.constant 1 : i32
      %parallel_loop3A_522 = arith.index_cast %parallel_loop3A_521 : i32 to index
      %parallel_loop3A_523 = arith.index_cast %parallel_loop3A_184 : i32 to index
      %parallel_loop3A_524 = arith.constant 656 : index
      %parallel_loop3A_525 = tpu.vector_load %arg4[%parallel_loop3A_522, %parallel_loop3A_523, %parallel_loop3A_524] {strides = array<i32>} : memref<2x32x1024xf32, #tpu.memory_space<vmem>>, vector<1x1x16xf32>,
      %parallel_loop3A_526 = vector.shape_cast %parallel_loop3A_525 : vector<1x1x16xf32> to vector<16xf32>
      %parallel_loop3A_527 = math.absf %parallel_loop3A_526 : vector<16xf32>
      %parallel_loop3A_528 = arith.maximumf %parallel_loop3A_464, %parallel_loop3A_527 : vector<16xf32>
      %parallel_loop3A_529 = arith.constant 1 : i32
      %parallel_loop3A_530 = arith.index_cast %parallel_loop3A_529 : i32 to index
      %parallel_loop3A_531 = arith.index_cast %parallel_loop3A_184 : i32 to index
      %parallel_loop3A_532 = arith.constant 672 : index
      %parallel_loop3A_533 = tpu.vector_load %arg4[%parallel_loop3A_530, %parallel_loop3A_531, %parallel_loop3A_532] {strides = array<i32>} : memref<2x32x1024xf32, #tpu.memory_space<vmem>>, vector<1x1x16xf32>,
      %parallel_loop3A_534 = vector.shape_cast %parallel_loop3A_533 : vector<1x1x16xf32> to vector<16xf32>
      %parallel_loop3A_535 = math.absf %parallel_loop3A_534 : vector<16xf32>
      %parallel_loop3A_536 = arith.maximumf %parallel_loop3A_472, %parallel_loop3A_535 : vector<16xf32>
      %parallel_loop3A_537 = arith.constant 1 : i32
      %parallel_loop3A_538 = arith.index_cast %parallel_loop3A_537 : i32 to index
      %parallel_loop3A_539 = arith.index_cast %parallel_loop3A_184 : i32 to index
      %parallel_loop3A_540 = arith.constant 688 : index
      %parallel_loop3A_541 = tpu.vector_load %arg4[%parallel_loop3A_538, %parallel_loop3A_539, %parallel_loop3A_540] {strides = array<i32>} : memref<2x32x1024xf32, #tpu.memory_space<vmem>>, vector<1x1x16xf32>,
      %parallel_loop3A_542 = vector.shape_cast %parallel_loop3A_541 : vector<1x1x16xf32> to vector<16xf32>
      %parallel_loop3A_543 = math.absf %parallel_loop3A_542 : vector<16xf32>
      %parallel_loop3A_544 = arith.maximumf %parallel_loop3A_480, %parallel_loop3A_543 : vector<16xf32>
      %parallel_loop3A_545 = arith.constant 1 : i32
      %parallel_loop3A_546 = arith.index_cast %parallel_loop3A_545 : i32 to index
      %parallel_loop3A_547 = arith.index_cast %parallel_loop3A_184 : i32 to index
      %parallel_loop3A_548 = arith.constant 704 : index
      %parallel_loop3A_549 = tpu.vector_load %arg4[%parallel_loop3A_546, %parallel_loop3A_547, %parallel_loop3A_548] {strides = array<i32>} : memref<2x32x1024xf32, #tpu.memory_space<vmem>>, vector<1x1x16xf32>,
      %parallel_loop3A_550 = vector.shape_cast %parallel_loop3A_549 : vector<1x1x16xf32> to vector<16xf32>
      %parallel_loop3A_551 = math.absf %parallel_loop3A_550 : vector<16xf32>
      %parallel_loop3A_552 = arith.maximumf %parallel_loop3A_488, %parallel_loop3A_551 : vector<16xf32>
      %parallel_loop3A_553 = arith.constant 1 : i32
      %parallel_loop3A_554 = arith.index_cast %parallel_loop3A_553 : i32 to index
      %parallel_loop3A_555 = arith.index_cast %parallel_loop3A_184 : i32 to index
      %parallel_loop3A_556 = arith.constant 720 : index
      %parallel_loop3A_557 = tpu.vector_load %arg4[%parallel_loop3A_554, %parallel_loop3A_555, %parallel_loop3A_556] {strides = array<i32>} : memref<2x32x1024xf32, #tpu.memory_space<vmem>>, vector<1x1x16xf32>,
      %parallel_loop3A_558 = vector.shape_cast %parallel_loop3A_557 : vector<1x1x16xf32> to vector<16xf32>
      %parallel_loop3A_559 = math.absf %parallel_loop3A_558 : vector<16xf32>
      %parallel_loop3A_560 = arith.maximumf %parallel_loop3A_496, %parallel_loop3A_559 : vector<16xf32>
      %parallel_loop3A_561 = arith.constant 1 : i32
      %parallel_loop3A_562 = arith.index_cast %parallel_loop3A_561 : i32 to index
      %parallel_loop3A_563 = arith.index_cast %parallel_loop3A_184 : i32 to index
      %parallel_loop3A_564 = arith.constant 736 : index
      %parallel_loop3A_565 = tpu.vector_load %arg4[%parallel_loop3A_562, %parallel_loop3A_563, %parallel_loop3A_564] {strides = array<i32>} : memref<2x32x1024xf32, #tpu.memory_space<vmem>>, vector<1x1x16xf32>,
      %parallel_loop3A_566 = vector.shape_cast %parallel_loop3A_565 : vector<1x1x16xf32> to vector<16xf32>
      %parallel_loop3A_567 = math.absf %parallel_loop3A_566 : vector<16xf32>
      %parallel_loop3A_568 = arith.maximumf %parallel_loop3A_504, %parallel_loop3A_567 : vector<16xf32>
      %parallel_loop3A_569 = arith.constant 1 : i32
      %parallel_loop3A_570 = arith.index_cast %parallel_loop3A_569 : i32 to index
      %parallel_loop3A_571 = arith.index_cast %parallel_loop3A_184 : i32 to index
      %parallel_loop3A_572 = arith.constant 752 : index
      %parallel_loop3A_573 = tpu.vector_load %arg4[%parallel_loop3A_570, %parallel_loop3A_571, %parallel_loop3A_572] {strides = array<i32>} : memref<2x32x1024xf32, #tpu.memory_space<vmem>>, vector<1x1x16xf32>,
      %parallel_loop3A_574 = vector.shape_cast %parallel_loop3A_573 : vector<1x1x16xf32> to vector<16xf32>
      %parallel_loop3A_575 = math.absf %parallel_loop3A_574 : vector<16xf32>
      %parallel_loop3A_576 = arith.maximumf %parallel_loop3A_512, %parallel_loop3A_575 : vector<16xf32>
      %parallel_loop3A_577 = arith.constant 1 : i32
      %parallel_loop3A_578 = arith.index_cast %parallel_loop3A_577 : i32 to index
      %parallel_loop3A_579 = arith.index_cast %parallel_loop3A_184 : i32 to index
      %parallel_loop3A_580 = arith.constant 768 : index
      %parallel_loop3A_581 = tpu.vector_load %arg4[%parallel_loop3A_578, %parallel_loop3A_579, %parallel_loop3A_580] {strides = array<i32>} : memref<2x32x1024xf32, #tpu.memory_space<vmem>>, vector<1x1x16xf32>,
      %parallel_loop3A_582 = vector.shape_cast %parallel_loop3A_581 : vector<1x1x16xf32> to vector<16xf32>
      %parallel_loop3A_583 = math.absf %parallel_loop3A_582 : vector<16xf32>
      %parallel_loop3A_584 = arith.maximumf %parallel_loop3A_520, %parallel_loop3A_583 : vector<16xf32>
      %parallel_loop3A_585 = arith.constant 1 : i32
      %parallel_loop3A_586 = arith.index_cast %parallel_loop3A_585 : i32 to index
      %parallel_loop3A_587 = arith.index_cast %parallel_loop3A_184 : i32 to index
      %parallel_loop3A_588 = arith.constant 784 : index
      %parallel_loop3A_589 = tpu.vector_load %arg4[%parallel_loop3A_586, %parallel_loop3A_587, %parallel_loop3A_588] {strides = array<i32>} : memref<2x32x1024xf32, #tpu.memory_space<vmem>>, vector<1x1x16xf32>,
      %parallel_loop3A_590 = vector.shape_cast %parallel_loop3A_589 : vector<1x1x16xf32> to vector<16xf32>
      %parallel_loop3A_591 = math.absf %parallel_loop3A_590 : vector<16xf32>
      %parallel_loop3A_592 = arith.maximumf %parallel_loop3A_528, %parallel_loop3A_591 : vector<16xf32>
      %parallel_loop3A_593 = arith.constant 1 : i32
      %parallel_loop3A_594 = arith.index_cast %parallel_loop3A_593 : i32 to index
      %parallel_loop3A_595 = arith.index_cast %parallel_loop3A_184 : i32 to index
      %parallel_loop3A_596 = arith.constant 800 : index
      %parallel_loop3A_597 = tpu.vector_load %arg4[%parallel_loop3A_594, %parallel_loop3A_595, %parallel_loop3A_596] {strides = array<i32>} : memref<2x32x1024xf32, #tpu.memory_space<vmem>>, vector<1x1x16xf32>,
      %parallel_loop3A_598 = vector.shape_cast %parallel_loop3A_597 : vector<1x1x16xf32> to vector<16xf32>
      %parallel_loop3A_599 = math.absf %parallel_loop3A_598 : vector<16xf32>
      %parallel_loop3A_600 = arith.maximumf %parallel_loop3A_536, %parallel_loop3A_599 : vector<16xf32>
      %parallel_loop3A_601 = arith.constant 1 : i32
      %parallel_loop3A_602 = arith.index_cast %parallel_loop3A_601 : i32 to index
      %parallel_loop3A_603 = arith.index_cast %parallel_loop3A_184 : i32 to index
      %parallel_loop3A_604 = arith.constant 816 : index
      %parallel_loop3A_605 = tpu.vector_load %arg4[%parallel_loop3A_602, %parallel_loop3A_603, %parallel_loop3A_604] {strides = array<i32>} : memref<2x32x1024xf32, #tpu.memory_space<vmem>>, vector<1x1x16xf32>,
      %parallel_loop3A_606 = vector.shape_cast %parallel_loop3A_605 : vector<1x1x16xf32> to vector<16xf32>
      %parallel_loop3A_607 = math.absf %parallel_loop3A_606 : vector<16xf32>
      %parallel_loop3A_608 = arith.maximumf %parallel_loop3A_544, %parallel_loop3A_607 : vector<16xf32>
      %parallel_loop3A_609 = arith.constant 1 : i32
      %parallel_loop3A_610 = arith.index_cast %parallel_loop3A_609 : i32 to index
      %parallel_loop3A_611 = arith.index_cast %parallel_loop3A_184 : i32 to index
      %parallel_loop3A_612 = arith.constant 832 : index
      %parallel_loop3A_613 = tpu.vector_load %arg4[%parallel_loop3A_610, %parallel_loop3A_611, %parallel_loop3A_612] {strides = array<i32>} : memref<2x32x1024xf32, #tpu.memory_space<vmem>>, vector<1x1x16xf32>,
      %parallel_loop3A_614 = vector.shape_cast %parallel_loop3A_613 : vector<1x1x16xf32> to vector<16xf32>
      %parallel_loop3A_615 = math.absf %parallel_loop3A_614 : vector<16xf32>
      %parallel_loop3A_616 = arith.maximumf %parallel_loop3A_552, %parallel_loop3A_615 : vector<16xf32>
      %parallel_loop3A_617 = arith.constant 1 : i32
      %parallel_loop3A_618 = arith.index_cast %parallel_loop3A_617 : i32 to index
      %parallel_loop3A_619 = arith.index_cast %parallel_loop3A_184 : i32 to index
      %parallel_loop3A_620 = arith.constant 848 : index
      %parallel_loop3A_621 = tpu.vector_load %arg4[%parallel_loop3A_618, %parallel_loop3A_619, %parallel_loop3A_620] {strides = array<i32>} : memref<2x32x1024xf32, #tpu.memory_space<vmem>>, vector<1x1x16xf32>,
      %parallel_loop3A_622 = vector.shape_cast %parallel_loop3A_621 : vector<1x1x16xf32> to vector<16xf32>
      %parallel_loop3A_623 = math.absf %parallel_loop3A_622 : vector<16xf32>
      %parallel_loop3A_624 = arith.maximumf %parallel_loop3A_560, %parallel_loop3A_623 : vector<16xf32>
      %parallel_loop3A_625 = arith.constant 1 : i32
      %parallel_loop3A_626 = arith.index_cast %parallel_loop3A_625 : i32 to index
      %parallel_loop3A_627 = arith.index_cast %parallel_loop3A_184 : i32 to index
      %parallel_loop3A_628 = arith.constant 864 : index
      %parallel_loop3A_629 = tpu.vector_load %arg4[%parallel_loop3A_626, %parallel_loop3A_627, %parallel_loop3A_628] {strides = array<i32>} : memref<2x32x1024xf32, #tpu.memory_space<vmem>>, vector<1x1x16xf32>,
      %parallel_loop3A_630 = vector.shape_cast %parallel_loop3A_629 : vector<1x1x16xf32> to vector<16xf32>
      %parallel_loop3A_631 = math.absf %parallel_loop3A_630 : vector<16xf32>
      %parallel_loop3A_632 = arith.maximumf %parallel_loop3A_568, %parallel_loop3A_631 : vector<16xf32>
      %parallel_loop3A_633 = arith.constant 1 : i32
      %parallel_loop3A_634 = arith.index_cast %parallel_loop3A_633 : i32 to index
      %parallel_loop3A_635 = arith.index_cast %parallel_loop3A_184 : i32 to index
      %parallel_loop3A_636 = arith.constant 880 : index
      %parallel_loop3A_637 = tpu.vector_load %arg4[%parallel_loop3A_634, %parallel_loop3A_635, %parallel_loop3A_636] {strides = array<i32>} : memref<2x32x1024xf32, #tpu.memory_space<vmem>>, vector<1x1x16xf32>,
      %parallel_loop3A_638 = vector.shape_cast %parallel_loop3A_637 : vector<1x1x16xf32> to vector<16xf32>
      %parallel_loop3A_639 = math.absf %parallel_loop3A_638 : vector<16xf32>
      %parallel_loop3A_640 = arith.maximumf %parallel_loop3A_576, %parallel_loop3A_639 : vector<16xf32>
      %parallel_loop3A_641 = arith.constant 1 : i32
      %parallel_loop3A_642 = arith.index_cast %parallel_loop3A_641 : i32 to index
      %parallel_loop3A_643 = arith.index_cast %parallel_loop3A_184 : i32 to index
      %parallel_loop3A_644 = arith.constant 896 : index
      %parallel_loop3A_645 = tpu.vector_load %arg4[%parallel_loop3A_642, %parallel_loop3A_643, %parallel_loop3A_644] {strides = array<i32>} : memref<2x32x1024xf32, #tpu.memory_space<vmem>>, vector<1x1x16xf32>,
      %parallel_loop3A_646 = vector.shape_cast %parallel_loop3A_645 : vector<1x1x16xf32> to vector<16xf32>
      %parallel_loop3A_647 = math.absf %parallel_loop3A_646 : vector<16xf32>
      %parallel_loop3A_648 = arith.maximumf %parallel_loop3A_584, %parallel_loop3A_647 : vector<16xf32>
      %parallel_loop3A_649 = arith.constant 1 : i32
      %parallel_loop3A_650 = arith.index_cast %parallel_loop3A_649 : i32 to index
      %parallel_loop3A_651 = arith.index_cast %parallel_loop3A_184 : i32 to index
      %parallel_loop3A_652 = arith.constant 912 : index
      %parallel_loop3A_653 = tpu.vector_load %arg4[%parallel_loop3A_650, %parallel_loop3A_651, %parallel_loop3A_652] {strides = array<i32>} : memref<2x32x1024xf32, #tpu.memory_space<vmem>>, vector<1x1x16xf32>,
      %parallel_loop3A_654 = vector.shape_cast %parallel_loop3A_653 : vector<1x1x16xf32> to vector<16xf32>
      %parallel_loop3A_655 = math.absf %parallel_loop3A_654 : vector<16xf32>
      %parallel_loop3A_656 = arith.maximumf %parallel_loop3A_592, %parallel_loop3A_655 : vector<16xf32>
      %parallel_loop3A_657 = arith.constant 1 : i32
      %parallel_loop3A_658 = arith.index_cast %parallel_loop3A_657 : i32 to index
      %parallel_loop3A_659 = arith.index_cast %parallel_loop3A_184 : i32 to index
      %parallel_loop3A_660 = arith.constant 928 : index
      %parallel_loop3A_661 = tpu.vector_load %arg4[%parallel_loop3A_658, %parallel_loop3A_659, %parallel_loop3A_660] {strides = array<i32>} : memref<2x32x1024xf32, #tpu.memory_space<vmem>>, vector<1x1x16xf32>,
      %parallel_loop3A_662 = vector.shape_cast %parallel_loop3A_661 : vector<1x1x16xf32> to vector<16xf32>
      %parallel_loop3A_663 = math.absf %parallel_loop3A_662 : vector<16xf32>
      %parallel_loop3A_664 = arith.maximumf %parallel_loop3A_600, %parallel_loop3A_663 : vector<16xf32>
      %parallel_loop3A_665 = arith.constant 1 : i32
      %parallel_loop3A_666 = arith.index_cast %parallel_loop3A_665 : i32 to index
      %parallel_loop3A_667 = arith.index_cast %parallel_loop3A_184 : i32 to index
      %parallel_loop3A_668 = arith.constant 944 : index
      %parallel_loop3A_669 = tpu.vector_load %arg4[%parallel_loop3A_666, %parallel_loop3A_667, %parallel_loop3A_668] {strides = array<i32>} : memref<2x32x1024xf32, #tpu.memory_space<vmem>>, vector<1x1x16xf32>,
      %parallel_loop3A_670 = vector.shape_cast %parallel_loop3A_669 : vector<1x1x16xf32> to vector<16xf32>
      %parallel_loop3A_671 = math.absf %parallel_loop3A_670 : vector<16xf32>
      %parallel_loop3A_672 = arith.maximumf %parallel_loop3A_608, %parallel_loop3A_671 : vector<16xf32>
      %parallel_loop3A_673 = arith.constant 1 : i32
      %parallel_loop3A_674 = arith.index_cast %parallel_loop3A_673 : i32 to index
      %parallel_loop3A_675 = arith.index_cast %parallel_loop3A_184 : i32 to index
      %parallel_loop3A_676 = arith.constant 960 : index
      %parallel_loop3A_677 = tpu.vector_load %arg4[%parallel_loop3A_674, %parallel_loop3A_675, %parallel_loop3A_676] {strides = array<i32>} : memref<2x32x1024xf32, #tpu.memory_space<vmem>>, vector<1x1x16xf32>,
      %parallel_loop3A_678 = vector.shape_cast %parallel_loop3A_677 : vector<1x1x16xf32> to vector<16xf32>
      %parallel_loop3A_679 = math.absf %parallel_loop3A_678 : vector<16xf32>
      %parallel_loop3A_680 = arith.maximumf %parallel_loop3A_616, %parallel_loop3A_679 : vector<16xf32>
      %parallel_loop3A_681 = arith.constant 1 : i32
      %parallel_loop3A_682 = arith.index_cast %parallel_loop3A_681 : i32 to index
      %parallel_loop3A_683 = arith.index_cast %parallel_loop3A_184 : i32 to index
      %parallel_loop3A_684 = arith.constant 976 : index
      %parallel_loop3A_685 = tpu.vector_load %arg4[%parallel_loop3A_682, %parallel_loop3A_683, %parallel_loop3A_684] {strides = array<i32>} : memref<2x32x1024xf32, #tpu.memory_space<vmem>>, vector<1x1x16xf32>,
      %parallel_loop3A_686 = vector.shape_cast %parallel_loop3A_685 : vector<1x1x16xf32> to vector<16xf32>
      %parallel_loop3A_687 = math.absf %parallel_loop3A_686 : vector<16xf32>
      %parallel_loop3A_688 = arith.maximumf %parallel_loop3A_624, %parallel_loop3A_687 : vector<16xf32>
      %parallel_loop3A_689 = arith.constant 1 : i32
      %parallel_loop3A_690 = arith.index_cast %parallel_loop3A_689 : i32 to index
      %parallel_loop3A_691 = arith.index_cast %parallel_loop3A_184 : i32 to index
      %parallel_loop3A_692 = arith.constant 992 : index
      %parallel_loop3A_693 = tpu.vector_load %arg4[%parallel_loop3A_690, %parallel_loop3A_691, %parallel_loop3A_692] {strides = array<i32>} : memref<2x32x1024xf32, #tpu.memory_space<vmem>>, vector<1x1x16xf32>,
      %parallel_loop3A_694 = vector.shape_cast %parallel_loop3A_693 : vector<1x1x16xf32> to vector<16xf32>
      %parallel_loop3A_695 = math.absf %parallel_loop3A_694 : vector<16xf32>
      %parallel_loop3A_696 = arith.maximumf %parallel_loop3A_632, %parallel_loop3A_695 : vector<16xf32>
      %parallel_loop3A_697 = arith.constant 1 : i32
      %parallel_loop3A_698 = arith.index_cast %parallel_loop3A_697 : i32 to index
      %parallel_loop3A_699 = arith.index_cast %parallel_loop3A_184 : i32 to index
      %parallel_loop3A_700 = arith.constant 1008 : index
      %parallel_loop3A_701 = tpu.vector_load %arg4[%parallel_loop3A_698, %parallel_loop3A_699, %parallel_loop3A_700] {strides = array<i32>} : memref<2x32x1024xf32, #tpu.memory_space<vmem>>, vector<1x1x16xf32>,
      %parallel_loop3A_702 = vector.shape_cast %parallel_loop3A_701 : vector<1x1x16xf32> to vector<16xf32>
      %parallel_loop3A_703 = math.absf %parallel_loop3A_702 : vector<16xf32>
      %parallel_loop3A_704 = arith.maximumf %parallel_loop3A_640, %parallel_loop3A_703 : vector<16xf32>
      scf.yield %parallel_loop3A_648, %parallel_loop3A_656, %parallel_loop3A_664, %parallel_loop3A_672, %parallel_loop3A_680, %parallel_loop3A_688, %parallel_loop3A_696, %parallel_loop3A_704 : vector<16xf32>, vector<16xf32>, vector<16xf32>, vector<16xf32>, vector<16xf32>, vector<16xf32>, vector<16xf32>, vector<16xf32>
    } {sc.loop_unroll_factor = 1 : i64, sc.parallel_access}
    %add3A_92 = arith.constant 96 : i32
    %add3A_93 = arith.addi %mul3A_2, %add3A_92 : i32
    %dma_start3A_94 = arith.constant 1 : i32
    %dma_start3A_95 = arith.constant 0 : i32
    %dma_start3A_96 = arith.constant 0 : i32
    %dma_start3A_97 = tpu.memref_slice %arg4[%dma_start3A_94, %dma_start3A_95, %dma_start3A_96] : memref<2x32x1024xf32, #tpu.memory_space<vmem>> -> memref<1x32x1024xf32, #tpu.memory_space<vmem>>
    %dma_start3A_98 = tpu.memref_squeeze %dma_start3A_97 : memref<1x32x1024xf32, #tpu.memory_space<vmem>> -> memref<32x1024xf32, #tpu.memory_space<vmem>>
    %dma_start3A_99 = arith.constant 0 : i32
    %dma_start3A_100 = tpu.memref_slice %arg2[%add3A_93, %dma_start3A_99] : memref<16384x1024xf32, #tpu.memory_space<hbm>> -> memref<32x1024xf32, #tpu.memory_space<hbm>>
    %dma_start3A_101 = arith.constant 0 : i32
    %dma_start3A_102 = arith.constant 0 : i32
    %dma_start3A_103 = tpu.memref_slice %arg4[%dma_start3A_94, %dma_start3A_101, %dma_start3A_102] : memref<2x32x1024xf32, #tpu.memory_space<vmem>> -> memref<1x32x1024xf32, #tpu.memory_space<vmem>>
    %dma_start3A_104 = tpu.memref_squeeze %dma_start3A_103 : memref<1x32x1024xf32, #tpu.memory_space<vmem>> -> memref<32x1024xf32, #tpu.memory_space<vmem>>
    %dma_start3A_105 = arith.constant 0 : i32
    %dma_start3A_106 = tpu.memref_slice %arg2[%add3A_93, %dma_start3A_105] : memref<16384x1024xf32, #tpu.memory_space<hbm>> -> memref<32x1024xf32, #tpu.memory_space<hbm>>
    tpu.enqueue_dma source(%dma_start3A_106 : memref<32x1024xf32, #tpu.memory_space<hbm>>) target(%dma_start3A_104 : memref<32x1024xf32, #tpu.memory_space<vmem>>) target_semaphore(%arg7 : memref<!tpu.dma_semaphore, #tpu.memory_space<semaphore_mem>>)
    %dma_wait3A_107 = arith.constant 0 : i32
    %dma_wait3A_108 = arith.constant 0 : i32
    %dma_wait3A_109 = arith.constant 0 : i32
    %dma_wait3A_110 = tpu.memref_slice %arg4[%dma_wait3A_107, %dma_wait3A_108, %dma_wait3A_109] : memref<2x32x1024xf32, #tpu.memory_space<vmem>> -> memref<1x32x1024xf32, #tpu.memory_space<vmem>>
    %dma_wait3A_111 = tpu.memref_squeeze %dma_wait3A_110 : memref<1x32x1024xf32, #tpu.memory_space<vmem>> -> memref<32x1024xf32, #tpu.memory_space<vmem>>
    %dma_wait3A_112 = arith.constant 0 : i32
    %dma_wait3A_113 = tpu.memref_slice %arg2[%add3A_61, %dma_wait3A_112] : memref<16384x1024xf32, #tpu.memory_space<hbm>> -> memref<32x1024xf32, #tpu.memory_space<hbm>>
    %dma_wait3A_114 = arith.constant 0 : i32
    %dma_wait3A_115 = arith.constant 0 : i32
    %dma_wait3A_116 = tpu.memref_slice %arg4[%dma_wait3A_107, %dma_wait3A_114, %dma_wait3A_115] : memref<2x32x1024xf32, #tpu.memory_space<vmem>> -> memref<1x32x1024xf32, #tpu.memory_space<vmem>>
    %dma_wait3A_117 = tpu.memref_squeeze %dma_wait3A_116 : memref<1x32x1024xf32, #tpu.memory_space<vmem>> -> memref<32x1024xf32, #tpu.memory_space<vmem>>
    %dma_wait3A_118 = arith.constant 0 : i32
    %dma_wait3A_119 = tpu.memref_slice %arg2[%add3A_61, %dma_wait3A_118] : memref<16384x1024xf32, #tpu.memory_space<hbm>> -> memref<32x1024xf32, #tpu.memory_space<hbm>>
    tpu.wait_dma2 semaphore(%arg6 : memref<!tpu.dma_semaphore, #tpu.memory_space<semaphore_mem>>) src(%dma_wait3A_119 : memref<32x1024xf32, #tpu.memory_space<hbm>>) dst(%dma_wait3A_117 : memref<32x1024xf32, #tpu.memory_space<vmem>>)
    %parallel_loop3A_120 = arith.constant 0 : i32
    %parallel_loop3A_121 = arith.constant 32 : i32
    %parallel_loop3A_122 = arith.constant 1 : i32
    %parallel_loop3A_123:8 = scf.for %parallel_loop3A_184 = %parallel_loop3A_120 to %parallel_loop3A_121 step %parallel_loop3A_122 iter_args(%parallel_loop3A_185 = %parallel_loop3A_91#0, %parallel_loop3A_186 = %parallel_loop3A_91#1, %parallel_loop3A_187 = %parallel_loop3A_91#2, %parallel_loop3A_188 = %parallel_loop3A_91#3, %parallel_loop3A_189 = %parallel_loop3A_91#4, %parallel_loop3A_190 = %parallel_loop3A_91#5, %parallel_loop3A_191 = %parallel_loop3A_91#6, %parallel_loop3A_192 = %parallel_loop3A_91#7) -> (vector<16xf32>, vector<16xf32>, vector<16xf32>, vector<16xf32>, vector<16xf32>, vector<16xf32>, vector<16xf32>, vector<16xf32>)  : i32 {
      %parallel_loop3A_193 = arith.constant 0 : i32
      %parallel_loop3A_194 = arith.index_cast %parallel_loop3A_193 : i32 to index
      %parallel_loop3A_195 = arith.index_cast %parallel_loop3A_184 : i32 to index
      %parallel_loop3A_196 = arith.constant 0 : index
      %parallel_loop3A_197 = tpu.vector_load %arg4[%parallel_loop3A_194, %parallel_loop3A_195, %parallel_loop3A_196] {strides = array<i32>} : memref<2x32x1024xf32, #tpu.memory_space<vmem>>, vector<1x1x16xf32>,
      %parallel_loop3A_198 = vector.shape_cast %parallel_loop3A_197 : vector<1x1x16xf32> to vector<16xf32>
      %parallel_loop3A_199 = math.absf %parallel_loop3A_198 : vector<16xf32>
      %parallel_loop3A_200 = arith.maximumf %parallel_loop3A_185, %parallel_loop3A_199 : vector<16xf32>
      %parallel_loop3A_201 = arith.constant 0 : i32
      %parallel_loop3A_202 = arith.index_cast %parallel_loop3A_201 : i32 to index
      %parallel_loop3A_203 = arith.index_cast %parallel_loop3A_184 : i32 to index
      %parallel_loop3A_204 = arith.constant 16 : index
      %parallel_loop3A_205 = tpu.vector_load %arg4[%parallel_loop3A_202, %parallel_loop3A_203, %parallel_loop3A_204] {strides = array<i32>} : memref<2x32x1024xf32, #tpu.memory_space<vmem>>, vector<1x1x16xf32>,
      %parallel_loop3A_206 = vector.shape_cast %parallel_loop3A_205 : vector<1x1x16xf32> to vector<16xf32>
      %parallel_loop3A_207 = math.absf %parallel_loop3A_206 : vector<16xf32>
      %parallel_loop3A_208 = arith.maximumf %parallel_loop3A_186, %parallel_loop3A_207 : vector<16xf32>
      %parallel_loop3A_209 = arith.constant 0 : i32
      %parallel_loop3A_210 = arith.index_cast %parallel_loop3A_209 : i32 to index
      %parallel_loop3A_211 = arith.index_cast %parallel_loop3A_184 : i32 to index
      %parallel_loop3A_212 = arith.constant 32 : index
      %parallel_loop3A_213 = tpu.vector_load %arg4[%parallel_loop3A_210, %parallel_loop3A_211, %parallel_loop3A_212] {strides = array<i32>} : memref<2x32x1024xf32, #tpu.memory_space<vmem>>, vector<1x1x16xf32>,
      %parallel_loop3A_214 = vector.shape_cast %parallel_loop3A_213 : vector<1x1x16xf32> to vector<16xf32>
      %parallel_loop3A_215 = math.absf %parallel_loop3A_214 : vector<16xf32>
      %parallel_loop3A_216 = arith.maximumf %parallel_loop3A_187, %parallel_loop3A_215 : vector<16xf32>
      %parallel_loop3A_217 = arith.constant 0 : i32
      %parallel_loop3A_218 = arith.index_cast %parallel_loop3A_217 : i32 to index
      %parallel_loop3A_219 = arith.index_cast %parallel_loop3A_184 : i32 to index
      %parallel_loop3A_220 = arith.constant 48 : index
      %parallel_loop3A_221 = tpu.vector_load %arg4[%parallel_loop3A_218, %parallel_loop3A_219, %parallel_loop3A_220] {strides = array<i32>} : memref<2x32x1024xf32, #tpu.memory_space<vmem>>, vector<1x1x16xf32>,
      %parallel_loop3A_222 = vector.shape_cast %parallel_loop3A_221 : vector<1x1x16xf32> to vector<16xf32>
      %parallel_loop3A_223 = math.absf %parallel_loop3A_222 : vector<16xf32>
      %parallel_loop3A_224 = arith.maximumf %parallel_loop3A_188, %parallel_loop3A_223 : vector<16xf32>
      %parallel_loop3A_225 = arith.constant 0 : i32
      %parallel_loop3A_226 = arith.index_cast %parallel_loop3A_225 : i32 to index
      %parallel_loop3A_227 = arith.index_cast %parallel_loop3A_184 : i32 to index
      %parallel_loop3A_228 = arith.constant 64 : index
      %parallel_loop3A_229 = tpu.vector_load %arg4[%parallel_loop3A_226, %parallel_loop3A_227, %parallel_loop3A_228] {strides = array<i32>} : memref<2x32x1024xf32, #tpu.memory_space<vmem>>, vector<1x1x16xf32>,
      %parallel_loop3A_230 = vector.shape_cast %parallel_loop3A_229 : vector<1x1x16xf32> to vector<16xf32>
      %parallel_loop3A_231 = math.absf %parallel_loop3A_230 : vector<16xf32>
      %parallel_loop3A_232 = arith.maximumf %parallel_loop3A_189, %parallel_loop3A_231 : vector<16xf32>
      %parallel_loop3A_233 = arith.constant 0 : i32
      %parallel_loop3A_234 = arith.index_cast %parallel_loop3A_233 : i32 to index
      %parallel_loop3A_235 = arith.index_cast %parallel_loop3A_184 : i32 to index
      %parallel_loop3A_236 = arith.constant 80 : index
      %parallel_loop3A_237 = tpu.vector_load %arg4[%parallel_loop3A_234, %parallel_loop3A_235, %parallel_loop3A_236] {strides = array<i32>} : memref<2x32x1024xf32, #tpu.memory_space<vmem>>, vector<1x1x16xf32>,
      %parallel_loop3A_238 = vector.shape_cast %parallel_loop3A_237 : vector<1x1x16xf32> to vector<16xf32>
      %parallel_loop3A_239 = math.absf %parallel_loop3A_238 : vector<16xf32>
      %parallel_loop3A_240 = arith.maximumf %parallel_loop3A_190, %parallel_loop3A_239 : vector<16xf32>
      %parallel_loop3A_241 = arith.constant 0 : i32
      %parallel_loop3A_242 = arith.index_cast %parallel_loop3A_241 : i32 to index
      %parallel_loop3A_243 = arith.index_cast %parallel_loop3A_184 : i32 to index
      %parallel_loop3A_244 = arith.constant 96 : index
      %parallel_loop3A_245 = tpu.vector_load %arg4[%parallel_loop3A_242, %parallel_loop3A_243, %parallel_loop3A_244] {strides = array<i32>} : memref<2x32x1024xf32, #tpu.memory_space<vmem>>, vector<1x1x16xf32>,
      %parallel_loop3A_246 = vector.shape_cast %parallel_loop3A_245 : vector<1x1x16xf32> to vector<16xf32>
      %parallel_loop3A_247 = math.absf %parallel_loop3A_246 : vector<16xf32>
      %parallel_loop3A_248 = arith.maximumf %parallel_loop3A_191, %parallel_loop3A_247 : vector<16xf32>
      %parallel_loop3A_249 = arith.constant 0 : i32
      %parallel_loop3A_250 = arith.index_cast %parallel_loop3A_249 : i32 to index
      %parallel_loop3A_251 = arith.index_cast %parallel_loop3A_184 : i32 to index
      %parallel_loop3A_252 = arith.constant 112 : index
      %parallel_loop3A_253 = tpu.vector_load %arg4[%parallel_loop3A_250, %parallel_loop3A_251, %parallel_loop3A_252] {strides = array<i32>} : memref<2x32x1024xf32, #tpu.memory_space<vmem>>, vector<1x1x16xf32>,
      %parallel_loop3A_254 = vector.shape_cast %parallel_loop3A_253 : vector<1x1x16xf32> to vector<16xf32>
      %parallel_loop3A_255 = math.absf %parallel_loop3A_254 : vector<16xf32>
      %parallel_loop3A_256 = arith.maximumf %parallel_loop3A_192, %parallel_loop3A_255 : vector<16xf32>
      %parallel_loop3A_257 = arith.constant 0 : i32
      %parallel_loop3A_258 = arith.index_cast %parallel_loop3A_257 : i32 to index
      %parallel_loop3A_259 = arith.index_cast %parallel_loop3A_184 : i32 to index
      %parallel_loop3A_260 = arith.constant 128 : index
      %parallel_loop3A_261 = tpu.vector_load %arg4[%parallel_loop3A_258, %parallel_loop3A_259, %parallel_loop3A_260] {strides = array<i32>} : memref<2x32x1024xf32, #tpu.memory_space<vmem>>, vector<1x1x16xf32>,
      %parallel_loop3A_262 = vector.shape_cast %parallel_loop3A_261 : vector<1x1x16xf32> to vector<16xf32>
      %parallel_loop3A_263 = math.absf %parallel_loop3A_262 : vector<16xf32>
      %parallel_loop3A_264 = arith.maximumf %parallel_loop3A_200, %parallel_loop3A_263 : vector<16xf32>
      %parallel_loop3A_265 = arith.constant 0 : i32
      %parallel_loop3A_266 = arith.index_cast %parallel_loop3A_265 : i32 to index
      %parallel_loop3A_267 = arith.index_cast %parallel_loop3A_184 : i32 to index
      %parallel_loop3A_268 = arith.constant 144 : index
      %parallel_loop3A_269 = tpu.vector_load %arg4[%parallel_loop3A_266, %parallel_loop3A_267, %parallel_loop3A_268] {strides = array<i32>} : memref<2x32x1024xf32, #tpu.memory_space<vmem>>, vector<1x1x16xf32>,
      %parallel_loop3A_270 = vector.shape_cast %parallel_loop3A_269 : vector<1x1x16xf32> to vector<16xf32>
      %parallel_loop3A_271 = math.absf %parallel_loop3A_270 : vector<16xf32>
      %parallel_loop3A_272 = arith.maximumf %parallel_loop3A_208, %parallel_loop3A_271 : vector<16xf32>
      %parallel_loop3A_273 = arith.constant 0 : i32
      %parallel_loop3A_274 = arith.index_cast %parallel_loop3A_273 : i32 to index
      %parallel_loop3A_275 = arith.index_cast %parallel_loop3A_184 : i32 to index
      %parallel_loop3A_276 = arith.constant 160 : index
      %parallel_loop3A_277 = tpu.vector_load %arg4[%parallel_loop3A_274, %parallel_loop3A_275, %parallel_loop3A_276] {strides = array<i32>} : memref<2x32x1024xf32, #tpu.memory_space<vmem>>, vector<1x1x16xf32>,
      %parallel_loop3A_278 = vector.shape_cast %parallel_loop3A_277 : vector<1x1x16xf32> to vector<16xf32>
      %parallel_loop3A_279 = math.absf %parallel_loop3A_278 : vector<16xf32>
      %parallel_loop3A_280 = arith.maximumf %parallel_loop3A_216, %parallel_loop3A_279 : vector<16xf32>
      %parallel_loop3A_281 = arith.constant 0 : i32
      %parallel_loop3A_282 = arith.index_cast %parallel_loop3A_281 : i32 to index
      %parallel_loop3A_283 = arith.index_cast %parallel_loop3A_184 : i32 to index
      %parallel_loop3A_284 = arith.constant 176 : index
      %parallel_loop3A_285 = tpu.vector_load %arg4[%parallel_loop3A_282, %parallel_loop3A_283, %parallel_loop3A_284] {strides = array<i32>} : memref<2x32x1024xf32, #tpu.memory_space<vmem>>, vector<1x1x16xf32>,
      %parallel_loop3A_286 = vector.shape_cast %parallel_loop3A_285 : vector<1x1x16xf32> to vector<16xf32>
      %parallel_loop3A_287 = math.absf %parallel_loop3A_286 : vector<16xf32>
      %parallel_loop3A_288 = arith.maximumf %parallel_loop3A_224, %parallel_loop3A_287 : vector<16xf32>
      %parallel_loop3A_289 = arith.constant 0 : i32
      %parallel_loop3A_290 = arith.index_cast %parallel_loop3A_289 : i32 to index
      %parallel_loop3A_291 = arith.index_cast %parallel_loop3A_184 : i32 to index
      %parallel_loop3A_292 = arith.constant 192 : index
      %parallel_loop3A_293 = tpu.vector_load %arg4[%parallel_loop3A_290, %parallel_loop3A_291, %parallel_loop3A_292] {strides = array<i32>} : memref<2x32x1024xf32, #tpu.memory_space<vmem>>, vector<1x1x16xf32>,
      %parallel_loop3A_294 = vector.shape_cast %parallel_loop3A_293 : vector<1x1x16xf32> to vector<16xf32>
      %parallel_loop3A_295 = math.absf %parallel_loop3A_294 : vector<16xf32>
      %parallel_loop3A_296 = arith.maximumf %parallel_loop3A_232, %parallel_loop3A_295 : vector<16xf32>
      %parallel_loop3A_297 = arith.constant 0 : i32
      %parallel_loop3A_298 = arith.index_cast %parallel_loop3A_297 : i32 to index
      %parallel_loop3A_299 = arith.index_cast %parallel_loop3A_184 : i32 to index
      %parallel_loop3A_300 = arith.constant 208 : index
      %parallel_loop3A_301 = tpu.vector_load %arg4[%parallel_loop3A_298, %parallel_loop3A_299, %parallel_loop3A_300] {strides = array<i32>} : memref<2x32x1024xf32, #tpu.memory_space<vmem>>, vector<1x1x16xf32>,
      %parallel_loop3A_302 = vector.shape_cast %parallel_loop3A_301 : vector<1x1x16xf32> to vector<16xf32>
      %parallel_loop3A_303 = math.absf %parallel_loop3A_302 : vector<16xf32>
      %parallel_loop3A_304 = arith.maximumf %parallel_loop3A_240, %parallel_loop3A_303 : vector<16xf32>
      %parallel_loop3A_305 = arith.constant 0 : i32
      %parallel_loop3A_306 = arith.index_cast %parallel_loop3A_305 : i32 to index
      %parallel_loop3A_307 = arith.index_cast %parallel_loop3A_184 : i32 to index
      %parallel_loop3A_308 = arith.constant 224 : index
      %parallel_loop3A_309 = tpu.vector_load %arg4[%parallel_loop3A_306, %parallel_loop3A_307, %parallel_loop3A_308] {strides = array<i32>} : memref<2x32x1024xf32, #tpu.memory_space<vmem>>, vector<1x1x16xf32>,
      %parallel_loop3A_310 = vector.shape_cast %parallel_loop3A_309 : vector<1x1x16xf32> to vector<16xf32>
      %parallel_loop3A_311 = math.absf %parallel_loop3A_310 : vector<16xf32>
      %parallel_loop3A_312 = arith.maximumf %parallel_loop3A_248, %parallel_loop3A_311 : vector<16xf32>
      %parallel_loop3A_313 = arith.constant 0 : i32
      %parallel_loop3A_314 = arith.index_cast %parallel_loop3A_313 : i32 to index
      %parallel_loop3A_315 = arith.index_cast %parallel_loop3A_184 : i32 to index
      %parallel_loop3A_316 = arith.constant 240 : index
      %parallel_loop3A_317 = tpu.vector_load %arg4[%parallel_loop3A_314, %parallel_loop3A_315, %parallel_loop3A_316] {strides = array<i32>} : memref<2x32x1024xf32, #tpu.memory_space<vmem>>, vector<1x1x16xf32>,
      %parallel_loop3A_318 = vector.shape_cast %parallel_loop3A_317 : vector<1x1x16xf32> to vector<16xf32>
      %parallel_loop3A_319 = math.absf %parallel_loop3A_318 : vector<16xf32>
      %parallel_loop3A_320 = arith.maximumf %parallel_loop3A_256, %parallel_loop3A_319 : vector<16xf32>
      %parallel_loop3A_321 = arith.constant 0 : i32
      %parallel_loop3A_322 = arith.index_cast %parallel_loop3A_321 : i32 to index
      %parallel_loop3A_323 = arith.index_cast %parallel_loop3A_184 : i32 to index
      %parallel_loop3A_324 = arith.constant 256 : index
      %parallel_loop3A_325 = tpu.vector_load %arg4[%parallel_loop3A_322, %parallel_loop3A_323, %parallel_loop3A_324] {strides = array<i32>} : memref<2x32x1024xf32, #tpu.memory_space<vmem>>, vector<1x1x16xf32>,
      %parallel_loop3A_326 = vector.shape_cast %parallel_loop3A_325 : vector<1x1x16xf32> to vector<16xf32>
      %parallel_loop3A_327 = math.absf %parallel_loop3A_326 : vector<16xf32>
      %parallel_loop3A_328 = arith.maximumf %parallel_loop3A_264, %parallel_loop3A_327 : vector<16xf32>
      %parallel_loop3A_329 = arith.constant 0 : i32
      %parallel_loop3A_330 = arith.index_cast %parallel_loop3A_329 : i32 to index
      %parallel_loop3A_331 = arith.index_cast %parallel_loop3A_184 : i32 to index
      %parallel_loop3A_332 = arith.constant 272 : index
      %parallel_loop3A_333 = tpu.vector_load %arg4[%parallel_loop3A_330, %parallel_loop3A_331, %parallel_loop3A_332] {strides = array<i32>} : memref<2x32x1024xf32, #tpu.memory_space<vmem>>, vector<1x1x16xf32>,
      %parallel_loop3A_334 = vector.shape_cast %parallel_loop3A_333 : vector<1x1x16xf32> to vector<16xf32>
      %parallel_loop3A_335 = math.absf %parallel_loop3A_334 : vector<16xf32>
      %parallel_loop3A_336 = arith.maximumf %parallel_loop3A_272, %parallel_loop3A_335 : vector<16xf32>
      %parallel_loop3A_337 = arith.constant 0 : i32
      %parallel_loop3A_338 = arith.index_cast %parallel_loop3A_337 : i32 to index
      %parallel_loop3A_339 = arith.index_cast %parallel_loop3A_184 : i32 to index
      %parallel_loop3A_340 = arith.constant 288 : index
      %parallel_loop3A_341 = tpu.vector_load %arg4[%parallel_loop3A_338, %parallel_loop3A_339, %parallel_loop3A_340] {strides = array<i32>} : memref<2x32x1024xf32, #tpu.memory_space<vmem>>, vector<1x1x16xf32>,
      %parallel_loop3A_342 = vector.shape_cast %parallel_loop3A_341 : vector<1x1x16xf32> to vector<16xf32>
      %parallel_loop3A_343 = math.absf %parallel_loop3A_342 : vector<16xf32>
      %parallel_loop3A_344 = arith.maximumf %parallel_loop3A_280, %parallel_loop3A_343 : vector<16xf32>
      %parallel_loop3A_345 = arith.constant 0 : i32
      %parallel_loop3A_346 = arith.index_cast %parallel_loop3A_345 : i32 to index
      %parallel_loop3A_347 = arith.index_cast %parallel_loop3A_184 : i32 to index
      %parallel_loop3A_348 = arith.constant 304 : index
      %parallel_loop3A_349 = tpu.vector_load %arg4[%parallel_loop3A_346, %parallel_loop3A_347, %parallel_loop3A_348] {strides = array<i32>} : memref<2x32x1024xf32, #tpu.memory_space<vmem>>, vector<1x1x16xf32>,
      %parallel_loop3A_350 = vector.shape_cast %parallel_loop3A_349 : vector<1x1x16xf32> to vector<16xf32>
      %parallel_loop3A_351 = math.absf %parallel_loop3A_350 : vector<16xf32>
      %parallel_loop3A_352 = arith.maximumf %parallel_loop3A_288, %parallel_loop3A_351 : vector<16xf32>
      %parallel_loop3A_353 = arith.constant 0 : i32
      %parallel_loop3A_354 = arith.index_cast %parallel_loop3A_353 : i32 to index
      %parallel_loop3A_355 = arith.index_cast %parallel_loop3A_184 : i32 to index
      %parallel_loop3A_356 = arith.constant 320 : index
      %parallel_loop3A_357 = tpu.vector_load %arg4[%parallel_loop3A_354, %parallel_loop3A_355, %parallel_loop3A_356] {strides = array<i32>} : memref<2x32x1024xf32, #tpu.memory_space<vmem>>, vector<1x1x16xf32>,
      %parallel_loop3A_358 = vector.shape_cast %parallel_loop3A_357 : vector<1x1x16xf32> to vector<16xf32>
      %parallel_loop3A_359 = math.absf %parallel_loop3A_358 : vector<16xf32>
      %parallel_loop3A_360 = arith.maximumf %parallel_loop3A_296, %parallel_loop3A_359 : vector<16xf32>
      %parallel_loop3A_361 = arith.constant 0 : i32
      %parallel_loop3A_362 = arith.index_cast %parallel_loop3A_361 : i32 to index
      %parallel_loop3A_363 = arith.index_cast %parallel_loop3A_184 : i32 to index
      %parallel_loop3A_364 = arith.constant 336 : index
      %parallel_loop3A_365 = tpu.vector_load %arg4[%parallel_loop3A_362, %parallel_loop3A_363, %parallel_loop3A_364] {strides = array<i32>} : memref<2x32x1024xf32, #tpu.memory_space<vmem>>, vector<1x1x16xf32>,
      %parallel_loop3A_366 = vector.shape_cast %parallel_loop3A_365 : vector<1x1x16xf32> to vector<16xf32>
      %parallel_loop3A_367 = math.absf %parallel_loop3A_366 : vector<16xf32>
      %parallel_loop3A_368 = arith.maximumf %parallel_loop3A_304, %parallel_loop3A_367 : vector<16xf32>
      %parallel_loop3A_369 = arith.constant 0 : i32
      %parallel_loop3A_370 = arith.index_cast %parallel_loop3A_369 : i32 to index
      %parallel_loop3A_371 = arith.index_cast %parallel_loop3A_184 : i32 to index
      %parallel_loop3A_372 = arith.constant 352 : index
      %parallel_loop3A_373 = tpu.vector_load %arg4[%parallel_loop3A_370, %parallel_loop3A_371, %parallel_loop3A_372] {strides = array<i32>} : memref<2x32x1024xf32, #tpu.memory_space<vmem>>, vector<1x1x16xf32>,
      %parallel_loop3A_374 = vector.shape_cast %parallel_loop3A_373 : vector<1x1x16xf32> to vector<16xf32>
      %parallel_loop3A_375 = math.absf %parallel_loop3A_374 : vector<16xf32>
      %parallel_loop3A_376 = arith.maximumf %parallel_loop3A_312, %parallel_loop3A_375 : vector<16xf32>
      %parallel_loop3A_377 = arith.constant 0 : i32
      %parallel_loop3A_378 = arith.index_cast %parallel_loop3A_377 : i32 to index
      %parallel_loop3A_379 = arith.index_cast %parallel_loop3A_184 : i32 to index
      %parallel_loop3A_380 = arith.constant 368 : index
      %parallel_loop3A_381 = tpu.vector_load %arg4[%parallel_loop3A_378, %parallel_loop3A_379, %parallel_loop3A_380] {strides = array<i32>} : memref<2x32x1024xf32, #tpu.memory_space<vmem>>, vector<1x1x16xf32>,
      %parallel_loop3A_382 = vector.shape_cast %parallel_loop3A_381 : vector<1x1x16xf32> to vector<16xf32>
      %parallel_loop3A_383 = math.absf %parallel_loop3A_382 : vector<16xf32>
      %parallel_loop3A_384 = arith.maximumf %parallel_loop3A_320, %parallel_loop3A_383 : vector<16xf32>
      %parallel_loop3A_385 = arith.constant 0 : i32
      %parallel_loop3A_386 = arith.index_cast %parallel_loop3A_385 : i32 to index
      %parallel_loop3A_387 = arith.index_cast %parallel_loop3A_184 : i32 to index
      %parallel_loop3A_388 = arith.constant 384 : index
      %parallel_loop3A_389 = tpu.vector_load %arg4[%parallel_loop3A_386, %parallel_loop3A_387, %parallel_loop3A_388] {strides = array<i32>} : memref<2x32x1024xf32, #tpu.memory_space<vmem>>, vector<1x1x16xf32>,
      %parallel_loop3A_390 = vector.shape_cast %parallel_loop3A_389 : vector<1x1x16xf32> to vector<16xf32>
      %parallel_loop3A_391 = math.absf %parallel_loop3A_390 : vector<16xf32>
      %parallel_loop3A_392 = arith.maximumf %parallel_loop3A_328, %parallel_loop3A_391 : vector<16xf32>
      %parallel_loop3A_393 = arith.constant 0 : i32
      %parallel_loop3A_394 = arith.index_cast %parallel_loop3A_393 : i32 to index
      %parallel_loop3A_395 = arith.index_cast %parallel_loop3A_184 : i32 to index
      %parallel_loop3A_396 = arith.constant 400 : index
      %parallel_loop3A_397 = tpu.vector_load %arg4[%parallel_loop3A_394, %parallel_loop3A_395, %parallel_loop3A_396] {strides = array<i32>} : memref<2x32x1024xf32, #tpu.memory_space<vmem>>, vector<1x1x16xf32>,
      %parallel_loop3A_398 = vector.shape_cast %parallel_loop3A_397 : vector<1x1x16xf32> to vector<16xf32>
      %parallel_loop3A_399 = math.absf %parallel_loop3A_398 : vector<16xf32>
      %parallel_loop3A_400 = arith.maximumf %parallel_loop3A_336, %parallel_loop3A_399 : vector<16xf32>
      %parallel_loop3A_401 = arith.constant 0 : i32
      %parallel_loop3A_402 = arith.index_cast %parallel_loop3A_401 : i32 to index
      %parallel_loop3A_403 = arith.index_cast %parallel_loop3A_184 : i32 to index
      %parallel_loop3A_404 = arith.constant 416 : index
      %parallel_loop3A_405 = tpu.vector_load %arg4[%parallel_loop3A_402, %parallel_loop3A_403, %parallel_loop3A_404] {strides = array<i32>} : memref<2x32x1024xf32, #tpu.memory_space<vmem>>, vector<1x1x16xf32>,
      %parallel_loop3A_406 = vector.shape_cast %parallel_loop3A_405 : vector<1x1x16xf32> to vector<16xf32>
      %parallel_loop3A_407 = math.absf %parallel_loop3A_406 : vector<16xf32>
      %parallel_loop3A_408 = arith.maximumf %parallel_loop3A_344, %parallel_loop3A_407 : vector<16xf32>
      %parallel_loop3A_409 = arith.constant 0 : i32
      %parallel_loop3A_410 = arith.index_cast %parallel_loop3A_409 : i32 to index
      %parallel_loop3A_411 = arith.index_cast %parallel_loop3A_184 : i32 to index
      %parallel_loop3A_412 = arith.constant 432 : index
      %parallel_loop3A_413 = tpu.vector_load %arg4[%parallel_loop3A_410, %parallel_loop3A_411, %parallel_loop3A_412] {strides = array<i32>} : memref<2x32x1024xf32, #tpu.memory_space<vmem>>, vector<1x1x16xf32>,
      %parallel_loop3A_414 = vector.shape_cast %parallel_loop3A_413 : vector<1x1x16xf32> to vector<16xf32>
      %parallel_loop3A_415 = math.absf %parallel_loop3A_414 : vector<16xf32>
      %parallel_loop3A_416 = arith.maximumf %parallel_loop3A_352, %parallel_loop3A_415 : vector<16xf32>
      %parallel_loop3A_417 = arith.constant 0 : i32
      %parallel_loop3A_418 = arith.index_cast %parallel_loop3A_417 : i32 to index
      %parallel_loop3A_419 = arith.index_cast %parallel_loop3A_184 : i32 to index
      %parallel_loop3A_420 = arith.constant 448 : index
      %parallel_loop3A_421 = tpu.vector_load %arg4[%parallel_loop3A_418, %parallel_loop3A_419, %parallel_loop3A_420] {strides = array<i32>} : memref<2x32x1024xf32, #tpu.memory_space<vmem>>, vector<1x1x16xf32>,
      %parallel_loop3A_422 = vector.shape_cast %parallel_loop3A_421 : vector<1x1x16xf32> to vector<16xf32>
      %parallel_loop3A_423 = math.absf %parallel_loop3A_422 : vector<16xf32>
      %parallel_loop3A_424 = arith.maximumf %parallel_loop3A_360, %parallel_loop3A_423 : vector<16xf32>
      %parallel_loop3A_425 = arith.constant 0 : i32
      %parallel_loop3A_426 = arith.index_cast %parallel_loop3A_425 : i32 to index
      %parallel_loop3A_427 = arith.index_cast %parallel_loop3A_184 : i32 to index
      %parallel_loop3A_428 = arith.constant 464 : index
      %parallel_loop3A_429 = tpu.vector_load %arg4[%parallel_loop3A_426, %parallel_loop3A_427, %parallel_loop3A_428] {strides = array<i32>} : memref<2x32x1024xf32, #tpu.memory_space<vmem>>, vector<1x1x16xf32>,
      %parallel_loop3A_430 = vector.shape_cast %parallel_loop3A_429 : vector<1x1x16xf32> to vector<16xf32>
      %parallel_loop3A_431 = math.absf %parallel_loop3A_430 : vector<16xf32>
      %parallel_loop3A_432 = arith.maximumf %parallel_loop3A_368, %parallel_loop3A_431 : vector<16xf32>
      %parallel_loop3A_433 = arith.constant 0 : i32
      %parallel_loop3A_434 = arith.index_cast %parallel_loop3A_433 : i32 to index
      %parallel_loop3A_435 = arith.index_cast %parallel_loop3A_184 : i32 to index
      %parallel_loop3A_436 = arith.constant 480 : index
      %parallel_loop3A_437 = tpu.vector_load %arg4[%parallel_loop3A_434, %parallel_loop3A_435, %parallel_loop3A_436] {strides = array<i32>} : memref<2x32x1024xf32, #tpu.memory_space<vmem>>, vector<1x1x16xf32>,
      %parallel_loop3A_438 = vector.shape_cast %parallel_loop3A_437 : vector<1x1x16xf32> to vector<16xf32>
      %parallel_loop3A_439 = math.absf %parallel_loop3A_438 : vector<16xf32>
      %parallel_loop3A_440 = arith.maximumf %parallel_loop3A_376, %parallel_loop3A_439 : vector<16xf32>
      %parallel_loop3A_441 = arith.constant 0 : i32
      %parallel_loop3A_442 = arith.index_cast %parallel_loop3A_441 : i32 to index
      %parallel_loop3A_443 = arith.index_cast %parallel_loop3A_184 : i32 to index
      %parallel_loop3A_444 = arith.constant 496 : index
      %parallel_loop3A_445 = tpu.vector_load %arg4[%parallel_loop3A_442, %parallel_loop3A_443, %parallel_loop3A_444] {strides = array<i32>} : memref<2x32x1024xf32, #tpu.memory_space<vmem>>, vector<1x1x16xf32>,
      %parallel_loop3A_446 = vector.shape_cast %parallel_loop3A_445 : vector<1x1x16xf32> to vector<16xf32>
      %parallel_loop3A_447 = math.absf %parallel_loop3A_446 : vector<16xf32>
      %parallel_loop3A_448 = arith.maximumf %parallel_loop3A_384, %parallel_loop3A_447 : vector<16xf32>
      %parallel_loop3A_449 = arith.constant 0 : i32
      %parallel_loop3A_450 = arith.index_cast %parallel_loop3A_449 : i32 to index
      %parallel_loop3A_451 = arith.index_cast %parallel_loop3A_184 : i32 to index
      %parallel_loop3A_452 = arith.constant 512 : index
      %parallel_loop3A_453 = tpu.vector_load %arg4[%parallel_loop3A_450, %parallel_loop3A_451, %parallel_loop3A_452] {strides = array<i32>} : memref<2x32x1024xf32, #tpu.memory_space<vmem>>, vector<1x1x16xf32>,
      %parallel_loop3A_454 = vector.shape_cast %parallel_loop3A_453 : vector<1x1x16xf32> to vector<16xf32>
      %parallel_loop3A_455 = math.absf %parallel_loop3A_454 : vector<16xf32>
      %parallel_loop3A_456 = arith.maximumf %parallel_loop3A_392, %parallel_loop3A_455 : vector<16xf32>
      %parallel_loop3A_457 = arith.constant 0 : i32
      %parallel_loop3A_458 = arith.index_cast %parallel_loop3A_457 : i32 to index
      %parallel_loop3A_459 = arith.index_cast %parallel_loop3A_184 : i32 to index
      %parallel_loop3A_460 = arith.constant 528 : index
      %parallel_loop3A_461 = tpu.vector_load %arg4[%parallel_loop3A_458, %parallel_loop3A_459, %parallel_loop3A_460] {strides = array<i32>} : memref<2x32x1024xf32, #tpu.memory_space<vmem>>, vector<1x1x16xf32>,
      %parallel_loop3A_462 = vector.shape_cast %parallel_loop3A_461 : vector<1x1x16xf32> to vector<16xf32>
      %parallel_loop3A_463 = math.absf %parallel_loop3A_462 : vector<16xf32>
      %parallel_loop3A_464 = arith.maximumf %parallel_loop3A_400, %parallel_loop3A_463 : vector<16xf32>
      %parallel_loop3A_465 = arith.constant 0 : i32
      %parallel_loop3A_466 = arith.index_cast %parallel_loop3A_465 : i32 to index
      %parallel_loop3A_467 = arith.index_cast %parallel_loop3A_184 : i32 to index
      %parallel_loop3A_468 = arith.constant 544 : index
      %parallel_loop3A_469 = tpu.vector_load %arg4[%parallel_loop3A_466, %parallel_loop3A_467, %parallel_loop3A_468] {strides = array<i32>} : memref<2x32x1024xf32, #tpu.memory_space<vmem>>, vector<1x1x16xf32>,
      %parallel_loop3A_470 = vector.shape_cast %parallel_loop3A_469 : vector<1x1x16xf32> to vector<16xf32>
      %parallel_loop3A_471 = math.absf %parallel_loop3A_470 : vector<16xf32>
      %parallel_loop3A_472 = arith.maximumf %parallel_loop3A_408, %parallel_loop3A_471 : vector<16xf32>
      %parallel_loop3A_473 = arith.constant 0 : i32
      %parallel_loop3A_474 = arith.index_cast %parallel_loop3A_473 : i32 to index
      %parallel_loop3A_475 = arith.index_cast %parallel_loop3A_184 : i32 to index
      %parallel_loop3A_476 = arith.constant 560 : index
      %parallel_loop3A_477 = tpu.vector_load %arg4[%parallel_loop3A_474, %parallel_loop3A_475, %parallel_loop3A_476] {strides = array<i32>} : memref<2x32x1024xf32, #tpu.memory_space<vmem>>, vector<1x1x16xf32>,
      %parallel_loop3A_478 = vector.shape_cast %parallel_loop3A_477 : vector<1x1x16xf32> to vector<16xf32>
      %parallel_loop3A_479 = math.absf %parallel_loop3A_478 : vector<16xf32>
      %parallel_loop3A_480 = arith.maximumf %parallel_loop3A_416, %parallel_loop3A_479 : vector<16xf32>
      %parallel_loop3A_481 = arith.constant 0 : i32
      %parallel_loop3A_482 = arith.index_cast %parallel_loop3A_481 : i32 to index
      %parallel_loop3A_483 = arith.index_cast %parallel_loop3A_184 : i32 to index
      %parallel_loop3A_484 = arith.constant 576 : index
      %parallel_loop3A_485 = tpu.vector_load %arg4[%parallel_loop3A_482, %parallel_loop3A_483, %parallel_loop3A_484] {strides = array<i32>} : memref<2x32x1024xf32, #tpu.memory_space<vmem>>, vector<1x1x16xf32>,
      %parallel_loop3A_486 = vector.shape_cast %parallel_loop3A_485 : vector<1x1x16xf32> to vector<16xf32>
      %parallel_loop3A_487 = math.absf %parallel_loop3A_486 : vector<16xf32>
      %parallel_loop3A_488 = arith.maximumf %parallel_loop3A_424, %parallel_loop3A_487 : vector<16xf32>
      %parallel_loop3A_489 = arith.constant 0 : i32
      %parallel_loop3A_490 = arith.index_cast %parallel_loop3A_489 : i32 to index
      %parallel_loop3A_491 = arith.index_cast %parallel_loop3A_184 : i32 to index
      %parallel_loop3A_492 = arith.constant 592 : index
      %parallel_loop3A_493 = tpu.vector_load %arg4[%parallel_loop3A_490, %parallel_loop3A_491, %parallel_loop3A_492] {strides = array<i32>} : memref<2x32x1024xf32, #tpu.memory_space<vmem>>, vector<1x1x16xf32>,
      %parallel_loop3A_494 = vector.shape_cast %parallel_loop3A_493 : vector<1x1x16xf32> to vector<16xf32>
      %parallel_loop3A_495 = math.absf %parallel_loop3A_494 : vector<16xf32>
      %parallel_loop3A_496 = arith.maximumf %parallel_loop3A_432, %parallel_loop3A_495 : vector<16xf32>
      %parallel_loop3A_497 = arith.constant 0 : i32
      %parallel_loop3A_498 = arith.index_cast %parallel_loop3A_497 : i32 to index
      %parallel_loop3A_499 = arith.index_cast %parallel_loop3A_184 : i32 to index
      %parallel_loop3A_500 = arith.constant 608 : index
      %parallel_loop3A_501 = tpu.vector_load %arg4[%parallel_loop3A_498, %parallel_loop3A_499, %parallel_loop3A_500] {strides = array<i32>} : memref<2x32x1024xf32, #tpu.memory_space<vmem>>, vector<1x1x16xf32>,
      %parallel_loop3A_502 = vector.shape_cast %parallel_loop3A_501 : vector<1x1x16xf32> to vector<16xf32>
      %parallel_loop3A_503 = math.absf %parallel_loop3A_502 : vector<16xf32>
      %parallel_loop3A_504 = arith.maximumf %parallel_loop3A_440, %parallel_loop3A_503 : vector<16xf32>
      %parallel_loop3A_505 = arith.constant 0 : i32
      %parallel_loop3A_506 = arith.index_cast %parallel_loop3A_505 : i32 to index
      %parallel_loop3A_507 = arith.index_cast %parallel_loop3A_184 : i32 to index
      %parallel_loop3A_508 = arith.constant 624 : index
      %parallel_loop3A_509 = tpu.vector_load %arg4[%parallel_loop3A_506, %parallel_loop3A_507, %parallel_loop3A_508] {strides = array<i32>} : memref<2x32x1024xf32, #tpu.memory_space<vmem>>, vector<1x1x16xf32>,
      %parallel_loop3A_510 = vector.shape_cast %parallel_loop3A_509 : vector<1x1x16xf32> to vector<16xf32>
      %parallel_loop3A_511 = math.absf %parallel_loop3A_510 : vector<16xf32>
      %parallel_loop3A_512 = arith.maximumf %parallel_loop3A_448, %parallel_loop3A_511 : vector<16xf32>
      %parallel_loop3A_513 = arith.constant 0 : i32
      %parallel_loop3A_514 = arith.index_cast %parallel_loop3A_513 : i32 to index
      %parallel_loop3A_515 = arith.index_cast %parallel_loop3A_184 : i32 to index
      %parallel_loop3A_516 = arith.constant 640 : index
      %parallel_loop3A_517 = tpu.vector_load %arg4[%parallel_loop3A_514, %parallel_loop3A_515, %parallel_loop3A_516] {strides = array<i32>} : memref<2x32x1024xf32, #tpu.memory_space<vmem>>, vector<1x1x16xf32>,
      %parallel_loop3A_518 = vector.shape_cast %parallel_loop3A_517 : vector<1x1x16xf32> to vector<16xf32>
      %parallel_loop3A_519 = math.absf %parallel_loop3A_518 : vector<16xf32>
      %parallel_loop3A_520 = arith.maximumf %parallel_loop3A_456, %parallel_loop3A_519 : vector<16xf32>
      %parallel_loop3A_521 = arith.constant 0 : i32
      %parallel_loop3A_522 = arith.index_cast %parallel_loop3A_521 : i32 to index
      %parallel_loop3A_523 = arith.index_cast %parallel_loop3A_184 : i32 to index
      %parallel_loop3A_524 = arith.constant 656 : index
      %parallel_loop3A_525 = tpu.vector_load %arg4[%parallel_loop3A_522, %parallel_loop3A_523, %parallel_loop3A_524] {strides = array<i32>} : memref<2x32x1024xf32, #tpu.memory_space<vmem>>, vector<1x1x16xf32>,
      %parallel_loop3A_526 = vector.shape_cast %parallel_loop3A_525 : vector<1x1x16xf32> to vector<16xf32>
      %parallel_loop3A_527 = math.absf %parallel_loop3A_526 : vector<16xf32>
      %parallel_loop3A_528 = arith.maximumf %parallel_loop3A_464, %parallel_loop3A_527 : vector<16xf32>
      %parallel_loop3A_529 = arith.constant 0 : i32
      %parallel_loop3A_530 = arith.index_cast %parallel_loop3A_529 : i32 to index
      %parallel_loop3A_531 = arith.index_cast %parallel_loop3A_184 : i32 to index
      %parallel_loop3A_532 = arith.constant 672 : index
      %parallel_loop3A_533 = tpu.vector_load %arg4[%parallel_loop3A_530, %parallel_loop3A_531, %parallel_loop3A_532] {strides = array<i32>} : memref<2x32x1024xf32, #tpu.memory_space<vmem>>, vector<1x1x16xf32>,
      %parallel_loop3A_534 = vector.shape_cast %parallel_loop3A_533 : vector<1x1x16xf32> to vector<16xf32>
      %parallel_loop3A_535 = math.absf %parallel_loop3A_534 : vector<16xf32>
      %parallel_loop3A_536 = arith.maximumf %parallel_loop3A_472, %parallel_loop3A_535 : vector<16xf32>
      %parallel_loop3A_537 = arith.constant 0 : i32
      %parallel_loop3A_538 = arith.index_cast %parallel_loop3A_537 : i32 to index
      %parallel_loop3A_539 = arith.index_cast %parallel_loop3A_184 : i32 to index
      %parallel_loop3A_540 = arith.constant 688 : index
      %parallel_loop3A_541 = tpu.vector_load %arg4[%parallel_loop3A_538, %parallel_loop3A_539, %parallel_loop3A_540] {strides = array<i32>} : memref<2x32x1024xf32, #tpu.memory_space<vmem>>, vector<1x1x16xf32>,
      %parallel_loop3A_542 = vector.shape_cast %parallel_loop3A_541 : vector<1x1x16xf32> to vector<16xf32>
      %parallel_loop3A_543 = math.absf %parallel_loop3A_542 : vector<16xf32>
      %parallel_loop3A_544 = arith.maximumf %parallel_loop3A_480, %parallel_loop3A_543 : vector<16xf32>
      %parallel_loop3A_545 = arith.constant 0 : i32
      %parallel_loop3A_546 = arith.index_cast %parallel_loop3A_545 : i32 to index
      %parallel_loop3A_547 = arith.index_cast %parallel_loop3A_184 : i32 to index
      %parallel_loop3A_548 = arith.constant 704 : index
      %parallel_loop3A_549 = tpu.vector_load %arg4[%parallel_loop3A_546, %parallel_loop3A_547, %parallel_loop3A_548] {strides = array<i32>} : memref<2x32x1024xf32, #tpu.memory_space<vmem>>, vector<1x1x16xf32>,
      %parallel_loop3A_550 = vector.shape_cast %parallel_loop3A_549 : vector<1x1x16xf32> to vector<16xf32>
      %parallel_loop3A_551 = math.absf %parallel_loop3A_550 : vector<16xf32>
      %parallel_loop3A_552 = arith.maximumf %parallel_loop3A_488, %parallel_loop3A_551 : vector<16xf32>
      %parallel_loop3A_553 = arith.constant 0 : i32
      %parallel_loop3A_554 = arith.index_cast %parallel_loop3A_553 : i32 to index
      %parallel_loop3A_555 = arith.index_cast %parallel_loop3A_184 : i32 to index
      %parallel_loop3A_556 = arith.constant 720 : index
      %parallel_loop3A_557 = tpu.vector_load %arg4[%parallel_loop3A_554, %parallel_loop3A_555, %parallel_loop3A_556] {strides = array<i32>} : memref<2x32x1024xf32, #tpu.memory_space<vmem>>, vector<1x1x16xf32>,
      %parallel_loop3A_558 = vector.shape_cast %parallel_loop3A_557 : vector<1x1x16xf32> to vector<16xf32>
      %parallel_loop3A_559 = math.absf %parallel_loop3A_558 : vector<16xf32>
      %parallel_loop3A_560 = arith.maximumf %parallel_loop3A_496, %parallel_loop3A_559 : vector<16xf32>
      %parallel_loop3A_561 = arith.constant 0 : i32
      %parallel_loop3A_562 = arith.index_cast %parallel_loop3A_561 : i32 to index
      %parallel_loop3A_563 = arith.index_cast %parallel_loop3A_184 : i32 to index
      %parallel_loop3A_564 = arith.constant 736 : index
      %parallel_loop3A_565 = tpu.vector_load %arg4[%parallel_loop3A_562, %parallel_loop3A_563, %parallel_loop3A_564] {strides = array<i32>} : memref<2x32x1024xf32, #tpu.memory_space<vmem>>, vector<1x1x16xf32>,
      %parallel_loop3A_566 = vector.shape_cast %parallel_loop3A_565 : vector<1x1x16xf32> to vector<16xf32>
      %parallel_loop3A_567 = math.absf %parallel_loop3A_566 : vector<16xf32>
      %parallel_loop3A_568 = arith.maximumf %parallel_loop3A_504, %parallel_loop3A_567 : vector<16xf32>
      %parallel_loop3A_569 = arith.constant 0 : i32
      %parallel_loop3A_570 = arith.index_cast %parallel_loop3A_569 : i32 to index
      %parallel_loop3A_571 = arith.index_cast %parallel_loop3A_184 : i32 to index
      %parallel_loop3A_572 = arith.constant 752 : index
      %parallel_loop3A_573 = tpu.vector_load %arg4[%parallel_loop3A_570, %parallel_loop3A_571, %parallel_loop3A_572] {strides = array<i32>} : memref<2x32x1024xf32, #tpu.memory_space<vmem>>, vector<1x1x16xf32>,
      %parallel_loop3A_574 = vector.shape_cast %parallel_loop3A_573 : vector<1x1x16xf32> to vector<16xf32>
      %parallel_loop3A_575 = math.absf %parallel_loop3A_574 : vector<16xf32>
      %parallel_loop3A_576 = arith.maximumf %parallel_loop3A_512, %parallel_loop3A_575 : vector<16xf32>
      %parallel_loop3A_577 = arith.constant 0 : i32
      %parallel_loop3A_578 = arith.index_cast %parallel_loop3A_577 : i32 to index
      %parallel_loop3A_579 = arith.index_cast %parallel_loop3A_184 : i32 to index
      %parallel_loop3A_580 = arith.constant 768 : index
      %parallel_loop3A_581 = tpu.vector_load %arg4[%parallel_loop3A_578, %parallel_loop3A_579, %parallel_loop3A_580] {strides = array<i32>} : memref<2x32x1024xf32, #tpu.memory_space<vmem>>, vector<1x1x16xf32>,
      %parallel_loop3A_582 = vector.shape_cast %parallel_loop3A_581 : vector<1x1x16xf32> to vector<16xf32>
      %parallel_loop3A_583 = math.absf %parallel_loop3A_582 : vector<16xf32>
      %parallel_loop3A_584 = arith.maximumf %parallel_loop3A_520, %parallel_loop3A_583 : vector<16xf32>
      %parallel_loop3A_585 = arith.constant 0 : i32
      %parallel_loop3A_586 = arith.index_cast %parallel_loop3A_585 : i32 to index
      %parallel_loop3A_587 = arith.index_cast %parallel_loop3A_184 : i32 to index
      %parallel_loop3A_588 = arith.constant 784 : index
      %parallel_loop3A_589 = tpu.vector_load %arg4[%parallel_loop3A_586, %parallel_loop3A_587, %parallel_loop3A_588] {strides = array<i32>} : memref<2x32x1024xf32, #tpu.memory_space<vmem>>, vector<1x1x16xf32>,
      %parallel_loop3A_590 = vector.shape_cast %parallel_loop3A_589 : vector<1x1x16xf32> to vector<16xf32>
      %parallel_loop3A_591 = math.absf %parallel_loop3A_590 : vector<16xf32>
      %parallel_loop3A_592 = arith.maximumf %parallel_loop3A_528, %parallel_loop3A_591 : vector<16xf32>
      %parallel_loop3A_593 = arith.constant 0 : i32
      %parallel_loop3A_594 = arith.index_cast %parallel_loop3A_593 : i32 to index
      %parallel_loop3A_595 = arith.index_cast %parallel_loop3A_184 : i32 to index
      %parallel_loop3A_596 = arith.constant 800 : index
      %parallel_loop3A_597 = tpu.vector_load %arg4[%parallel_loop3A_594, %parallel_loop3A_595, %parallel_loop3A_596] {strides = array<i32>} : memref<2x32x1024xf32, #tpu.memory_space<vmem>>, vector<1x1x16xf32>,
      %parallel_loop3A_598 = vector.shape_cast %parallel_loop3A_597 : vector<1x1x16xf32> to vector<16xf32>
      %parallel_loop3A_599 = math.absf %parallel_loop3A_598 : vector<16xf32>
      %parallel_loop3A_600 = arith.maximumf %parallel_loop3A_536, %parallel_loop3A_599 : vector<16xf32>
      %parallel_loop3A_601 = arith.constant 0 : i32
      %parallel_loop3A_602 = arith.index_cast %parallel_loop3A_601 : i32 to index
      %parallel_loop3A_603 = arith.index_cast %parallel_loop3A_184 : i32 to index
      %parallel_loop3A_604 = arith.constant 816 : index
      %parallel_loop3A_605 = tpu.vector_load %arg4[%parallel_loop3A_602, %parallel_loop3A_603, %parallel_loop3A_604] {strides = array<i32>} : memref<2x32x1024xf32, #tpu.memory_space<vmem>>, vector<1x1x16xf32>,
      %parallel_loop3A_606 = vector.shape_cast %parallel_loop3A_605 : vector<1x1x16xf32> to vector<16xf32>
      %parallel_loop3A_607 = math.absf %parallel_loop3A_606 : vector<16xf32>
      %parallel_loop3A_608 = arith.maximumf %parallel_loop3A_544, %parallel_loop3A_607 : vector<16xf32>
      %parallel_loop3A_609 = arith.constant 0 : i32
      %parallel_loop3A_610 = arith.index_cast %parallel_loop3A_609 : i32 to index
      %parallel_loop3A_611 = arith.index_cast %parallel_loop3A_184 : i32 to index
      %parallel_loop3A_612 = arith.constant 832 : index
      %parallel_loop3A_613 = tpu.vector_load %arg4[%parallel_loop3A_610, %parallel_loop3A_611, %parallel_loop3A_612] {strides = array<i32>} : memref<2x32x1024xf32, #tpu.memory_space<vmem>>, vector<1x1x16xf32>,
      %parallel_loop3A_614 = vector.shape_cast %parallel_loop3A_613 : vector<1x1x16xf32> to vector<16xf32>
      %parallel_loop3A_615 = math.absf %parallel_loop3A_614 : vector<16xf32>
      %parallel_loop3A_616 = arith.maximumf %parallel_loop3A_552, %parallel_loop3A_615 : vector<16xf32>
      %parallel_loop3A_617 = arith.constant 0 : i32
      %parallel_loop3A_618 = arith.index_cast %parallel_loop3A_617 : i32 to index
      %parallel_loop3A_619 = arith.index_cast %parallel_loop3A_184 : i32 to index
      %parallel_loop3A_620 = arith.constant 848 : index
      %parallel_loop3A_621 = tpu.vector_load %arg4[%parallel_loop3A_618, %parallel_loop3A_619, %parallel_loop3A_620] {strides = array<i32>} : memref<2x32x1024xf32, #tpu.memory_space<vmem>>, vector<1x1x16xf32>,
      %parallel_loop3A_622 = vector.shape_cast %parallel_loop3A_621 : vector<1x1x16xf32> to vector<16xf32>
      %parallel_loop3A_623 = math.absf %parallel_loop3A_622 : vector<16xf32>
      %parallel_loop3A_624 = arith.maximumf %parallel_loop3A_560, %parallel_loop3A_623 : vector<16xf32>
      %parallel_loop3A_625 = arith.constant 0 : i32
      %parallel_loop3A_626 = arith.index_cast %parallel_loop3A_625 : i32 to index
      %parallel_loop3A_627 = arith.index_cast %parallel_loop3A_184 : i32 to index
      %parallel_loop3A_628 = arith.constant 864 : index
      %parallel_loop3A_629 = tpu.vector_load %arg4[%parallel_loop3A_626, %parallel_loop3A_627, %parallel_loop3A_628] {strides = array<i32>} : memref<2x32x1024xf32, #tpu.memory_space<vmem>>, vector<1x1x16xf32>,
      %parallel_loop3A_630 = vector.shape_cast %parallel_loop3A_629 : vector<1x1x16xf32> to vector<16xf32>
      %parallel_loop3A_631 = math.absf %parallel_loop3A_630 : vector<16xf32>
      %parallel_loop3A_632 = arith.maximumf %parallel_loop3A_568, %parallel_loop3A_631 : vector<16xf32>
      %parallel_loop3A_633 = arith.constant 0 : i32
      %parallel_loop3A_634 = arith.index_cast %parallel_loop3A_633 : i32 to index
      %parallel_loop3A_635 = arith.index_cast %parallel_loop3A_184 : i32 to index
      %parallel_loop3A_636 = arith.constant 880 : index
      %parallel_loop3A_637 = tpu.vector_load %arg4[%parallel_loop3A_634, %parallel_loop3A_635, %parallel_loop3A_636] {strides = array<i32>} : memref<2x32x1024xf32, #tpu.memory_space<vmem>>, vector<1x1x16xf32>,
      %parallel_loop3A_638 = vector.shape_cast %parallel_loop3A_637 : vector<1x1x16xf32> to vector<16xf32>
      %parallel_loop3A_639 = math.absf %parallel_loop3A_638 : vector<16xf32>
      %parallel_loop3A_640 = arith.maximumf %parallel_loop3A_576, %parallel_loop3A_639 : vector<16xf32>
      %parallel_loop3A_641 = arith.constant 0 : i32
      %parallel_loop3A_642 = arith.index_cast %parallel_loop3A_641 : i32 to index
      %parallel_loop3A_643 = arith.index_cast %parallel_loop3A_184 : i32 to index
      %parallel_loop3A_644 = arith.constant 896 : index
      %parallel_loop3A_645 = tpu.vector_load %arg4[%parallel_loop3A_642, %parallel_loop3A_643, %parallel_loop3A_644] {strides = array<i32>} : memref<2x32x1024xf32, #tpu.memory_space<vmem>>, vector<1x1x16xf32>,
      %parallel_loop3A_646 = vector.shape_cast %parallel_loop3A_645 : vector<1x1x16xf32> to vector<16xf32>
      %parallel_loop3A_647 = math.absf %parallel_loop3A_646 : vector<16xf32>
      %parallel_loop3A_648 = arith.maximumf %parallel_loop3A_584, %parallel_loop3A_647 : vector<16xf32>
      %parallel_loop3A_649 = arith.constant 0 : i32
      %parallel_loop3A_650 = arith.index_cast %parallel_loop3A_649 : i32 to index
      %parallel_loop3A_651 = arith.index_cast %parallel_loop3A_184 : i32 to index
      %parallel_loop3A_652 = arith.constant 912 : index
      %parallel_loop3A_653 = tpu.vector_load %arg4[%parallel_loop3A_650, %parallel_loop3A_651, %parallel_loop3A_652] {strides = array<i32>} : memref<2x32x1024xf32, #tpu.memory_space<vmem>>, vector<1x1x16xf32>,
      %parallel_loop3A_654 = vector.shape_cast %parallel_loop3A_653 : vector<1x1x16xf32> to vector<16xf32>
      %parallel_loop3A_655 = math.absf %parallel_loop3A_654 : vector<16xf32>
      %parallel_loop3A_656 = arith.maximumf %parallel_loop3A_592, %parallel_loop3A_655 : vector<16xf32>
      %parallel_loop3A_657 = arith.constant 0 : i32
      %parallel_loop3A_658 = arith.index_cast %parallel_loop3A_657 : i32 to index
      %parallel_loop3A_659 = arith.index_cast %parallel_loop3A_184 : i32 to index
      %parallel_loop3A_660 = arith.constant 928 : index
      %parallel_loop3A_661 = tpu.vector_load %arg4[%parallel_loop3A_658, %parallel_loop3A_659, %parallel_loop3A_660] {strides = array<i32>} : memref<2x32x1024xf32, #tpu.memory_space<vmem>>, vector<1x1x16xf32>,
      %parallel_loop3A_662 = vector.shape_cast %parallel_loop3A_661 : vector<1x1x16xf32> to vector<16xf32>
      %parallel_loop3A_663 = math.absf %parallel_loop3A_662 : vector<16xf32>
      %parallel_loop3A_664 = arith.maximumf %parallel_loop3A_600, %parallel_loop3A_663 : vector<16xf32>
      %parallel_loop3A_665 = arith.constant 0 : i32
      %parallel_loop3A_666 = arith.index_cast %parallel_loop3A_665 : i32 to index
      %parallel_loop3A_667 = arith.index_cast %parallel_loop3A_184 : i32 to index
      %parallel_loop3A_668 = arith.constant 944 : index
      %parallel_loop3A_669 = tpu.vector_load %arg4[%parallel_loop3A_666, %parallel_loop3A_667, %parallel_loop3A_668] {strides = array<i32>} : memref<2x32x1024xf32, #tpu.memory_space<vmem>>, vector<1x1x16xf32>,
      %parallel_loop3A_670 = vector.shape_cast %parallel_loop3A_669 : vector<1x1x16xf32> to vector<16xf32>
      %parallel_loop3A_671 = math.absf %parallel_loop3A_670 : vector<16xf32>
      %parallel_loop3A_672 = arith.maximumf %parallel_loop3A_608, %parallel_loop3A_671 : vector<16xf32>
      %parallel_loop3A_673 = arith.constant 0 : i32
      %parallel_loop3A_674 = arith.index_cast %parallel_loop3A_673 : i32 to index
      %parallel_loop3A_675 = arith.index_cast %parallel_loop3A_184 : i32 to index
      %parallel_loop3A_676 = arith.constant 960 : index
      %parallel_loop3A_677 = tpu.vector_load %arg4[%parallel_loop3A_674, %parallel_loop3A_675, %parallel_loop3A_676] {strides = array<i32>} : memref<2x32x1024xf32, #tpu.memory_space<vmem>>, vector<1x1x16xf32>,
      %parallel_loop3A_678 = vector.shape_cast %parallel_loop3A_677 : vector<1x1x16xf32> to vector<16xf32>
      %parallel_loop3A_679 = math.absf %parallel_loop3A_678 : vector<16xf32>
      %parallel_loop3A_680 = arith.maximumf %parallel_loop3A_616, %parallel_loop3A_679 : vector<16xf32>
      %parallel_loop3A_681 = arith.constant 0 : i32
      %parallel_loop3A_682 = arith.index_cast %parallel_loop3A_681 : i32 to index
      %parallel_loop3A_683 = arith.index_cast %parallel_loop3A_184 : i32 to index
      %parallel_loop3A_684 = arith.constant 976 : index
      %parallel_loop3A_685 = tpu.vector_load %arg4[%parallel_loop3A_682, %parallel_loop3A_683, %parallel_loop3A_684] {strides = array<i32>} : memref<2x32x1024xf32, #tpu.memory_space<vmem>>, vector<1x1x16xf32>,
      %parallel_loop3A_686 = vector.shape_cast %parallel_loop3A_685 : vector<1x1x16xf32> to vector<16xf32>
      %parallel_loop3A_687 = math.absf %parallel_loop3A_686 : vector<16xf32>
      %parallel_loop3A_688 = arith.maximumf %parallel_loop3A_624, %parallel_loop3A_687 : vector<16xf32>
      %parallel_loop3A_689 = arith.constant 0 : i32
      %parallel_loop3A_690 = arith.index_cast %parallel_loop3A_689 : i32 to index
      %parallel_loop3A_691 = arith.index_cast %parallel_loop3A_184 : i32 to index
      %parallel_loop3A_692 = arith.constant 992 : index
      %parallel_loop3A_693 = tpu.vector_load %arg4[%parallel_loop3A_690, %parallel_loop3A_691, %parallel_loop3A_692] {strides = array<i32>} : memref<2x32x1024xf32, #tpu.memory_space<vmem>>, vector<1x1x16xf32>,
      %parallel_loop3A_694 = vector.shape_cast %parallel_loop3A_693 : vector<1x1x16xf32> to vector<16xf32>
      %parallel_loop3A_695 = math.absf %parallel_loop3A_694 : vector<16xf32>
      %parallel_loop3A_696 = arith.maximumf %parallel_loop3A_632, %parallel_loop3A_695 : vector<16xf32>
      %parallel_loop3A_697 = arith.constant 0 : i32
      %parallel_loop3A_698 = arith.index_cast %parallel_loop3A_697 : i32 to index
      %parallel_loop3A_699 = arith.index_cast %parallel_loop3A_184 : i32 to index
      %parallel_loop3A_700 = arith.constant 1008 : index
      %parallel_loop3A_701 = tpu.vector_load %arg4[%parallel_loop3A_698, %parallel_loop3A_699, %parallel_loop3A_700] {strides = array<i32>} : memref<2x32x1024xf32, #tpu.memory_space<vmem>>, vector<1x1x16xf32>,
      %parallel_loop3A_702 = vector.shape_cast %parallel_loop3A_701 : vector<1x1x16xf32> to vector<16xf32>
      %parallel_loop3A_703 = math.absf %parallel_loop3A_702 : vector<16xf32>
      %parallel_loop3A_704 = arith.maximumf %parallel_loop3A_640, %parallel_loop3A_703 : vector<16xf32>
      scf.yield %parallel_loop3A_648, %parallel_loop3A_656, %parallel_loop3A_664, %parallel_loop3A_672, %parallel_loop3A_680, %parallel_loop3A_688, %parallel_loop3A_696, %parallel_loop3A_704 : vector<16xf32>, vector<16xf32>, vector<16xf32>, vector<16xf32>, vector<16xf32>, vector<16xf32>, vector<16xf32>, vector<16xf32>
    } {sc.loop_unroll_factor = 1 : i64, sc.parallel_access}
    %add3A_124 = arith.constant 128 : i32
    %add3A_125 = arith.addi %mul3A_2, %add3A_124 : i32
    %dma_start3A_126 = arith.constant 0 : i32
    %dma_start3A_127 = arith.constant 0 : i32
    %dma_start3A_128 = arith.constant 0 : i32
    %dma_start3A_129 = tpu.memref_slice %arg4[%dma_start3A_126, %dma_start3A_127, %dma_start3A_128] : memref<2x32x1024xf32, #tpu.memory_space<vmem>> -> memref<1x32x1024xf32, #tpu.memory_space<vmem>>
    %dma_start3A_130 = tpu.memref_squeeze %dma_start3A_129 : memref<1x32x1024xf32, #tpu.memory_space<vmem>> -> memref<32x1024xf32, #tpu.memory_space<vmem>>
    %dma_start3A_131 = arith.constant 0 : i32
    %dma_start3A_132 = tpu.memref_slice %arg2[%add3A_125, %dma_start3A_131] : memref<16384x1024xf32, #tpu.memory_space<hbm>> -> memref<32x1024xf32, #tpu.memory_space<hbm>>
    %dma_start3A_133 = arith.constant 0 : i32
    %dma_start3A_134 = arith.constant 0 : i32
    %dma_start3A_135 = tpu.memref_slice %arg4[%dma_start3A_126, %dma_start3A_133, %dma_start3A_134] : memref<2x32x1024xf32, #tpu.memory_space<vmem>> -> memref<1x32x1024xf32, #tpu.memory_space<vmem>>
    %dma_start3A_136 = tpu.memref_squeeze %dma_start3A_135 : memref<1x32x1024xf32, #tpu.memory_space<vmem>> -> memref<32x1024xf32, #tpu.memory_space<vmem>>
    %dma_start3A_137 = arith.constant 0 : i32
    %dma_start3A_138 = tpu.memref_slice %arg2[%add3A_125, %dma_start3A_137] : memref<16384x1024xf32, #tpu.memory_space<hbm>> -> memref<32x1024xf32, #tpu.memory_space<hbm>>
    tpu.enqueue_dma source(%dma_start3A_138 : memref<32x1024xf32, #tpu.memory_space<hbm>>) target(%dma_start3A_136 : memref<32x1024xf32, #tpu.memory_space<vmem>>) target_semaphore(%arg6 : memref<!tpu.dma_semaphore, #tpu.memory_space<semaphore_mem>>)
    %dma_wait3A_139 = arith.constant 1 : i32
    %dma_wait3A_140 = arith.constant 0 : i32
    %dma_wait3A_141 = arith.constant 0 : i32
    %dma_wait3A_142 = tpu.memref_slice %arg4[%dma_wait3A_139, %dma_wait3A_140, %dma_wait3A_141] : memref<2x32x1024xf32, #tpu.memory_space<vmem>> -> memref<1x32x1024xf32, #tpu.memory_space<vmem>>
    %dma_wait3A_143 = tpu.memref_squeeze %dma_wait3A_142 : memref<1x32x1024xf32, #tpu.memory_space<vmem>> -> memref<32x1024xf32, #tpu.memory_space<vmem>>
    %dma_wait3A_144 = arith.constant 0 : i32
    %dma_wait3A_145 = tpu.memref_slice %arg2[%add3A_93, %dma_wait3A_144] : memref<16384x1024xf32, #tpu.memory_space<hbm>> -> memref<32x1024xf32, #tpu.memory_space<hbm>>
    %dma_wait3A_146 = arith.constant 0 : i32
    %dma_wait3A_147 = arith.constant 0 : i32
    %dma_wait3A_148 = tpu.memref_slice %arg4[%dma_wait3A_139, %dma_wait3A_146, %dma_wait3A_147] : memref<2x32x1024xf32, #tpu.memory_space<vmem>> -> memref<1x32x1024xf32, #tpu.memory_space<vmem>>
    %dma_wait3A_149 = tpu.memref_squeeze %dma_wait3A_148 : memref<1x32x1024xf32, #tpu.memory_space<vmem>> -> memref<32x1024xf32, #tpu.memory_space<vmem>>
    %dma_wait3A_150 = arith.constant 0 : i32
    %dma_wait3A_151 = tpu.memref_slice %arg2[%add3A_93, %dma_wait3A_150] : memref<16384x1024xf32, #tpu.memory_space<hbm>> -> memref<32x1024xf32, #tpu.memory_space<hbm>>
    tpu.wait_dma2 semaphore(%arg7 : memref<!tpu.dma_semaphore, #tpu.memory_space<semaphore_mem>>) src(%dma_wait3A_151 : memref<32x1024xf32, #tpu.memory_space<hbm>>) dst(%dma_wait3A_149 : memref<32x1024xf32, #tpu.memory_space<vmem>>)
    %parallel_loop3A_152 = arith.constant 0 : i32
    %parallel_loop3A_153 = arith.constant 32 : i32
    %parallel_loop3A_154 = arith.constant 1 : i32
    %parallel_loop3A_155:8 = scf.for %parallel_loop3A_184 = %parallel_loop3A_152 to %parallel_loop3A_153 step %parallel_loop3A_154 iter_args(%parallel_loop3A_185 = %parallel_loop3A_123#0, %parallel_loop3A_186 = %parallel_loop3A_123#1, %parallel_loop3A_187 = %parallel_loop3A_123#2, %parallel_loop3A_188 = %parallel_loop3A_123#3, %parallel_loop3A_189 = %parallel_loop3A_123#4, %parallel_loop3A_190 = %parallel_loop3A_123#5, %parallel_loop3A_191 = %parallel_loop3A_123#6, %parallel_loop3A_192 = %parallel_loop3A_123#7) -> (vector<16xf32>, vector<16xf32>, vector<16xf32>, vector<16xf32>, vector<16xf32>, vector<16xf32>, vector<16xf32>, vector<16xf32>)  : i32 {
      %parallel_loop3A_193 = arith.constant 1 : i32
      %parallel_loop3A_194 = arith.index_cast %parallel_loop3A_193 : i32 to index
      %parallel_loop3A_195 = arith.index_cast %parallel_loop3A_184 : i32 to index
      %parallel_loop3A_196 = arith.constant 0 : index
      %parallel_loop3A_197 = tpu.vector_load %arg4[%parallel_loop3A_194, %parallel_loop3A_195, %parallel_loop3A_196] {strides = array<i32>} : memref<2x32x1024xf32, #tpu.memory_space<vmem>>, vector<1x1x16xf32>,
      %parallel_loop3A_198 = vector.shape_cast %parallel_loop3A_197 : vector<1x1x16xf32> to vector<16xf32>
      %parallel_loop3A_199 = math.absf %parallel_loop3A_198 : vector<16xf32>
      %parallel_loop3A_200 = arith.maximumf %parallel_loop3A_185, %parallel_loop3A_199 : vector<16xf32>
      %parallel_loop3A_201 = arith.constant 1 : i32
      %parallel_loop3A_202 = arith.index_cast %parallel_loop3A_201 : i32 to index
      %parallel_loop3A_203 = arith.index_cast %parallel_loop3A_184 : i32 to index
      %parallel_loop3A_204 = arith.constant 16 : index
      %parallel_loop3A_205 = tpu.vector_load %arg4[%parallel_loop3A_202, %parallel_loop3A_203, %parallel_loop3A_204] {strides = array<i32>} : memref<2x32x1024xf32, #tpu.memory_space<vmem>>, vector<1x1x16xf32>,
      %parallel_loop3A_206 = vector.shape_cast %parallel_loop3A_205 : vector<1x1x16xf32> to vector<16xf32>
      %parallel_loop3A_207 = math.absf %parallel_loop3A_206 : vector<16xf32>
      %parallel_loop3A_208 = arith.maximumf %parallel_loop3A_186, %parallel_loop3A_207 : vector<16xf32>
      %parallel_loop3A_209 = arith.constant 1 : i32
      %parallel_loop3A_210 = arith.index_cast %parallel_loop3A_209 : i32 to index
      %parallel_loop3A_211 = arith.index_cast %parallel_loop3A_184 : i32 to index
      %parallel_loop3A_212 = arith.constant 32 : index
      %parallel_loop3A_213 = tpu.vector_load %arg4[%parallel_loop3A_210, %parallel_loop3A_211, %parallel_loop3A_212] {strides = array<i32>} : memref<2x32x1024xf32, #tpu.memory_space<vmem>>, vector<1x1x16xf32>,
      %parallel_loop3A_214 = vector.shape_cast %parallel_loop3A_213 : vector<1x1x16xf32> to vector<16xf32>
      %parallel_loop3A_215 = math.absf %parallel_loop3A_214 : vector<16xf32>
      %parallel_loop3A_216 = arith.maximumf %parallel_loop3A_187, %parallel_loop3A_215 : vector<16xf32>
      %parallel_loop3A_217 = arith.constant 1 : i32
      %parallel_loop3A_218 = arith.index_cast %parallel_loop3A_217 : i32 to index
      %parallel_loop3A_219 = arith.index_cast %parallel_loop3A_184 : i32 to index
      %parallel_loop3A_220 = arith.constant 48 : index
      %parallel_loop3A_221 = tpu.vector_load %arg4[%parallel_loop3A_218, %parallel_loop3A_219, %parallel_loop3A_220] {strides = array<i32>} : memref<2x32x1024xf32, #tpu.memory_space<vmem>>, vector<1x1x16xf32>,
      %parallel_loop3A_222 = vector.shape_cast %parallel_loop3A_221 : vector<1x1x16xf32> to vector<16xf32>
      %parallel_loop3A_223 = math.absf %parallel_loop3A_222 : vector<16xf32>
      %parallel_loop3A_224 = arith.maximumf %parallel_loop3A_188, %parallel_loop3A_223 : vector<16xf32>
      %parallel_loop3A_225 = arith.constant 1 : i32
      %parallel_loop3A_226 = arith.index_cast %parallel_loop3A_225 : i32 to index
      %parallel_loop3A_227 = arith.index_cast %parallel_loop3A_184 : i32 to index
      %parallel_loop3A_228 = arith.constant 64 : index
      %parallel_loop3A_229 = tpu.vector_load %arg4[%parallel_loop3A_226, %parallel_loop3A_227, %parallel_loop3A_228] {strides = array<i32>} : memref<2x32x1024xf32, #tpu.memory_space<vmem>>, vector<1x1x16xf32>,
      %parallel_loop3A_230 = vector.shape_cast %parallel_loop3A_229 : vector<1x1x16xf32> to vector<16xf32>
      %parallel_loop3A_231 = math.absf %parallel_loop3A_230 : vector<16xf32>
      %parallel_loop3A_232 = arith.maximumf %parallel_loop3A_189, %parallel_loop3A_231 : vector<16xf32>
      %parallel_loop3A_233 = arith.constant 1 : i32
      %parallel_loop3A_234 = arith.index_cast %parallel_loop3A_233 : i32 to index
      %parallel_loop3A_235 = arith.index_cast %parallel_loop3A_184 : i32 to index
      %parallel_loop3A_236 = arith.constant 80 : index
      %parallel_loop3A_237 = tpu.vector_load %arg4[%parallel_loop3A_234, %parallel_loop3A_235, %parallel_loop3A_236] {strides = array<i32>} : memref<2x32x1024xf32, #tpu.memory_space<vmem>>, vector<1x1x16xf32>,
      %parallel_loop3A_238 = vector.shape_cast %parallel_loop3A_237 : vector<1x1x16xf32> to vector<16xf32>
      %parallel_loop3A_239 = math.absf %parallel_loop3A_238 : vector<16xf32>
      %parallel_loop3A_240 = arith.maximumf %parallel_loop3A_190, %parallel_loop3A_239 : vector<16xf32>
      %parallel_loop3A_241 = arith.constant 1 : i32
      %parallel_loop3A_242 = arith.index_cast %parallel_loop3A_241 : i32 to index
      %parallel_loop3A_243 = arith.index_cast %parallel_loop3A_184 : i32 to index
      %parallel_loop3A_244 = arith.constant 96 : index
      %parallel_loop3A_245 = tpu.vector_load %arg4[%parallel_loop3A_242, %parallel_loop3A_243, %parallel_loop3A_244] {strides = array<i32>} : memref<2x32x1024xf32, #tpu.memory_space<vmem>>, vector<1x1x16xf32>,
      %parallel_loop3A_246 = vector.shape_cast %parallel_loop3A_245 : vector<1x1x16xf32> to vector<16xf32>
      %parallel_loop3A_247 = math.absf %parallel_loop3A_246 : vector<16xf32>
      %parallel_loop3A_248 = arith.maximumf %parallel_loop3A_191, %parallel_loop3A_247 : vector<16xf32>
      %parallel_loop3A_249 = arith.constant 1 : i32
      %parallel_loop3A_250 = arith.index_cast %parallel_loop3A_249 : i32 to index
      %parallel_loop3A_251 = arith.index_cast %parallel_loop3A_184 : i32 to index
      %parallel_loop3A_252 = arith.constant 112 : index
      %parallel_loop3A_253 = tpu.vector_load %arg4[%parallel_loop3A_250, %parallel_loop3A_251, %parallel_loop3A_252] {strides = array<i32>} : memref<2x32x1024xf32, #tpu.memory_space<vmem>>, vector<1x1x16xf32>,
      %parallel_loop3A_254 = vector.shape_cast %parallel_loop3A_253 : vector<1x1x16xf32> to vector<16xf32>
      %parallel_loop3A_255 = math.absf %parallel_loop3A_254 : vector<16xf32>
      %parallel_loop3A_256 = arith.maximumf %parallel_loop3A_192, %parallel_loop3A_255 : vector<16xf32>
      %parallel_loop3A_257 = arith.constant 1 : i32
      %parallel_loop3A_258 = arith.index_cast %parallel_loop3A_257 : i32 to index
      %parallel_loop3A_259 = arith.index_cast %parallel_loop3A_184 : i32 to index
      %parallel_loop3A_260 = arith.constant 128 : index
      %parallel_loop3A_261 = tpu.vector_load %arg4[%parallel_loop3A_258, %parallel_loop3A_259, %parallel_loop3A_260] {strides = array<i32>} : memref<2x32x1024xf32, #tpu.memory_space<vmem>>, vector<1x1x16xf32>,
      %parallel_loop3A_262 = vector.shape_cast %parallel_loop3A_261 : vector<1x1x16xf32> to vector<16xf32>
      %parallel_loop3A_263 = math.absf %parallel_loop3A_262 : vector<16xf32>
      %parallel_loop3A_264 = arith.maximumf %parallel_loop3A_200, %parallel_loop3A_263 : vector<16xf32>
      %parallel_loop3A_265 = arith.constant 1 : i32
      %parallel_loop3A_266 = arith.index_cast %parallel_loop3A_265 : i32 to index
      %parallel_loop3A_267 = arith.index_cast %parallel_loop3A_184 : i32 to index
      %parallel_loop3A_268 = arith.constant 144 : index
      %parallel_loop3A_269 = tpu.vector_load %arg4[%parallel_loop3A_266, %parallel_loop3A_267, %parallel_loop3A_268] {strides = array<i32>} : memref<2x32x1024xf32, #tpu.memory_space<vmem>>, vector<1x1x16xf32>,
      %parallel_loop3A_270 = vector.shape_cast %parallel_loop3A_269 : vector<1x1x16xf32> to vector<16xf32>
      %parallel_loop3A_271 = math.absf %parallel_loop3A_270 : vector<16xf32>
      %parallel_loop3A_272 = arith.maximumf %parallel_loop3A_208, %parallel_loop3A_271 : vector<16xf32>
      %parallel_loop3A_273 = arith.constant 1 : i32
      %parallel_loop3A_274 = arith.index_cast %parallel_loop3A_273 : i32 to index
      %parallel_loop3A_275 = arith.index_cast %parallel_loop3A_184 : i32 to index
      %parallel_loop3A_276 = arith.constant 160 : index
      %parallel_loop3A_277 = tpu.vector_load %arg4[%parallel_loop3A_274, %parallel_loop3A_275, %parallel_loop3A_276] {strides = array<i32>} : memref<2x32x1024xf32, #tpu.memory_space<vmem>>, vector<1x1x16xf32>,
      %parallel_loop3A_278 = vector.shape_cast %parallel_loop3A_277 : vector<1x1x16xf32> to vector<16xf32>
      %parallel_loop3A_279 = math.absf %parallel_loop3A_278 : vector<16xf32>
      %parallel_loop3A_280 = arith.maximumf %parallel_loop3A_216, %parallel_loop3A_279 : vector<16xf32>
      %parallel_loop3A_281 = arith.constant 1 : i32
      %parallel_loop3A_282 = arith.index_cast %parallel_loop3A_281 : i32 to index
      %parallel_loop3A_283 = arith.index_cast %parallel_loop3A_184 : i32 to index
      %parallel_loop3A_284 = arith.constant 176 : index
      %parallel_loop3A_285 = tpu.vector_load %arg4[%parallel_loop3A_282, %parallel_loop3A_283, %parallel_loop3A_284] {strides = array<i32>} : memref<2x32x1024xf32, #tpu.memory_space<vmem>>, vector<1x1x16xf32>,
      %parallel_loop3A_286 = vector.shape_cast %parallel_loop3A_285 : vector<1x1x16xf32> to vector<16xf32>
      %parallel_loop3A_287 = math.absf %parallel_loop3A_286 : vector<16xf32>
      %parallel_loop3A_288 = arith.maximumf %parallel_loop3A_224, %parallel_loop3A_287 : vector<16xf32>
      %parallel_loop3A_289 = arith.constant 1 : i32
      %parallel_loop3A_290 = arith.index_cast %parallel_loop3A_289 : i32 to index
      %parallel_loop3A_291 = arith.index_cast %parallel_loop3A_184 : i32 to index
      %parallel_loop3A_292 = arith.constant 192 : index
      %parallel_loop3A_293 = tpu.vector_load %arg4[%parallel_loop3A_290, %parallel_loop3A_291, %parallel_loop3A_292] {strides = array<i32>} : memref<2x32x1024xf32, #tpu.memory_space<vmem>>, vector<1x1x16xf32>,
      %parallel_loop3A_294 = vector.shape_cast %parallel_loop3A_293 : vector<1x1x16xf32> to vector<16xf32>
      %parallel_loop3A_295 = math.absf %parallel_loop3A_294 : vector<16xf32>
      %parallel_loop3A_296 = arith.maximumf %parallel_loop3A_232, %parallel_loop3A_295 : vector<16xf32>
      %parallel_loop3A_297 = arith.constant 1 : i32
      %parallel_loop3A_298 = arith.index_cast %parallel_loop3A_297 : i32 to index
      %parallel_loop3A_299 = arith.index_cast %parallel_loop3A_184 : i32 to index
      %parallel_loop3A_300 = arith.constant 208 : index
      %parallel_loop3A_301 = tpu.vector_load %arg4[%parallel_loop3A_298, %parallel_loop3A_299, %parallel_loop3A_300] {strides = array<i32>} : memref<2x32x1024xf32, #tpu.memory_space<vmem>>, vector<1x1x16xf32>,
      %parallel_loop3A_302 = vector.shape_cast %parallel_loop3A_301 : vector<1x1x16xf32> to vector<16xf32>
      %parallel_loop3A_303 = math.absf %parallel_loop3A_302 : vector<16xf32>
      %parallel_loop3A_304 = arith.maximumf %parallel_loop3A_240, %parallel_loop3A_303 : vector<16xf32>
      %parallel_loop3A_305 = arith.constant 1 : i32
      %parallel_loop3A_306 = arith.index_cast %parallel_loop3A_305 : i32 to index
      %parallel_loop3A_307 = arith.index_cast %parallel_loop3A_184 : i32 to index
      %parallel_loop3A_308 = arith.constant 224 : index
      %parallel_loop3A_309 = tpu.vector_load %arg4[%parallel_loop3A_306, %parallel_loop3A_307, %parallel_loop3A_308] {strides = array<i32>} : memref<2x32x1024xf32, #tpu.memory_space<vmem>>, vector<1x1x16xf32>,
      %parallel_loop3A_310 = vector.shape_cast %parallel_loop3A_309 : vector<1x1x16xf32> to vector<16xf32>
      %parallel_loop3A_311 = math.absf %parallel_loop3A_310 : vector<16xf32>
      %parallel_loop3A_312 = arith.maximumf %parallel_loop3A_248, %parallel_loop3A_311 : vector<16xf32>
      %parallel_loop3A_313 = arith.constant 1 : i32
      %parallel_loop3A_314 = arith.index_cast %parallel_loop3A_313 : i32 to index
      %parallel_loop3A_315 = arith.index_cast %parallel_loop3A_184 : i32 to index
      %parallel_loop3A_316 = arith.constant 240 : index
      %parallel_loop3A_317 = tpu.vector_load %arg4[%parallel_loop3A_314, %parallel_loop3A_315, %parallel_loop3A_316] {strides = array<i32>} : memref<2x32x1024xf32, #tpu.memory_space<vmem>>, vector<1x1x16xf32>,
      %parallel_loop3A_318 = vector.shape_cast %parallel_loop3A_317 : vector<1x1x16xf32> to vector<16xf32>
      %parallel_loop3A_319 = math.absf %parallel_loop3A_318 : vector<16xf32>
      %parallel_loop3A_320 = arith.maximumf %parallel_loop3A_256, %parallel_loop3A_319 : vector<16xf32>
      %parallel_loop3A_321 = arith.constant 1 : i32
      %parallel_loop3A_322 = arith.index_cast %parallel_loop3A_321 : i32 to index
      %parallel_loop3A_323 = arith.index_cast %parallel_loop3A_184 : i32 to index
      %parallel_loop3A_324 = arith.constant 256 : index
      %parallel_loop3A_325 = tpu.vector_load %arg4[%parallel_loop3A_322, %parallel_loop3A_323, %parallel_loop3A_324] {strides = array<i32>} : memref<2x32x1024xf32, #tpu.memory_space<vmem>>, vector<1x1x16xf32>,
      %parallel_loop3A_326 = vector.shape_cast %parallel_loop3A_325 : vector<1x1x16xf32> to vector<16xf32>
      %parallel_loop3A_327 = math.absf %parallel_loop3A_326 : vector<16xf32>
      %parallel_loop3A_328 = arith.maximumf %parallel_loop3A_264, %parallel_loop3A_327 : vector<16xf32>
      %parallel_loop3A_329 = arith.constant 1 : i32
      %parallel_loop3A_330 = arith.index_cast %parallel_loop3A_329 : i32 to index
      %parallel_loop3A_331 = arith.index_cast %parallel_loop3A_184 : i32 to index
      %parallel_loop3A_332 = arith.constant 272 : index
      %parallel_loop3A_333 = tpu.vector_load %arg4[%parallel_loop3A_330, %parallel_loop3A_331, %parallel_loop3A_332] {strides = array<i32>} : memref<2x32x1024xf32, #tpu.memory_space<vmem>>, vector<1x1x16xf32>,
      %parallel_loop3A_334 = vector.shape_cast %parallel_loop3A_333 : vector<1x1x16xf32> to vector<16xf32>
      %parallel_loop3A_335 = math.absf %parallel_loop3A_334 : vector<16xf32>
      %parallel_loop3A_336 = arith.maximumf %parallel_loop3A_272, %parallel_loop3A_335 : vector<16xf32>
      %parallel_loop3A_337 = arith.constant 1 : i32
      %parallel_loop3A_338 = arith.index_cast %parallel_loop3A_337 : i32 to index
      %parallel_loop3A_339 = arith.index_cast %parallel_loop3A_184 : i32 to index
      %parallel_loop3A_340 = arith.constant 288 : index
      %parallel_loop3A_341 = tpu.vector_load %arg4[%parallel_loop3A_338, %parallel_loop3A_339, %parallel_loop3A_340] {strides = array<i32>} : memref<2x32x1024xf32, #tpu.memory_space<vmem>>, vector<1x1x16xf32>,
      %parallel_loop3A_342 = vector.shape_cast %parallel_loop3A_341 : vector<1x1x16xf32> to vector<16xf32>
      %parallel_loop3A_343 = math.absf %parallel_loop3A_342 : vector<16xf32>
      %parallel_loop3A_344 = arith.maximumf %parallel_loop3A_280, %parallel_loop3A_343 : vector<16xf32>
      %parallel_loop3A_345 = arith.constant 1 : i32
      %parallel_loop3A_346 = arith.index_cast %parallel_loop3A_345 : i32 to index
      %parallel_loop3A_347 = arith.index_cast %parallel_loop3A_184 : i32 to index
      %parallel_loop3A_348 = arith.constant 304 : index
      %parallel_loop3A_349 = tpu.vector_load %arg4[%parallel_loop3A_346, %parallel_loop3A_347, %parallel_loop3A_348] {strides = array<i32>} : memref<2x32x1024xf32, #tpu.memory_space<vmem>>, vector<1x1x16xf32>,
      %parallel_loop3A_350 = vector.shape_cast %parallel_loop3A_349 : vector<1x1x16xf32> to vector<16xf32>
      %parallel_loop3A_351 = math.absf %parallel_loop3A_350 : vector<16xf32>
      %parallel_loop3A_352 = arith.maximumf %parallel_loop3A_288, %parallel_loop3A_351 : vector<16xf32>
      %parallel_loop3A_353 = arith.constant 1 : i32
      %parallel_loop3A_354 = arith.index_cast %parallel_loop3A_353 : i32 to index
      %parallel_loop3A_355 = arith.index_cast %parallel_loop3A_184 : i32 to index
      %parallel_loop3A_356 = arith.constant 320 : index
      %parallel_loop3A_357 = tpu.vector_load %arg4[%parallel_loop3A_354, %parallel_loop3A_355, %parallel_loop3A_356] {strides = array<i32>} : memref<2x32x1024xf32, #tpu.memory_space<vmem>>, vector<1x1x16xf32>,
      %parallel_loop3A_358 = vector.shape_cast %parallel_loop3A_357 : vector<1x1x16xf32> to vector<16xf32>
      %parallel_loop3A_359 = math.absf %parallel_loop3A_358 : vector<16xf32>
      %parallel_loop3A_360 = arith.maximumf %parallel_loop3A_296, %parallel_loop3A_359 : vector<16xf32>
      %parallel_loop3A_361 = arith.constant 1 : i32
      %parallel_loop3A_362 = arith.index_cast %parallel_loop3A_361 : i32 to index
      %parallel_loop3A_363 = arith.index_cast %parallel_loop3A_184 : i32 to index
      %parallel_loop3A_364 = arith.constant 336 : index
      %parallel_loop3A_365 = tpu.vector_load %arg4[%parallel_loop3A_362, %parallel_loop3A_363, %parallel_loop3A_364] {strides = array<i32>} : memref<2x32x1024xf32, #tpu.memory_space<vmem>>, vector<1x1x16xf32>,
      %parallel_loop3A_366 = vector.shape_cast %parallel_loop3A_365 : vector<1x1x16xf32> to vector<16xf32>
      %parallel_loop3A_367 = math.absf %parallel_loop3A_366 : vector<16xf32>
      %parallel_loop3A_368 = arith.maximumf %parallel_loop3A_304, %parallel_loop3A_367 : vector<16xf32>
      %parallel_loop3A_369 = arith.constant 1 : i32
      %parallel_loop3A_370 = arith.index_cast %parallel_loop3A_369 : i32 to index
      %parallel_loop3A_371 = arith.index_cast %parallel_loop3A_184 : i32 to index
      %parallel_loop3A_372 = arith.constant 352 : index
      %parallel_loop3A_373 = tpu.vector_load %arg4[%parallel_loop3A_370, %parallel_loop3A_371, %parallel_loop3A_372] {strides = array<i32>} : memref<2x32x1024xf32, #tpu.memory_space<vmem>>, vector<1x1x16xf32>,
      %parallel_loop3A_374 = vector.shape_cast %parallel_loop3A_373 : vector<1x1x16xf32> to vector<16xf32>
      %parallel_loop3A_375 = math.absf %parallel_loop3A_374 : vector<16xf32>
      %parallel_loop3A_376 = arith.maximumf %parallel_loop3A_312, %parallel_loop3A_375 : vector<16xf32>
      %parallel_loop3A_377 = arith.constant 1 : i32
      %parallel_loop3A_378 = arith.index_cast %parallel_loop3A_377 : i32 to index
      %parallel_loop3A_379 = arith.index_cast %parallel_loop3A_184 : i32 to index
      %parallel_loop3A_380 = arith.constant 368 : index
      %parallel_loop3A_381 = tpu.vector_load %arg4[%parallel_loop3A_378, %parallel_loop3A_379, %parallel_loop3A_380] {strides = array<i32>} : memref<2x32x1024xf32, #tpu.memory_space<vmem>>, vector<1x1x16xf32>,
      %parallel_loop3A_382 = vector.shape_cast %parallel_loop3A_381 : vector<1x1x16xf32> to vector<16xf32>
      %parallel_loop3A_383 = math.absf %parallel_loop3A_382 : vector<16xf32>
      %parallel_loop3A_384 = arith.maximumf %parallel_loop3A_320, %parallel_loop3A_383 : vector<16xf32>
      %parallel_loop3A_385 = arith.constant 1 : i32
      %parallel_loop3A_386 = arith.index_cast %parallel_loop3A_385 : i32 to index
      %parallel_loop3A_387 = arith.index_cast %parallel_loop3A_184 : i32 to index
      %parallel_loop3A_388 = arith.constant 384 : index
      %parallel_loop3A_389 = tpu.vector_load %arg4[%parallel_loop3A_386, %parallel_loop3A_387, %parallel_loop3A_388] {strides = array<i32>} : memref<2x32x1024xf32, #tpu.memory_space<vmem>>, vector<1x1x16xf32>,
      %parallel_loop3A_390 = vector.shape_cast %parallel_loop3A_389 : vector<1x1x16xf32> to vector<16xf32>
      %parallel_loop3A_391 = math.absf %parallel_loop3A_390 : vector<16xf32>
      %parallel_loop3A_392 = arith.maximumf %parallel_loop3A_328, %parallel_loop3A_391 : vector<16xf32>
      %parallel_loop3A_393 = arith.constant 1 : i32
      %parallel_loop3A_394 = arith.index_cast %parallel_loop3A_393 : i32 to index
      %parallel_loop3A_395 = arith.index_cast %parallel_loop3A_184 : i32 to index
      %parallel_loop3A_396 = arith.constant 400 : index
      %parallel_loop3A_397 = tpu.vector_load %arg4[%parallel_loop3A_394, %parallel_loop3A_395, %parallel_loop3A_396] {strides = array<i32>} : memref<2x32x1024xf32, #tpu.memory_space<vmem>>, vector<1x1x16xf32>,
      %parallel_loop3A_398 = vector.shape_cast %parallel_loop3A_397 : vector<1x1x16xf32> to vector<16xf32>
      %parallel_loop3A_399 = math.absf %parallel_loop3A_398 : vector<16xf32>
      %parallel_loop3A_400 = arith.maximumf %parallel_loop3A_336, %parallel_loop3A_399 : vector<16xf32>
      %parallel_loop3A_401 = arith.constant 1 : i32
      %parallel_loop3A_402 = arith.index_cast %parallel_loop3A_401 : i32 to index
      %parallel_loop3A_403 = arith.index_cast %parallel_loop3A_184 : i32 to index
      %parallel_loop3A_404 = arith.constant 416 : index
      %parallel_loop3A_405 = tpu.vector_load %arg4[%parallel_loop3A_402, %parallel_loop3A_403, %parallel_loop3A_404] {strides = array<i32>} : memref<2x32x1024xf32, #tpu.memory_space<vmem>>, vector<1x1x16xf32>,
      %parallel_loop3A_406 = vector.shape_cast %parallel_loop3A_405 : vector<1x1x16xf32> to vector<16xf32>
      %parallel_loop3A_407 = math.absf %parallel_loop3A_406 : vector<16xf32>
      %parallel_loop3A_408 = arith.maximumf %parallel_loop3A_344, %parallel_loop3A_407 : vector<16xf32>
      %parallel_loop3A_409 = arith.constant 1 : i32
      %parallel_loop3A_410 = arith.index_cast %parallel_loop3A_409 : i32 to index
      %parallel_loop3A_411 = arith.index_cast %parallel_loop3A_184 : i32 to index
      %parallel_loop3A_412 = arith.constant 432 : index
      %parallel_loop3A_413 = tpu.vector_load %arg4[%parallel_loop3A_410, %parallel_loop3A_411, %parallel_loop3A_412] {strides = array<i32>} : memref<2x32x1024xf32, #tpu.memory_space<vmem>>, vector<1x1x16xf32>,
      %parallel_loop3A_414 = vector.shape_cast %parallel_loop3A_413 : vector<1x1x16xf32> to vector<16xf32>
      %parallel_loop3A_415 = math.absf %parallel_loop3A_414 : vector<16xf32>
      %parallel_loop3A_416 = arith.maximumf %parallel_loop3A_352, %parallel_loop3A_415 : vector<16xf32>
      %parallel_loop3A_417 = arith.constant 1 : i32
      %parallel_loop3A_418 = arith.index_cast %parallel_loop3A_417 : i32 to index
      %parallel_loop3A_419 = arith.index_cast %parallel_loop3A_184 : i32 to index
      %parallel_loop3A_420 = arith.constant 448 : index
      %parallel_loop3A_421 = tpu.vector_load %arg4[%parallel_loop3A_418, %parallel_loop3A_419, %parallel_loop3A_420] {strides = array<i32>} : memref<2x32x1024xf32, #tpu.memory_space<vmem>>, vector<1x1x16xf32>,
      %parallel_loop3A_422 = vector.shape_cast %parallel_loop3A_421 : vector<1x1x16xf32> to vector<16xf32>
      %parallel_loop3A_423 = math.absf %parallel_loop3A_422 : vector<16xf32>
      %parallel_loop3A_424 = arith.maximumf %parallel_loop3A_360, %parallel_loop3A_423 : vector<16xf32>
      %parallel_loop3A_425 = arith.constant 1 : i32
      %parallel_loop3A_426 = arith.index_cast %parallel_loop3A_425 : i32 to index
      %parallel_loop3A_427 = arith.index_cast %parallel_loop3A_184 : i32 to index
      %parallel_loop3A_428 = arith.constant 464 : index
      %parallel_loop3A_429 = tpu.vector_load %arg4[%parallel_loop3A_426, %parallel_loop3A_427, %parallel_loop3A_428] {strides = array<i32>} : memref<2x32x1024xf32, #tpu.memory_space<vmem>>, vector<1x1x16xf32>,
      %parallel_loop3A_430 = vector.shape_cast %parallel_loop3A_429 : vector<1x1x16xf32> to vector<16xf32>
      %parallel_loop3A_431 = math.absf %parallel_loop3A_430 : vector<16xf32>
      %parallel_loop3A_432 = arith.maximumf %parallel_loop3A_368, %parallel_loop3A_431 : vector<16xf32>
      %parallel_loop3A_433 = arith.constant 1 : i32
      %parallel_loop3A_434 = arith.index_cast %parallel_loop3A_433 : i32 to index
      %parallel_loop3A_435 = arith.index_cast %parallel_loop3A_184 : i32 to index
      %parallel_loop3A_436 = arith.constant 480 : index
      %parallel_loop3A_437 = tpu.vector_load %arg4[%parallel_loop3A_434, %parallel_loop3A_435, %parallel_loop3A_436] {strides = array<i32>} : memref<2x32x1024xf32, #tpu.memory_space<vmem>>, vector<1x1x16xf32>,
      %parallel_loop3A_438 = vector.shape_cast %parallel_loop3A_437 : vector<1x1x16xf32> to vector<16xf32>
      %parallel_loop3A_439 = math.absf %parallel_loop3A_438 : vector<16xf32>
      %parallel_loop3A_440 = arith.maximumf %parallel_loop3A_376, %parallel_loop3A_439 : vector<16xf32>
      %parallel_loop3A_441 = arith.constant 1 : i32
      %parallel_loop3A_442 = arith.index_cast %parallel_loop3A_441 : i32 to index
      %parallel_loop3A_443 = arith.index_cast %parallel_loop3A_184 : i32 to index
      %parallel_loop3A_444 = arith.constant 496 : index
      %parallel_loop3A_445 = tpu.vector_load %arg4[%parallel_loop3A_442, %parallel_loop3A_443, %parallel_loop3A_444] {strides = array<i32>} : memref<2x32x1024xf32, #tpu.memory_space<vmem>>, vector<1x1x16xf32>,
      %parallel_loop3A_446 = vector.shape_cast %parallel_loop3A_445 : vector<1x1x16xf32> to vector<16xf32>
      %parallel_loop3A_447 = math.absf %parallel_loop3A_446 : vector<16xf32>
      %parallel_loop3A_448 = arith.maximumf %parallel_loop3A_384, %parallel_loop3A_447 : vector<16xf32>
      %parallel_loop3A_449 = arith.constant 1 : i32
      %parallel_loop3A_450 = arith.index_cast %parallel_loop3A_449 : i32 to index
      %parallel_loop3A_451 = arith.index_cast %parallel_loop3A_184 : i32 to index
      %parallel_loop3A_452 = arith.constant 512 : index
      %parallel_loop3A_453 = tpu.vector_load %arg4[%parallel_loop3A_450, %parallel_loop3A_451, %parallel_loop3A_452] {strides = array<i32>} : memref<2x32x1024xf32, #tpu.memory_space<vmem>>, vector<1x1x16xf32>,
      %parallel_loop3A_454 = vector.shape_cast %parallel_loop3A_453 : vector<1x1x16xf32> to vector<16xf32>
      %parallel_loop3A_455 = math.absf %parallel_loop3A_454 : vector<16xf32>
      %parallel_loop3A_456 = arith.maximumf %parallel_loop3A_392, %parallel_loop3A_455 : vector<16xf32>
      %parallel_loop3A_457 = arith.constant 1 : i32
      %parallel_loop3A_458 = arith.index_cast %parallel_loop3A_457 : i32 to index
      %parallel_loop3A_459 = arith.index_cast %parallel_loop3A_184 : i32 to index
      %parallel_loop3A_460 = arith.constant 528 : index
      %parallel_loop3A_461 = tpu.vector_load %arg4[%parallel_loop3A_458, %parallel_loop3A_459, %parallel_loop3A_460] {strides = array<i32>} : memref<2x32x1024xf32, #tpu.memory_space<vmem>>, vector<1x1x16xf32>,
      %parallel_loop3A_462 = vector.shape_cast %parallel_loop3A_461 : vector<1x1x16xf32> to vector<16xf32>
      %parallel_loop3A_463 = math.absf %parallel_loop3A_462 : vector<16xf32>
      %parallel_loop3A_464 = arith.maximumf %parallel_loop3A_400, %parallel_loop3A_463 : vector<16xf32>
      %parallel_loop3A_465 = arith.constant 1 : i32
      %parallel_loop3A_466 = arith.index_cast %parallel_loop3A_465 : i32 to index
      %parallel_loop3A_467 = arith.index_cast %parallel_loop3A_184 : i32 to index
      %parallel_loop3A_468 = arith.constant 544 : index
      %parallel_loop3A_469 = tpu.vector_load %arg4[%parallel_loop3A_466, %parallel_loop3A_467, %parallel_loop3A_468] {strides = array<i32>} : memref<2x32x1024xf32, #tpu.memory_space<vmem>>, vector<1x1x16xf32>,
      %parallel_loop3A_470 = vector.shape_cast %parallel_loop3A_469 : vector<1x1x16xf32> to vector<16xf32>
      %parallel_loop3A_471 = math.absf %parallel_loop3A_470 : vector<16xf32>
      %parallel_loop3A_472 = arith.maximumf %parallel_loop3A_408, %parallel_loop3A_471 : vector<16xf32>
      %parallel_loop3A_473 = arith.constant 1 : i32
      %parallel_loop3A_474 = arith.index_cast %parallel_loop3A_473 : i32 to index
      %parallel_loop3A_475 = arith.index_cast %parallel_loop3A_184 : i32 to index
      %parallel_loop3A_476 = arith.constant 560 : index
      %parallel_loop3A_477 = tpu.vector_load %arg4[%parallel_loop3A_474, %parallel_loop3A_475, %parallel_loop3A_476] {strides = array<i32>} : memref<2x32x1024xf32, #tpu.memory_space<vmem>>, vector<1x1x16xf32>,
      %parallel_loop3A_478 = vector.shape_cast %parallel_loop3A_477 : vector<1x1x16xf32> to vector<16xf32>
      %parallel_loop3A_479 = math.absf %parallel_loop3A_478 : vector<16xf32>
      %parallel_loop3A_480 = arith.maximumf %parallel_loop3A_416, %parallel_loop3A_479 : vector<16xf32>
      %parallel_loop3A_481 = arith.constant 1 : i32
      %parallel_loop3A_482 = arith.index_cast %parallel_loop3A_481 : i32 to index
      %parallel_loop3A_483 = arith.index_cast %parallel_loop3A_184 : i32 to index
      %parallel_loop3A_484 = arith.constant 576 : index
      %parallel_loop3A_485 = tpu.vector_load %arg4[%parallel_loop3A_482, %parallel_loop3A_483, %parallel_loop3A_484] {strides = array<i32>} : memref<2x32x1024xf32, #tpu.memory_space<vmem>>, vector<1x1x16xf32>,
      %parallel_loop3A_486 = vector.shape_cast %parallel_loop3A_485 : vector<1x1x16xf32> to vector<16xf32>
      %parallel_loop3A_487 = math.absf %parallel_loop3A_486 : vector<16xf32>
      %parallel_loop3A_488 = arith.maximumf %parallel_loop3A_424, %parallel_loop3A_487 : vector<16xf32>
      %parallel_loop3A_489 = arith.constant 1 : i32
      %parallel_loop3A_490 = arith.index_cast %parallel_loop3A_489 : i32 to index
      %parallel_loop3A_491 = arith.index_cast %parallel_loop3A_184 : i32 to index
      %parallel_loop3A_492 = arith.constant 592 : index
      %parallel_loop3A_493 = tpu.vector_load %arg4[%parallel_loop3A_490, %parallel_loop3A_491, %parallel_loop3A_492] {strides = array<i32>} : memref<2x32x1024xf32, #tpu.memory_space<vmem>>, vector<1x1x16xf32>,
      %parallel_loop3A_494 = vector.shape_cast %parallel_loop3A_493 : vector<1x1x16xf32> to vector<16xf32>
      %parallel_loop3A_495 = math.absf %parallel_loop3A_494 : vector<16xf32>
      %parallel_loop3A_496 = arith.maximumf %parallel_loop3A_432, %parallel_loop3A_495 : vector<16xf32>
      %parallel_loop3A_497 = arith.constant 1 : i32
      %parallel_loop3A_498 = arith.index_cast %parallel_loop3A_497 : i32 to index
      %parallel_loop3A_499 = arith.index_cast %parallel_loop3A_184 : i32 to index
      %parallel_loop3A_500 = arith.constant 608 : index
      %parallel_loop3A_501 = tpu.vector_load %arg4[%parallel_loop3A_498, %parallel_loop3A_499, %parallel_loop3A_500] {strides = array<i32>} : memref<2x32x1024xf32, #tpu.memory_space<vmem>>, vector<1x1x16xf32>,
      %parallel_loop3A_502 = vector.shape_cast %parallel_loop3A_501 : vector<1x1x16xf32> to vector<16xf32>
      %parallel_loop3A_503 = math.absf %parallel_loop3A_502 : vector<16xf32>
      %parallel_loop3A_504 = arith.maximumf %parallel_loop3A_440, %parallel_loop3A_503 : vector<16xf32>
      %parallel_loop3A_505 = arith.constant 1 : i32
      %parallel_loop3A_506 = arith.index_cast %parallel_loop3A_505 : i32 to index
      %parallel_loop3A_507 = arith.index_cast %parallel_loop3A_184 : i32 to index
      %parallel_loop3A_508 = arith.constant 624 : index
      %parallel_loop3A_509 = tpu.vector_load %arg4[%parallel_loop3A_506, %parallel_loop3A_507, %parallel_loop3A_508] {strides = array<i32>} : memref<2x32x1024xf32, #tpu.memory_space<vmem>>, vector<1x1x16xf32>,
      %parallel_loop3A_510 = vector.shape_cast %parallel_loop3A_509 : vector<1x1x16xf32> to vector<16xf32>
      %parallel_loop3A_511 = math.absf %parallel_loop3A_510 : vector<16xf32>
      %parallel_loop3A_512 = arith.maximumf %parallel_loop3A_448, %parallel_loop3A_511 : vector<16xf32>
      %parallel_loop3A_513 = arith.constant 1 : i32
      %parallel_loop3A_514 = arith.index_cast %parallel_loop3A_513 : i32 to index
      %parallel_loop3A_515 = arith.index_cast %parallel_loop3A_184 : i32 to index
      %parallel_loop3A_516 = arith.constant 640 : index
      %parallel_loop3A_517 = tpu.vector_load %arg4[%parallel_loop3A_514, %parallel_loop3A_515, %parallel_loop3A_516] {strides = array<i32>} : memref<2x32x1024xf32, #tpu.memory_space<vmem>>, vector<1x1x16xf32>,
      %parallel_loop3A_518 = vector.shape_cast %parallel_loop3A_517 : vector<1x1x16xf32> to vector<16xf32>
      %parallel_loop3A_519 = math.absf %parallel_loop3A_518 : vector<16xf32>
      %parallel_loop3A_520 = arith.maximumf %parallel_loop3A_456, %parallel_loop3A_519 : vector<16xf32>
      %parallel_loop3A_521 = arith.constant 1 : i32
      %parallel_loop3A_522 = arith.index_cast %parallel_loop3A_521 : i32 to index
      %parallel_loop3A_523 = arith.index_cast %parallel_loop3A_184 : i32 to index
      %parallel_loop3A_524 = arith.constant 656 : index
      %parallel_loop3A_525 = tpu.vector_load %arg4[%parallel_loop3A_522, %parallel_loop3A_523, %parallel_loop3A_524] {strides = array<i32>} : memref<2x32x1024xf32, #tpu.memory_space<vmem>>, vector<1x1x16xf32>,
      %parallel_loop3A_526 = vector.shape_cast %parallel_loop3A_525 : vector<1x1x16xf32> to vector<16xf32>
      %parallel_loop3A_527 = math.absf %parallel_loop3A_526 : vector<16xf32>
      %parallel_loop3A_528 = arith.maximumf %parallel_loop3A_464, %parallel_loop3A_527 : vector<16xf32>
      %parallel_loop3A_529 = arith.constant 1 : i32
      %parallel_loop3A_530 = arith.index_cast %parallel_loop3A_529 : i32 to index
      %parallel_loop3A_531 = arith.index_cast %parallel_loop3A_184 : i32 to index
      %parallel_loop3A_532 = arith.constant 672 : index
      %parallel_loop3A_533 = tpu.vector_load %arg4[%parallel_loop3A_530, %parallel_loop3A_531, %parallel_loop3A_532] {strides = array<i32>} : memref<2x32x1024xf32, #tpu.memory_space<vmem>>, vector<1x1x16xf32>,
      %parallel_loop3A_534 = vector.shape_cast %parallel_loop3A_533 : vector<1x1x16xf32> to vector<16xf32>
      %parallel_loop3A_535 = math.absf %parallel_loop3A_534 : vector<16xf32>
      %parallel_loop3A_536 = arith.maximumf %parallel_loop3A_472, %parallel_loop3A_535 : vector<16xf32>
      %parallel_loop3A_537 = arith.constant 1 : i32
      %parallel_loop3A_538 = arith.index_cast %parallel_loop3A_537 : i32 to index
      %parallel_loop3A_539 = arith.index_cast %parallel_loop3A_184 : i32 to index
      %parallel_loop3A_540 = arith.constant 688 : index
      %parallel_loop3A_541 = tpu.vector_load %arg4[%parallel_loop3A_538, %parallel_loop3A_539, %parallel_loop3A_540] {strides = array<i32>} : memref<2x32x1024xf32, #tpu.memory_space<vmem>>, vector<1x1x16xf32>,
      %parallel_loop3A_542 = vector.shape_cast %parallel_loop3A_541 : vector<1x1x16xf32> to vector<16xf32>
      %parallel_loop3A_543 = math.absf %parallel_loop3A_542 : vector<16xf32>
      %parallel_loop3A_544 = arith.maximumf %parallel_loop3A_480, %parallel_loop3A_543 : vector<16xf32>
      %parallel_loop3A_545 = arith.constant 1 : i32
      %parallel_loop3A_546 = arith.index_cast %parallel_loop3A_545 : i32 to index
      %parallel_loop3A_547 = arith.index_cast %parallel_loop3A_184 : i32 to index
      %parallel_loop3A_548 = arith.constant 704 : index
      %parallel_loop3A_549 = tpu.vector_load %arg4[%parallel_loop3A_546, %parallel_loop3A_547, %parallel_loop3A_548] {strides = array<i32>} : memref<2x32x1024xf32, #tpu.memory_space<vmem>>, vector<1x1x16xf32>,
      %parallel_loop3A_550 = vector.shape_cast %parallel_loop3A_549 : vector<1x1x16xf32> to vector<16xf32>
      %parallel_loop3A_551 = math.absf %parallel_loop3A_550 : vector<16xf32>
      %parallel_loop3A_552 = arith.maximumf %parallel_loop3A_488, %parallel_loop3A_551 : vector<16xf32>
      %parallel_loop3A_553 = arith.constant 1 : i32
      %parallel_loop3A_554 = arith.index_cast %parallel_loop3A_553 : i32 to index
      %parallel_loop3A_555 = arith.index_cast %parallel_loop3A_184 : i32 to index
      %parallel_loop3A_556 = arith.constant 720 : index
      %parallel_loop3A_557 = tpu.vector_load %arg4[%parallel_loop3A_554, %parallel_loop3A_555, %parallel_loop3A_556] {strides = array<i32>} : memref<2x32x1024xf32, #tpu.memory_space<vmem>>, vector<1x1x16xf32>,
      %parallel_loop3A_558 = vector.shape_cast %parallel_loop3A_557 : vector<1x1x16xf32> to vector<16xf32>
      %parallel_loop3A_559 = math.absf %parallel_loop3A_558 : vector<16xf32>
      %parallel_loop3A_560 = arith.maximumf %parallel_loop3A_496, %parallel_loop3A_559 : vector<16xf32>
      %parallel_loop3A_561 = arith.constant 1 : i32
      %parallel_loop3A_562 = arith.index_cast %parallel_loop3A_561 : i32 to index
      %parallel_loop3A_563 = arith.index_cast %parallel_loop3A_184 : i32 to index
      %parallel_loop3A_564 = arith.constant 736 : index
      %parallel_loop3A_565 = tpu.vector_load %arg4[%parallel_loop3A_562, %parallel_loop3A_563, %parallel_loop3A_564] {strides = array<i32>} : memref<2x32x1024xf32, #tpu.memory_space<vmem>>, vector<1x1x16xf32>,
      %parallel_loop3A_566 = vector.shape_cast %parallel_loop3A_565 : vector<1x1x16xf32> to vector<16xf32>
      %parallel_loop3A_567 = math.absf %parallel_loop3A_566 : vector<16xf32>
      %parallel_loop3A_568 = arith.maximumf %parallel_loop3A_504, %parallel_loop3A_567 : vector<16xf32>
      %parallel_loop3A_569 = arith.constant 1 : i32
      %parallel_loop3A_570 = arith.index_cast %parallel_loop3A_569 : i32 to index
      %parallel_loop3A_571 = arith.index_cast %parallel_loop3A_184 : i32 to index
      %parallel_loop3A_572 = arith.constant 752 : index
      %parallel_loop3A_573 = tpu.vector_load %arg4[%parallel_loop3A_570, %parallel_loop3A_571, %parallel_loop3A_572] {strides = array<i32>} : memref<2x32x1024xf32, #tpu.memory_space<vmem>>, vector<1x1x16xf32>,
      %parallel_loop3A_574 = vector.shape_cast %parallel_loop3A_573 : vector<1x1x16xf32> to vector<16xf32>
      %parallel_loop3A_575 = math.absf %parallel_loop3A_574 : vector<16xf32>
      %parallel_loop3A_576 = arith.maximumf %parallel_loop3A_512, %parallel_loop3A_575 : vector<16xf32>
      %parallel_loop3A_577 = arith.constant 1 : i32
      %parallel_loop3A_578 = arith.index_cast %parallel_loop3A_577 : i32 to index
      %parallel_loop3A_579 = arith.index_cast %parallel_loop3A_184 : i32 to index
      %parallel_loop3A_580 = arith.constant 768 : index
      %parallel_loop3A_581 = tpu.vector_load %arg4[%parallel_loop3A_578, %parallel_loop3A_579, %parallel_loop3A_580] {strides = array<i32>} : memref<2x32x1024xf32, #tpu.memory_space<vmem>>, vector<1x1x16xf32>,
      %parallel_loop3A_582 = vector.shape_cast %parallel_loop3A_581 : vector<1x1x16xf32> to vector<16xf32>
      %parallel_loop3A_583 = math.absf %parallel_loop3A_582 : vector<16xf32>
      %parallel_loop3A_584 = arith.maximumf %parallel_loop3A_520, %parallel_loop3A_583 : vector<16xf32>
      %parallel_loop3A_585 = arith.constant 1 : i32
      %parallel_loop3A_586 = arith.index_cast %parallel_loop3A_585 : i32 to index
      %parallel_loop3A_587 = arith.index_cast %parallel_loop3A_184 : i32 to index
      %parallel_loop3A_588 = arith.constant 784 : index
      %parallel_loop3A_589 = tpu.vector_load %arg4[%parallel_loop3A_586, %parallel_loop3A_587, %parallel_loop3A_588] {strides = array<i32>} : memref<2x32x1024xf32, #tpu.memory_space<vmem>>, vector<1x1x16xf32>,
      %parallel_loop3A_590 = vector.shape_cast %parallel_loop3A_589 : vector<1x1x16xf32> to vector<16xf32>
      %parallel_loop3A_591 = math.absf %parallel_loop3A_590 : vector<16xf32>
      %parallel_loop3A_592 = arith.maximumf %parallel_loop3A_528, %parallel_loop3A_591 : vector<16xf32>
      %parallel_loop3A_593 = arith.constant 1 : i32
      %parallel_loop3A_594 = arith.index_cast %parallel_loop3A_593 : i32 to index
      %parallel_loop3A_595 = arith.index_cast %parallel_loop3A_184 : i32 to index
      %parallel_loop3A_596 = arith.constant 800 : index
      %parallel_loop3A_597 = tpu.vector_load %arg4[%parallel_loop3A_594, %parallel_loop3A_595, %parallel_loop3A_596] {strides = array<i32>} : memref<2x32x1024xf32, #tpu.memory_space<vmem>>, vector<1x1x16xf32>,
      %parallel_loop3A_598 = vector.shape_cast %parallel_loop3A_597 : vector<1x1x16xf32> to vector<16xf32>
      %parallel_loop3A_599 = math.absf %parallel_loop3A_598 : vector<16xf32>
      %parallel_loop3A_600 = arith.maximumf %parallel_loop3A_536, %parallel_loop3A_599 : vector<16xf32>
      %parallel_loop3A_601 = arith.constant 1 : i32
      %parallel_loop3A_602 = arith.index_cast %parallel_loop3A_601 : i32 to index
      %parallel_loop3A_603 = arith.index_cast %parallel_loop3A_184 : i32 to index
      %parallel_loop3A_604 = arith.constant 816 : index
      %parallel_loop3A_605 = tpu.vector_load %arg4[%parallel_loop3A_602, %parallel_loop3A_603, %parallel_loop3A_604] {strides = array<i32>} : memref<2x32x1024xf32, #tpu.memory_space<vmem>>, vector<1x1x16xf32>,
      %parallel_loop3A_606 = vector.shape_cast %parallel_loop3A_605 : vector<1x1x16xf32> to vector<16xf32>
      %parallel_loop3A_607 = math.absf %parallel_loop3A_606 : vector<16xf32>
      %parallel_loop3A_608 = arith.maximumf %parallel_loop3A_544, %parallel_loop3A_607 : vector<16xf32>
      %parallel_loop3A_609 = arith.constant 1 : i32
      %parallel_loop3A_610 = arith.index_cast %parallel_loop3A_609 : i32 to index
      %parallel_loop3A_611 = arith.index_cast %parallel_loop3A_184 : i32 to index
      %parallel_loop3A_612 = arith.constant 832 : index
      %parallel_loop3A_613 = tpu.vector_load %arg4[%parallel_loop3A_610, %parallel_loop3A_611, %parallel_loop3A_612] {strides = array<i32>} : memref<2x32x1024xf32, #tpu.memory_space<vmem>>, vector<1x1x16xf32>,
      %parallel_loop3A_614 = vector.shape_cast %parallel_loop3A_613 : vector<1x1x16xf32> to vector<16xf32>
      %parallel_loop3A_615 = math.absf %parallel_loop3A_614 : vector<16xf32>
      %parallel_loop3A_616 = arith.maximumf %parallel_loop3A_552, %parallel_loop3A_615 : vector<16xf32>
      %parallel_loop3A_617 = arith.constant 1 : i32
      %parallel_loop3A_618 = arith.index_cast %parallel_loop3A_617 : i32 to index
      %parallel_loop3A_619 = arith.index_cast %parallel_loop3A_184 : i32 to index
      %parallel_loop3A_620 = arith.constant 848 : index
      %parallel_loop3A_621 = tpu.vector_load %arg4[%parallel_loop3A_618, %parallel_loop3A_619, %parallel_loop3A_620] {strides = array<i32>} : memref<2x32x1024xf32, #tpu.memory_space<vmem>>, vector<1x1x16xf32>,
      %parallel_loop3A_622 = vector.shape_cast %parallel_loop3A_621 : vector<1x1x16xf32> to vector<16xf32>
      %parallel_loop3A_623 = math.absf %parallel_loop3A_622 : vector<16xf32>
      %parallel_loop3A_624 = arith.maximumf %parallel_loop3A_560, %parallel_loop3A_623 : vector<16xf32>
      %parallel_loop3A_625 = arith.constant 1 : i32
      %parallel_loop3A_626 = arith.index_cast %parallel_loop3A_625 : i32 to index
      %parallel_loop3A_627 = arith.index_cast %parallel_loop3A_184 : i32 to index
      %parallel_loop3A_628 = arith.constant 864 : index
      %parallel_loop3A_629 = tpu.vector_load %arg4[%parallel_loop3A_626, %parallel_loop3A_627, %parallel_loop3A_628] {strides = array<i32>} : memref<2x32x1024xf32, #tpu.memory_space<vmem>>, vector<1x1x16xf32>,
      %parallel_loop3A_630 = vector.shape_cast %parallel_loop3A_629 : vector<1x1x16xf32> to vector<16xf32>
      %parallel_loop3A_631 = math.absf %parallel_loop3A_630 : vector<16xf32>
      %parallel_loop3A_632 = arith.maximumf %parallel_loop3A_568, %parallel_loop3A_631 : vector<16xf32>
      %parallel_loop3A_633 = arith.constant 1 : i32
      %parallel_loop3A_634 = arith.index_cast %parallel_loop3A_633 : i32 to index
      %parallel_loop3A_635 = arith.index_cast %parallel_loop3A_184 : i32 to index
      %parallel_loop3A_636 = arith.constant 880 : index
      %parallel_loop3A_637 = tpu.vector_load %arg4[%parallel_loop3A_634, %parallel_loop3A_635, %parallel_loop3A_636] {strides = array<i32>} : memref<2x32x1024xf32, #tpu.memory_space<vmem>>, vector<1x1x16xf32>,
      %parallel_loop3A_638 = vector.shape_cast %parallel_loop3A_637 : vector<1x1x16xf32> to vector<16xf32>
      %parallel_loop3A_639 = math.absf %parallel_loop3A_638 : vector<16xf32>
      %parallel_loop3A_640 = arith.maximumf %parallel_loop3A_576, %parallel_loop3A_639 : vector<16xf32>
      %parallel_loop3A_641 = arith.constant 1 : i32
      %parallel_loop3A_642 = arith.index_cast %parallel_loop3A_641 : i32 to index
      %parallel_loop3A_643 = arith.index_cast %parallel_loop3A_184 : i32 to index
      %parallel_loop3A_644 = arith.constant 896 : index
      %parallel_loop3A_645 = tpu.vector_load %arg4[%parallel_loop3A_642, %parallel_loop3A_643, %parallel_loop3A_644] {strides = array<i32>} : memref<2x32x1024xf32, #tpu.memory_space<vmem>>, vector<1x1x16xf32>,
      %parallel_loop3A_646 = vector.shape_cast %parallel_loop3A_645 : vector<1x1x16xf32> to vector<16xf32>
      %parallel_loop3A_647 = math.absf %parallel_loop3A_646 : vector<16xf32>
      %parallel_loop3A_648 = arith.maximumf %parallel_loop3A_584, %parallel_loop3A_647 : vector<16xf32>
      %parallel_loop3A_649 = arith.constant 1 : i32
      %parallel_loop3A_650 = arith.index_cast %parallel_loop3A_649 : i32 to index
      %parallel_loop3A_651 = arith.index_cast %parallel_loop3A_184 : i32 to index
      %parallel_loop3A_652 = arith.constant 912 : index
      %parallel_loop3A_653 = tpu.vector_load %arg4[%parallel_loop3A_650, %parallel_loop3A_651, %parallel_loop3A_652] {strides = array<i32>} : memref<2x32x1024xf32, #tpu.memory_space<vmem>>, vector<1x1x16xf32>,
      %parallel_loop3A_654 = vector.shape_cast %parallel_loop3A_653 : vector<1x1x16xf32> to vector<16xf32>
      %parallel_loop3A_655 = math.absf %parallel_loop3A_654 : vector<16xf32>
      %parallel_loop3A_656 = arith.maximumf %parallel_loop3A_592, %parallel_loop3A_655 : vector<16xf32>
      %parallel_loop3A_657 = arith.constant 1 : i32
      %parallel_loop3A_658 = arith.index_cast %parallel_loop3A_657 : i32 to index
      %parallel_loop3A_659 = arith.index_cast %parallel_loop3A_184 : i32 to index
      %parallel_loop3A_660 = arith.constant 928 : index
      %parallel_loop3A_661 = tpu.vector_load %arg4[%parallel_loop3A_658, %parallel_loop3A_659, %parallel_loop3A_660] {strides = array<i32>} : memref<2x32x1024xf32, #tpu.memory_space<vmem>>, vector<1x1x16xf32>,
      %parallel_loop3A_662 = vector.shape_cast %parallel_loop3A_661 : vector<1x1x16xf32> to vector<16xf32>
      %parallel_loop3A_663 = math.absf %parallel_loop3A_662 : vector<16xf32>
      %parallel_loop3A_664 = arith.maximumf %parallel_loop3A_600, %parallel_loop3A_663 : vector<16xf32>
      %parallel_loop3A_665 = arith.constant 1 : i32
      %parallel_loop3A_666 = arith.index_cast %parallel_loop3A_665 : i32 to index
      %parallel_loop3A_667 = arith.index_cast %parallel_loop3A_184 : i32 to index
      %parallel_loop3A_668 = arith.constant 944 : index
      %parallel_loop3A_669 = tpu.vector_load %arg4[%parallel_loop3A_666, %parallel_loop3A_667, %parallel_loop3A_668] {strides = array<i32>} : memref<2x32x1024xf32, #tpu.memory_space<vmem>>, vector<1x1x16xf32>,
      %parallel_loop3A_670 = vector.shape_cast %parallel_loop3A_669 : vector<1x1x16xf32> to vector<16xf32>
      %parallel_loop3A_671 = math.absf %parallel_loop3A_670 : vector<16xf32>
      %parallel_loop3A_672 = arith.maximumf %parallel_loop3A_608, %parallel_loop3A_671 : vector<16xf32>
      %parallel_loop3A_673 = arith.constant 1 : i32
      %parallel_loop3A_674 = arith.index_cast %parallel_loop3A_673 : i32 to index
      %parallel_loop3A_675 = arith.index_cast %parallel_loop3A_184 : i32 to index
      %parallel_loop3A_676 = arith.constant 960 : index
      %parallel_loop3A_677 = tpu.vector_load %arg4[%parallel_loop3A_674, %parallel_loop3A_675, %parallel_loop3A_676] {strides = array<i32>} : memref<2x32x1024xf32, #tpu.memory_space<vmem>>, vector<1x1x16xf32>,
      %parallel_loop3A_678 = vector.shape_cast %parallel_loop3A_677 : vector<1x1x16xf32> to vector<16xf32>
      %parallel_loop3A_679 = math.absf %parallel_loop3A_678 : vector<16xf32>
      %parallel_loop3A_680 = arith.maximumf %parallel_loop3A_616, %parallel_loop3A_679 : vector<16xf32>
      %parallel_loop3A_681 = arith.constant 1 : i32
      %parallel_loop3A_682 = arith.index_cast %parallel_loop3A_681 : i32 to index
      %parallel_loop3A_683 = arith.index_cast %parallel_loop3A_184 : i32 to index
      %parallel_loop3A_684 = arith.constant 976 : index
      %parallel_loop3A_685 = tpu.vector_load %arg4[%parallel_loop3A_682, %parallel_loop3A_683, %parallel_loop3A_684] {strides = array<i32>} : memref<2x32x1024xf32, #tpu.memory_space<vmem>>, vector<1x1x16xf32>,
      %parallel_loop3A_686 = vector.shape_cast %parallel_loop3A_685 : vector<1x1x16xf32> to vector<16xf32>
      %parallel_loop3A_687 = math.absf %parallel_loop3A_686 : vector<16xf32>
      %parallel_loop3A_688 = arith.maximumf %parallel_loop3A_624, %parallel_loop3A_687 : vector<16xf32>
      %parallel_loop3A_689 = arith.constant 1 : i32
      %parallel_loop3A_690 = arith.index_cast %parallel_loop3A_689 : i32 to index
      %parallel_loop3A_691 = arith.index_cast %parallel_loop3A_184 : i32 to index
      %parallel_loop3A_692 = arith.constant 992 : index
      %parallel_loop3A_693 = tpu.vector_load %arg4[%parallel_loop3A_690, %parallel_loop3A_691, %parallel_loop3A_692] {strides = array<i32>} : memref<2x32x1024xf32, #tpu.memory_space<vmem>>, vector<1x1x16xf32>,
      %parallel_loop3A_694 = vector.shape_cast %parallel_loop3A_693 : vector<1x1x16xf32> to vector<16xf32>
      %parallel_loop3A_695 = math.absf %parallel_loop3A_694 : vector<16xf32>
      %parallel_loop3A_696 = arith.maximumf %parallel_loop3A_632, %parallel_loop3A_695 : vector<16xf32>
      %parallel_loop3A_697 = arith.constant 1 : i32
      %parallel_loop3A_698 = arith.index_cast %parallel_loop3A_697 : i32 to index
      %parallel_loop3A_699 = arith.index_cast %parallel_loop3A_184 : i32 to index
      %parallel_loop3A_700 = arith.constant 1008 : index
      %parallel_loop3A_701 = tpu.vector_load %arg4[%parallel_loop3A_698, %parallel_loop3A_699, %parallel_loop3A_700] {strides = array<i32>} : memref<2x32x1024xf32, #tpu.memory_space<vmem>>, vector<1x1x16xf32>,
      %parallel_loop3A_702 = vector.shape_cast %parallel_loop3A_701 : vector<1x1x16xf32> to vector<16xf32>
      %parallel_loop3A_703 = math.absf %parallel_loop3A_702 : vector<16xf32>
      %parallel_loop3A_704 = arith.maximumf %parallel_loop3A_640, %parallel_loop3A_703 : vector<16xf32>
      scf.yield %parallel_loop3A_648, %parallel_loop3A_656, %parallel_loop3A_664, %parallel_loop3A_672, %parallel_loop3A_680, %parallel_loop3A_688, %parallel_loop3A_696, %parallel_loop3A_704 : vector<16xf32>, vector<16xf32>, vector<16xf32>, vector<16xf32>, vector<16xf32>, vector<16xf32>, vector<16xf32>, vector<16xf32>
    } {sc.loop_unroll_factor = 1 : i64, sc.parallel_access}
    %dma_wait3A_156 = arith.constant 0 : i32
    %dma_wait3A_157 = arith.constant 0 : i32
    %dma_wait3A_158 = arith.constant 0 : i32
    %dma_wait3A_159 = tpu.memref_slice %arg4[%dma_wait3A_156, %dma_wait3A_157, %dma_wait3A_158] : memref<2x32x1024xf32, #tpu.memory_space<vmem>> -> memref<1x32x1024xf32, #tpu.memory_space<vmem>>
    %dma_wait3A_160 = tpu.memref_squeeze %dma_wait3A_159 : memref<1x32x1024xf32, #tpu.memory_space<vmem>> -> memref<32x1024xf32, #tpu.memory_space<vmem>>
    %dma_wait3A_161 = arith.constant 0 : i32
    %dma_wait3A_162 = tpu.memref_slice %arg2[%add3A_125, %dma_wait3A_161] : memref<16384x1024xf32, #tpu.memory_space<hbm>> -> memref<32x1024xf32, #tpu.memory_space<hbm>>
    %dma_wait3A_163 = arith.constant 0 : i32
    %dma_wait3A_164 = arith.constant 0 : i32
    %dma_wait3A_165 = tpu.memref_slice %arg4[%dma_wait3A_156, %dma_wait3A_163, %dma_wait3A_164] : memref<2x32x1024xf32, #tpu.memory_space<vmem>> -> memref<1x32x1024xf32, #tpu.memory_space<vmem>>
    %dma_wait3A_166 = tpu.memref_squeeze %dma_wait3A_165 : memref<1x32x1024xf32, #tpu.memory_space<vmem>> -> memref<32x1024xf32, #tpu.memory_space<vmem>>
    %dma_wait3A_167 = arith.constant 0 : i32
    %dma_wait3A_168 = tpu.memref_slice %arg2[%add3A_125, %dma_wait3A_167] : memref<16384x1024xf32, #tpu.memory_space<hbm>> -> memref<32x1024xf32, #tpu.memory_space<hbm>>
    tpu.wait_dma2 semaphore(%arg6 : memref<!tpu.dma_semaphore, #tpu.memory_space<semaphore_mem>>) src(%dma_wait3A_168 : memref<32x1024xf32, #tpu.memory_space<hbm>>) dst(%dma_wait3A_166 : memref<32x1024xf32, #tpu.memory_space<vmem>>)
    %parallel_loop3A_169 = arith.constant 0 : i32
    %parallel_loop3A_170 = arith.constant 32 : i32
    %parallel_loop3A_171 = arith.constant 1 : i32
    %parallel_loop3A_172:8 = scf.for %parallel_loop3A_184 = %parallel_loop3A_169 to %parallel_loop3A_170 step %parallel_loop3A_171 iter_args(%parallel_loop3A_185 = %parallel_loop3A_155#0, %parallel_loop3A_186 = %parallel_loop3A_155#1, %parallel_loop3A_187 = %parallel_loop3A_155#2, %parallel_loop3A_188 = %parallel_loop3A_155#3, %parallel_loop3A_189 = %parallel_loop3A_155#4, %parallel_loop3A_190 = %parallel_loop3A_155#5, %parallel_loop3A_191 = %parallel_loop3A_155#6, %parallel_loop3A_192 = %parallel_loop3A_155#7) -> (vector<16xf32>, vector<16xf32>, vector<16xf32>, vector<16xf32>, vector<16xf32>, vector<16xf32>, vector<16xf32>, vector<16xf32>)  : i32 {
      %parallel_loop3A_193 = arith.constant 0 : i32
      %parallel_loop3A_194 = arith.index_cast %parallel_loop3A_193 : i32 to index
      %parallel_loop3A_195 = arith.index_cast %parallel_loop3A_184 : i32 to index
      %parallel_loop3A_196 = arith.constant 0 : index
      %parallel_loop3A_197 = tpu.vector_load %arg4[%parallel_loop3A_194, %parallel_loop3A_195, %parallel_loop3A_196] {strides = array<i32>} : memref<2x32x1024xf32, #tpu.memory_space<vmem>>, vector<1x1x16xf32>,
      %parallel_loop3A_198 = vector.shape_cast %parallel_loop3A_197 : vector<1x1x16xf32> to vector<16xf32>
      %parallel_loop3A_199 = math.absf %parallel_loop3A_198 : vector<16xf32>
      %parallel_loop3A_200 = arith.maximumf %parallel_loop3A_185, %parallel_loop3A_199 : vector<16xf32>
      %parallel_loop3A_201 = arith.constant 0 : i32
      %parallel_loop3A_202 = arith.index_cast %parallel_loop3A_201 : i32 to index
      %parallel_loop3A_203 = arith.index_cast %parallel_loop3A_184 : i32 to index
      %parallel_loop3A_204 = arith.constant 16 : index
      %parallel_loop3A_205 = tpu.vector_load %arg4[%parallel_loop3A_202, %parallel_loop3A_203, %parallel_loop3A_204] {strides = array<i32>} : memref<2x32x1024xf32, #tpu.memory_space<vmem>>, vector<1x1x16xf32>,
      %parallel_loop3A_206 = vector.shape_cast %parallel_loop3A_205 : vector<1x1x16xf32> to vector<16xf32>
      %parallel_loop3A_207 = math.absf %parallel_loop3A_206 : vector<16xf32>
      %parallel_loop3A_208 = arith.maximumf %parallel_loop3A_186, %parallel_loop3A_207 : vector<16xf32>
      %parallel_loop3A_209 = arith.constant 0 : i32
      %parallel_loop3A_210 = arith.index_cast %parallel_loop3A_209 : i32 to index
      %parallel_loop3A_211 = arith.index_cast %parallel_loop3A_184 : i32 to index
      %parallel_loop3A_212 = arith.constant 32 : index
      %parallel_loop3A_213 = tpu.vector_load %arg4[%parallel_loop3A_210, %parallel_loop3A_211, %parallel_loop3A_212] {strides = array<i32>} : memref<2x32x1024xf32, #tpu.memory_space<vmem>>, vector<1x1x16xf32>,
      %parallel_loop3A_214 = vector.shape_cast %parallel_loop3A_213 : vector<1x1x16xf32> to vector<16xf32>
      %parallel_loop3A_215 = math.absf %parallel_loop3A_214 : vector<16xf32>
      %parallel_loop3A_216 = arith.maximumf %parallel_loop3A_187, %parallel_loop3A_215 : vector<16xf32>
      %parallel_loop3A_217 = arith.constant 0 : i32
      %parallel_loop3A_218 = arith.index_cast %parallel_loop3A_217 : i32 to index
      %parallel_loop3A_219 = arith.index_cast %parallel_loop3A_184 : i32 to index
      %parallel_loop3A_220 = arith.constant 48 : index
      %parallel_loop3A_221 = tpu.vector_load %arg4[%parallel_loop3A_218, %parallel_loop3A_219, %parallel_loop3A_220] {strides = array<i32>} : memref<2x32x1024xf32, #tpu.memory_space<vmem>>, vector<1x1x16xf32>,
      %parallel_loop3A_222 = vector.shape_cast %parallel_loop3A_221 : vector<1x1x16xf32> to vector<16xf32>
      %parallel_loop3A_223 = math.absf %parallel_loop3A_222 : vector<16xf32>
      %parallel_loop3A_224 = arith.maximumf %parallel_loop3A_188, %parallel_loop3A_223 : vector<16xf32>
      %parallel_loop3A_225 = arith.constant 0 : i32
      %parallel_loop3A_226 = arith.index_cast %parallel_loop3A_225 : i32 to index
      %parallel_loop3A_227 = arith.index_cast %parallel_loop3A_184 : i32 to index
      %parallel_loop3A_228 = arith.constant 64 : index
      %parallel_loop3A_229 = tpu.vector_load %arg4[%parallel_loop3A_226, %parallel_loop3A_227, %parallel_loop3A_228] {strides = array<i32>} : memref<2x32x1024xf32, #tpu.memory_space<vmem>>, vector<1x1x16xf32>,
      %parallel_loop3A_230 = vector.shape_cast %parallel_loop3A_229 : vector<1x1x16xf32> to vector<16xf32>
      %parallel_loop3A_231 = math.absf %parallel_loop3A_230 : vector<16xf32>
      %parallel_loop3A_232 = arith.maximumf %parallel_loop3A_189, %parallel_loop3A_231 : vector<16xf32>
      %parallel_loop3A_233 = arith.constant 0 : i32
      %parallel_loop3A_234 = arith.index_cast %parallel_loop3A_233 : i32 to index
      %parallel_loop3A_235 = arith.index_cast %parallel_loop3A_184 : i32 to index
      %parallel_loop3A_236 = arith.constant 80 : index
      %parallel_loop3A_237 = tpu.vector_load %arg4[%parallel_loop3A_234, %parallel_loop3A_235, %parallel_loop3A_236] {strides = array<i32>} : memref<2x32x1024xf32, #tpu.memory_space<vmem>>, vector<1x1x16xf32>,
      %parallel_loop3A_238 = vector.shape_cast %parallel_loop3A_237 : vector<1x1x16xf32> to vector<16xf32>
      %parallel_loop3A_239 = math.absf %parallel_loop3A_238 : vector<16xf32>
      %parallel_loop3A_240 = arith.maximumf %parallel_loop3A_190, %parallel_loop3A_239 : vector<16xf32>
      %parallel_loop3A_241 = arith.constant 0 : i32
      %parallel_loop3A_242 = arith.index_cast %parallel_loop3A_241 : i32 to index
      %parallel_loop3A_243 = arith.index_cast %parallel_loop3A_184 : i32 to index
      %parallel_loop3A_244 = arith.constant 96 : index
      %parallel_loop3A_245 = tpu.vector_load %arg4[%parallel_loop3A_242, %parallel_loop3A_243, %parallel_loop3A_244] {strides = array<i32>} : memref<2x32x1024xf32, #tpu.memory_space<vmem>>, vector<1x1x16xf32>,
      %parallel_loop3A_246 = vector.shape_cast %parallel_loop3A_245 : vector<1x1x16xf32> to vector<16xf32>
      %parallel_loop3A_247 = math.absf %parallel_loop3A_246 : vector<16xf32>
      %parallel_loop3A_248 = arith.maximumf %parallel_loop3A_191, %parallel_loop3A_247 : vector<16xf32>
      %parallel_loop3A_249 = arith.constant 0 : i32
      %parallel_loop3A_250 = arith.index_cast %parallel_loop3A_249 : i32 to index
      %parallel_loop3A_251 = arith.index_cast %parallel_loop3A_184 : i32 to index
      %parallel_loop3A_252 = arith.constant 112 : index
      %parallel_loop3A_253 = tpu.vector_load %arg4[%parallel_loop3A_250, %parallel_loop3A_251, %parallel_loop3A_252] {strides = array<i32>} : memref<2x32x1024xf32, #tpu.memory_space<vmem>>, vector<1x1x16xf32>,
      %parallel_loop3A_254 = vector.shape_cast %parallel_loop3A_253 : vector<1x1x16xf32> to vector<16xf32>
      %parallel_loop3A_255 = math.absf %parallel_loop3A_254 : vector<16xf32>
      %parallel_loop3A_256 = arith.maximumf %parallel_loop3A_192, %parallel_loop3A_255 : vector<16xf32>
      %parallel_loop3A_257 = arith.constant 0 : i32
      %parallel_loop3A_258 = arith.index_cast %parallel_loop3A_257 : i32 to index
      %parallel_loop3A_259 = arith.index_cast %parallel_loop3A_184 : i32 to index
      %parallel_loop3A_260 = arith.constant 128 : index
      %parallel_loop3A_261 = tpu.vector_load %arg4[%parallel_loop3A_258, %parallel_loop3A_259, %parallel_loop3A_260] {strides = array<i32>} : memref<2x32x1024xf32, #tpu.memory_space<vmem>>, vector<1x1x16xf32>,
      %parallel_loop3A_262 = vector.shape_cast %parallel_loop3A_261 : vector<1x1x16xf32> to vector<16xf32>
      %parallel_loop3A_263 = math.absf %parallel_loop3A_262 : vector<16xf32>
      %parallel_loop3A_264 = arith.maximumf %parallel_loop3A_200, %parallel_loop3A_263 : vector<16xf32>
      %parallel_loop3A_265 = arith.constant 0 : i32
      %parallel_loop3A_266 = arith.index_cast %parallel_loop3A_265 : i32 to index
      %parallel_loop3A_267 = arith.index_cast %parallel_loop3A_184 : i32 to index
      %parallel_loop3A_268 = arith.constant 144 : index
      %parallel_loop3A_269 = tpu.vector_load %arg4[%parallel_loop3A_266, %parallel_loop3A_267, %parallel_loop3A_268] {strides = array<i32>} : memref<2x32x1024xf32, #tpu.memory_space<vmem>>, vector<1x1x16xf32>,
      %parallel_loop3A_270 = vector.shape_cast %parallel_loop3A_269 : vector<1x1x16xf32> to vector<16xf32>
      %parallel_loop3A_271 = math.absf %parallel_loop3A_270 : vector<16xf32>
      %parallel_loop3A_272 = arith.maximumf %parallel_loop3A_208, %parallel_loop3A_271 : vector<16xf32>
      %parallel_loop3A_273 = arith.constant 0 : i32
      %parallel_loop3A_274 = arith.index_cast %parallel_loop3A_273 : i32 to index
      %parallel_loop3A_275 = arith.index_cast %parallel_loop3A_184 : i32 to index
      %parallel_loop3A_276 = arith.constant 160 : index
      %parallel_loop3A_277 = tpu.vector_load %arg4[%parallel_loop3A_274, %parallel_loop3A_275, %parallel_loop3A_276] {strides = array<i32>} : memref<2x32x1024xf32, #tpu.memory_space<vmem>>, vector<1x1x16xf32>,
      %parallel_loop3A_278 = vector.shape_cast %parallel_loop3A_277 : vector<1x1x16xf32> to vector<16xf32>
      %parallel_loop3A_279 = math.absf %parallel_loop3A_278 : vector<16xf32>
      %parallel_loop3A_280 = arith.maximumf %parallel_loop3A_216, %parallel_loop3A_279 : vector<16xf32>
      %parallel_loop3A_281 = arith.constant 0 : i32
      %parallel_loop3A_282 = arith.index_cast %parallel_loop3A_281 : i32 to index
      %parallel_loop3A_283 = arith.index_cast %parallel_loop3A_184 : i32 to index
      %parallel_loop3A_284 = arith.constant 176 : index
      %parallel_loop3A_285 = tpu.vector_load %arg4[%parallel_loop3A_282, %parallel_loop3A_283, %parallel_loop3A_284] {strides = array<i32>} : memref<2x32x1024xf32, #tpu.memory_space<vmem>>, vector<1x1x16xf32>,
      %parallel_loop3A_286 = vector.shape_cast %parallel_loop3A_285 : vector<1x1x16xf32> to vector<16xf32>
      %parallel_loop3A_287 = math.absf %parallel_loop3A_286 : vector<16xf32>
      %parallel_loop3A_288 = arith.maximumf %parallel_loop3A_224, %parallel_loop3A_287 : vector<16xf32>
      %parallel_loop3A_289 = arith.constant 0 : i32
      %parallel_loop3A_290 = arith.index_cast %parallel_loop3A_289 : i32 to index
      %parallel_loop3A_291 = arith.index_cast %parallel_loop3A_184 : i32 to index
      %parallel_loop3A_292 = arith.constant 192 : index
      %parallel_loop3A_293 = tpu.vector_load %arg4[%parallel_loop3A_290, %parallel_loop3A_291, %parallel_loop3A_292] {strides = array<i32>} : memref<2x32x1024xf32, #tpu.memory_space<vmem>>, vector<1x1x16xf32>,
      %parallel_loop3A_294 = vector.shape_cast %parallel_loop3A_293 : vector<1x1x16xf32> to vector<16xf32>
      %parallel_loop3A_295 = math.absf %parallel_loop3A_294 : vector<16xf32>
      %parallel_loop3A_296 = arith.maximumf %parallel_loop3A_232, %parallel_loop3A_295 : vector<16xf32>
      %parallel_loop3A_297 = arith.constant 0 : i32
      %parallel_loop3A_298 = arith.index_cast %parallel_loop3A_297 : i32 to index
      %parallel_loop3A_299 = arith.index_cast %parallel_loop3A_184 : i32 to index
      %parallel_loop3A_300 = arith.constant 208 : index
      %parallel_loop3A_301 = tpu.vector_load %arg4[%parallel_loop3A_298, %parallel_loop3A_299, %parallel_loop3A_300] {strides = array<i32>} : memref<2x32x1024xf32, #tpu.memory_space<vmem>>, vector<1x1x16xf32>,
      %parallel_loop3A_302 = vector.shape_cast %parallel_loop3A_301 : vector<1x1x16xf32> to vector<16xf32>
      %parallel_loop3A_303 = math.absf %parallel_loop3A_302 : vector<16xf32>
      %parallel_loop3A_304 = arith.maximumf %parallel_loop3A_240, %parallel_loop3A_303 : vector<16xf32>
      %parallel_loop3A_305 = arith.constant 0 : i32
      %parallel_loop3A_306 = arith.index_cast %parallel_loop3A_305 : i32 to index
      %parallel_loop3A_307 = arith.index_cast %parallel_loop3A_184 : i32 to index
      %parallel_loop3A_308 = arith.constant 224 : index
      %parallel_loop3A_309 = tpu.vector_load %arg4[%parallel_loop3A_306, %parallel_loop3A_307, %parallel_loop3A_308] {strides = array<i32>} : memref<2x32x1024xf32, #tpu.memory_space<vmem>>, vector<1x1x16xf32>,
      %parallel_loop3A_310 = vector.shape_cast %parallel_loop3A_309 : vector<1x1x16xf32> to vector<16xf32>
      %parallel_loop3A_311 = math.absf %parallel_loop3A_310 : vector<16xf32>
      %parallel_loop3A_312 = arith.maximumf %parallel_loop3A_248, %parallel_loop3A_311 : vector<16xf32>
      %parallel_loop3A_313 = arith.constant 0 : i32
      %parallel_loop3A_314 = arith.index_cast %parallel_loop3A_313 : i32 to index
      %parallel_loop3A_315 = arith.index_cast %parallel_loop3A_184 : i32 to index
      %parallel_loop3A_316 = arith.constant 240 : index
      %parallel_loop3A_317 = tpu.vector_load %arg4[%parallel_loop3A_314, %parallel_loop3A_315, %parallel_loop3A_316] {strides = array<i32>} : memref<2x32x1024xf32, #tpu.memory_space<vmem>>, vector<1x1x16xf32>,
      %parallel_loop3A_318 = vector.shape_cast %parallel_loop3A_317 : vector<1x1x16xf32> to vector<16xf32>
      %parallel_loop3A_319 = math.absf %parallel_loop3A_318 : vector<16xf32>
      %parallel_loop3A_320 = arith.maximumf %parallel_loop3A_256, %parallel_loop3A_319 : vector<16xf32>
      %parallel_loop3A_321 = arith.constant 0 : i32
      %parallel_loop3A_322 = arith.index_cast %parallel_loop3A_321 : i32 to index
      %parallel_loop3A_323 = arith.index_cast %parallel_loop3A_184 : i32 to index
      %parallel_loop3A_324 = arith.constant 256 : index
      %parallel_loop3A_325 = tpu.vector_load %arg4[%parallel_loop3A_322, %parallel_loop3A_323, %parallel_loop3A_324] {strides = array<i32>} : memref<2x32x1024xf32, #tpu.memory_space<vmem>>, vector<1x1x16xf32>,
      %parallel_loop3A_326 = vector.shape_cast %parallel_loop3A_325 : vector<1x1x16xf32> to vector<16xf32>
      %parallel_loop3A_327 = math.absf %parallel_loop3A_326 : vector<16xf32>
      %parallel_loop3A_328 = arith.maximumf %parallel_loop3A_264, %parallel_loop3A_327 : vector<16xf32>
      %parallel_loop3A_329 = arith.constant 0 : i32
      %parallel_loop3A_330 = arith.index_cast %parallel_loop3A_329 : i32 to index
      %parallel_loop3A_331 = arith.index_cast %parallel_loop3A_184 : i32 to index
      %parallel_loop3A_332 = arith.constant 272 : index
      %parallel_loop3A_333 = tpu.vector_load %arg4[%parallel_loop3A_330, %parallel_loop3A_331, %parallel_loop3A_332] {strides = array<i32>} : memref<2x32x1024xf32, #tpu.memory_space<vmem>>, vector<1x1x16xf32>,
      %parallel_loop3A_334 = vector.shape_cast %parallel_loop3A_333 : vector<1x1x16xf32> to vector<16xf32>
      %parallel_loop3A_335 = math.absf %parallel_loop3A_334 : vector<16xf32>
      %parallel_loop3A_336 = arith.maximumf %parallel_loop3A_272, %parallel_loop3A_335 : vector<16xf32>
      %parallel_loop3A_337 = arith.constant 0 : i32
      %parallel_loop3A_338 = arith.index_cast %parallel_loop3A_337 : i32 to index
      %parallel_loop3A_339 = arith.index_cast %parallel_loop3A_184 : i32 to index
      %parallel_loop3A_340 = arith.constant 288 : index
      %parallel_loop3A_341 = tpu.vector_load %arg4[%parallel_loop3A_338, %parallel_loop3A_339, %parallel_loop3A_340] {strides = array<i32>} : memref<2x32x1024xf32, #tpu.memory_space<vmem>>, vector<1x1x16xf32>,
      %parallel_loop3A_342 = vector.shape_cast %parallel_loop3A_341 : vector<1x1x16xf32> to vector<16xf32>
      %parallel_loop3A_343 = math.absf %parallel_loop3A_342 : vector<16xf32>
      %parallel_loop3A_344 = arith.maximumf %parallel_loop3A_280, %parallel_loop3A_343 : vector<16xf32>
      %parallel_loop3A_345 = arith.constant 0 : i32
      %parallel_loop3A_346 = arith.index_cast %parallel_loop3A_345 : i32 to index
      %parallel_loop3A_347 = arith.index_cast %parallel_loop3A_184 : i32 to index
      %parallel_loop3A_348 = arith.constant 304 : index
      %parallel_loop3A_349 = tpu.vector_load %arg4[%parallel_loop3A_346, %parallel_loop3A_347, %parallel_loop3A_348] {strides = array<i32>} : memref<2x32x1024xf32, #tpu.memory_space<vmem>>, vector<1x1x16xf32>,
      %parallel_loop3A_350 = vector.shape_cast %parallel_loop3A_349 : vector<1x1x16xf32> to vector<16xf32>
      %parallel_loop3A_351 = math.absf %parallel_loop3A_350 : vector<16xf32>
      %parallel_loop3A_352 = arith.maximumf %parallel_loop3A_288, %parallel_loop3A_351 : vector<16xf32>
      %parallel_loop3A_353 = arith.constant 0 : i32
      %parallel_loop3A_354 = arith.index_cast %parallel_loop3A_353 : i32 to index
      %parallel_loop3A_355 = arith.index_cast %parallel_loop3A_184 : i32 to index
      %parallel_loop3A_356 = arith.constant 320 : index
      %parallel_loop3A_357 = tpu.vector_load %arg4[%parallel_loop3A_354, %parallel_loop3A_355, %parallel_loop3A_356] {strides = array<i32>} : memref<2x32x1024xf32, #tpu.memory_space<vmem>>, vector<1x1x16xf32>,
      %parallel_loop3A_358 = vector.shape_cast %parallel_loop3A_357 : vector<1x1x16xf32> to vector<16xf32>
      %parallel_loop3A_359 = math.absf %parallel_loop3A_358 : vector<16xf32>
      %parallel_loop3A_360 = arith.maximumf %parallel_loop3A_296, %parallel_loop3A_359 : vector<16xf32>
      %parallel_loop3A_361 = arith.constant 0 : i32
      %parallel_loop3A_362 = arith.index_cast %parallel_loop3A_361 : i32 to index
      %parallel_loop3A_363 = arith.index_cast %parallel_loop3A_184 : i32 to index
      %parallel_loop3A_364 = arith.constant 336 : index
      %parallel_loop3A_365 = tpu.vector_load %arg4[%parallel_loop3A_362, %parallel_loop3A_363, %parallel_loop3A_364] {strides = array<i32>} : memref<2x32x1024xf32, #tpu.memory_space<vmem>>, vector<1x1x16xf32>,
      %parallel_loop3A_366 = vector.shape_cast %parallel_loop3A_365 : vector<1x1x16xf32> to vector<16xf32>
      %parallel_loop3A_367 = math.absf %parallel_loop3A_366 : vector<16xf32>
      %parallel_loop3A_368 = arith.maximumf %parallel_loop3A_304, %parallel_loop3A_367 : vector<16xf32>
      %parallel_loop3A_369 = arith.constant 0 : i32
      %parallel_loop3A_370 = arith.index_cast %parallel_loop3A_369 : i32 to index
      %parallel_loop3A_371 = arith.index_cast %parallel_loop3A_184 : i32 to index
      %parallel_loop3A_372 = arith.constant 352 : index
      %parallel_loop3A_373 = tpu.vector_load %arg4[%parallel_loop3A_370, %parallel_loop3A_371, %parallel_loop3A_372] {strides = array<i32>} : memref<2x32x1024xf32, #tpu.memory_space<vmem>>, vector<1x1x16xf32>,
      %parallel_loop3A_374 = vector.shape_cast %parallel_loop3A_373 : vector<1x1x16xf32> to vector<16xf32>
      %parallel_loop3A_375 = math.absf %parallel_loop3A_374 : vector<16xf32>
      %parallel_loop3A_376 = arith.maximumf %parallel_loop3A_312, %parallel_loop3A_375 : vector<16xf32>
      %parallel_loop3A_377 = arith.constant 0 : i32
      %parallel_loop3A_378 = arith.index_cast %parallel_loop3A_377 : i32 to index
      %parallel_loop3A_379 = arith.index_cast %parallel_loop3A_184 : i32 to index
      %parallel_loop3A_380 = arith.constant 368 : index
      %parallel_loop3A_381 = tpu.vector_load %arg4[%parallel_loop3A_378, %parallel_loop3A_379, %parallel_loop3A_380] {strides = array<i32>} : memref<2x32x1024xf32, #tpu.memory_space<vmem>>, vector<1x1x16xf32>,
      %parallel_loop3A_382 = vector.shape_cast %parallel_loop3A_381 : vector<1x1x16xf32> to vector<16xf32>
      %parallel_loop3A_383 = math.absf %parallel_loop3A_382 : vector<16xf32>
      %parallel_loop3A_384 = arith.maximumf %parallel_loop3A_320, %parallel_loop3A_383 : vector<16xf32>
      %parallel_loop3A_385 = arith.constant 0 : i32
      %parallel_loop3A_386 = arith.index_cast %parallel_loop3A_385 : i32 to index
      %parallel_loop3A_387 = arith.index_cast %parallel_loop3A_184 : i32 to index
      %parallel_loop3A_388 = arith.constant 384 : index
      %parallel_loop3A_389 = tpu.vector_load %arg4[%parallel_loop3A_386, %parallel_loop3A_387, %parallel_loop3A_388] {strides = array<i32>} : memref<2x32x1024xf32, #tpu.memory_space<vmem>>, vector<1x1x16xf32>,
      %parallel_loop3A_390 = vector.shape_cast %parallel_loop3A_389 : vector<1x1x16xf32> to vector<16xf32>
      %parallel_loop3A_391 = math.absf %parallel_loop3A_390 : vector<16xf32>
      %parallel_loop3A_392 = arith.maximumf %parallel_loop3A_328, %parallel_loop3A_391 : vector<16xf32>
      %parallel_loop3A_393 = arith.constant 0 : i32
      %parallel_loop3A_394 = arith.index_cast %parallel_loop3A_393 : i32 to index
      %parallel_loop3A_395 = arith.index_cast %parallel_loop3A_184 : i32 to index
      %parallel_loop3A_396 = arith.constant 400 : index
      %parallel_loop3A_397 = tpu.vector_load %arg4[%parallel_loop3A_394, %parallel_loop3A_395, %parallel_loop3A_396] {strides = array<i32>} : memref<2x32x1024xf32, #tpu.memory_space<vmem>>, vector<1x1x16xf32>,
      %parallel_loop3A_398 = vector.shape_cast %parallel_loop3A_397 : vector<1x1x16xf32> to vector<16xf32>
      %parallel_loop3A_399 = math.absf %parallel_loop3A_398 : vector<16xf32>
      %parallel_loop3A_400 = arith.maximumf %parallel_loop3A_336, %parallel_loop3A_399 : vector<16xf32>
      %parallel_loop3A_401 = arith.constant 0 : i32
      %parallel_loop3A_402 = arith.index_cast %parallel_loop3A_401 : i32 to index
      %parallel_loop3A_403 = arith.index_cast %parallel_loop3A_184 : i32 to index
      %parallel_loop3A_404 = arith.constant 416 : index
      %parallel_loop3A_405 = tpu.vector_load %arg4[%parallel_loop3A_402, %parallel_loop3A_403, %parallel_loop3A_404] {strides = array<i32>} : memref<2x32x1024xf32, #tpu.memory_space<vmem>>, vector<1x1x16xf32>,
      %parallel_loop3A_406 = vector.shape_cast %parallel_loop3A_405 : vector<1x1x16xf32> to vector<16xf32>
      %parallel_loop3A_407 = math.absf %parallel_loop3A_406 : vector<16xf32>
      %parallel_loop3A_408 = arith.maximumf %parallel_loop3A_344, %parallel_loop3A_407 : vector<16xf32>
      %parallel_loop3A_409 = arith.constant 0 : i32
      %parallel_loop3A_410 = arith.index_cast %parallel_loop3A_409 : i32 to index
      %parallel_loop3A_411 = arith.index_cast %parallel_loop3A_184 : i32 to index
      %parallel_loop3A_412 = arith.constant 432 : index
      %parallel_loop3A_413 = tpu.vector_load %arg4[%parallel_loop3A_410, %parallel_loop3A_411, %parallel_loop3A_412] {strides = array<i32>} : memref<2x32x1024xf32, #tpu.memory_space<vmem>>, vector<1x1x16xf32>,
      %parallel_loop3A_414 = vector.shape_cast %parallel_loop3A_413 : vector<1x1x16xf32> to vector<16xf32>
      %parallel_loop3A_415 = math.absf %parallel_loop3A_414 : vector<16xf32>
      %parallel_loop3A_416 = arith.maximumf %parallel_loop3A_352, %parallel_loop3A_415 : vector<16xf32>
      %parallel_loop3A_417 = arith.constant 0 : i32
      %parallel_loop3A_418 = arith.index_cast %parallel_loop3A_417 : i32 to index
      %parallel_loop3A_419 = arith.index_cast %parallel_loop3A_184 : i32 to index
      %parallel_loop3A_420 = arith.constant 448 : index
      %parallel_loop3A_421 = tpu.vector_load %arg4[%parallel_loop3A_418, %parallel_loop3A_419, %parallel_loop3A_420] {strides = array<i32>} : memref<2x32x1024xf32, #tpu.memory_space<vmem>>, vector<1x1x16xf32>,
      %parallel_loop3A_422 = vector.shape_cast %parallel_loop3A_421 : vector<1x1x16xf32> to vector<16xf32>
      %parallel_loop3A_423 = math.absf %parallel_loop3A_422 : vector<16xf32>
      %parallel_loop3A_424 = arith.maximumf %parallel_loop3A_360, %parallel_loop3A_423 : vector<16xf32>
      %parallel_loop3A_425 = arith.constant 0 : i32
      %parallel_loop3A_426 = arith.index_cast %parallel_loop3A_425 : i32 to index
      %parallel_loop3A_427 = arith.index_cast %parallel_loop3A_184 : i32 to index
      %parallel_loop3A_428 = arith.constant 464 : index
      %parallel_loop3A_429 = tpu.vector_load %arg4[%parallel_loop3A_426, %parallel_loop3A_427, %parallel_loop3A_428] {strides = array<i32>} : memref<2x32x1024xf32, #tpu.memory_space<vmem>>, vector<1x1x16xf32>,
      %parallel_loop3A_430 = vector.shape_cast %parallel_loop3A_429 : vector<1x1x16xf32> to vector<16xf32>
      %parallel_loop3A_431 = math.absf %parallel_loop3A_430 : vector<16xf32>
      %parallel_loop3A_432 = arith.maximumf %parallel_loop3A_368, %parallel_loop3A_431 : vector<16xf32>
      %parallel_loop3A_433 = arith.constant 0 : i32
      %parallel_loop3A_434 = arith.index_cast %parallel_loop3A_433 : i32 to index
      %parallel_loop3A_435 = arith.index_cast %parallel_loop3A_184 : i32 to index
      %parallel_loop3A_436 = arith.constant 480 : index
      %parallel_loop3A_437 = tpu.vector_load %arg4[%parallel_loop3A_434, %parallel_loop3A_435, %parallel_loop3A_436] {strides = array<i32>} : memref<2x32x1024xf32, #tpu.memory_space<vmem>>, vector<1x1x16xf32>,
      %parallel_loop3A_438 = vector.shape_cast %parallel_loop3A_437 : vector<1x1x16xf32> to vector<16xf32>
      %parallel_loop3A_439 = math.absf %parallel_loop3A_438 : vector<16xf32>
      %parallel_loop3A_440 = arith.maximumf %parallel_loop3A_376, %parallel_loop3A_439 : vector<16xf32>
      %parallel_loop3A_441 = arith.constant 0 : i32
      %parallel_loop3A_442 = arith.index_cast %parallel_loop3A_441 : i32 to index
      %parallel_loop3A_443 = arith.index_cast %parallel_loop3A_184 : i32 to index
      %parallel_loop3A_444 = arith.constant 496 : index
      %parallel_loop3A_445 = tpu.vector_load %arg4[%parallel_loop3A_442, %parallel_loop3A_443, %parallel_loop3A_444] {strides = array<i32>} : memref<2x32x1024xf32, #tpu.memory_space<vmem>>, vector<1x1x16xf32>,
      %parallel_loop3A_446 = vector.shape_cast %parallel_loop3A_445 : vector<1x1x16xf32> to vector<16xf32>
      %parallel_loop3A_447 = math.absf %parallel_loop3A_446 : vector<16xf32>
      %parallel_loop3A_448 = arith.maximumf %parallel_loop3A_384, %parallel_loop3A_447 : vector<16xf32>
      %parallel_loop3A_449 = arith.constant 0 : i32
      %parallel_loop3A_450 = arith.index_cast %parallel_loop3A_449 : i32 to index
      %parallel_loop3A_451 = arith.index_cast %parallel_loop3A_184 : i32 to index
      %parallel_loop3A_452 = arith.constant 512 : index
      %parallel_loop3A_453 = tpu.vector_load %arg4[%parallel_loop3A_450, %parallel_loop3A_451, %parallel_loop3A_452] {strides = array<i32>} : memref<2x32x1024xf32, #tpu.memory_space<vmem>>, vector<1x1x16xf32>,
      %parallel_loop3A_454 = vector.shape_cast %parallel_loop3A_453 : vector<1x1x16xf32> to vector<16xf32>
      %parallel_loop3A_455 = math.absf %parallel_loop3A_454 : vector<16xf32>
      %parallel_loop3A_456 = arith.maximumf %parallel_loop3A_392, %parallel_loop3A_455 : vector<16xf32>
      %parallel_loop3A_457 = arith.constant 0 : i32
      %parallel_loop3A_458 = arith.index_cast %parallel_loop3A_457 : i32 to index
      %parallel_loop3A_459 = arith.index_cast %parallel_loop3A_184 : i32 to index
      %parallel_loop3A_460 = arith.constant 528 : index
      %parallel_loop3A_461 = tpu.vector_load %arg4[%parallel_loop3A_458, %parallel_loop3A_459, %parallel_loop3A_460] {strides = array<i32>} : memref<2x32x1024xf32, #tpu.memory_space<vmem>>, vector<1x1x16xf32>,
      %parallel_loop3A_462 = vector.shape_cast %parallel_loop3A_461 : vector<1x1x16xf32> to vector<16xf32>
      %parallel_loop3A_463 = math.absf %parallel_loop3A_462 : vector<16xf32>
      %parallel_loop3A_464 = arith.maximumf %parallel_loop3A_400, %parallel_loop3A_463 : vector<16xf32>
      %parallel_loop3A_465 = arith.constant 0 : i32
      %parallel_loop3A_466 = arith.index_cast %parallel_loop3A_465 : i32 to index
      %parallel_loop3A_467 = arith.index_cast %parallel_loop3A_184 : i32 to index
      %parallel_loop3A_468 = arith.constant 544 : index
      %parallel_loop3A_469 = tpu.vector_load %arg4[%parallel_loop3A_466, %parallel_loop3A_467, %parallel_loop3A_468] {strides = array<i32>} : memref<2x32x1024xf32, #tpu.memory_space<vmem>>, vector<1x1x16xf32>,
      %parallel_loop3A_470 = vector.shape_cast %parallel_loop3A_469 : vector<1x1x16xf32> to vector<16xf32>
      %parallel_loop3A_471 = math.absf %parallel_loop3A_470 : vector<16xf32>
      %parallel_loop3A_472 = arith.maximumf %parallel_loop3A_408, %parallel_loop3A_471 : vector<16xf32>
      %parallel_loop3A_473 = arith.constant 0 : i32
      %parallel_loop3A_474 = arith.index_cast %parallel_loop3A_473 : i32 to index
      %parallel_loop3A_475 = arith.index_cast %parallel_loop3A_184 : i32 to index
      %parallel_loop3A_476 = arith.constant 560 : index
      %parallel_loop3A_477 = tpu.vector_load %arg4[%parallel_loop3A_474, %parallel_loop3A_475, %parallel_loop3A_476] {strides = array<i32>} : memref<2x32x1024xf32, #tpu.memory_space<vmem>>, vector<1x1x16xf32>,
      %parallel_loop3A_478 = vector.shape_cast %parallel_loop3A_477 : vector<1x1x16xf32> to vector<16xf32>
      %parallel_loop3A_479 = math.absf %parallel_loop3A_478 : vector<16xf32>
      %parallel_loop3A_480 = arith.maximumf %parallel_loop3A_416, %parallel_loop3A_479 : vector<16xf32>
      %parallel_loop3A_481 = arith.constant 0 : i32
      %parallel_loop3A_482 = arith.index_cast %parallel_loop3A_481 : i32 to index
      %parallel_loop3A_483 = arith.index_cast %parallel_loop3A_184 : i32 to index
      %parallel_loop3A_484 = arith.constant 576 : index
      %parallel_loop3A_485 = tpu.vector_load %arg4[%parallel_loop3A_482, %parallel_loop3A_483, %parallel_loop3A_484] {strides = array<i32>} : memref<2x32x1024xf32, #tpu.memory_space<vmem>>, vector<1x1x16xf32>,
      %parallel_loop3A_486 = vector.shape_cast %parallel_loop3A_485 : vector<1x1x16xf32> to vector<16xf32>
      %parallel_loop3A_487 = math.absf %parallel_loop3A_486 : vector<16xf32>
      %parallel_loop3A_488 = arith.maximumf %parallel_loop3A_424, %parallel_loop3A_487 : vector<16xf32>
      %parallel_loop3A_489 = arith.constant 0 : i32
      %parallel_loop3A_490 = arith.index_cast %parallel_loop3A_489 : i32 to index
      %parallel_loop3A_491 = arith.index_cast %parallel_loop3A_184 : i32 to index
      %parallel_loop3A_492 = arith.constant 592 : index
      %parallel_loop3A_493 = tpu.vector_load %arg4[%parallel_loop3A_490, %parallel_loop3A_491, %parallel_loop3A_492] {strides = array<i32>} : memref<2x32x1024xf32, #tpu.memory_space<vmem>>, vector<1x1x16xf32>,
      %parallel_loop3A_494 = vector.shape_cast %parallel_loop3A_493 : vector<1x1x16xf32> to vector<16xf32>
      %parallel_loop3A_495 = math.absf %parallel_loop3A_494 : vector<16xf32>
      %parallel_loop3A_496 = arith.maximumf %parallel_loop3A_432, %parallel_loop3A_495 : vector<16xf32>
      %parallel_loop3A_497 = arith.constant 0 : i32
      %parallel_loop3A_498 = arith.index_cast %parallel_loop3A_497 : i32 to index
      %parallel_loop3A_499 = arith.index_cast %parallel_loop3A_184 : i32 to index
      %parallel_loop3A_500 = arith.constant 608 : index
      %parallel_loop3A_501 = tpu.vector_load %arg4[%parallel_loop3A_498, %parallel_loop3A_499, %parallel_loop3A_500] {strides = array<i32>} : memref<2x32x1024xf32, #tpu.memory_space<vmem>>, vector<1x1x16xf32>,
      %parallel_loop3A_502 = vector.shape_cast %parallel_loop3A_501 : vector<1x1x16xf32> to vector<16xf32>
      %parallel_loop3A_503 = math.absf %parallel_loop3A_502 : vector<16xf32>
      %parallel_loop3A_504 = arith.maximumf %parallel_loop3A_440, %parallel_loop3A_503 : vector<16xf32>
      %parallel_loop3A_505 = arith.constant 0 : i32
      %parallel_loop3A_506 = arith.index_cast %parallel_loop3A_505 : i32 to index
      %parallel_loop3A_507 = arith.index_cast %parallel_loop3A_184 : i32 to index
      %parallel_loop3A_508 = arith.constant 624 : index
      %parallel_loop3A_509 = tpu.vector_load %arg4[%parallel_loop3A_506, %parallel_loop3A_507, %parallel_loop3A_508] {strides = array<i32>} : memref<2x32x1024xf32, #tpu.memory_space<vmem>>, vector<1x1x16xf32>,
      %parallel_loop3A_510 = vector.shape_cast %parallel_loop3A_509 : vector<1x1x16xf32> to vector<16xf32>
      %parallel_loop3A_511 = math.absf %parallel_loop3A_510 : vector<16xf32>
      %parallel_loop3A_512 = arith.maximumf %parallel_loop3A_448, %parallel_loop3A_511 : vector<16xf32>
      %parallel_loop3A_513 = arith.constant 0 : i32
      %parallel_loop3A_514 = arith.index_cast %parallel_loop3A_513 : i32 to index
      %parallel_loop3A_515 = arith.index_cast %parallel_loop3A_184 : i32 to index
      %parallel_loop3A_516 = arith.constant 640 : index
      %parallel_loop3A_517 = tpu.vector_load %arg4[%parallel_loop3A_514, %parallel_loop3A_515, %parallel_loop3A_516] {strides = array<i32>} : memref<2x32x1024xf32, #tpu.memory_space<vmem>>, vector<1x1x16xf32>,
      %parallel_loop3A_518 = vector.shape_cast %parallel_loop3A_517 : vector<1x1x16xf32> to vector<16xf32>
      %parallel_loop3A_519 = math.absf %parallel_loop3A_518 : vector<16xf32>
      %parallel_loop3A_520 = arith.maximumf %parallel_loop3A_456, %parallel_loop3A_519 : vector<16xf32>
      %parallel_loop3A_521 = arith.constant 0 : i32
      %parallel_loop3A_522 = arith.index_cast %parallel_loop3A_521 : i32 to index
      %parallel_loop3A_523 = arith.index_cast %parallel_loop3A_184 : i32 to index
      %parallel_loop3A_524 = arith.constant 656 : index
      %parallel_loop3A_525 = tpu.vector_load %arg4[%parallel_loop3A_522, %parallel_loop3A_523, %parallel_loop3A_524] {strides = array<i32>} : memref<2x32x1024xf32, #tpu.memory_space<vmem>>, vector<1x1x16xf32>,
      %parallel_loop3A_526 = vector.shape_cast %parallel_loop3A_525 : vector<1x1x16xf32> to vector<16xf32>
      %parallel_loop3A_527 = math.absf %parallel_loop3A_526 : vector<16xf32>
      %parallel_loop3A_528 = arith.maximumf %parallel_loop3A_464, %parallel_loop3A_527 : vector<16xf32>
      %parallel_loop3A_529 = arith.constant 0 : i32
      %parallel_loop3A_530 = arith.index_cast %parallel_loop3A_529 : i32 to index
      %parallel_loop3A_531 = arith.index_cast %parallel_loop3A_184 : i32 to index
      %parallel_loop3A_532 = arith.constant 672 : index
      %parallel_loop3A_533 = tpu.vector_load %arg4[%parallel_loop3A_530, %parallel_loop3A_531, %parallel_loop3A_532] {strides = array<i32>} : memref<2x32x1024xf32, #tpu.memory_space<vmem>>, vector<1x1x16xf32>,
      %parallel_loop3A_534 = vector.shape_cast %parallel_loop3A_533 : vector<1x1x16xf32> to vector<16xf32>
      %parallel_loop3A_535 = math.absf %parallel_loop3A_534 : vector<16xf32>
      %parallel_loop3A_536 = arith.maximumf %parallel_loop3A_472, %parallel_loop3A_535 : vector<16xf32>
      %parallel_loop3A_537 = arith.constant 0 : i32
      %parallel_loop3A_538 = arith.index_cast %parallel_loop3A_537 : i32 to index
      %parallel_loop3A_539 = arith.index_cast %parallel_loop3A_184 : i32 to index
      %parallel_loop3A_540 = arith.constant 688 : index
      %parallel_loop3A_541 = tpu.vector_load %arg4[%parallel_loop3A_538, %parallel_loop3A_539, %parallel_loop3A_540] {strides = array<i32>} : memref<2x32x1024xf32, #tpu.memory_space<vmem>>, vector<1x1x16xf32>,
      %parallel_loop3A_542 = vector.shape_cast %parallel_loop3A_541 : vector<1x1x16xf32> to vector<16xf32>
      %parallel_loop3A_543 = math.absf %parallel_loop3A_542 : vector<16xf32>
      %parallel_loop3A_544 = arith.maximumf %parallel_loop3A_480, %parallel_loop3A_543 : vector<16xf32>
      %parallel_loop3A_545 = arith.constant 0 : i32
      %parallel_loop3A_546 = arith.index_cast %parallel_loop3A_545 : i32 to index
      %parallel_loop3A_547 = arith.index_cast %parallel_loop3A_184 : i32 to index
      %parallel_loop3A_548 = arith.constant 704 : index
      %parallel_loop3A_549 = tpu.vector_load %arg4[%parallel_loop3A_546, %parallel_loop3A_547, %parallel_loop3A_548] {strides = array<i32>} : memref<2x32x1024xf32, #tpu.memory_space<vmem>>, vector<1x1x16xf32>,
      %parallel_loop3A_550 = vector.shape_cast %parallel_loop3A_549 : vector<1x1x16xf32> to vector<16xf32>
      %parallel_loop3A_551 = math.absf %parallel_loop3A_550 : vector<16xf32>
      %parallel_loop3A_552 = arith.maximumf %parallel_loop3A_488, %parallel_loop3A_551 : vector<16xf32>
      %parallel_loop3A_553 = arith.constant 0 : i32
      %parallel_loop3A_554 = arith.index_cast %parallel_loop3A_553 : i32 to index
      %parallel_loop3A_555 = arith.index_cast %parallel_loop3A_184 : i32 to index
      %parallel_loop3A_556 = arith.constant 720 : index
      %parallel_loop3A_557 = tpu.vector_load %arg4[%parallel_loop3A_554, %parallel_loop3A_555, %parallel_loop3A_556] {strides = array<i32>} : memref<2x32x1024xf32, #tpu.memory_space<vmem>>, vector<1x1x16xf32>,
      %parallel_loop3A_558 = vector.shape_cast %parallel_loop3A_557 : vector<1x1x16xf32> to vector<16xf32>
      %parallel_loop3A_559 = math.absf %parallel_loop3A_558 : vector<16xf32>
      %parallel_loop3A_560 = arith.maximumf %parallel_loop3A_496, %parallel_loop3A_559 : vector<16xf32>
      %parallel_loop3A_561 = arith.constant 0 : i32
      %parallel_loop3A_562 = arith.index_cast %parallel_loop3A_561 : i32 to index
      %parallel_loop3A_563 = arith.index_cast %parallel_loop3A_184 : i32 to index
      %parallel_loop3A_564 = arith.constant 736 : index
      %parallel_loop3A_565 = tpu.vector_load %arg4[%parallel_loop3A_562, %parallel_loop3A_563, %parallel_loop3A_564] {strides = array<i32>} : memref<2x32x1024xf32, #tpu.memory_space<vmem>>, vector<1x1x16xf32>,
      %parallel_loop3A_566 = vector.shape_cast %parallel_loop3A_565 : vector<1x1x16xf32> to vector<16xf32>
      %parallel_loop3A_567 = math.absf %parallel_loop3A_566 : vector<16xf32>
      %parallel_loop3A_568 = arith.maximumf %parallel_loop3A_504, %parallel_loop3A_567 : vector<16xf32>
      %parallel_loop3A_569 = arith.constant 0 : i32
      %parallel_loop3A_570 = arith.index_cast %parallel_loop3A_569 : i32 to index
      %parallel_loop3A_571 = arith.index_cast %parallel_loop3A_184 : i32 to index
      %parallel_loop3A_572 = arith.constant 752 : index
      %parallel_loop3A_573 = tpu.vector_load %arg4[%parallel_loop3A_570, %parallel_loop3A_571, %parallel_loop3A_572] {strides = array<i32>} : memref<2x32x1024xf32, #tpu.memory_space<vmem>>, vector<1x1x16xf32>,
      %parallel_loop3A_574 = vector.shape_cast %parallel_loop3A_573 : vector<1x1x16xf32> to vector<16xf32>
      %parallel_loop3A_575 = math.absf %parallel_loop3A_574 : vector<16xf32>
      %parallel_loop3A_576 = arith.maximumf %parallel_loop3A_512, %parallel_loop3A_575 : vector<16xf32>
      %parallel_loop3A_577 = arith.constant 0 : i32
      %parallel_loop3A_578 = arith.index_cast %parallel_loop3A_577 : i32 to index
      %parallel_loop3A_579 = arith.index_cast %parallel_loop3A_184 : i32 to index
      %parallel_loop3A_580 = arith.constant 768 : index
      %parallel_loop3A_581 = tpu.vector_load %arg4[%parallel_loop3A_578, %parallel_loop3A_579, %parallel_loop3A_580] {strides = array<i32>} : memref<2x32x1024xf32, #tpu.memory_space<vmem>>, vector<1x1x16xf32>,
      %parallel_loop3A_582 = vector.shape_cast %parallel_loop3A_581 : vector<1x1x16xf32> to vector<16xf32>
      %parallel_loop3A_583 = math.absf %parallel_loop3A_582 : vector<16xf32>
      %parallel_loop3A_584 = arith.maximumf %parallel_loop3A_520, %parallel_loop3A_583 : vector<16xf32>
      %parallel_loop3A_585 = arith.constant 0 : i32
      %parallel_loop3A_586 = arith.index_cast %parallel_loop3A_585 : i32 to index
      %parallel_loop3A_587 = arith.index_cast %parallel_loop3A_184 : i32 to index
      %parallel_loop3A_588 = arith.constant 784 : index
      %parallel_loop3A_589 = tpu.vector_load %arg4[%parallel_loop3A_586, %parallel_loop3A_587, %parallel_loop3A_588] {strides = array<i32>} : memref<2x32x1024xf32, #tpu.memory_space<vmem>>, vector<1x1x16xf32>,
      %parallel_loop3A_590 = vector.shape_cast %parallel_loop3A_589 : vector<1x1x16xf32> to vector<16xf32>
      %parallel_loop3A_591 = math.absf %parallel_loop3A_590 : vector<16xf32>
      %parallel_loop3A_592 = arith.maximumf %parallel_loop3A_528, %parallel_loop3A_591 : vector<16xf32>
      %parallel_loop3A_593 = arith.constant 0 : i32
      %parallel_loop3A_594 = arith.index_cast %parallel_loop3A_593 : i32 to index
      %parallel_loop3A_595 = arith.index_cast %parallel_loop3A_184 : i32 to index
      %parallel_loop3A_596 = arith.constant 800 : index
      %parallel_loop3A_597 = tpu.vector_load %arg4[%parallel_loop3A_594, %parallel_loop3A_595, %parallel_loop3A_596] {strides = array<i32>} : memref<2x32x1024xf32, #tpu.memory_space<vmem>>, vector<1x1x16xf32>,
      %parallel_loop3A_598 = vector.shape_cast %parallel_loop3A_597 : vector<1x1x16xf32> to vector<16xf32>
      %parallel_loop3A_599 = math.absf %parallel_loop3A_598 : vector<16xf32>
      %parallel_loop3A_600 = arith.maximumf %parallel_loop3A_536, %parallel_loop3A_599 : vector<16xf32>
      %parallel_loop3A_601 = arith.constant 0 : i32
      %parallel_loop3A_602 = arith.index_cast %parallel_loop3A_601 : i32 to index
      %parallel_loop3A_603 = arith.index_cast %parallel_loop3A_184 : i32 to index
      %parallel_loop3A_604 = arith.constant 816 : index
      %parallel_loop3A_605 = tpu.vector_load %arg4[%parallel_loop3A_602, %parallel_loop3A_603, %parallel_loop3A_604] {strides = array<i32>} : memref<2x32x1024xf32, #tpu.memory_space<vmem>>, vector<1x1x16xf32>,
      %parallel_loop3A_606 = vector.shape_cast %parallel_loop3A_605 : vector<1x1x16xf32> to vector<16xf32>
      %parallel_loop3A_607 = math.absf %parallel_loop3A_606 : vector<16xf32>
      %parallel_loop3A_608 = arith.maximumf %parallel_loop3A_544, %parallel_loop3A_607 : vector<16xf32>
      %parallel_loop3A_609 = arith.constant 0 : i32
      %parallel_loop3A_610 = arith.index_cast %parallel_loop3A_609 : i32 to index
      %parallel_loop3A_611 = arith.index_cast %parallel_loop3A_184 : i32 to index
      %parallel_loop3A_612 = arith.constant 832 : index
      %parallel_loop3A_613 = tpu.vector_load %arg4[%parallel_loop3A_610, %parallel_loop3A_611, %parallel_loop3A_612] {strides = array<i32>} : memref<2x32x1024xf32, #tpu.memory_space<vmem>>, vector<1x1x16xf32>,
      %parallel_loop3A_614 = vector.shape_cast %parallel_loop3A_613 : vector<1x1x16xf32> to vector<16xf32>
      %parallel_loop3A_615 = math.absf %parallel_loop3A_614 : vector<16xf32>
      %parallel_loop3A_616 = arith.maximumf %parallel_loop3A_552, %parallel_loop3A_615 : vector<16xf32>
      %parallel_loop3A_617 = arith.constant 0 : i32
      %parallel_loop3A_618 = arith.index_cast %parallel_loop3A_617 : i32 to index
      %parallel_loop3A_619 = arith.index_cast %parallel_loop3A_184 : i32 to index
      %parallel_loop3A_620 = arith.constant 848 : index
      %parallel_loop3A_621 = tpu.vector_load %arg4[%parallel_loop3A_618, %parallel_loop3A_619, %parallel_loop3A_620] {strides = array<i32>} : memref<2x32x1024xf32, #tpu.memory_space<vmem>>, vector<1x1x16xf32>,
      %parallel_loop3A_622 = vector.shape_cast %parallel_loop3A_621 : vector<1x1x16xf32> to vector<16xf32>
      %parallel_loop3A_623 = math.absf %parallel_loop3A_622 : vector<16xf32>
      %parallel_loop3A_624 = arith.maximumf %parallel_loop3A_560, %parallel_loop3A_623 : vector<16xf32>
      %parallel_loop3A_625 = arith.constant 0 : i32
      %parallel_loop3A_626 = arith.index_cast %parallel_loop3A_625 : i32 to index
      %parallel_loop3A_627 = arith.index_cast %parallel_loop3A_184 : i32 to index
      %parallel_loop3A_628 = arith.constant 864 : index
      %parallel_loop3A_629 = tpu.vector_load %arg4[%parallel_loop3A_626, %parallel_loop3A_627, %parallel_loop3A_628] {strides = array<i32>} : memref<2x32x1024xf32, #tpu.memory_space<vmem>>, vector<1x1x16xf32>,
      %parallel_loop3A_630 = vector.shape_cast %parallel_loop3A_629 : vector<1x1x16xf32> to vector<16xf32>
      %parallel_loop3A_631 = math.absf %parallel_loop3A_630 : vector<16xf32>
      %parallel_loop3A_632 = arith.maximumf %parallel_loop3A_568, %parallel_loop3A_631 : vector<16xf32>
      %parallel_loop3A_633 = arith.constant 0 : i32
      %parallel_loop3A_634 = arith.index_cast %parallel_loop3A_633 : i32 to index
      %parallel_loop3A_635 = arith.index_cast %parallel_loop3A_184 : i32 to index
      %parallel_loop3A_636 = arith.constant 880 : index
      %parallel_loop3A_637 = tpu.vector_load %arg4[%parallel_loop3A_634, %parallel_loop3A_635, %parallel_loop3A_636] {strides = array<i32>} : memref<2x32x1024xf32, #tpu.memory_space<vmem>>, vector<1x1x16xf32>,
      %parallel_loop3A_638 = vector.shape_cast %parallel_loop3A_637 : vector<1x1x16xf32> to vector<16xf32>
      %parallel_loop3A_639 = math.absf %parallel_loop3A_638 : vector<16xf32>
      %parallel_loop3A_640 = arith.maximumf %parallel_loop3A_576, %parallel_loop3A_639 : vector<16xf32>
      %parallel_loop3A_641 = arith.constant 0 : i32
      %parallel_loop3A_642 = arith.index_cast %parallel_loop3A_641 : i32 to index
      %parallel_loop3A_643 = arith.index_cast %parallel_loop3A_184 : i32 to index
      %parallel_loop3A_644 = arith.constant 896 : index
      %parallel_loop3A_645 = tpu.vector_load %arg4[%parallel_loop3A_642, %parallel_loop3A_643, %parallel_loop3A_644] {strides = array<i32>} : memref<2x32x1024xf32, #tpu.memory_space<vmem>>, vector<1x1x16xf32>,
      %parallel_loop3A_646 = vector.shape_cast %parallel_loop3A_645 : vector<1x1x16xf32> to vector<16xf32>
      %parallel_loop3A_647 = math.absf %parallel_loop3A_646 : vector<16xf32>
      %parallel_loop3A_648 = arith.maximumf %parallel_loop3A_584, %parallel_loop3A_647 : vector<16xf32>
      %parallel_loop3A_649 = arith.constant 0 : i32
      %parallel_loop3A_650 = arith.index_cast %parallel_loop3A_649 : i32 to index
      %parallel_loop3A_651 = arith.index_cast %parallel_loop3A_184 : i32 to index
      %parallel_loop3A_652 = arith.constant 912 : index
      %parallel_loop3A_653 = tpu.vector_load %arg4[%parallel_loop3A_650, %parallel_loop3A_651, %parallel_loop3A_652] {strides = array<i32>} : memref<2x32x1024xf32, #tpu.memory_space<vmem>>, vector<1x1x16xf32>,
      %parallel_loop3A_654 = vector.shape_cast %parallel_loop3A_653 : vector<1x1x16xf32> to vector<16xf32>
      %parallel_loop3A_655 = math.absf %parallel_loop3A_654 : vector<16xf32>
      %parallel_loop3A_656 = arith.maximumf %parallel_loop3A_592, %parallel_loop3A_655 : vector<16xf32>
      %parallel_loop3A_657 = arith.constant 0 : i32
      %parallel_loop3A_658 = arith.index_cast %parallel_loop3A_657 : i32 to index
      %parallel_loop3A_659 = arith.index_cast %parallel_loop3A_184 : i32 to index
      %parallel_loop3A_660 = arith.constant 928 : index
      %parallel_loop3A_661 = tpu.vector_load %arg4[%parallel_loop3A_658, %parallel_loop3A_659, %parallel_loop3A_660] {strides = array<i32>} : memref<2x32x1024xf32, #tpu.memory_space<vmem>>, vector<1x1x16xf32>,
      %parallel_loop3A_662 = vector.shape_cast %parallel_loop3A_661 : vector<1x1x16xf32> to vector<16xf32>
      %parallel_loop3A_663 = math.absf %parallel_loop3A_662 : vector<16xf32>
      %parallel_loop3A_664 = arith.maximumf %parallel_loop3A_600, %parallel_loop3A_663 : vector<16xf32>
      %parallel_loop3A_665 = arith.constant 0 : i32
      %parallel_loop3A_666 = arith.index_cast %parallel_loop3A_665 : i32 to index
      %parallel_loop3A_667 = arith.index_cast %parallel_loop3A_184 : i32 to index
      %parallel_loop3A_668 = arith.constant 944 : index
      %parallel_loop3A_669 = tpu.vector_load %arg4[%parallel_loop3A_666, %parallel_loop3A_667, %parallel_loop3A_668] {strides = array<i32>} : memref<2x32x1024xf32, #tpu.memory_space<vmem>>, vector<1x1x16xf32>,
      %parallel_loop3A_670 = vector.shape_cast %parallel_loop3A_669 : vector<1x1x16xf32> to vector<16xf32>
      %parallel_loop3A_671 = math.absf %parallel_loop3A_670 : vector<16xf32>
      %parallel_loop3A_672 = arith.maximumf %parallel_loop3A_608, %parallel_loop3A_671 : vector<16xf32>
      %parallel_loop3A_673 = arith.constant 0 : i32
      %parallel_loop3A_674 = arith.index_cast %parallel_loop3A_673 : i32 to index
      %parallel_loop3A_675 = arith.index_cast %parallel_loop3A_184 : i32 to index
      %parallel_loop3A_676 = arith.constant 960 : index
      %parallel_loop3A_677 = tpu.vector_load %arg4[%parallel_loop3A_674, %parallel_loop3A_675, %parallel_loop3A_676] {strides = array<i32>} : memref<2x32x1024xf32, #tpu.memory_space<vmem>>, vector<1x1x16xf32>,
      %parallel_loop3A_678 = vector.shape_cast %parallel_loop3A_677 : vector<1x1x16xf32> to vector<16xf32>
      %parallel_loop3A_679 = math.absf %parallel_loop3A_678 : vector<16xf32>
      %parallel_loop3A_680 = arith.maximumf %parallel_loop3A_616, %parallel_loop3A_679 : vector<16xf32>
      %parallel_loop3A_681 = arith.constant 0 : i32
      %parallel_loop3A_682 = arith.index_cast %parallel_loop3A_681 : i32 to index
      %parallel_loop3A_683 = arith.index_cast %parallel_loop3A_184 : i32 to index
      %parallel_loop3A_684 = arith.constant 976 : index
      %parallel_loop3A_685 = tpu.vector_load %arg4[%parallel_loop3A_682, %parallel_loop3A_683, %parallel_loop3A_684] {strides = array<i32>} : memref<2x32x1024xf32, #tpu.memory_space<vmem>>, vector<1x1x16xf32>,
      %parallel_loop3A_686 = vector.shape_cast %parallel_loop3A_685 : vector<1x1x16xf32> to vector<16xf32>
      %parallel_loop3A_687 = math.absf %parallel_loop3A_686 : vector<16xf32>
      %parallel_loop3A_688 = arith.maximumf %parallel_loop3A_624, %parallel_loop3A_687 : vector<16xf32>
      %parallel_loop3A_689 = arith.constant 0 : i32
      %parallel_loop3A_690 = arith.index_cast %parallel_loop3A_689 : i32 to index
      %parallel_loop3A_691 = arith.index_cast %parallel_loop3A_184 : i32 to index
      %parallel_loop3A_692 = arith.constant 992 : index
      %parallel_loop3A_693 = tpu.vector_load %arg4[%parallel_loop3A_690, %parallel_loop3A_691, %parallel_loop3A_692] {strides = array<i32>} : memref<2x32x1024xf32, #tpu.memory_space<vmem>>, vector<1x1x16xf32>,
      %parallel_loop3A_694 = vector.shape_cast %parallel_loop3A_693 : vector<1x1x16xf32> to vector<16xf32>
      %parallel_loop3A_695 = math.absf %parallel_loop3A_694 : vector<16xf32>
      %parallel_loop3A_696 = arith.maximumf %parallel_loop3A_632, %parallel_loop3A_695 : vector<16xf32>
      %parallel_loop3A_697 = arith.constant 0 : i32
      %parallel_loop3A_698 = arith.index_cast %parallel_loop3A_697 : i32 to index
      %parallel_loop3A_699 = arith.index_cast %parallel_loop3A_184 : i32 to index
      %parallel_loop3A_700 = arith.constant 1008 : index
      %parallel_loop3A_701 = tpu.vector_load %arg4[%parallel_loop3A_698, %parallel_loop3A_699, %parallel_loop3A_700] {strides = array<i32>} : memref<2x32x1024xf32, #tpu.memory_space<vmem>>, vector<1x1x16xf32>,
      %parallel_loop3A_702 = vector.shape_cast %parallel_loop3A_701 : vector<1x1x16xf32> to vector<16xf32>
      %parallel_loop3A_703 = math.absf %parallel_loop3A_702 : vector<16xf32>
      %parallel_loop3A_704 = arith.maximumf %parallel_loop3A_640, %parallel_loop3A_703 : vector<16xf32>
      scf.yield %parallel_loop3A_648, %parallel_loop3A_656, %parallel_loop3A_664, %parallel_loop3A_672, %parallel_loop3A_680, %parallel_loop3A_688, %parallel_loop3A_696, %parallel_loop3A_704 : vector<16xf32>, vector<16xf32>, vector<16xf32>, vector<16xf32>, vector<16xf32>, vector<16xf32>, vector<16xf32>, vector<16xf32>
    } {sc.loop_unroll_factor = 1 : i64, sc.parallel_access}
    %max3A = arith.maximumf %parallel_loop3A_172#0, %parallel_loop3A_172#1 : vector<16xf32>
    %max3A_173 = arith.maximumf %max3A, %parallel_loop3A_172#2 : vector<16xf32>
    %max3A_174 = arith.maximumf %max3A_173, %parallel_loop3A_172#3 : vector<16xf32>
    %max3A_175 = arith.maximumf %max3A_174, %parallel_loop3A_172#4 : vector<16xf32>
    %max3A_176 = arith.maximumf %max3A_175, %parallel_loop3A_172#5 : vector<16xf32>
    %max3A_177 = arith.maximumf %max3A_176, %parallel_loop3A_172#6 : vector<16xf32>
    %max3A_178 = arith.maximumf %max3A_177, %parallel_loop3A_172#7 : vector<16xf32>
    %swap3A = arith.constant 0 : index
    %swap3A_179 = tpu.vector_load %arg5[%swap3A] {strides = array<i32>} : memref<16xf32, #tpu.memory_space<vmem>>, vector<16xf32>,
    %swap3A_180 = vector.shape_cast %swap3A_179 : vector<16xf32> to vector<16xf32>
    %swap3A_181 = vector.shape_cast %max3A_178 : vector<16xf32> to vector<16xf32>
    tpu.vector_store %arg5[%swap3A], %swap3A_181 {strides = array<i32>} : memref<16xf32, #tpu.memory_space<vmem>>, vector<16xf32>,
    %mul3A_182 = arith.constant 16 : i32
    %mul3A_183 = arith.muli %add3A, %mul3A_182 : i32
    "tpu.region"() ({
      %run_scoped3A = tpu.sem_alloc : memref<!tpu.dma_semaphore, #tpu.memory_space<semaphore_mem>>
      %dma_start3A_184 = tpu.memref_slice %arg3[%mul3A_183] : memref<512xf32, #tpu.memory_space<hbm>> -> memref<16xf32, #tpu.memory_space<hbm>>
      %dma_start3A_185 = tpu.memref_slice %arg3[%mul3A_183] : memref<512xf32, #tpu.memory_space<hbm>> -> memref<16xf32, #tpu.memory_space<hbm>>
      tpu.enqueue_dma source(%arg5 : memref<16xf32, #tpu.memory_space<vmem>>) target(%dma_start3A_185 : memref<16xf32, #tpu.memory_space<hbm>>) target_semaphore(%run_scoped3A : memref<!tpu.dma_semaphore, #tpu.memory_space<semaphore_mem>>)
      %dma_wait3A_186 = tpu.memref_slice %arg3[%mul3A_183] : memref<512xf32, #tpu.memory_space<hbm>> -> memref<16xf32, #tpu.memory_space<hbm>>
      %dma_wait3A_187 = tpu.memref_slice %arg3[%mul3A_183] : memref<512xf32, #tpu.memory_space<hbm>> -> memref<16xf32, #tpu.memory_space<hbm>>
      tpu.wait_dma2 semaphore(%run_scoped3A : memref<!tpu.dma_semaphore, #tpu.memory_space<semaphore_mem>>) src(%arg5 : memref<16xf32, #tpu.memory_space<vmem>>) dst(%dma_wait3A_187 : memref<16xf32, #tpu.memory_space<hbm>>)
      tpu.yield
    }) : () -> ()
    return
  }
}

module attributes {stable_mosaic.version = 14 : i64} {
  func.func @_finalize_body(%arg0: memref<512xf32, #tpu.memory_space<vmem>>, %arg1: memref<1x1xf32, #tpu.memory_space<vmem>>, %arg2: memref<1x1xf32, #tpu.memory_space<smem>>) attributes {dimension_semantics = [], scalar_prefetch = 0 : i64, scratch_operands = 0 : i64, tpu.core_type = #tpu.core_type<tc>} {
    %get3A = arith.constant 0 : index
    %get3A_0 = vector.load %arg0[%get3A] : memref<512xf32, #tpu.memory_space<vmem>>, vector<512xf32>
    %reduce_max3A = vector.shape_cast %get3A_0 : vector<512xf32> to vector<1x512xf32>
    %reduce_max3A_1 = arith.constant dense<0xFF800000> : vector<1xf32>
    %reduce_max3A_2 = vector.multi_reduction <maximumf>, %reduce_max3A, %reduce_max3A_1 [1] : vector<1x512xf32> to vector<1xf32>
    %reduce_max3A_3 = vector.shape_cast %reduce_max3A_2 : vector<1xf32> to vector<1x1xf32>
    %reduce_max3A_4 = vector.extract %reduce_max3A_3[0, 0] : f32 from vector<1x1xf32>
    %get3A_5 = arith.constant 0 : index
    %get3A_6 = arith.constant 0 : index
    %get3A_7 = vector.load %arg1[%get3A_5, %get3A_6] : memref<1x1xf32, #tpu.memory_space<vmem>>, vector<1x1xf32>
    %get3A_8 = vector.extract %get3A_7[0, 0] : f32 from vector<1x1xf32>
    %max3A = arith.maximumf %reduce_max3A_4, %get3A_8 : f32
    %div3A = arith.constant 1.000000e+00 : f32
    %div3A_9 = arith.divf %div3A, %max3A : f32
    %bitcast_convert_type3A = arith.bitcast %div3A_9 : f32 to i32
    %shift_right_arithmetic3A = arith.constant 23 : i32
    %shift_right_arithmetic3A_10 = arith.shrsi %bitcast_convert_type3A, %shift_right_arithmetic3A : i32
    %and3A = arith.constant 255 : i32
    %and3A_11 = arith.andi %shift_right_arithmetic3A_10, %and3A : i32
    %sub3A = arith.constant 127 : i32
    %sub3A_12 = arith.subi %and3A_11, %sub3A : i32
    %convert_element_type3A = arith.sitofp %sub3A_12 : i32 to f32
    %jit3A = arith.constant -1.500000e+01 : f32
    %jit3A_13 = arith.constant 1.500000e+01 : f32
    %max3A_14 = arith.maximumf %jit3A, %convert_element_type3A : f32
    %min3A = arith.minimumf %jit3A_13, %max3A_14 : f32
    %neg3A = arith.constant 0.000000e+00 : f32
    %neg3A_15 = arith.subf %neg3A, %min3A : f32
    %swap3A = arith.constant 0 : index
    %swap3A_16 = arith.constant 0 : index
    %swap3A_17 = memref.load %arg2[%swap3A, %swap3A_16] : memref<1x1xf32, #tpu.memory_space<smem>>
    memref.store %neg3A_15, %arg2[%swap3A, %swap3A_16] : memref<1x1xf32, #tpu.memory_space<smem>>
    return
  }
}

module attributes {stable_mosaic.version = 14 : i64} {
  func.func @_tc_reduce_body(%arg0: i32, %arg1: memref<1024x1024xf32, #tpu.memory_space<vmem>>, %arg2: memref<1x1xf32, #tpu.memory_space<smem>>) attributes {dimension_semantics = [#tpu.dimension_semantics<arbitrary>], iteration_bounds = array<i64: 11>, scalar_prefetch = 0 : i64, scratch_operands = 0 : i64, tpu.core_type = #tpu.core_type<tc>, window_params = [{transform_indices = @transform_0, window_bounds = array<i64: 1024, 1024>}, {transform_indices = @transform_1, window_bounds = array<i64: 1, 1>}]} {
    %get3A = arith.constant 0 : index
    %get3A_0 = arith.constant 0 : index
    %get3A_1 = vector.load %arg1[%get3A, %get3A_0] : memref<1024x1024xf32, #tpu.memory_space<vmem>>, vector<1024x1024xf32>
    %abs3A = math.absf %get3A_1 : vector<1024x1024xf32>
    %reduce_max3A = vector.shape_cast %abs3A : vector<1024x1024xf32> to vector<1x1024x1024xf32>
    %reduce_max3A_2 = arith.constant dense<0xFF800000> : vector<1xf32>
    %reduce_max3A_3 = vector.multi_reduction <maximumf>, %reduce_max3A, %reduce_max3A_2 [1, 2] : vector<1x1024x1024xf32> to vector<1xf32>
    %reduce_max3A_4 = vector.shape_cast %reduce_max3A_3 : vector<1xf32> to vector<1x1x1xf32>
    %reduce_max3A_5 = vector.extract %reduce_max3A_4[0, 0, 0] : f32 from vector<1x1x1xf32>
    %eq3A = arith.constant 0 : i32
    %eq3A_6 = arith.cmpi eq, %arg0, %eq3A : i32
    %convert_element_type3A = arith.extui %eq3A_6 : i1 to i32
    %cond3A = arith.constant 0 : i32
    %cond3A_7 = arith.cmpi ne, %convert_element_type3A, %cond3A : i32
    scf.if %cond3A_7 {
      %swap3A = arith.constant 0 : index
      %swap3A_12 = arith.constant 0 : index
      %swap3A_13 = memref.load %arg2[%swap3A, %swap3A_12] : memref<1x1xf32, #tpu.memory_space<smem>>
      memref.store %reduce_max3A_5, %arg2[%swap3A, %swap3A_12] : memref<1x1xf32, #tpu.memory_space<smem>>
    } else {
    }
    %gt3A = arith.constant 0 : i32
    %gt3A_8 = arith.cmpi sgt, %arg0, %gt3A : i32
    %convert_element_type3A_9 = arith.extui %gt3A_8 : i1 to i32
    %cond3A_10 = arith.constant 0 : i32
    %cond3A_11 = arith.cmpi ne, %convert_element_type3A_9, %cond3A_10 : i32
    scf.if %cond3A_11 {
      %get3A_12 = arith.constant 0 : index
      %get3A_13 = arith.constant 0 : index
      %get3A_14 = memref.load %arg2[%get3A_12, %get3A_13] : memref<1x1xf32, #tpu.memory_space<smem>>
      %max3A = arith.maximumf %get3A_14, %reduce_max3A_5 : f32
      %swap3A = arith.constant 0 : index
      %swap3A_15 = arith.constant 0 : index
      %swap3A_16 = memref.load %arg2[%swap3A, %swap3A_15] : memref<1x1xf32, #tpu.memory_space<smem>>
      memref.store %max3A, %arg2[%swap3A, %swap3A_15] : memref<1x1xf32, #tpu.memory_space<smem>>
    } else {
    }
    return
  }
  func.func @transform_0(%arg0: i32) -> (i32, i32) {
    %add3A = arith.constant 5 : i32
    %add3A_0 = arith.addi %arg0, %add3A : i32
    %c0_i32 = arith.constant 0 : i32
    %c0_i32_1 = arith.constant 0 : i32
    return %add3A_0, %c0_i32 : i32, i32
  }
  func.func @transform_1(%arg0: i32) -> (i32, i32) {
    %c0_i32 = arith.constant 0 : i32
    %c0_i32_0 = arith.constant 0 : i32
    %c0_i32_1 = arith.constant 0 : i32
    return %c0_i32, %c0_i32_0 : i32, i32
  }
}

</mosaic_0001>

<sc_bundles>
// kernel: kernel.5.cloned.1.call-start
scs
__scs_entry_jumppad:
0x0: {  	(pc) =	sbr.rel $0x88, $3  }
0x1: {  	(tag) =	ssettag $0x0;
	lr =	simm.s32 $0x1  }
0x2: {  	[smem:$0x3FA0] =	sst lr;
	_ =	strace $0xD0000000  }
0x3: {  	_ = 	snop  }
0x4: {  	_ = 	snop  }
0x5: {  	_ = 	snop  }
0x6: {  	_ = 	snop  }
0x7: {  	_ = 	snop  }
__scs_overlays_trampoline_lowered:
0x8: {  	[smem:$0x3FAF] =	sst s0  }
0x9: {  	[smem:$0x3FB0] =	sst s1  }
0xa: {  	[smem:$0x3FB1] =	sst s2  }
0xb: {  	[smem:$0x3FB2] =	sst s3  }
0xc: {  	[smem:$0x3FB3] =	sst s4  }
0xd: {  	[smem:$0x3FB4] =	sst s5  }
0xe: {  	[smem:$0x3FB5] =	sst s6  }
0xf: {  	[smem:$0x3FB6] =	sst s7  }
0x10: {  	[smem:$0x3FB7] =	sst s8  }
0x11: {  	[smem:$0x3FB8] =	sst s9;
	s0 =	simm.s32 @!p0 $0x0  }
0x12: {  	s1 =	sld [smem:$0x3F9E];
	s0 =	simm.s32 @p0 $0x1  }
0x13: {  	[smem:$0x3FB9] =	sst s0;
	s0 =	simm.s32 @!p1 $0x0  }
0x14: {  	s2 =	sld [smem:$0x3F9D];
	s0 =	simm.s32 @p1 $0x1  }
0x15: {  	[smem:$0x3FBA] =	sst s0;
	s0 =	simm.s32 @!p2 $0x0  }
0x16: {  	s3 =	sld [smem:$0x3FDB];
	s0 =	simm.s32 @p2 $0x1  }
0x17: {  	s4 =	simm.s32 $0x1BF5;
	[smem:$0x3FBC] =	sst s0  }
0x18: {  	s0 =	sld [smem:$0x3F9F];
	_ =	swait.ge [sflag:s4], $0x0  }
0x19: {  	s7 =	sld [smem:$0x3FA0]  }
0x1a: {  	s8 =	sadd.s32 $0xFFFFE003, lr  }
0x1b: {  	s9 =	sadd.s32 $0xFFFFFEF7, lr;
	s5 =	simm.s32 $0xFFFFFFFF;
	p2 =	slt.u32 s8, $0xFFFFF086  }
0x1c: {  	p1 =	slt.u32 s9, $0xF7A;
	s5 =	simm.s32 @!p2 $0x0  }
0x1d: {  	s5 =	simm.s32 @p1 $0x1;
	p0 =	seq.s32 s7, s2  }
0x1e: {  	s7 =	smul.u32 @!p0 $0xF7A, s2;
	p2 =	seq.s32 @!p0 s5, $0x0  }
0x1f: {  	s9 =	smul.u32 $0xF7A, s1;
	s8 =	simm.s32 @!p0 $0x1BF5;
	p2 =	por !p2, p0  }
0x20: {  	[sflag:s8] =	ssyncset.s32 @!p0 $0xFFFFF086;
	s6 =	sadd.s32 @!p0 s3, s7;
	s7 =	simm.s32 @!p0 $0x108  }
0x21: {  	s3 =	sadd.s32 s3, s9;
	s6 =	sadd.s32 @!p0 $0x88, s6;
	s7 =	simm.s32 @p2 $0x1082  }
0x22: {  	[simem:s7], [sflag:s8] =	dma.local @!p0 [hbm:s6], $0xF7A  }
0x23: {  	s9 =	sor.u32 $0xD0000000, s2;
	s6 =	simm.s32 $0x108;
	_ =	swait.ge @!p0 [sflag:s8], $0x0  }
0x24: {  	s3 =	sadd.s32 $0x88, s3;
	s6 =	simm.s32 @!p1 $0x1082;
	[sflag:s4] =	ssyncset.s32 $0xFFFFF086  }
0x25: {  	[simem:s6], [sflag:s4] =	dma.local [hbm:s3], $0xF7A  }
0x26: {  	[smem:$0x3FA0] =	sst s1;
	(tag) =	ssettag s2;
	_ =	strace s9  }
0x27: {  	s1 =	sld [smem:$0x3FB0]  }
0x28: {  	s2 =	sld [smem:$0x3FB1]  }
0x29: {  	s4 =	sld [smem:$0x3FB3]  }
0x2a: {  	p0 =	seq.s32 s5, $0x0;
	s5 =	sld [smem:$0x3FB4]  }
0x2b: {  	s6 =	sld [smem:$0x3FB5]  }
0x2c: {  	s7 =	sld [smem:$0x3FB6]  }
0x2d: {  	s3 =	simm.s32 $0x108;
	s8 =	sld [smem:$0x3FB7]  }
0x2e: {  	s3 =	simm.s32 @!p0 $0x1082;
	s9 =	sld [smem:$0x3FB8]  }
0x2f: {  	lr =	sadd.s32 s0, s3;
	s0 =	sld [smem:$0x3FAF]  }
0x30: {  	s3 =	sld [smem:$0x3FB2]  }
0x31: {  	[smem:$0x3FBB] =	sst s10  }
0x32: {  	s10 =	sld [smem:$0x3FB9];
	_ =	sdelay $0x3  }
0x33: {  	p0 =	seq.s32 s10, $0x1;
	s10 =	sld [smem:$0x3FBB];
	_ =	sdelay $0x3  }
0x34: {  	[smem:$0x3FBB] =	sst s10  }
0x35: {  	s10 =	sld [smem:$0x3FBA];
	_ =	sdelay $0x3  }
0x36: {  	p1 =	seq.s32 s10, $0x1;
	s10 =	sld [smem:$0x3FBB];
	_ =	sdelay $0x3  }
0x37: {  	[smem:$0x3FBB] =	sst s10  }
0x38: {  	s10 =	sld [smem:$0x3FBC]  }
0x39: {  	_ = 	snop;
	(pc) =	sbr.ind lr, $3  }
0x3a: {  	_ = 	snop  }
0x3b: {  	_ = 	snop  }
0x3c: {  	p2 =	seq.s32 s10, $0x1;
	s10 =	sld [smem:$0x3FBB]  }
0x3d: {  	_ =	shalt  }
0x3e: {  	_ =	shalt  }
0x3f: {  	_ =	shalt  }
0x40: {  	_ =	shalt  }
0x41: {  	_ =	shalt  }
0x42: {  	_ =	shalt  }
0x43: {  	_ =	shalt  }
0x44: {  	_ =	shalt  }
0x45: {  	_ =	shalt  }
0x46: {  	_ =	shalt  }
0x47: {  	_ =	shalt  }
0x48: {  	_ =	shalt  }
0x49: {  	_ =	shalt  }
0x4a: {  	_ =	shalt  }
0x4b: {  	_ =	shalt  }
0x4c: {  	_ =	shalt  }
0x4d: {  	_ =	shalt  }
0x4e: {  	_ =	shalt  }
0x4f: {  	_ =	shalt  }
0x50: {  	_ =	shalt  }
0x51: {  	_ =	shalt  }
0x52: {  	_ =	shalt  }
0x53: {  	_ =	shalt  }
0x54: {  	_ =	shalt  }
0x55: {  	_ =	shalt  }
0x56: {  	_ =	shalt  }
0x57: {  	_ =	shalt  }
0x58: {  	_ =	shalt  }
0x59: {  	_ =	shalt  }
0x5a: {  	_ =	shalt  }
0x5b: {  	_ =	shalt  }
0x5c: {  	_ =	shalt  }
0x5d: {  	_ =	shalt  }
0x5e: {  	_ =	shalt  }
0x5f: {  	_ =	shalt  }
0x60: {  	_ =	shalt  }
0x61: {  	_ =	shalt  }
0x62: {  	_ =	shalt  }
0x63: {  	_ =	shalt  }
0x64: {  	_ =	shalt  }
0x65: {  	_ =	shalt  }
0x66: {  	_ =	shalt  }
0x67: {  	_ =	shalt  }
0x68: {  	_ =	shalt  }
0x69: {  	_ =	shalt  }
0x6a: {  	_ =	shalt  }
0x6b: {  	_ =	shalt  }
0x6c: {  	_ =	shalt  }
0x6d: {  	_ =	shalt  }
0x6e: {  	_ =	shalt  }
0x6f: {  	_ =	shalt  }
0x70: {  	_ =	shalt  }
0x71: {  	_ =	shalt  }
0x72: {  	_ =	shalt  }
0x73: {  	_ =	shalt  }
0x74: {  	_ =	shalt  }
0x75: {  	_ =	shalt  }
0x76: {  	_ =	shalt  }
0x77: {  	_ =	shalt  }
0x78: {  	_ =	shalt  }
0x79: {  	_ =	shalt  }
0x7a: {  	_ =	shalt  }
0x7b: {  	_ =	shalt  }
0x7c: {  	_ =	shalt  }
0x7d: {  	_ =	shalt  }
0x7e: {  	_ =	shalt  }
0x7f: {  	_ =	shalt  }
0x80: {  	_ =	shalt  }
0x81: {  	_ =	shalt  }
0x82: {  	_ =	shalt  }
0x83: {  	_ =	shalt  }
0x84: {  	_ =	shalt  }
0x85: {  	_ =	shalt  }
0x86: {  	_ =	shalt  }
0x87: {  	_ =	shalt  }
.Lfunc_end0:
.L_simem_size_0:
called_computation_lowered:
.L_overlay_start_0:
0x88: {  	s2 =	sld [smem:$0x3FD9]  }
0x89: {  	s3 =	sld [smem:$0x3FFE];
	_ =	sdelay $0x1  }
0x8a: {  	s1 =	srdreg.scid  }
0x8b: {  	s0 =	sand.u32 $0x1, s1  }
0x8c: {  	s17 =	sshll.u32 s0, $0xA;
	s2 =	sadd.s32 s3, s2  }
0x8d: {  	s2 =	sadd.s32 s2, s17  }
0x8e: {  	[smem:$0x3FC7] =	sst s2  }
0x8f: {  	_ = 	snop  }
0x90: {  	s2 =	sld [smem:$0x3FC9];
	(tm) =	ssettm $0x1  }
0x91: {  	s18 =	sld [smem:$0x3FFB];
	_ =	sdelay $0x3  }
0x92: {  	_ =	strace s18  }
0x93: {  	s3 =	sld [smem:$0x3FFC];
	_ =	sdelay $0x3  }
0x94: {  	_ =	strace s3  }
0x95: {  	s3 =	sld [smem:$0x3FFD];
	_ =	sdelay $0x3  }
0x96: {  	_ =	strace s3  }
0x97: {  	_ =	strace $0x8FFFFFFF  }
0x98: {  	s19 =	sld [smem:$0x3FDB];
	_ =	sdelay $0x1  }
0x99: {  	s4 =	simm.s32 $_scs_section_size  }
0x9a: {  	s5 =	simm.s32 $_size__tile_overlayer_lowered;
	s6 =	simm.s32 $_tile_overlayer_lowered  }
0x9b: {  	s22 =	simm.s32 $0x1BFF;
	s21 =	sshll.u32 s6, $0x1;
	s3 =	sadd.s32 s4, s19  }
0x9c: {  	s7 =	simm.s32 $0x0;
	s20 =	sshll.u32 s5, $0x1;
	s5 =	sadd.s32 s21, s3  }
0x9d: {  	[timem:s7], [sflag:s22] =	dma.local [hbm:s5], s20  }
0x9e: {  	_ =	swait.ge [sflag:s22], s20  }
0x9f: {  	s4 =	ssub.s32 $0x0, s20;
	[sflag:s22] =	ssyncset.done $0x0  }
0xa0: {  	[sflag:s22] =	ssyncadd.s32 s4;
	_ =	sdelay $0x1  }
0xa1: {  	s23 =	simm.s32 $0x1B8B  }
0xa2: {  	_ =	swait.ge [sflag:s23], $0x1  }
0xa3: {  	[sflag:s23] =	ssyncset.done $0x0  }
0xa4: {  	s25 =	simm.s32 $0x1B8E;
	s24 =	sld [smem:$0x3FFE];
	[sflag:s23] =	ssyncadd.s32 $0xFFFFFFFF  }
0xa5: {  	s26 =	simm.s32 $execute0_lowered;
	[smem:$0x3FD2] =	sst s25  }
0xa6: {  	s5 =	sshll.u32 s26, $0x1;
	_ =	strace $0x80000046;
	[dreg:$0x1] =	wrdreg $0xFFFFFFFF  }
0xa7: {  	s28 =	simm.s32 $_size_execute0_lowered;
	s3 =	sadd.s32 s3, s5;
	[dreg:$0x0] =	wrdreg $0x0  }
0xa8: {  	s5 =	sshll.u32 s28, $0x1;
	[dreg:$0x2] =	wrdreg s3  }
0xa9: {  	[dreg:$0x3] =	wrdreg s5  }
0xaa: {  	[dreg:$0x4] =	wrdreg $0xC0  }
0xab: {  	_ =	task [dreg:s7], $0x5FFFF  }
0xac: {  	[dreg:$0x1] =	wrdreg $0xFFFFFFFF  }
0xad: {  	[dreg:$0x0] =	wrdreg $0x60  }
0xae: {  	[dreg:$0x2] =	wrdreg s2  }
0xaf: {  	[dreg:$0x3] =	wrdreg s24  }
0xb0: {  	[dreg:$0x4] =	wrdreg $0x9  }
0xb1: {  	_ =	task.clear_ibuf [dreg:s7], $0x5FFFF;
	_ =	strace $0x90000046  }
0xb2: {  	s29 =	simm.s32 $0x9;
	_ =	strace $0x80000048  }
0xb3: {  	_ =	swait.ge [sflag:s29], $0x1  }
0xb4: {  	[sflag:s29] =	ssyncadd.s32 $0xFFFFFFFF  }
0xb5: {  	_ =	strace $0x90000048  }
0xb6: {  	_ =	sfence  }
0xb7: {  	s30 =	sld [smem:$0x0];
	_ =	sdelay $0x2  }
0xb8: {  	s31 =	sshll.u32 s1, $0xD;
	s1 =	sshrl.u32 s1, $0x2  }
0xb9: {  	s3 =	sand.u32 $0x4000, s31;
	s1 =	sadd.s32 s1, s30  }
0xba: {  	s0 =	sor.u32 s3, s0;
	s1 =	sshll.u32 s1, $0x11  }
0xbb: {  	s0 =	sor.u32 s1, s0  }
0xbc: {  	s0 =	sadd.s32 $0x8F2B, s0  }
0xbd: {  	[sflag:s0] =	ssyncadd.remote.s32 $0x1  }
0xbe: {  	_ =	sfence.sel $0xFFFF  }
0xbf: {  	[dreg:$0x0] =	wrdreg $0xFFFFFFFF;
	(pc) =	sbr.abs _section_cstart, $3  }
0xc0: {  	[dreg:$0x1] =	wrdreg $0xFFFFFFFF  }
0xc1: {  	_ =	task.clear_ibuf [dreg:s7], $0x2FFFF;
	_ =	strace $0x9FFFFFFF  }
0xc2: {  	(tm) =	ssettm $0x7FFFFFFF  }
0xc3: {  	_ =	shalt  }
tec
execute0_lowered:
.L_overlay_start_1:
0x0: {  	(tag) =	ssettag $0x1  }
0x1: {  	s4 =	rddreg [dreg:$0x0]  }
0x2: {  	s3 =	rddreg [dreg:$0x1]  }
0x3: {  	s0 =	rddreg [dreg:$0x2]  }
0x4: {  	s5 =	srdreg.scid;
	s1 =	stileid.u32;
	s2 =	simm.s32 $0x0  }
0x5: {  	s10 =	simm.s32 $0x8000;
	s11 =	simm.s32 $0x1;
	s12 =	simm.s32 $0x2  }
0x6: {  	s13 =	simm.s32 $0x10000;
	s5 =	sand.u32 $0x1, s5;
	s6 =	sshll.u32 s1, $0x1  }
0x7: {  	s14 =	simm.s32 $0x3;
	[smem:$0x7FF] =	sst s2;
	s6 =	sor.u32 s5, s6  }
0x8: {  	s15 =	simm.s32 $0x0;
	_ =	strace $0x80000047;
	s7 =	smul.u32 $0x28000, s6  }
0x9: {  	s5 =	ssub.s32 $0x2, s5;
	s8 =	sshll.u32 s6, $0x1;
	s6 =	smul.u32 $0x5000, s6  }
0xa: {  	s31 =	sshrl.u32 s5, $0x1;
	s8 =	sadd.s32 s8, s3;
	s7 =	sshrl.u32 s7, $0x3  }
0xb: {  	s9 =	ssub.s32 s5, s31;
	s3 =	sadd.s32 s4, s6;
	s7 =	sadd.s32 s4, s7  }
0xc: {  	s8 =	sadd.s32 $0x600, s8;
	s9 =	smax.u32 s9, $0x1;
	s4 =	sadd.s32 $0x1000, s7  }
0xd: {  	s5 =	sadd.s32 $0x2000, s7;
	s6 =	sadd.s32 $0x3000, s7;
	s7 =	sadd.s32 $0x4000, s7  }
.LBB2_1:
0xe: {  	[tilespmem:s2], [sflag:$0x1] =	stream.linear.gather [hbm4b:s3+s2], $0x8000, $0x38;
	[tilespmem:$0x10080] =	vst v63  }
0xf: {  	_ = 	snop  }
0x10: {  	[tilespmem:s10], [sflag:$0x2] =	stream.linear.gather [hbm4b:s4+s2], $0x8000, $0x38;
	[tilespmem:$0x10080] =	vst v63  }
0x11: {  	s16 =	simm.s32 $0x0;
	_ =	swait.ge [sflag:s11], $0x8000  }
0x12: {  	s17 =	sand.u32 $0x380, s2;
	s16 =	sand.u32 $0x6000, s16;
	[sflag:s11] =	ssyncset.done $0x0  }
0x13: {  	s16 =	sor.u32 s17, s16;
	[sflag:s11] =	ssyncadd.s32 $0xFFFF8000  }
0x14: {  	v0 =	vld [tilespmem:s16+$0x1010]  }
0x15: {  	v1 =	vld [tilespmem:s16+$0x1000]  }
0x16: {  	v3 =	vld [tilespmem:s16+$0xC70]  }
0x17: {  	v5 =	vld [tilespmem:s16+$0x860]  }
0x18: {  	v8 =	vld [tilespmem:s16+$0xC60]  }
0x19: {  	v9 =	vld [tilespmem:s16+$0xC40]  }
0x1a: {  	v10 =	vld [tilespmem:s16+$0xC30]  }
0x1b: {  	v4 =	vld [tilespmem:s16+$0xC20]  }
0x1c: {  	v7 =	vld [tilespmem:s16+$0xC10]  }
0x1d: {  	v11 =	vld [tilespmem:s16+$0xC00]  }
0x1e: {  	v12 =	vld [tilespmem:s16+$0x460]  }
0x1f: {  	v13 =	vld [tilespmem:s16+$0x870]  }
0x20: {  	v14 =	vld [tilespmem:s16+$0x850]  }
0x21: {  	v15 =	vld [tilespmem:s16+$0x840]  }
0x22: {  	v16 =	vld [tilespmem:s16+$0x830]  }
0x23: {  	v17 =	vld [tilespmem:s16+$0x820]  }
0x24: {  	v18 =	vld [tilespmem:s16+$0x810]  }
0x25: {  	v19 =	vld [tilespmem:s16+$0x800]  }
0x26: {  	v20 =	vld [tilespmem:s16+$0x470]  }
0x27: {  	v21 =	vld [tilespmem:s16+$0x440]  }
0x28: {  	v22 =	vld [tilespmem:s16+$0x1870]  }
0x29: {  	v23 =	vld [tilespmem:s16+$0x430]  }
0x2a: {  	v24 =	vld [tilespmem:s16+$0x1830]  }
0x2b: {  	v25 =	vld [tilespmem:s16+$0x420]  }
0x2c: {  	v26 =	vld [tilespmem:s16+$0x410]  }
0x2d: {  	v27 =	vld [tilespmem:s16+$0x1420]  }
0x2e: {  	v28 =	vld [tilespmem:s16+$0x1470]  }
0x2f: {  	v29 =	vld [tilespmem:s16+$0x400]  }
0x30: {  	v30 =	vld [tilespmem:s16+$0x70]  }
0x31: {  	v31 =	vld [tilespmem:s16+$0x1070]  }
0x32: {  	v6 =	vimm.f32 $0.0e+00;
	v33 =	vld [tilespmem:s16+$0x10]  }
0x33: {  	v58 =	vld [tilespmem:s16+$0x20];
	v18 =	vand.u32 $0x7FFFFFFF, v18;
	v17 =	vand.u32 $0x7FFFFFFF, v17;
	v16 =	vand.u32 $0x7FFFFFFF, v16  }
0x34: {  	v59 =	vld [tilespmem:s16+$0x30];
	v13 =	vand.u32 $0x7FFFFFFF, v13;
	v11 =	vand.u32 $0x7FFFFFFF, v11;
	v21 =	vand.u32 $0x7FFFFFFF, v21  }
0x35: {  	v61 =	vld [tilespmem:s16+$0x1020];
	v32 =	vand.u32 $0x7FFFFFFF, v7;
	v34 =	vand.u32 $0x7FFFFFFF, v4;
	v4 =	vand.u32 $0x7FFFFFFF, v27  }
0x36: {  	v37 =	vld [tilespmem:s16+$0x1430];
	v7 =	vand.u32 $0x7FFFFFFF, v5;
	v5 =	vand.u32 $0x7FFFFFFF, v10;
	v10 =	vand.u32 $0x7FFFFFFF, v22  }
0x37: {  	v39 =	vld [tilespmem:s16+$0x0];
	v25 =	vand.u32 $0x7FFFFFFF, v25;
	v35 =	vand.u32 $0x7FFFFFFF, v12;
	v12 =	vand.u32 $0x7FFFFFFF, v20  }
0x38: {  	v46 =	vld [tilespmem:s16+$0x1800];
	v60 =	vand.u32 $0x7FFFFFFF, v30;
	v23 =	vand.u32 $0x7FFFFFFF, v23;
	v14 =	vand.u32 $0x7FFFFFFF, v14  }
0x39: {  	v52 =	vld [tilespmem:s16+$0x450];
	v9 =	vand.u32 $0x7FFFFFFF, v9;
	v36 =	vand.u32 $0x7FFFFFFF, v8;
	v33 =	vand.u32 $0x7FFFFFFF, v33  }
0x3a: {  	v53 =	vld [tilespmem:s16+$0x1410];
	v26 =	vand.u32 $0x7FFFFFFF, v26;
	v19 =	vand.u32 $0x7FFFFFFF, v19;
	v38 =	vand.u32 $0x7FFFFFFF, v1  }
0x3b: {  	s25 =	sand.u32 $0x7, s2;
	v2 =	vld [tilespmem:s16+$0xC50];
	v24 =	vand.u32 $0x7FFFFFFF, v24;
	v22 =	vand.u32 $0x7FFFFFFF, v59;
	v40 =	vand.u32 $0x7FFFFFFF, v3  }
0x3c: {  	s17 =	sshll.u32 s25, $0x7;
	v0 =	vand.u32 $0x7FFFFFFF, v0;
	v29 =	vand.u32 $0x7FFFFFFF, v29;
	v30 =	vand.u32 $0x7FFFFFFF, v61  }
0x3d: {  	s17 =	sadd.s32 $0x0, s17;
	v62 =	vand.u32 $0x7FFFFFFF, v31;
	v27 =	vand.u32 $0x7FFFFFFF, v58;
	v28 =	vand.u32 $0x7FFFFFFF, v28  }
0x3e: {  	s28 =	sor.u32 $0x1C40, s17;
	v55 =	vld [tilespmem:s16+$0x60];
	v45 =	vand.u32 $0x7FFFFFFF, v37;
	v39 =	vand.u32 $0x7FFFFFFF, v39;
	v15 =	vand.u32 $0x7FFFFFFF, v15  }
0x3f: {  	v49 =	vld [tilespmem:s28+$0x0];
	v51 =	vand.u32 $0x7FFFFFFF, v46;
	v56 =	vand.u32 $0x7FFFFFFF, v52;
	v58 =	vand.u32 $0x7FFFFFFF, v53  }
0x40: {  	v3 =	vld [tilespmem:s16+$0x40];
	v2 =	vand.u32 $0x7FFFFFFF, v2;
	v20 =	vmax.f32 v6, v60;
	v33 =	vmax.f32 v6, v33  }
0x41: {  	v63 =	vld [tilespmem:s16+$0x1400];
	v27 =	vmax.f32 v6, v27;
	v22 =	vmax.f32 v6, v22;
	v39 =	vmax.f32 v6, v39  }
0x42: {  	v44 =	vld [tilespmem:s16+$0x1040];
	v26 =	vmax.f32 v33, v26;
	v12 =	vmax.f32 v20, v12;
	v22 =	vmax.f32 v22, v23  }
0x43: {  	s18 =	sor.u32 $0x1C20, s17;
	v8 =	vld [tilespmem:s16+$0x1030];
	v29 =	vmax.f32 v39, v29;
	v54 =	vmax.f32 v27, v25;
	v23 =	vand.u32 $0x7FFFFFFF, v55  }
0x44: {  	v1 =	vld [tilespmem:s18+$0x0];
	v18 =	vmax.f32 v26, v18;
	v16 =	vmax.f32 v22, v16;
	v19 =	vmax.f32 v29, v19  }
0x45: {  	v41 =	vld [tilespmem:s16+$0x1440];
	v12 =	vmax.f32 v12, v13;
	v13 =	vand.u32 $0x7FFFFFFF, v49;
	v3 =	vand.u32 $0x7FFFFFFF, v3  }
0x46: {  	s30 =	sor.u32 $0x1C50, s17;
	v48 =	vld [tilespmem:s16+$0x1840];
	v17 =	vmax.f32 v54, v17;
	v18 =	vmax.f32 v18, v32;
	v3 =	vmax.f32 v6, v3  }
0x47: {  	v59 =	vld [tilespmem:s30+$0x0];
	v5 =	vmax.f32 v16, v5;
	v16 =	vand.u32 $0x7FFFFFFF, v44;
	v3 =	vmax.f32 v3, v21  }
0x48: {  	s26 =	sor.u32 $0x1C00, s17;
	v50 =	vld [tilespmem:s16+$0x50];
	v11 =	vmax.f32 v19, v11;
	v12 =	vmax.f32 v12, v40;
	v3 =	vmax.f32 v3, v15  }
0x49: {  	v47 =	vld [tilespmem:s26+$0x0];
	v8 =	vand.u32 $0x7FFFFFFF, v8;
	v1 =	vand.u32 $0x7FFFFFFF, v1;
	v3 =	vmax.f32 v3, v9  }
0x4a: {  	v57 =	vld [tilespmem:s16+$0x1850];
	v18 =	vmax.f32 v18, v0;
	v9 =	vand.u32 $0x7FFFFFFF, v41;
	v16 =	vmax.f32 v3, v16  }
0x4b: {  	v60 =	vld [tilespmem:s16+$0x1060];
	v11 =	vmax.f32 v11, v38;
	v0 =	vmax.f32 v16, v9;
	v16 =	vand.u32 $0x7FFFFFFF, v48  }
0x4c: {  	v19 =	vld [tilespmem:s16+$0x1450];
	v12 =	vmax.f32 v12, v62;
	v62 =	vand.u32 $0x7FFFFFFF, v59;
	v0 =	vmax.f32 v0, v16  }
0x4d: {  	v5 =	vmax.f32 v5, v8;
	v8 =	vld [tilespmem:s16+$0x1050];
	v0 =	vmax.f32 v0, v13;
	v13 =	vand.u32 $0x7FFFFFFF, v50  }
0x4e: {  	s29 =	sor.u32 $0x1C10, s17;
	v5 =	vmax.f32 v5, v45;
	v15 =	vand.u32 $0x7FFFFFFF, v63;
	v9 =	vld [tilespmem:s16+$0x1810];
	v13 =	vmax.f32 v6, v13  }
0x4f: {  	s19 =	sor.u32 $0x1C30, s17;
	v15 =	vmax.f32 v11, v15;
	v11 =	vmax.f32 v12, v28;
	v16 =	vld [tilespmem:s29+$0x0];
	v13 =	vmax.f32 v13, v56  }
0x50: {  	v3 =	vmax.f32 v5, v24;
	v13 =	vmax.f32 v13, v14;
	v14 =	vmax.f32 v17, v34;
	v17 =	vld [tilespmem:s19+$0x0]  }
0x51: {  	v61 =	vld [tilespmem:s16+$0x1860];
	v5 =	vand.u32 $0x7FFFFFFF, v47;
	v11 =	vmax.f32 v11, v10;
	v10 =	vmax.f32 v6, v23  }
0x52: {  	v8 =	vand.u32 $0x7FFFFFFF, v8;
	v2 =	vmax.f32 v13, v2;
	v13 =	vmax.f32 v18, v58;
	v18 =	vld [tilespmem:s16+$0x1820]  }
0x53: {  	s31 =	sor.u32 $0x1C60, s17;
	v23 =	vmax.f32 v10, v35;
	v2 =	vmax.f32 v2, v8;
	v8 =	vand.u32 $0x7FFFFFFF, v19;
	v19 =	vld [tilespmem:s16+$0x1460]  }
0x54: {  	s17 =	sor.u32 $0x1C70, s17;
	v63 =	vld [tilespmem:s31+$0x0];
	v7 =	vmax.f32 v23, v7;
	v6 =	vmax.f32 v15, v51;
	v15 =	vand.u32 $0x7FFFFFFF, v60  }
0x55: {  	v12 =	vand.u32 $0x7FFFFFFF, v16;
	v16 =	vand.u32 $0x7FFFFFFF, v9;
	v10 =	vand.u32 $0x7FFFFFFF, v17;
	v17 =	vld [tilespmem:s17+$0x0]  }
0x56: {  	v14 =	vmax.f32 v14, v30;
	v2 =	vmax.f32 v2, v8;
	v8 =	vand.u32 $0x7FFFFFFF, v57  }
0x57: {  	v9 =	vmax.f32 v7, v36;
	v4 =	vmax.f32 v14, v4;
	v2 =	vmax.f32 v2, v8  }
0x58: {  	s18 =	simm.s32 $0xFFFF8400;
	v2 =	vmax.f32 v2, v62;
	v7 =	vand.u32 $0x7FFFFFFF, v18;
	v8 =	vand.u32 $0x7FFFFFFF, v19  }
0x59: {  	s19 =	simm.s32 $0x0;
	s16 =	simm.s32 $0x80;
	s17 =	simm.s32 $0x1;
	v14 =	vmax.f32 v4, v7;
	v7 =	vand.u32 $0x7FFFFFFF, v61;
	v4 =	vand.u32 $0x7FFFFFFF, v63  }
.LBB2_2:
0x5a: {  	s20 =	sand.u32 $0x7, s17;
	s21 =	sadd.s32 $0x8000, s18;
	v13 =	vmax.f32 v13, v16;
	v1 =	vmax.f32 v14, v1;
	v14 =	vand.u32 $0x7FFFFFFF, v17;
	s19 =	sadd.s32 $0x400, s19  }
0x5b: {  	s22 =	sand.u32 $0x380, s16;
	v9 =	vmax.f32 v9, v15;
	v5 =	vmax.f32 v6, v5;
	s20 =	sshll.u32 s20, $0x7;
	s21 =	sand.u32 $0x6000, s21;
	v15 =	vmax.f32 v13, v12  }
0x5c: {  	p0 =	sne.s32 s16, $0xF80;
	v3 =	vmax.f32 v3, v10;
	v6 =	vmax.f32 v9, v8;
	v9 =	vmax.f32 v11, v14;
	s20 =	sadd.s32 s20, s19;
	s22 =	sor.u32 s22, s21  }
0x5d: {  	v6 =	vmax.f32 v6, v7;
	v14 =	vld [tilespmem:s22+$0x1010];
	s25 =	sor.u32 $0x1C00, s20;
	s24 =	sor.u32 $0x1C10, s20;
	s21 =	sor.u32 $0x1C70, s20  }
0x5e: {  	s16 =	sadd.s32 $0x80, s16;
	s23 =	sor.u32 $0x1C30, s20;
	v4 =	vmax.f32 v6, v4;
	v16 =	vld [tilespmem:s22+$0x1000]  }
0x5f: {  	v17 =	vld [tilespmem:s22+$0xC70]  }
0x60: {  	v8 =	vld [tilespmem:s22+$0x860]  }
0x61: {  	v18 =	vld [tilespmem:s22+$0xC60]  }
0x62: {  	v6 =	vld [tilespmem:s22+$0xC50]  }
0x63: {  	v19 =	vld [tilespmem:s22+$0xC40]  }
0x64: {  	v10 =	vld [tilespmem:s22+$0xC30]  }
0x65: {  	v7 =	vld [tilespmem:s22+$0xC20]  }
0x66: {  	v11 =	vld [tilespmem:s22+$0xC10]  }
0x67: {  	v13 =	vld [tilespmem:s22+$0xC00]  }
0x68: {  	v20 =	vld [tilespmem:s22+$0x460]  }
0x69: {  	v21 =	vld [tilespmem:s22+$0x870]  }
0x6a: {  	v22 =	vld [tilespmem:s22+$0x850]  }
0x6b: {  	v23 =	vld [tilespmem:s22+$0x840]  }
0x6c: {  	v24 =	vld [tilespmem:s22+$0x830]  }
0x6d: {  	v12 =	vld [tilespmem:s22+$0x820]  }
0x6e: {  	v25 =	vld [tilespmem:s22+$0x810]  }
0x6f: {  	v26 =	vld [tilespmem:s22+$0x800]  }
0x70: {  	v27 =	vld [tilespmem:s22+$0x470]  }
0x71: {  	v28 =	vld [tilespmem:s22+$0x440]  }
0x72: {  	v29 =	vld [tilespmem:s22+$0x1870]  }
0x73: {  	v30 =	vld [tilespmem:s22+$0x430];
	v25 =	vand.u32 $0x7FFFFFFF, v25  }
0x74: {  	v12 =	vand.u32 $0x7FFFFFFF, v12;
	v31 =	vld [tilespmem:s22+$0x1830]  }
0x75: {  	v24 =	vand.u32 $0x7FFFFFFF, v24;
	v32 =	vld [tilespmem:s22+$0x420]  }
0x76: {  	v33 =	vld [tilespmem:s22+$0x410]  }
0x77: {  	v34 =	vld [tilespmem:s22+$0x1420]  }
0x78: {  	v35 =	vld [tilespmem:s22+$0x1470]  }
0x79: {  	v21 =	vand.u32 $0x7FFFFFFF, v21;
	v36 =	vld [tilespmem:s22+$0x400]  }
0x7a: {  	v38 =	vand.u32 $0x7FFFFFFF, v13;
	v37 =	vld [tilespmem:s22+$0x70]  }
0x7b: {  	v39 =	vand.u32 $0x7FFFFFFF, v11;
	v28 =	vand.u32 $0x7FFFFFFF, v28;
	v40 =	vld [tilespmem:s22+$0x1070]  }
0x7c: {  	v13 =	vand.u32 $0x7FFFFFFF, v7;
	v41 =	vld [tilespmem:s22+$0x10];
	v7 =	vand.u32 $0x7FFFFFFF, v34  }
0x7d: {  	v8 =	vand.u32 $0x7FFFFFFF, v8;
	v42 =	vand.u32 $0x7FFFFFFF, v10;
	v11 =	vand.u32 $0x7FFFFFFF, v29;
	v34 =	vld [tilespmem:s22+$0x20]  }
0x7e: {  	v10 =	vand.u32 $0x7FFFFFFF, v20;
	v20 =	vand.u32 $0x7FFFFFFF, v27;
	v32 =	vand.u32 $0x7FFFFFFF, v32;
	v29 =	vld [tilespmem:s22+$0x30]  }
0x7f: {  	v22 =	vand.u32 $0x7FFFFFFF, v22;
	v30 =	vand.u32 $0x7FFFFFFF, v30;
	v27 =	vand.u32 $0x7FFFFFFF, v37;
	v37 =	vld [tilespmem:s22+$0x1020]  }
0x80: {  	v19 =	vand.u32 $0x7FFFFFFF, v19;
	v27 =	vmax.f32 v9, v27;
	v9 =	vand.u32 $0x7FFFFFFF, v18;
	v18 =	vld [tilespmem:s22+$0x1030]  }
0x81: {  	s26 =	sor.u32 $0x1C20, s20;
	v26 =	vand.u32 $0x7FFFFFFF, v26;
	v33 =	vand.u32 $0x7FFFFFFF, v33;
	v41 =	vand.u32 $0x7FFFFFFF, v41;
	v43 =	vld [tilespmem:s22+$0x1430]  }
0x82: {  	v16 =	vand.u32 $0x7FFFFFFF, v16;
	v31 =	vand.u32 $0x7FFFFFFF, v31;
	v15 =	vmax.f32 v15, v41;
	v41 =	vld [tilespmem:s26+$0x0]  }
0x83: {  	v45 =	vand.u32 $0x7FFFFFFF, v14;
	v17 =	vand.u32 $0x7FFFFFFF, v17;
	v44 =	vld [tilespmem:s22+$0x0];
	v29 =	vand.u32 $0x7FFFFFFF, v29  }
0x84: {  	v36 =	vand.u32 $0x7FFFFFFF, v36;
	v15 =	vmax.f32 v15, v33;
	v46 =	vld [tilespmem:s22+$0x40];
	v14 =	vand.u32 $0x7FFFFFFF, v37  }
0x85: {  	v20 =	vmax.f32 v27, v20;
	v27 =	vand.u32 $0x7FFFFFFF, v40;
	v18 =	vand.u32 $0x7FFFFFFF, v18;
	v33 =	vld [tilespmem:s22+$0x1400]  }
0x86: {  	v35 =	vand.u32 $0x7FFFFFFF, v35;
	v34 =	vand.u32 $0x7FFFFFFF, v34;
	v15 =	vmax.f32 v15, v25;
	v25 =	vld [tilespmem:s22+$0x1040]  }
0x87: {  	v34 =	vmax.f32 v1, v34;
	v37 =	vand.u32 $0x7FFFFFFF, v43;
	v40 =	vld [tilespmem:s22+$0x1800];
	v1 =	vand.u32 $0x7FFFFFFF, v41  }
0x88: {  	v23 =	vand.u32 $0x7FFFFFFF, v23;
	v3 =	vmax.f32 v3, v29;
	v41 =	vand.u32 $0x7FFFFFFF, v44;
	v29 =	vld [tilespmem:s22+$0x1440]  }
0x89: {  	v3 =	vmax.f32 v3, v30;
	v15 =	vmax.f32 v15, v39;
	v5 =	vmax.f32 v5, v41;
	v30 =	vld [tilespmem:s25+$0x0]  }
0x8a: {  	v3 =	vmax.f32 v3, v24;
	v39 =	vand.u32 $0x7FFFFFFF, v46;
	s25 =	sor.u32 $0x1C40, s20;
	v5 =	vmax.f32 v5, v36;
	v24 =	vld [tilespmem:s22+$0x1840]  }
0x8b: {  	v3 =	vmax.f32 v3, v42;
	v0 =	vmax.f32 v0, v39;
	v25 =	vand.u32 $0x7FFFFFFF, v25;
	v36 =	vld [tilespmem:s25+$0x0]  }
0x8c: {  	v0 =	vmax.f32 v0, v28;
	v26 =	vmax.f32 v5, v26;
	v39 =	vld [tilespmem:s22+$0x50];
	v28 =	vand.u32 $0x7FFFFFFF, v40  }
0x8d: {  	v3 =	vmax.f32 v3, v18;
	v0 =	vmax.f32 v0, v23;
	v23 =	vand.u32 $0x7FFFFFFF, v33;
	v18 =	vld [tilespmem:s22+$0x1050]  }
0x8e: {  	v3 =	vmax.f32 v3, v37;
	v0 =	vmax.f32 v0, v19;
	v19 =	vand.u32 $0x7FFFFFFF, v29;
	v33 =	vld [tilespmem:s22+$0x450]  }
0x8f: {  	v3 =	vmax.f32 v3, v31;
	v0 =	vmax.f32 v0, v25;
	v5 =	vand.u32 $0x7FFFFFFF, v30;
	v25 =	vld [tilespmem:s22+$0x1410]  }
0x90: {  	v15 =	vmax.f32 v15, v45;
	v0 =	vmax.f32 v0, v19;
	v24 =	vand.u32 $0x7FFFFFFF, v24;
	v19 =	vld [tilespmem:s22+$0x1810]  }
0x91: {  	v20 =	vmax.f32 v20, v21;
	v0 =	vmax.f32 v0, v24;
	v24 =	vand.u32 $0x7FFFFFFF, v36;
	v21 =	vld [tilespmem:s24+$0x0]  }
0x92: {  	v26 =	vmax.f32 v26, v38;
	v29 =	vmax.f32 v34, v32;
	v0 =	vmax.f32 v0, v24;
	v30 =	vld [tilespmem:s22+$0x1450]  }
0x93: {  	v16 =	vmax.f32 v26, v16;
	v12 =	vmax.f32 v29, v12;
	v24 =	vand.u32 $0x7FFFFFFF, v39;
	v31 =	vld [tilespmem:s22+$0x60]  }
0x94: {  	v17 =	vmax.f32 v20, v17;
	s24 =	sor.u32 $0x1C50, s20;
	v2 =	vmax.f32 v2, v24;
	v24 =	vand.u32 $0x7FFFFFFF, v33;
	v20 =	vld [tilespmem:s22+$0x1850]  }
0x95: {  	v17 =	vmax.f32 v17, v27;
	v2 =	vmax.f32 v2, v24;
	v24 =	vand.u32 $0x7FFFFFFF, v25;
	v25 =	vld [tilespmem:s24+$0x0]  }
0x96: {  	v6 =	vand.u32 $0x7FFFFFFF, v6;
	v2 =	vmax.f32 v2, v22;
	v22 =	vmax.f32 v12, v13;
	v26 =	vld [tilespmem:s23+$0x0]  }
0x97: {  	v16 =	vmax.f32 v16, v23;
	v2 =	vmax.f32 v2, v6;
	v6 =	vand.u32 $0x7FFFFFFF, v18;
	v18 =	vld [tilespmem:s22+$0x1060]  }
0x98: {  	v12 =	vmax.f32 v17, v35;
	v2 =	vmax.f32 v2, v6;
	v6 =	vand.u32 $0x7FFFFFFF, v30;
	v23 =	vld [tilespmem:s22+$0x1460]  }
0x99: {  	v13 =	vmax.f32 v15, v24;
	v17 =	vand.u32 $0x7FFFFFFF, v31;
	v2 =	vmax.f32 v2, v6;
	v24 =	vld [tilespmem:s22+$0x1820]  }
0x9a: {  	s20 =	sor.u32 $0x1C60, s20;
	v11 =	vmax.f32 v12, v11;
	v12 =	vand.u32 $0x7FFFFFFF, v21;
	v15 =	vand.u32 $0x7FFFFFFF, v20;
	v20 =	vld [tilespmem:s22+$0x1860]  }
0x9b: {  	v6 =	vmax.f32 v16, v28;
	v4 =	vmax.f32 v4, v17;
	v21 =	vand.u32 $0x7FFFFFFF, v25;
	v25 =	vld [tilespmem:s20+$0x0]  }
.Ltmp0:
0x9c: {  	v16 =	vand.u32 $0x7FFFFFFF, v19;
	v4 =	vmax.f32 v4, v10;
	v2 =	vmax.f32 v2, v15;
	v17 =	vld [tilespmem:s21+$0x0];
	(pc) =	sbr.rel @p0 .LBB2_2-.Ltmp0, $4  }
0x9d: {  	v10 =	vand.u32 $0x7FFFFFFF, v26;
	v2 =	vmax.f32 v2, v21;
	v15 =	vand.u32 $0x7FFFFFFF, v18  }
0x9e: {  	v14 =	vmax.f32 v22, v14;
	v4 =	vmax.f32 v4, v8;
	v8 =	vand.u32 $0x7FFFFFFF, v23  }
0x9f: {  	v9 =	vmax.f32 v4, v9;
	v4 =	vmax.f32 v14, v7;
	v7 =	vand.u32 $0x7FFFFFFF, v24  }
0xa0: {  	s17 =	sadd.s32 $0x1, s17;
	s18 =	sadd.s32 $0x400, s18;
	v14 =	vmax.f32 v4, v7;
	v7 =	vand.u32 $0x7FFFFFFF, v20;
	v4 =	vand.u32 $0x7FFFFFFF, v25  }
0xa1: {  	s18 =	simm.s32 $0x0  }
0xa2: {  	[tilespmem:s18], [sflag:$0x1] =	stream.linear.gather [hbm4b:s5+s18], $0x8000, $0x38;
	[tilespmem:$0x10080] =	vst v63  }
0xa3: {  	_ =	swait.ge [sflag:s12], $0x8000  }
0xa4: {  	s16 =	sor.u32 s18, s18;
	s19 =	sand.u32 $0x6000, s18;
	[sflag:s12] =	ssyncset.done $0x0  }
0xa5: {  	s17 =	sand.u32 $0x380, s18;
	s16 =	sor.u32 $0x9C00, s16;
	[sflag:s12] =	ssyncadd.s32 $0xFFFF8000  }
0xa6: {  	s17 =	sor.u32 s17, s19;
	v18 =	vld [tilespmem:s16+$0x60]  }
0xa7: {  	v19 =	vld [tilespmem:s17+$0x9860]  }
0xa8: {  	v20 =	vld [tilespmem:s16+$0x70]  }
0xa9: {  	v21 =	vld [tilespmem:s17+$0x9870]  }
0xaa: {  	v22 =	vld [tilespmem:s17+$0x9400]  }
0xab: {  	v23 =	vld [tilespmem:s17+$0x9000]  }
0xac: {  	v24 =	vld [tilespmem:s17+$0x9410]  }
0xad: {  	v25 =	vld [tilespmem:s16+$0x30]  }
0xae: {  	v26 =	vld [tilespmem:s17+$0x8810]  }
0xaf: {  	v27 =	vld [tilespmem:s17+$0x9830]  }
0xb0: {  	v28 =	vld [tilespmem:s17+$0x9430]  }
0xb1: {  	v29 =	vld [tilespmem:s17+$0x9030]  }
0xb2: {  	v30 =	vld [tilespmem:s17+$0x8830]  }
0xb3: {  	v31 =	vld [tilespmem:s17+$0x8870]  }
0xb4: {  	v32 =	vld [tilespmem:s17+$0x8860]  }
0xb5: {  	v33 =	vld [tilespmem:s17+$0x8850]  }
0xb6: {  	v34 =	vld [tilespmem:s17+$0x8840]  }
0xb7: {  	v35 =	vld [tilespmem:s17+$0x8820]  }
0xb8: {  	v36 =	vld [tilespmem:s17+$0x8430]  }
0xb9: {  	v37 =	vld [tilespmem:s17+$0x8470]  }
0xba: {  	v38 =	vld [tilespmem:s17+$0x8420]  }
0xbb: {  	v39 =	vld [tilespmem:s17+$0x8460]  }
0xbc: {  	v40 =	vld [tilespmem:s17+$0x8450]  }
0xbd: {  	v41 =	vld [tilespmem:s17+$0x8440]  }
0xbe: {  	v42 =	vld [tilespmem:s17+$0x9460]  }
0xbf: {  	v43 =	vld [tilespmem:s17+$0x9800]  }
0xc0: {  	v14 =	vmax.f32 v14, v1;
	v1 =	vmax.f32 v9, v15;
	v9 =	vld [tilespmem:s17+$0x9060]  }
0xc1: {  	v16 =	vmax.f32 v13, v16;
	v13 =	vmax.f32 v6, v5;
	s18 =	sor.u32 s19, s18;
	v5 =	vld [tilespmem:s17+$0x9470]  }
0xc2: {  	v1 =	vmax.f32 v1, v8;
	v44 =	vmax.f32 v16, v12;
	v12 =	vmax.f32 v3, v10;
	s18 =	sor.u32 $0x8C00, s18;
	v3 =	vld [tilespmem:s17+$0x8050]  }
0xc3: {  	v15 =	vand.u32 $0x7FFFFFFF, v17;
	v1 =	vmax.f32 v1, v7;
	v7 =	vld [tilespmem:s18+$0x70]  }
0xc4: {  	v6 =	vmax.f32 v11, v15;
	v4 =	vmax.f32 v1, v4;
	v11 =	vld [tilespmem:s18+$0x60];
	v1 =	vand.u32 $0x7FFFFFFF, v34  }
0xc5: {  	v48 =	vld [tilespmem:s17+$0x8070];
	v8 =	vand.u32 $0x7FFFFFFF, v33;
	v15 =	vand.u32 $0x7FFFFFFF, v31;
	v10 =	vand.u32 $0x7FFFFFFF, v32  }
0xc6: {  	v51 =	vld [tilespmem:s17+$0x9070];
	v16 =	vand.u32 $0x7FFFFFFF, v39;
	v24 =	vand.u32 $0x7FFFFFFF, v24;
	v25 =	vand.u32 $0x7FFFFFFF, v25  }
0xc7: {  	v17 =	vld [tilespmem:s18+$0x50];
	v26 =	vand.u32 $0x7FFFFFFF, v26;
	v28 =	vand.u32 $0x7FFFFFFF, v28;
	v27 =	vand.u32 $0x7FFFFFFF, v27  }
0xc8: {  	v56 =	vld [tilespmem:s17+$0x8010];
	v3 =	vand.u32 $0x7FFFFFFF, v3;
	v30 =	vand.u32 $0x7FFFFFFF, v30;
	v29 =	vand.u32 $0x7FFFFFFF, v29  }
0xc9: {  	v63 =	vld [tilespmem:s18+$0x40];
	v49 =	vand.u32 $0x7FFFFFFF, v37;
	v11 =	vand.u32 $0x7FFFFFFF, v11;
	v50 =	vand.u32 $0x7FFFFFFF, v9  }
0xca: {  	v31 =	vld [tilespmem:s17+$0x8060];
	v36 =	vand.u32 $0x7FFFFFFF, v36;
	v46 =	vand.u32 $0x7FFFFFFF, v7;
	v9 =	vand.u32 $0x7FFFFFFF, v48  }
0xcb: {  	v45 =	vld [tilespmem:s18+$0x30];
	v19 =	vand.u32 $0x7FFFFFFF, v19;
	v39 =	vand.u32 $0x7FFFFFFF, v51;
	v38 =	vand.u32 $0x7FFFFFFF, v38  }
0xcc: {  	v53 =	vld [tilespmem:s18+$0x20];
	v59 =	vand.u32 $0x7FFFFFFF, v42;
	v2 =	vmax.f32 v2, v3;
	v3 =	vand.u32 $0x7FFFFFFF, v40  }
0xcd: {  	v54 =	vld [tilespmem:s17+$0x9050];
	v32 =	vand.u32 $0x7FFFFFFF, v56;
	v2 =	vmax.f32 v2, v3;
	v3 =	vand.u32 $0x7FFFFFFF, v23  }
0xce: {  	v55 =	vld [tilespmem:s17+$0x9850];
	v23 =	vand.u32 $0x7FFFFFFF, v41;
	v52 =	vmax.f32 v2, v8;
	v8 =	vand.u32 $0x7FFFFFFF, v5  }
0xcf: {  	v57 =	vld [tilespmem:s17+$0x8030];
	v5 =	vand.u32 $0x7FFFFFFF, v20;
	v20 =	vmax.f32 v6, v9;
	v2 =	vand.u32 $0x7FFFFFFF, v31  }
0xd0: {  	v20 =	vmax.f32 v20, v49;
	v7 =	vmax.f32 v4, v2;
	v4 =	vand.u32 $0x7FFFFFFF, v22;
	v22 =	vld [tilespmem:s17+$0x9450]  }
0xd1: {  	v9 =	vand.u32 $0x7FFFFFFF, v63;
	v15 =	vmax.f32 v20, v15;
	v20 =	vld [tilespmem:s17+$0x9020];
	v16 =	vmax.f32 v7, v16  }
0xd2: {  	v6 =	vand.u32 $0x7FFFFFFF, v18;
	v10 =	vmax.f32 v16, v10;
	v16 =	vand.u32 $0x7FFFFFFF, v17;
	v17 =	vld [tilespmem:s17+$0x8020]  }
0xd3: {  	v18 =	vand.u32 $0x7FFFFFFF, v54;
	v7 =	vand.u32 $0x7FFFFFFF, v21;
	v21 =	vld [tilespmem:s16+$0x50];
	v16 =	vmax.f32 v52, v16  }
0xd4: {  	v31 =	vand.u32 $0x7FFFFFFF, v35;
	v35 =	vand.u32 $0x7FFFFFFF, v53;
	v16 =	vmax.f32 v16, v18;
	v18 =	vld [tilespmem:s17+$0x8040]  }
0xd5: {  	v2 =	vand.u32 $0x7FFFFFFF, v43;
	v58 =	vmax.f32 v10, v11;
	v10 =	vand.u32 $0x7FFFFFFF, v22  }
0xd6: {  	v60 =	vld [tilespmem:s18+$0x0];
	v15 =	vmax.f32 v15, v46;
	v11 =	vand.u32 $0x7FFFFFFF, v55;
	v16 =	vmax.f32 v16, v10  }
0xd7: {  	v63 =	vand.u32 $0x7FFFFFFF, v20;
	v22 =	vld [tilespmem:s18+$0x10];
	v11 =	vmax.f32 v16, v11;
	v16 =	vand.u32 $0x7FFFFFFF, v17  }
0xd8: {  	v61 =	vld [tilespmem:s17+$0x9420];
	v10 =	vand.u32 $0x7FFFFFFF, v21;
	v14 =	vmax.f32 v14, v16;
	v16 =	vand.u32 $0x7FFFFFFF, v57  }
0xd9: {  	v21 =	vand.u32 $0x7FFFFFFF, v45;
	v12 =	vmax.f32 v12, v16;
	v16 =	vand.u32 $0x7FFFFFFF, v18;
	v18 =	vld [tilespmem:s17+$0x8410]  }
0xda: {  	v62 =	vld [tilespmem:s17+$0x8000];
	v0 =	vmax.f32 v0, v16;
	v12 =	vmax.f32 v12, v36;
	v16 =	vmax.f32 v58, v50  }
0xdb: {  	v14 =	vmax.f32 v14, v38;
	v12 =	vmax.f32 v12, v30;
	v30 =	vmax.f32 v16, v59;
	v16 =	vld [tilespmem:s17+$0x9820]  }
0xdc: {  	v14 =	vmax.f32 v14, v31;
	v20 =	vand.u32 $0x7FFFFFFF, v22;
	v17 =	vmax.f32 v0, v23;
	v23 =	vld [tilespmem:s17+$0x9010]  }
0xdd: {  	v22 =	vmax.f32 v14, v35;
	v14 =	vld [tilespmem:s17+$0x9440];
	v0 =	vmax.f32 v12, v21;
	v12 =	vmax.f32 v30, v19  }
0xde: {  	v19 =	vmax.f32 v44, v32;
	v30 =	vld [tilespmem:s17+$0x8400];
	v0 =	vmax.f32 v0, v29;
	v18 =	vand.u32 $0x7FFFFFFF, v18  }
0xdf: {  	v15 =	vmax.f32 v15, v39;
	v0 =	vmax.f32 v0, v28;
	v28 =	vld [tilespmem:s17+$0x9810];
	v18 =	vmax.f32 v19, v18  }
0xe0: {  	v21 =	vld [tilespmem:s17+$0x8800];
	v22 =	vmax.f32 v22, v63;
	v29 =	vand.u32 $0x7FFFFFFF, v62;
	v18 =	vmax.f32 v18, v26  }
0xe1: {  	v19 =	vld [tilespmem:s17+$0x9040];
	v0 =	vmax.f32 v0, v27;
	v23 =	vand.u32 $0x7FFFFFFF, v23;
	v18 =	vmax.f32 v18, v20  }
0xe2: {  	v0 =	vmax.f32 v0, v25;
	v25 =	vand.u32 $0x7FFFFFFF, v61;
	v18 =	vmax.f32 v18, v23;
	v23 =	vld [tilespmem:s17+$0x9840]  }
0xe3: {  	v20 =	vand.u32 $0x7FFFFFFF, v60;
	v26 =	vmax.f32 v22, v25;
	v22 =	vld [tilespmem:s16+$0x0];
	v25 =	vand.u32 $0x7FFFFFFF, v30  }
0xe4: {  	s18 =	simm.s32 $0x80;
	s17 =	simm.s32 $0x400;
	v27 =	vmax.f32 v18, v24;
	v24 =	vmax.f32 v13, v29;
	v28 =	vand.u32 $0x7FFFFFFF, v28;
	v18 =	vld [tilespmem:s16+$0x20]  }
.LBB2_4:
0xe5: {  	s20 =	sand.u32 $0x6000, s17;
	s19 =	sand.u32 $0x380, s18;
	s21 =	sor.u32 s17, s18;
	v1 =	vmax.f32 v17, v1;
	v13 =	vmax.f32 v27, v28;
	v16 =	vand.u32 $0x7FFFFFFF, v16;
	v27 =	vld [tilespmem:s16+$0x40]  }
0xe6: {  	v21 =	vand.u32 $0x7FFFFFFF, v21;
	v28 =	vand.u32 $0x7FFFFFFF, v19;
	s19 =	sor.u32 s19, s20;
	s20 =	sor.u32 s20, s18;
	v16 =	vmax.f32 v26, v16;
	v26 =	vld [tilespmem:s16+$0x10];
	s16 =	sor.u32 $0x9C00, s21  }
0xe7: {  	p0 =	sne.s32 s17, $0x7C00;
	s17 =	sadd.s32 $0x400, s17;
	v24 =	vmax.f32 v24, v25;
	v8 =	vmax.f32 v15, v8;
	v17 =	vld [tilespmem:s16+$0x60];
	v23 =	vand.u32 $0x7FFFFFFF, v23  }
0xe8: {  	v15 =	vmax.f32 v24, v21;
	v1 =	vmax.f32 v1, v9;
	v7 =	vmax.f32 v8, v7;
	v19 =	vld [tilespmem:s19+$0x9860]  }
0xe9: {  	v10 =	vmax.f32 v11, v10;
	v1 =	vmax.f32 v1, v28;
	v8 =	vand.u32 $0x7FFFFFFF, v22;
	v9 =	vld [tilespmem:s16+$0x70]  }
0xea: {  	v14 =	vand.u32 $0x7FFFFFFF, v14;
	v20 =	vmax.f32 v15, v20;
	v15 =	vand.u32 $0x7FFFFFFF, v18;
	v11 =	vld [tilespmem:s19+$0x9870]  }
0xeb: {  	v1 =	vmax.f32 v1, v14;
	v15 =	vmax.f32 v16, v15;
	v16 =	vand.u32 $0x7FFFFFFF, v27;
	v21 =	vld [tilespmem:s19+$0x9400]  }
0xec: {  	v24 =	vmax.f32 v7, v5;
	v3 =	vmax.f32 v20, v3;
	v14 =	vand.u32 $0x7FFFFFFF, v26;
	v22 =	vld [tilespmem:s19+$0x9000]  }
0xed: {  	v3 =	vmax.f32 v3, v4;
	v1 =	vmax.f32 v1, v23;
	v14 =	vmax.f32 v13, v14;
	v5 =	vld [tilespmem:s19+$0x9410]  }
0xee: {  	v6 =	vmax.f32 v12, v6;
	v2 =	vmax.f32 v3, v2;
	v16 =	vmax.f32 v1, v16;
	v4 =	vld [tilespmem:s16+$0x30]  }
0xef: {  	v13 =	vmax.f32 v2, v8;
	v3 =	vld [tilespmem:s19+$0x8810]  }
0xf0: {  	v2 =	vld [tilespmem:s19+$0x9830]  }
0xf1: {  	v7 =	vld [tilespmem:s19+$0x9430]  }
0xf2: {  	v8 =	vld [tilespmem:s19+$0x9030]  }
0xf3: {  	v12 =	vld [tilespmem:s19+$0x8830]  }
0xf4: {  	v18 =	vld [tilespmem:s19+$0x8870]  }
0xf5: {  	v20 =	vld [tilespmem:s19+$0x8860]  }
0xf6: {  	v23 =	vld [tilespmem:s19+$0x8850]  }
0xf7: {  	v1 =	vld [tilespmem:s19+$0x8840]  }
0xf8: {  	v25 =	vld [tilespmem:s19+$0x8820]  }
0xf9: {  	v26 =	vld [tilespmem:s19+$0x8430]  }
0xfa: {  	v27 =	vld [tilespmem:s19+$0x8470]  }
0xfb: {  	v28 =	vld [tilespmem:s19+$0x8420]  }
0xfc: {  	v29 =	vld [tilespmem:s19+$0x8460]  }
0xfd: {  	v30 =	vld [tilespmem:s19+$0x8450]  }
0xfe: {  	s20 =	sor.u32 $0x8C00, s20;
	v31 =	vld [tilespmem:s19+$0x8440]  }
0xff: {  	v32 =	vld [tilespmem:s19+$0x9460]  }
0x100: {  	v1 =	vand.u32 $0x7FFFFFFF, v1;
	v33 =	vld [tilespmem:s19+$0x9800]  }
0x101: {  	v23 =	vand.u32 $0x7FFFFFFF, v23;
	v34 =	vld [tilespmem:s19+$0x9060]  }
0x102: {  	v35 =	vld [tilespmem:s19+$0x9470]  }
0x103: {  	v37 =	vand.u32 $0x7FFFFFFF, v18;
	v36 =	vld [tilespmem:s19+$0x8050]  }
0x104: {  	v38 =	vld [tilespmem:s20+$0x70]  }
0x105: {  	v39 =	vand.u32 $0x7FFFFFFF, v20;
	v40 =	vld [tilespmem:s20+$0x60]  }
0x106: {  	v18 =	vand.u32 $0x7FFFFFFF, v5;
	v20 =	vand.u32 $0x7FFFFFFF, v4;
	v29 =	vand.u32 $0x7FFFFFFF, v29;
	v41 =	vld [tilespmem:s20+$0x50]  }
0x107: {  	v42 =	vand.u32 $0x7FFFFFFF, v3;
	v44 =	vand.u32 $0x7FFFFFFF, v2;
	v43 =	vand.u32 $0x7FFFFFFF, v7;
	v4 =	vld [tilespmem:s19+$0x8060]  }
0x108: {  	v45 =	vand.u32 $0x7FFFFFFF, v8;
	v12 =	vand.u32 $0x7FFFFFFF, v12;
	v2 =	vand.u32 $0x7FFFFFFF, v36;
	v36 =	vld [tilespmem:s20+$0x40]  }
0x109: {  	v3 =	vand.u32 $0x7FFFFFFF, v30;
	v2 =	vmax.f32 v10, v2;
	v5 =	vld [tilespmem:s19+$0x8070];
	v10 =	vand.u32 $0x7FFFFFFF, v27  }
0x10a: {  	v30 =	vand.u32 $0x7FFFFFFF, v34;
	v2 =	vmax.f32 v2, v3;
	v27 =	vand.u32 $0x7FFFFFFF, v40;
	v34 =	vld [tilespmem:s19+$0x9070]  }
0x10b: {  	v26 =	vand.u32 $0x7FFFFFFF, v26;
	v38 =	vand.u32 $0x7FFFFFFF, v38;
	v23 =	vmax.f32 v2, v23;
	v40 =	vld [tilespmem:s20+$0x30]  }
0x10c: {  	v25 =	vand.u32 $0x7FFFFFFF, v25;
	v3 =	vand.u32 $0x7FFFFFFF, v22;
	v2 =	vand.u32 $0x7FFFFFFF, v4;
	v46 =	vld [tilespmem:s20+$0x20]  }
0x10d: {  	v22 =	vand.u32 $0x7FFFFFFF, v31;
	v6 =	vmax.f32 v6, v2;
	v31 =	vld [tilespmem:s19+$0x9050];
	v2 =	vand.u32 $0x7FFFFFFF, v33  }
0x10e: {  	v8 =	vand.u32 $0x7FFFFFFF, v35;
	v4 =	vand.u32 $0x7FFFFFFF, v21;
	v33 =	vand.u32 $0x7FFFFFFF, v5;
	v21 =	vld [tilespmem:s19+$0x9450]  }
0x10f: {  	v7 =	vand.u32 $0x7FFFFFFF, v11;
	v6 =	vmax.f32 v6, v29;
	v5 =	vand.u32 $0x7FFFFFFF, v9;
	v29 =	vld [tilespmem:s19+$0x9850]  }
0x110: {  	v19 =	vand.u32 $0x7FFFFFFF, v19;
	v9 =	vand.u32 $0x7FFFFFFF, v36;
	v11 =	vmax.f32 v24, v33;
	v24 =	vld [tilespmem:s16+$0x50]  }
0x111: {  	v36 =	vand.u32 $0x7FFFFFFF, v41;
	v35 =	vmax.f32 v6, v39;
	v6 =	vand.u32 $0x7FFFFFFF, v17;
	v33 =	vld [tilespmem:s19+$0x8010]  }
0x112: {  	v23 =	vmax.f32 v23, v36;
	v34 =	vand.u32 $0x7FFFFFFF, v34;
	v17 =	vld [tilespmem:s19+$0x8020];
	v31 =	vand.u32 $0x7FFFFFFF, v31  }
0x113: {  	v28 =	vand.u32 $0x7FFFFFFF, v28;
	v39 =	vmax.f32 v11, v10;
	v36 =	vld [tilespmem:s19+$0x8030];
	v10 =	vmax.f32 v23, v31  }
0x114: {  	v27 =	vmax.f32 v35, v27;
	v11 =	vand.u32 $0x7FFFFFFF, v21;
	v23 =	vld [tilespmem:s19+$0x8040];
	v21 =	vand.u32 $0x7FFFFFFF, v29  }
0x115: {  	v31 =	vand.u32 $0x7FFFFFFF, v32;
	v11 =	vmax.f32 v10, v11;
	v29 =	vld [tilespmem:s20+$0x10];
	v10 =	vand.u32 $0x7FFFFFFF, v24  }
0x116: {  	v35 =	vand.u32 $0x7FFFFFFF, v40;
	v32 =	vand.u32 $0x7FFFFFFF, v46;
	v11 =	vmax.f32 v11, v21;
	v24 =	vld [tilespmem:s20+$0x0]  }
0x117: {  	v21 =	vand.u32 $0x7FFFFFFF, v33;
	v33 =	vmax.f32 v39, v37;
	v17 =	vand.u32 $0x7FFFFFFF, v17;
	v37 =	vld [tilespmem:s19+$0x9020]  }
0x118: {  	v33 =	vmax.f32 v33, v38;
	v17 =	vmax.f32 v15, v17;
	v15 =	vand.u32 $0x7FFFFFFF, v36;
	v36 =	vld [tilespmem:s19+$0x9420]  }
0x119: {  	v0 =	vmax.f32 v0, v15;
	v23 =	vand.u32 $0x7FFFFFFF, v23;
	v38 =	vld [tilespmem:s19+$0x8410];
	v15 =	vmax.f32 v33, v34  }
0x11a: {  	v33 =	vld [tilespmem:s19+$0x8000];
	v23 =	vmax.f32 v16, v23;
	v0 =	vmax.f32 v0, v26;
	v16 =	vmax.f32 v27, v30  }
0x11b: {  	v26 =	vmax.f32 v17, v28;
	v0 =	vmax.f32 v0, v12;
	v12 =	vmax.f32 v16, v31;
	v16 =	vld [tilespmem:s19+$0x9820]  }
0x11c: {  	v17 =	vmax.f32 v23, v22;
	v0 =	vmax.f32 v0, v35;
	v22 =	vld [tilespmem:s19+$0x9010];
	v12 =	vmax.f32 v12, v19  }
0x11d: {  	v14 =	vmax.f32 v14, v21;
	v23 =	vand.u32 $0x7FFFFFFF, v37;
	v28 =	vld [tilespmem:s19+$0x8400];
	v0 =	vmax.f32 v0, v45  }
0x11e: {  	v25 =	vmax.f32 v26, v25;
	v19 =	vand.u32 $0x7FFFFFFF, v38;
	v0 =	vmax.f32 v0, v43;
	v30 =	vld [tilespmem:s19+$0x9810]  }
0x11f: {  	v26 =	vand.u32 $0x7FFFFFFF, v29;
	v14 =	vmax.f32 v14, v19;
	v19 =	vld [tilespmem:s19+$0x9040];
	v0 =	vmax.f32 v0, v44  }
.Ltmp1:
0x120: {  	v25 =	vmax.f32 v25, v32;
	v21 =	vld [tilespmem:s19+$0x8800];
	v14 =	vmax.f32 v14, v42;
	v0 =	vmax.f32 v0, v20;
	(pc) =	sbr.rel @p0 .LBB2_4-.Ltmp1, $4  }
0x121: {  	v29 =	vand.u32 $0x7FFFFFFF, v36;
	v26 =	vmax.f32 v14, v26;
	v22 =	vand.u32 $0x7FFFFFFF, v22;
	v14 =	vld [tilespmem:s19+$0x9440]  }
0x122: {  	v20 =	vand.u32 $0x7FFFFFFF, v24;
	v24 =	vmax.f32 v25, v23;
	v22 =	vmax.f32 v26, v22;
	v23 =	vld [tilespmem:s19+$0x9840]  }
0x123: {  	v25 =	vand.u32 $0x7FFFFFFF, v33;
	v26 =	vmax.f32 v24, v29;
	v27 =	vmax.f32 v22, v18;
	v22 =	vld [tilespmem:s16+$0x0]  }
0x124: {  	s18 =	sadd.s32 $0x80, s18;
	v24 =	vmax.f32 v13, v25;
	v25 =	vand.u32 $0x7FFFFFFF, v28;
	v28 =	vand.u32 $0x7FFFFFFF, v30;
	v18 =	vld [tilespmem:s16+$0x20]  }
0x125: {  	v29 =	vld [tilespmem:s16+$0x40]  }
0x126: {  	v30 =	vld [tilespmem:s16+$0x10];
	s16 =	simm.s32 $0x0  }
0x127: {  	[tilespmem:s10], [sflag:$0x2] =	stream.linear.gather [hbm4b:s6+s16], $0x8000, $0x38;
	[tilespmem:$0x10080] =	vst v63  }
0x128: {  	s17 =	simm.s32 $0x0;
	_ =	swait.ge [sflag:s11], $0x8000  }
0x129: {  	s17 =	sand.u32 $0x6000, s17;
	s18 =	sand.u32 $0x380, s16;
	[sflag:s11] =	ssyncset.done $0x0  }
0x12a: {  	s17 =	sor.u32 s18, s17;
	[sflag:s11] =	ssyncadd.s32 $0xFFFF8000  }
0x12b: {  	v31 =	vld [tilespmem:s17+$0x1010]  }
0x12c: {  	v32 =	vld [tilespmem:s17+$0x1000]  }
0x12d: {  	v33 =	vld [tilespmem:s17+$0xC70]  }
0x12e: {  	v34 =	vld [tilespmem:s17+$0x860]  }
0x12f: {  	v35 =	vld [tilespmem:s17+$0xC60]  }
0x130: {  	v13 =	vld [tilespmem:s17+$0xC50]  }
0x131: {  	v36 =	vld [tilespmem:s17+$0xC40]  }
0x132: {  	v37 =	vld [tilespmem:s17+$0xC30]  }
0x133: {  	v38 =	vld [tilespmem:s17+$0xC20]  }
0x134: {  	v39 =	vld [tilespmem:s17+$0xC10]  }
0x135: {  	v40 =	vld [tilespmem:s17+$0xC00]  }
0x136: {  	v41 =	vld [tilespmem:s17+$0x460]  }
0x137: {  	v42 =	vld [tilespmem:s17+$0x870]  }
0x138: {  	v43 =	vld [tilespmem:s17+$0x850]  }
0x139: {  	v44 =	vld [tilespmem:s17+$0x840]  }
0x13a: {  	v45 =	vld [tilespmem:s17+$0x830]  }
0x13b: {  	v46 =	vld [tilespmem:s17+$0x820]  }
0x13c: {  	v47 =	vld [tilespmem:s17+$0x810]  }
0x13d: {  	v16 =	vand.u32 $0x7FFFFFFF, v16;
	v48 =	vld [tilespmem:s17+$0x800]  }
0x13e: {  	v1 =	vmax.f32 v17, v1;
	v17 =	vmax.f32 v27, v28;
	v24 =	vmax.f32 v24, v25;
	v59 =	vld [tilespmem:s17+$0x470]  }
0x13f: {  	v21 =	vand.u32 $0x7FFFFFFF, v21;
	v8 =	vmax.f32 v15, v8;
	v19 =	vand.u32 $0x7FFFFFFF, v19;
	v15 =	vld [tilespmem:s17+$0x440]  }
0x140: {  	v16 =	vmax.f32 v26, v16;
	v1 =	vmax.f32 v1, v9;
	v21 =	vmax.f32 v24, v21;
	v9 =	vld [tilespmem:s17+$0x1870]  }
0x141: {  	v8 =	vmax.f32 v8, v7;
	v7 =	vmax.f32 v11, v10;
	v1 =	vmax.f32 v1, v19;
	v19 =	vld [tilespmem:s17+$0x430]  }
0x142: {  	v10 =	vand.u32 $0x7FFFFFFF, v14;
	v23 =	vand.u32 $0x7FFFFFFF, v23;
	v14 =	vmax.f32 v21, v20;
	v11 =	vld [tilespmem:s17+$0x1830]  }
0x143: {  	v5 =	vmax.f32 v8, v5;
	v1 =	vmax.f32 v1, v10;
	v3 =	vmax.f32 v14, v3;
	v10 =	vld [tilespmem:s17+$0x420]  }
0x144: {  	v22 =	vand.u32 $0x7FFFFFFF, v22;
	v18 =	vand.u32 $0x7FFFFFFF, v18;
	v3 =	vmax.f32 v3, v4;
	v14 =	vld [tilespmem:s17+$0x410]  }
0x145: {  	v1 =	vmax.f32 v1, v23;
	v16 =	vmax.f32 v16, v18;
	v18 =	vand.u32 $0x7FFFFFFF, v29;
	v4 =	vld [tilespmem:s17+$0x1420]  }
0x146: {  	v20 =	vand.u32 $0x7FFFFFFF, v30;
	v3 =	vmax.f32 v3, v2;
	v2 =	vmax.f32 v12, v6;
	v60 =	vld [tilespmem:s17+$0x70]  }
0x147: {  	v61 =	vld [tilespmem:s17+$0x1070];
	v8 =	vmax.f32 v17, v20;
	v18 =	vmax.f32 v1, v18;
	v3 =	vmax.f32 v3, v22  }
0x148: {  	v62 =	vld [tilespmem:s17+$0x10];
	v12 =	vand.u32 $0x7FFFFFFF, v47;
	v20 =	vand.u32 $0x7FFFFFFF, v46;
	v21 =	vand.u32 $0x7FFFFFFF, v45  }
0x149: {  	v63 =	vld [tilespmem:s17+$0x20];
	v23 =	vand.u32 $0x7FFFFFFF, v42;
	v24 =	vand.u32 $0x7FFFFFFF, v40;
	v15 =	vand.u32 $0x7FFFFFFF, v15  }
0x14a: {  	v49 =	vld [tilespmem:s17+$0x1020];
	v27 =	vand.u32 $0x7FFFFFFF, v39;
	v29 =	vand.u32 $0x7FFFFFFF, v38;
	v4 =	vand.u32 $0x7FFFFFFF, v4  }
0x14b: {  	v52 =	vld [tilespmem:s17+$0x1430];
	v6 =	vand.u32 $0x7FFFFFFF, v34;
	v34 =	vand.u32 $0x7FFFFFFF, v37;
	v9 =	vand.u32 $0x7FFFFFFF, v9  }
0x14c: {  	v54 =	vld [tilespmem:s17+$0x0];
	v10 =	vand.u32 $0x7FFFFFFF, v10;
	v38 =	vand.u32 $0x7FFFFFFF, v41;
	v26 =	vand.u32 $0x7FFFFFFF, v59  }
0x14d: {  	s25 =	sand.u32 $0x7, s16;
	v55 =	vld [tilespmem:s17+$0x40];
	v22 =	vand.u32 $0x7FFFFFFF, v60;
	v19 =	vand.u32 $0x7FFFFFFF, v19;
	v39 =	vand.u32 $0x7FFFFFFF, v43  }
0x14e: {  	s18 =	sshll.u32 s25, $0x7;
	v1 =	vld [tilespmem:s17+$0x400];
	v35 =	vand.u32 $0x7FFFFFFF, v35;
	v28 =	vand.u32 $0x7FFFFFFF, v62;
	v14 =	vand.u32 $0x7FFFFFFF, v14  }
0x14f: {  	s18 =	sadd.s32 $0x0, s18;
	v17 =	vld [tilespmem:s17+$0x1470];
	v51 =	vand.u32 $0x7FFFFFFF, v48;
	v11 =	vand.u32 $0x7FFFFFFF, v11;
	v33 =	vand.u32 $0x7FFFFFFF, v33  }
0x150: {  	s19 =	sor.u32 $0x1C20, s18;
	v50 =	vld [tilespmem:s17+$0x1030];
	v31 =	vand.u32 $0x7FFFFFFF, v31;
	v25 =	vand.u32 $0x7FFFFFFF, v61;
	v30 =	vand.u32 $0x7FFFFFFF, v63  }
0x151: {  	v53 =	vld [tilespmem:s19+$0x0];
	v59 =	vand.u32 $0x7FFFFFFF, v52;
	v61 =	vand.u32 $0x7FFFFFFF, v54;
	v62 =	vand.u32 $0x7FFFFFFF, v44  }
0x152: {  	v57 =	vld [tilespmem:s17+$0x1400];
	v45 =	vand.u32 $0x7FFFFFFF, v55;
	v5 =	vmax.f32 v5, v22;
	v22 =	vand.u32 $0x7FFFFFFF, v36  }
0x153: {  	v58 =	vld [tilespmem:s17+$0x1040];
	v8 =	vmax.f32 v8, v28;
	v28 =	vand.u32 $0x7FFFFFFF, v32;
	v56 =	vand.u32 $0x7FFFFFFF, v1  }
0x154: {  	v47 =	vld [tilespmem:s17+$0x30];
	v17 =	vand.u32 $0x7FFFFFFF, v17;
	v16 =	vmax.f32 v16, v30;
	v3 =	vmax.f32 v3, v61  }
0x155: {  	v60 =	vld [tilespmem:s17+$0x1800];
	v18 =	vmax.f32 v18, v45;
	v1 =	vmax.f32 v8, v14;
	v8 =	vand.u32 $0x7FFFFFFF, v49  }
0x156: {  	s28 =	sor.u32 $0x1C40, s18;
	v63 =	vld [tilespmem:s17+$0x1440];
	v14 =	vmax.f32 v5, v26;
	v5 =	vand.u32 $0x7FFFFFFF, v50;
	v3 =	vmax.f32 v3, v56  }
0x157: {  	v48 =	vld [tilespmem:s28+$0x0];
	v15 =	vmax.f32 v18, v15;
	v26 =	vand.u32 $0x7FFFFFFF, v57;
	v10 =	vmax.f32 v16, v10  }
0x158: {  	v46 =	vld [tilespmem:s17+$0x1840];
	v12 =	vmax.f32 v1, v12;
	v1 =	vand.u32 $0x7FFFFFFF, v53;
	v18 =	vmax.f32 v3, v51  }
0x159: {  	v49 =	vld [tilespmem:s17+$0x50];
	v3 =	vmax.f32 v15, v62;
	v14 =	vmax.f32 v14, v23;
	v10 =	vmax.f32 v10, v20  }
0x15a: {  	v51 =	vld [tilespmem:s17+$0x450];
	v12 =	vmax.f32 v12, v27;
	v3 =	vmax.f32 v3, v22;
	v16 =	vmax.f32 v18, v24  }
0x15b: {  	v61 =	vld [tilespmem:s17+$0x1060];
	v14 =	vmax.f32 v14, v33;
	v37 =	vand.u32 $0x7FFFFFFF, v47;
	v47 =	vand.u32 $0x7FFFFFFF, v58  }
0x15c: {  	v53 =	vld [tilespmem:s17+$0x1410];
	v50 =	vand.u32 $0x7FFFFFFF, v60;
	v52 =	vand.u32 $0x7FFFFFFF, v63;
	v54 =	vand.u32 $0x7FFFFFFF, v48  }
0x15d: {  	s26 =	sor.u32 $0x1C00, s18;
	v56 =	vld [tilespmem:s17+$0x60];
	v16 =	vmax.f32 v16, v28;
	v14 =	vmax.f32 v14, v25;
	v0 =	vmax.f32 v0, v37  }
0x15e: {  	v27 =	vmax.f32 v3, v47;
	v0 =	vmax.f32 v0, v19;
	v19 =	vld [tilespmem:s26+$0x0];
	v55 =	vand.u32 $0x7FFFFFFF, v49  }
0x15f: {  	v15 =	vld [tilespmem:s17+$0x1050];
	v0 =	vmax.f32 v0, v21;
	v7 =	vmax.f32 v7, v55;
	v20 =	vand.u32 $0x7FFFFFFF, v51  }
0x160: {  	v18 =	vld [tilespmem:s17+$0x1450];
	v14 =	vmax.f32 v14, v17;
	v0 =	vmax.f32 v0, v34;
	v7 =	vmax.f32 v7, v20  }
0x161: {  	v57 =	vld [tilespmem:s17+$0x1850];
	v20 =	vand.u32 $0x7FFFFFFF, v53;
	v0 =	vmax.f32 v0, v5;
	v7 =	vmax.f32 v7, v39  }
0x162: {  	s30 =	sor.u32 $0x1C50, s18;
	v62 =	vld [tilespmem:s17+$0x1860];
	v0 =	vmax.f32 v0, v59;
	v59 =	vmax.f32 v10, v29;
	v10 =	vand.u32 $0x7FFFFFFF, v13  }
0x163: {  	s20 =	sor.u32 $0x1C30, s18;
	v58 =	vld [tilespmem:s30+$0x0];
	v3 =	vmax.f32 v0, v11;
	v5 =	vand.u32 $0x7FFFFFFF, v19;
	v11 =	vmax.f32 v12, v31  }
0x164: {  	v60 =	vld [tilespmem:s20+$0x0];
	v0 =	vmax.f32 v27, v52;
	v7 =	vmax.f32 v7, v10;
	v10 =	vand.u32 $0x7FFFFFFF, v15  }
0x165: {  	v12 =	vand.u32 $0x7FFFFFFF, v46;
	v7 =	vmax.f32 v7, v10;
	v10 =	vand.u32 $0x7FFFFFFF, v18;
	v18 =	vld [tilespmem:s17+$0x1460]  }
0x166: {  	s29 =	sor.u32 $0x1C10, s18;
	v19 =	vld [tilespmem:s17+$0x1810];
	v15 =	vmax.f32 v16, v26;
	v16 =	vand.u32 $0x7FFFFFFF, v56;
	v0 =	vmax.f32 v0, v12  }
0x167: {  	v12 =	vld [tilespmem:s29+$0x0];
	v13 =	vmax.f32 v11, v20;
	v11 =	vmax.f32 v14, v9;
	v2 =	vmax.f32 v2, v16  }
0x168: {  	s31 =	sor.u32 $0x1C60, s18;
	v20 =	vld [tilespmem:s17+$0x1820];
	v15 =	vmax.f32 v15, v50;
	v9 =	vand.u32 $0x7FFFFFFF, v58;
	v16 =	vand.u32 $0x7FFFFFFF, v61  }
0x169: {  	s18 =	sor.u32 $0x1C70, s18;
	v14 =	vld [tilespmem:s31+$0x0];
	v7 =	vmax.f32 v7, v10;
	v10 =	vand.u32 $0x7FFFFFFF, v57;
	v63 =	vmax.f32 v2, v38  }
0x16a: {  	v2 =	vmax.f32 v7, v10;
	v7 =	vmax.f32 v63, v6;
	v6 =	vand.u32 $0x7FFFFFFF, v18;
	v18 =	vld [tilespmem:s18+$0x0]  }
0x16b: {  	v0 =	vmax.f32 v0, v54;
	v10 =	vand.u32 $0x7FFFFFFF, v60;
	v2 =	vmax.f32 v2, v9  }
0x16c: {  	v9 =	vmax.f32 v59, v8;
	v8 =	vmax.f32 v7, v35;
	v17 =	vand.u32 $0x7FFFFFFF, v19  }
0x16d: {  	v4 =	vmax.f32 v9, v4;
	v12 =	vand.u32 $0x7FFFFFFF, v12;
	v7 =	vand.u32 $0x7FFFFFFF, v20  }
0x16e: {  	s19 =	simm.s32 $0xFFFF8400;
	s17 =	simm.s32 $0x80;
	s18 =	simm.s32 $0x1;
	v9 =	vmax.f32 v4, v7;
	v7 =	vand.u32 $0x7FFFFFFF, v62;
	v4 =	vand.u32 $0x7FFFFFFF, v14  }
.LBB2_6:
0x16f: {  	s20 =	sand.u32 $0x7, s18;
	s21 =	sadd.s32 $0x8000, s19;
	v13 =	vmax.f32 v13, v17;
	v1 =	vmax.f32 v9, v1;
	v9 =	vand.u32 $0x7FFFFFFF, v18;
	s16 =	sadd.s32 $0x400, s16  }
0x170: {  	s22 =	sand.u32 $0x380, s17;
	v8 =	vmax.f32 v8, v16;
	v5 =	vmax.f32 v15, v5;
	s20 =	sshll.u32 s20, $0x7;
	s21 =	sand.u32 $0x6000, s21;
	v14 =	vmax.f32 v13, v12  }
0x171: {  	p0 =	sne.s32 s17, $0xF80;
	v3 =	vmax.f32 v3, v10;
	v6 =	vmax.f32 v8, v6;
	v9 =	vmax.f32 v11, v9;
	s20 =	sadd.s32 s20, s16;
	s22 =	sor.u32 s22, s21  }
0x172: {  	v6 =	vmax.f32 v6, v7;
	v15 =	vld [tilespmem:s22+$0x1010];
	s25 =	sor.u32 $0x1C00, s20;
	s24 =	sor.u32 $0x1C10, s20;
	s21 =	sor.u32 $0x1C70, s20  }
0x173: {  	s17 =	sadd.s32 $0x80, s17;
	s23 =	sor.u32 $0x1C30, s20;
	v4 =	vmax.f32 v6, v4;
	v16 =	vld [tilespmem:s22+$0x1000]  }
0x174: {  	v17 =	vld [tilespmem:s22+$0xC70]  }
0x175: {  	v8 =	vld [tilespmem:s22+$0x860]  }
0x176: {  	v18 =	vld [tilespmem:s22+$0xC60]  }
0x177: {  	v6 =	vld [tilespmem:s22+$0xC50]  }
0x178: {  	v19 =	vld [tilespmem:s22+$0xC40]  }
0x179: {  	v10 =	vld [tilespmem:s22+$0xC30]  }
0x17a: {  	v7 =	vld [tilespmem:s22+$0xC20]  }
0x17b: {  	v11 =	vld [tilespmem:s22+$0xC10]  }
0x17c: {  	v13 =	vld [tilespmem:s22+$0xC00]  }
0x17d: {  	v20 =	vld [tilespmem:s22+$0x460]  }
0x17e: {  	v21 =	vld [tilespmem:s22+$0x870]  }
0x17f: {  	v22 =	vld [tilespmem:s22+$0x850]  }
0x180: {  	v23 =	vld [tilespmem:s22+$0x840]  }
0x181: {  	v24 =	vld [tilespmem:s22+$0x830]  }
0x182: {  	v12 =	vld [tilespmem:s22+$0x820]  }
0x183: {  	v25 =	vld [tilespmem:s22+$0x810]  }
0x184: {  	v26 =	vld [tilespmem:s22+$0x800]  }
0x185: {  	v27 =	vld [tilespmem:s22+$0x470]  }
0x186: {  	v28 =	vld [tilespmem:s22+$0x440]  }
0x187: {  	v29 =	vld [tilespmem:s22+$0x1870]  }
0x188: {  	v30 =	vld [tilespmem:s22+$0x430];
	v25 =	vand.u32 $0x7FFFFFFF, v25  }
0x189: {  	v12 =	vand.u32 $0x7FFFFFFF, v12;
	v31 =	vld [tilespmem:s22+$0x1830]  }
0x18a: {  	v24 =	vand.u32 $0x7FFFFFFF, v24;
	v32 =	vld [tilespmem:s22+$0x420]  }
0x18b: {  	v33 =	vld [tilespmem:s22+$0x410]  }
0x18c: {  	v34 =	vld [tilespmem:s22+$0x1420]  }
0x18d: {  	v35 =	vld [tilespmem:s22+$0x1470]  }
0x18e: {  	v21 =	vand.u32 $0x7FFFFFFF, v21;
	v36 =	vld [tilespmem:s22+$0x400]  }
0x18f: {  	v38 =	vand.u32 $0x7FFFFFFF, v13;
	v37 =	vld [tilespmem:s22+$0x70]  }
0x190: {  	v39 =	vand.u32 $0x7FFFFFFF, v11;
	v28 =	vand.u32 $0x7FFFFFFF, v28;
	v40 =	vld [tilespmem:s22+$0x1070]  }
0x191: {  	v13 =	vand.u32 $0x7FFFFFFF, v7;
	v41 =	vld [tilespmem:s22+$0x10];
	v7 =	vand.u32 $0x7FFFFFFF, v34  }
0x192: {  	v8 =	vand.u32 $0x7FFFFFFF, v8;
	v42 =	vand.u32 $0x7FFFFFFF, v10;
	v11 =	vand.u32 $0x7FFFFFFF, v29;
	v34 =	vld [tilespmem:s22+$0x20]  }
0x193: {  	v10 =	vand.u32 $0x7FFFFFFF, v20;
	v20 =	vand.u32 $0x7FFFFFFF, v27;
	v32 =	vand.u32 $0x7FFFFFFF, v32;
	v29 =	vld [tilespmem:s22+$0x30]  }
0x194: {  	v22 =	vand.u32 $0x7FFFFFFF, v22;
	v30 =	vand.u32 $0x7FFFFFFF, v30;
	v27 =	vand.u32 $0x7FFFFFFF, v37;
	v37 =	vld [tilespmem:s22+$0x1020]  }
0x195: {  	v19 =	vand.u32 $0x7FFFFFFF, v19;
	v27 =	vmax.f32 v9, v27;
	v9 =	vand.u32 $0x7FFFFFFF, v18;
	v18 =	vld [tilespmem:s22+$0x1030]  }
0x196: {  	s26 =	sor.u32 $0x1C20, s20;
	v26 =	vand.u32 $0x7FFFFFFF, v26;
	v33 =	vand.u32 $0x7FFFFFFF, v33;
	v41 =	vand.u32 $0x7FFFFFFF, v41;
	v43 =	vld [tilespmem:s22+$0x1430]  }
0x197: {  	v16 =	vand.u32 $0x7FFFFFFF, v16;
	v31 =	vand.u32 $0x7FFFFFFF, v31;
	v14 =	vmax.f32 v14, v41;
	v41 =	vld [tilespmem:s26+$0x0]  }
0x198: {  	v15 =	vand.u32 $0x7FFFFFFF, v15;
	v17 =	vand.u32 $0x7FFFFFFF, v17;
	v44 =	vld [tilespmem:s22+$0x0];
	v29 =	vand.u32 $0x7FFFFFFF, v29  }
0x199: {  	v36 =	vand.u32 $0x7FFFFFFF, v36;
	v33 =	vmax.f32 v14, v33;
	v45 =	vld [tilespmem:s22+$0x40];
	v14 =	vand.u32 $0x7FFFFFFF, v37  }
0x19a: {  	v20 =	vmax.f32 v27, v20;
	v27 =	vand.u32 $0x7FFFFFFF, v40;
	v18 =	vand.u32 $0x7FFFFFFF, v18;
	v37 =	vld [tilespmem:s22+$0x1400]  }
0x19b: {  	v35 =	vand.u32 $0x7FFFFFFF, v35;
	v34 =	vand.u32 $0x7FFFFFFF, v34;
	v25 =	vmax.f32 v33, v25;
	v33 =	vld [tilespmem:s22+$0x1040]  }
0x19c: {  	v34 =	vmax.f32 v1, v34;
	v40 =	vand.u32 $0x7FFFFFFF, v43;
	v43 =	vld [tilespmem:s22+$0x1800];
	v1 =	vand.u32 $0x7FFFFFFF, v41  }
0x19d: {  	v23 =	vand.u32 $0x7FFFFFFF, v23;
	v3 =	vmax.f32 v3, v29;
	v41 =	vand.u32 $0x7FFFFFFF, v44;
	v29 =	vld [tilespmem:s22+$0x1440]  }
0x19e: {  	v3 =	vmax.f32 v3, v30;
	v25 =	vmax.f32 v25, v39;
	v5 =	vmax.f32 v5, v41;
	v30 =	vld [tilespmem:s25+$0x0]  }
0x19f: {  	v3 =	vmax.f32 v3, v24;
	v39 =	vand.u32 $0x7FFFFFFF, v45;
	s25 =	sor.u32 $0x1C40, s20;
	v5 =	vmax.f32 v5, v36;
	v24 =	vld [tilespmem:s22+$0x1840]  }
0x1a0: {  	v3 =	vmax.f32 v3, v42;
	v0 =	vmax.f32 v0, v39;
	v33 =	vand.u32 $0x7FFFFFFF, v33;
	v36 =	vld [tilespmem:s25+$0x0]  }
0x1a1: {  	v0 =	vmax.f32 v0, v28;
	v26 =	vmax.f32 v5, v26;
	v39 =	vld [tilespmem:s22+$0x50];
	v28 =	vand.u32 $0x7FFFFFFF, v43  }
0x1a2: {  	v3 =	vmax.f32 v3, v18;
	v0 =	vmax.f32 v0, v23;
	v23 =	vand.u32 $0x7FFFFFFF, v37;
	v18 =	vld [tilespmem:s22+$0x1050]  }
0x1a3: {  	v3 =	vmax.f32 v3, v40;
	v0 =	vmax.f32 v0, v19;
	v19 =	vand.u32 $0x7FFFFFFF, v29;
	v37 =	vld [tilespmem:s22+$0x450]  }
0x1a4: {  	v3 =	vmax.f32 v3, v31;
	v0 =	vmax.f32 v0, v33;
	v5 =	vand.u32 $0x7FFFFFFF, v30;
	v29 =	vld [tilespmem:s22+$0x1410]  }
0x1a5: {  	v15 =	vmax.f32 v25, v15;
	v0 =	vmax.f32 v0, v19;
	v24 =	vand.u32 $0x7FFFFFFF, v24;
	v19 =	vld [tilespmem:s22+$0x1810]  }
0x1a6: {  	v20 =	vmax.f32 v20, v21;
	v0 =	vmax.f32 v0, v24;
	v24 =	vand.u32 $0x7FFFFFFF, v36;
	v21 =	vld [tilespmem:s24+$0x0]  }
0x1a7: {  	v25 =	vmax.f32 v34, v32;
	v26 =	vmax.f32 v26, v38;
	v0 =	vmax.f32 v0, v24;
	v30 =	vld [tilespmem:s22+$0x1450]  }
0x1a8: {  	v12 =	vmax.f32 v25, v12;
	v16 =	vmax.f32 v26, v16;
	v24 =	vand.u32 $0x7FFFFFFF, v39;
	v31 =	vld [tilespmem:s22+$0x60]  }
0x1a9: {  	v17 =	vmax.f32 v20, v17;
	s24 =	sor.u32 $0x1C50, s20;
	v2 =	vmax.f32 v2, v24;
	v24 =	vand.u32 $0x7FFFFFFF, v37;
	v20 =	vld [tilespmem:s22+$0x1850]  }
0x1aa: {  	v17 =	vmax.f32 v17, v27;
	v2 =	vmax.f32 v2, v24;
	v24 =	vand.u32 $0x7FFFFFFF, v29;
	v25 =	vld [tilespmem:s24+$0x0]  }
0x1ab: {  	v6 =	vand.u32 $0x7FFFFFFF, v6;
	v2 =	vmax.f32 v2, v22;
	v22 =	vmax.f32 v12, v13;
	v26 =	vld [tilespmem:s23+$0x0]  }
0x1ac: {  	v16 =	vmax.f32 v16, v23;
	v2 =	vmax.f32 v2, v6;
	v6 =	vand.u32 $0x7FFFFFFF, v18;
	v27 =	vld [tilespmem:s22+$0x1060]  }
0x1ad: {  	v12 =	vmax.f32 v17, v35;
	v2 =	vmax.f32 v2, v6;
	v6 =	vand.u32 $0x7FFFFFFF, v30;
	v23 =	vld [tilespmem:s22+$0x1460]  }
0x1ae: {  	v13 =	vmax.f32 v15, v24;
	v17 =	vand.u32 $0x7FFFFFFF, v31;
	v2 =	vmax.f32 v2, v6;
	v24 =	vld [tilespmem:s22+$0x1820]  }
0x1af: {  	s20 =	sor.u32 $0x1C60, s20;
	v11 =	vmax.f32 v12, v11;
	v12 =	vand.u32 $0x7FFFFFFF, v21;
	v6 =	vand.u32 $0x7FFFFFFF, v20;
	v20 =	vld [tilespmem:s22+$0x1860]  }
0x1b0: {  	v15 =	vmax.f32 v16, v28;
	v4 =	vmax.f32 v4, v17;
	v21 =	vand.u32 $0x7FFFFFFF, v25;
	v25 =	vld [tilespmem:s20+$0x0]  }
.Ltmp2:
0x1b1: {  	v17 =	vand.u32 $0x7FFFFFFF, v19;
	v4 =	vmax.f32 v4, v10;
	v2 =	vmax.f32 v2, v6;
	v18 =	vld [tilespmem:s21+$0x0];
	(pc) =	sbr.rel @p0 .LBB2_6-.Ltmp2, $4  }
0x1b2: {  	v10 =	vand.u32 $0x7FFFFFFF, v26;
	v2 =	vmax.f32 v2, v21;
	v16 =	vand.u32 $0x7FFFFFFF, v27  }
0x1b3: {  	v14 =	vmax.f32 v22, v14;
	v4 =	vmax.f32 v4, v8;
	v6 =	vand.u32 $0x7FFFFFFF, v23  }
0x1b4: {  	v8 =	vmax.f32 v4, v9;
	v4 =	vmax.f32 v14, v7;
	v7 =	vand.u32 $0x7FFFFFFF, v24  }
0x1b5: {  	s18 =	sadd.s32 $0x1, s18;
	s19 =	sadd.s32 $0x400, s19;
	v9 =	vmax.f32 v4, v7;
	v7 =	vand.u32 $0x7FFFFFFF, v20;
	v4 =	vand.u32 $0x7FFFFFFF, v25  }
0x1b6: {  	s18 =	simm.s32 $0x0  }
0x1b7: {  	[tilespmem:s18], [sflag:$0x1] =	stream.linear.gather [hbm4b:s7+s18], $0x8000, $0x38;
	[tilespmem:$0x10080] =	vst v63  }
0x1b8: {  	_ =	swait.ge [sflag:s12], $0x8000  }
0x1b9: {  	s16 =	sor.u32 s18, s18;
	s19 =	sand.u32 $0x6000, s18;
	[sflag:s12] =	ssyncset.done $0x0  }
0x1ba: {  	s17 =	sand.u32 $0x380, s18;
	s16 =	sor.u32 $0x9C00, s16;
	[sflag:s12] =	ssyncadd.s32 $0xFFFF8000  }
0x1bb: {  	s17 =	sor.u32 s17, s19;
	v14 =	vld [tilespmem:s16+$0x60]  }
0x1bc: {  	v19 =	vld [tilespmem:s17+$0x9860]  }
0x1bd: {  	v20 =	vld [tilespmem:s16+$0x70]  }
0x1be: {  	v21 =	vld [tilespmem:s17+$0x9870]  }
0x1bf: {  	v22 =	vld [tilespmem:s17+$0x9400]  }
0x1c0: {  	v23 =	vld [tilespmem:s17+$0x9000]  }
0x1c1: {  	v24 =	vld [tilespmem:s17+$0x9410]  }
0x1c2: {  	v25 =	vld [tilespmem:s16+$0x30]  }
0x1c3: {  	v26 =	vld [tilespmem:s17+$0x8810]  }
0x1c4: {  	v27 =	vld [tilespmem:s17+$0x9830]  }
0x1c5: {  	v28 =	vld [tilespmem:s17+$0x9430]  }
0x1c6: {  	v29 =	vld [tilespmem:s17+$0x9030]  }
0x1c7: {  	v30 =	vld [tilespmem:s17+$0x8830]  }
0x1c8: {  	v31 =	vld [tilespmem:s17+$0x8870]  }
0x1c9: {  	v32 =	vld [tilespmem:s17+$0x8860]  }
0x1ca: {  	v33 =	vld [tilespmem:s17+$0x8850]  }
0x1cb: {  	v34 =	vld [tilespmem:s17+$0x8840]  }
0x1cc: {  	v35 =	vld [tilespmem:s17+$0x8820]  }
0x1cd: {  	v36 =	vld [tilespmem:s17+$0x8430]  }
0x1ce: {  	v37 =	vld [tilespmem:s17+$0x8470]  }
0x1cf: {  	v38 =	vld [tilespmem:s17+$0x8420]  }
0x1d0: {  	v39 =	vld [tilespmem:s17+$0x8460]  }
0x1d1: {  	v40 =	vld [tilespmem:s17+$0x8450]  }
0x1d2: {  	v41 =	vld [tilespmem:s17+$0x8440]  }
0x1d3: {  	v42 =	vld [tilespmem:s17+$0x9460]  }
0x1d4: {  	v43 =	vld [tilespmem:s17+$0x9800]  }
0x1d5: {  	v17 =	vmax.f32 v13, v17;
	v44 =	vmax.f32 v9, v1;
	v1 =	vmax.f32 v8, v16;
	v8 =	vld [tilespmem:s17+$0x9060]  }
0x1d6: {  	v9 =	vand.u32 $0x7FFFFFFF, v18;
	v13 =	vmax.f32 v15, v5;
	v1 =	vmax.f32 v1, v6;
	s18 =	sor.u32 s19, s18;
	v5 =	vld [tilespmem:s17+$0x9470]  }
0x1d7: {  	v18 =	vmax.f32 v17, v12;
	v12 =	vmax.f32 v3, v10;
	v1 =	vmax.f32 v1, v7;
	s18 =	sor.u32 $0x8C00, s18;
	v3 =	vld [tilespmem:s17+$0x8050]  }
0x1d8: {  	v6 =	vmax.f32 v11, v9;
	v4 =	vmax.f32 v1, v4;
	v11 =	vld [tilespmem:s18+$0x60];
	v1 =	vand.u32 $0x7FFFFFFF, v34  }
0x1d9: {  	v7 =	vld [tilespmem:s18+$0x70];
	v9 =	vand.u32 $0x7FFFFFFF, v33;
	v15 =	vand.u32 $0x7FFFFFFF, v31;
	v10 =	vand.u32 $0x7FFFFFFF, v32  }
0x1da: {  	v50 =	vld [tilespmem:s17+$0x9070];
	v16 =	vand.u32 $0x7FFFFFFF, v39;
	v24 =	vand.u32 $0x7FFFFFFF, v24;
	v25 =	vand.u32 $0x7FFFFFFF, v25  }
0x1db: {  	v17 =	vld [tilespmem:s18+$0x50];
	v26 =	vand.u32 $0x7FFFFFFF, v26;
	v28 =	vand.u32 $0x7FFFFFFF, v28;
	v27 =	vand.u32 $0x7FFFFFFF, v27  }
0x1dc: {  	v55 =	vld [tilespmem:s17+$0x8010];
	v3 =	vand.u32 $0x7FFFFFFF, v3;
	v30 =	vand.u32 $0x7FFFFFFF, v30;
	v29 =	vand.u32 $0x7FFFFFFF, v29  }
0x1dd: {  	v63 =	vld [tilespmem:s17+$0x8070];
	v48 =	vand.u32 $0x7FFFFFFF, v37;
	v11 =	vand.u32 $0x7FFFFFFF, v11;
	v49 =	vand.u32 $0x7FFFFFFF, v8  }
0x1de: {  	v62 =	vld [tilespmem:s18+$0x40];
	v36 =	vand.u32 $0x7FFFFFFF, v36;
	v46 =	vand.u32 $0x7FFFFFFF, v7;
	v8 =	vand.u32 $0x7FFFFFFF, v5  }
0x1df: {  	v31 =	vld [tilespmem:s17+$0x8060];
	v5 =	vand.u32 $0x7FFFFFFF, v20;
	v19 =	vand.u32 $0x7FFFFFFF, v19;
	v39 =	vand.u32 $0x7FFFFFFF, v50  }
0x1e0: {  	v45 =	vld [tilespmem:s18+$0x30];
	v38 =	vand.u32 $0x7FFFFFFF, v38;
	v2 =	vmax.f32 v2, v3;
	v3 =	vand.u32 $0x7FFFFFFF, v40  }
0x1e1: {  	v52 =	vld [tilespmem:s18+$0x20];
	v58 =	vand.u32 $0x7FFFFFFF, v42;
	v32 =	vand.u32 $0x7FFFFFFF, v55;
	v2 =	vmax.f32 v2, v3  }
0x1e2: {  	v53 =	vld [tilespmem:s17+$0x9050];
	v18 =	vmax.f32 v18, v32;
	v51 =	vmax.f32 v2, v9;
	v9 =	vand.u32 $0x7FFFFFFF, v63  }
0x1e3: {  	v54 =	vld [tilespmem:s17+$0x9850];
	v3 =	vand.u32 $0x7FFFFFFF, v23;
	v23 =	vand.u32 $0x7FFFFFFF, v41;
	v20 =	vmax.f32 v6, v9  }
0x1e4: {  	v9 =	vand.u32 $0x7FFFFFFF, v62;
	v6 =	vand.u32 $0x7FFFFFFF, v14;
	v14 =	vld [tilespmem:s17+$0x8020];
	v2 =	vand.u32 $0x7FFFFFFF, v31  }
0x1e5: {  	v31 =	vand.u32 $0x7FFFFFFF, v35;
	v7 =	vmax.f32 v4, v2;
	v4 =	vand.u32 $0x7FFFFFFF, v22;
	v22 =	vld [tilespmem:s17+$0x9450]  }
0x1e6: {  	v56 =	vld [tilespmem:s17+$0x8030];
	v20 =	vmax.f32 v20, v48;
	v35 =	vand.u32 $0x7FFFFFFF, v52;
	v16 =	vmax.f32 v7, v16  }
0x1e7: {  	v15 =	vmax.f32 v20, v15;
	v20 =	vld [tilespmem:s17+$0x9020];
	v10 =	vmax.f32 v16, v10;
	v16 =	vand.u32 $0x7FFFFFFF, v17  }
0x1e8: {  	v7 =	vand.u32 $0x7FFFFFFF, v21;
	v21 =	vld [tilespmem:s16+$0x50];
	v17 =	vand.u32 $0x7FFFFFFF, v53;
	v16 =	vmax.f32 v51, v16  }
0x1e9: {  	v2 =	vand.u32 $0x7FFFFFFF, v43;
	v14 =	vand.u32 $0x7FFFFFFF, v14;
	v16 =	vmax.f32 v16, v17;
	v17 =	vld [tilespmem:s17+$0x8040]  }
0x1ea: {  	v57 =	vmax.f32 v10, v11;
	v14 =	vmax.f32 v44, v14;
	v10 =	vand.u32 $0x7FFFFFFF, v22;
	v22 =	vld [tilespmem:s18+$0x10]  }
0x1eb: {  	v59 =	vld [tilespmem:s18+$0x0];
	v11 =	vand.u32 $0x7FFFFFFF, v54;
	v14 =	vmax.f32 v14, v38;
	v16 =	vmax.f32 v16, v10  }
0x1ec: {  	v60 =	vld [tilespmem:s17+$0x9420];
	v63 =	vand.u32 $0x7FFFFFFF, v20;
	v11 =	vmax.f32 v16, v11;
	v16 =	vand.u32 $0x7FFFFFFF, v56  }
0x1ed: {  	v61 =	vld [tilespmem:s17+$0x8410];
	v10 =	vand.u32 $0x7FFFFFFF, v21;
	v21 =	vand.u32 $0x7FFFFFFF, v45;
	v12 =	vmax.f32 v12, v16  }
0x1ee: {  	v62 =	vld [tilespmem:s17+$0x8000];
	v14 =	vmax.f32 v14, v31;
	v16 =	vand.u32 $0x7FFFFFFF, v17;
	v12 =	vmax.f32 v12, v36  }
0x1ef: {  	v0 =	vmax.f32 v0, v16;
	v20 =	vand.u32 $0x7FFFFFFF, v22;
	v22 =	vmax.f32 v14, v35;
	v14 =	vld [tilespmem:s17+$0x9440]  }
0x1f0: {  	v16 =	vmax.f32 v57, v49;
	v12 =	vmax.f32 v12, v30;
	v17 =	vmax.f32 v0, v23;
	v23 =	vld [tilespmem:s17+$0x9010]  }
0x1f1: {  	v15 =	vmax.f32 v15, v46;
	v30 =	vmax.f32 v16, v58;
	v16 =	vld [tilespmem:s17+$0x9820];
	v0 =	vmax.f32 v12, v21  }
0x1f2: {  	v12 =	vmax.f32 v30, v19;
	v30 =	vld [tilespmem:s17+$0x8400];
	v0 =	vmax.f32 v0, v29;
	v19 =	vand.u32 $0x7FFFFFFF, v61  }
0x1f3: {  	v15 =	vmax.f32 v15, v39;
	v0 =	vmax.f32 v0, v28;
	v28 =	vld [tilespmem:s17+$0x9810];
	v18 =	vmax.f32 v18, v19  }
0x1f4: {  	v21 =	vld [tilespmem:s17+$0x8800];
	v22 =	vmax.f32 v22, v63;
	v29 =	vand.u32 $0x7FFFFFFF, v62;
	v18 =	vmax.f32 v18, v26  }
0x1f5: {  	v19 =	vld [tilespmem:s17+$0x9040];
	v0 =	vmax.f32 v0, v27;
	v18 =	vmax.f32 v18, v20;
	v23 =	vand.u32 $0x7FFFFFFF, v23  }
0x1f6: {  	v0 =	vmax.f32 v0, v25;
	v25 =	vand.u32 $0x7FFFFFFF, v60;
	v18 =	vmax.f32 v18, v23;
	v23 =	vld [tilespmem:s17+$0x9840]  }
0x1f7: {  	v20 =	vand.u32 $0x7FFFFFFF, v59;
	v26 =	vmax.f32 v22, v25;
	v22 =	vld [tilespmem:s16+$0x0];
	v25 =	vand.u32 $0x7FFFFFFF, v30  }
0x1f8: {  	s18 =	simm.s32 $0x80;
	s17 =	simm.s32 $0x400;
	v27 =	vmax.f32 v18, v24;
	v24 =	vmax.f32 v13, v29;
	v28 =	vand.u32 $0x7FFFFFFF, v28;
	v18 =	vld [tilespmem:s16+$0x20]  }
.LBB2_8:
0x1f9: {  	s20 =	sand.u32 $0x6000, s17;
	s19 =	sand.u32 $0x380, s18;
	s21 =	sor.u32 s17, s18;
	v1 =	vmax.f32 v17, v1;
	v13 =	vmax.f32 v27, v28;
	v16 =	vand.u32 $0x7FFFFFFF, v16;
	v27 =	vld [tilespmem:s16+$0x40]  }
0x1fa: {  	v21 =	vand.u32 $0x7FFFFFFF, v21;
	v28 =	vand.u32 $0x7FFFFFFF, v19;
	s19 =	sor.u32 s19, s20;
	s20 =	sor.u32 s20, s18;
	v16 =	vmax.f32 v26, v16;
	v26 =	vld [tilespmem:s16+$0x10];
	s16 =	sor.u32 $0x9C00, s21  }
0x1fb: {  	p0 =	sne.s32 s17, $0x7C00;
	s17 =	sadd.s32 $0x400, s17;
	v24 =	vmax.f32 v24, v25;
	v8 =	vmax.f32 v15, v8;
	v17 =	vld [tilespmem:s16+$0x60];
	v23 =	vand.u32 $0x7FFFFFFF, v23  }
0x1fc: {  	v15 =	vmax.f32 v24, v21;
	v1 =	vmax.f32 v1, v9;
	v7 =	vmax.f32 v8, v7;
	v19 =	vld [tilespmem:s19+$0x9860]  }
0x1fd: {  	v10 =	vmax.f32 v11, v10;
	v1 =	vmax.f32 v1, v28;
	v8 =	vand.u32 $0x7FFFFFFF, v22;
	v9 =	vld [tilespmem:s16+$0x70]  }
0x1fe: {  	v14 =	vand.u32 $0x7FFFFFFF, v14;
	v20 =	vmax.f32 v15, v20;
	v15 =	vand.u32 $0x7FFFFFFF, v18;
	v11 =	vld [tilespmem:s19+$0x9870]  }
0x1ff: {  	v1 =	vmax.f32 v1, v14;
	v15 =	vmax.f32 v16, v15;
	v16 =	vand.u32 $0x7FFFFFFF, v27;
	v21 =	vld [tilespmem:s19+$0x9400]  }
0x200: {  	v24 =	vmax.f32 v7, v5;
	v3 =	vmax.f32 v20, v3;
	v14 =	vand.u32 $0x7FFFFFFF, v26;
	v22 =	vld [tilespmem:s19+$0x9000]  }
0x201: {  	v3 =	vmax.f32 v3, v4;
	v1 =	vmax.f32 v1, v23;
	v14 =	vmax.f32 v13, v14;
	v5 =	vld [tilespmem:s19+$0x9410]  }
0x202: {  	v6 =	vmax.f32 v12, v6;
	v2 =	vmax.f32 v3, v2;
	v16 =	vmax.f32 v1, v16;
	v4 =	vld [tilespmem:s16+$0x30]  }
0x203: {  	v13 =	vmax.f32 v2, v8;
	v3 =	vld [tilespmem:s19+$0x8810]  }
0x204: {  	v2 =	vld [tilespmem:s19+$0x9830]  }
0x205: {  	v7 =	vld [tilespmem:s19+$0x9430]  }
0x206: {  	v8 =	vld [tilespmem:s19+$0x9030]  }
0x207: {  	v12 =	vld [tilespmem:s19+$0x8830]  }
0x208: {  	v18 =	vld [tilespmem:s19+$0x8870]  }
0x209: {  	v20 =	vld [tilespmem:s19+$0x8860]  }
0x20a: {  	v23 =	vld [tilespmem:s19+$0x8850]  }
0x20b: {  	v1 =	vld [tilespmem:s19+$0x8840]  }
0x20c: {  	v25 =	vld [tilespmem:s19+$0x8820]  }
0x20d: {  	v26 =	vld [tilespmem:s19+$0x8430]  }
0x20e: {  	v27 =	vld [tilespmem:s19+$0x8470]  }
0x20f: {  	v28 =	vld [tilespmem:s19+$0x8420]  }
0x210: {  	v29 =	vld [tilespmem:s19+$0x8460]  }
0x211: {  	v30 =	vld [tilespmem:s19+$0x8450]  }
0x212: {  	s20 =	sor.u32 $0x8C00, s20;
	v31 =	vld [tilespmem:s19+$0x8440]  }
0x213: {  	v32 =	vld [tilespmem:s19+$0x9460]  }
0x214: {  	v1 =	vand.u32 $0x7FFFFFFF, v1;
	v33 =	vld [tilespmem:s19+$0x9800]  }
0x215: {  	v23 =	vand.u32 $0x7FFFFFFF, v23;
	v34 =	vld [tilespmem:s19+$0x9060]  }
0x216: {  	v35 =	vld [tilespmem:s19+$0x9470]  }
0x217: {  	v37 =	vand.u32 $0x7FFFFFFF, v18;
	v36 =	vld [tilespmem:s19+$0x8050]  }
0x218: {  	v38 =	vld [tilespmem:s20+$0x70]  }
0x219: {  	v39 =	vand.u32 $0x7FFFFFFF, v20;
	v40 =	vld [tilespmem:s20+$0x60]  }
0x21a: {  	v18 =	vand.u32 $0x7FFFFFFF, v5;
	v20 =	vand.u32 $0x7FFFFFFF, v4;
	v29 =	vand.u32 $0x7FFFFFFF, v29;
	v41 =	vld [tilespmem:s20+$0x50]  }
0x21b: {  	v42 =	vand.u32 $0x7FFFFFFF, v3;
	v44 =	vand.u32 $0x7FFFFFFF, v2;
	v43 =	vand.u32 $0x7FFFFFFF, v7;
	v4 =	vld [tilespmem:s19+$0x8060]  }
0x21c: {  	v45 =	vand.u32 $0x7FFFFFFF, v8;
	v12 =	vand.u32 $0x7FFFFFFF, v12;
	v2 =	vand.u32 $0x7FFFFFFF, v36;
	v36 =	vld [tilespmem:s20+$0x40]  }
0x21d: {  	v3 =	vand.u32 $0x7FFFFFFF, v30;
	v2 =	vmax.f32 v10, v2;
	v5 =	vld [tilespmem:s19+$0x8070];
	v10 =	vand.u32 $0x7FFFFFFF, v27  }
0x21e: {  	v30 =	vand.u32 $0x7FFFFFFF, v34;
	v2 =	vmax.f32 v2, v3;
	v27 =	vand.u32 $0x7FFFFFFF, v40;
	v34 =	vld [tilespmem:s19+$0x9070]  }
0x21f: {  	v26 =	vand.u32 $0x7FFFFFFF, v26;
	v38 =	vand.u32 $0x7FFFFFFF, v38;
	v23 =	vmax.f32 v2, v23;
	v40 =	vld [tilespmem:s20+$0x30]  }
0x220: {  	v25 =	vand.u32 $0x7FFFFFFF, v25;
	v3 =	vand.u32 $0x7FFFFFFF, v22;
	v2 =	vand.u32 $0x7FFFFFFF, v4;
	v46 =	vld [tilespmem:s20+$0x20]  }
0x221: {  	v22 =	vand.u32 $0x7FFFFFFF, v31;
	v6 =	vmax.f32 v6, v2;
	v31 =	vld [tilespmem:s19+$0x9050];
	v2 =	vand.u32 $0x7FFFFFFF, v33  }
0x222: {  	v8 =	vand.u32 $0x7FFFFFFF, v35;
	v4 =	vand.u32 $0x7FFFFFFF, v21;
	v33 =	vand.u32 $0x7FFFFFFF, v5;
	v21 =	vld [tilespmem:s19+$0x9450]  }
0x223: {  	v7 =	vand.u32 $0x7FFFFFFF, v11;
	v6 =	vmax.f32 v6, v29;
	v5 =	vand.u32 $0x7FFFFFFF, v9;
	v29 =	vld [tilespmem:s19+$0x9850]  }
0x224: {  	v19 =	vand.u32 $0x7FFFFFFF, v19;
	v9 =	vand.u32 $0x7FFFFFFF, v36;
	v11 =	vmax.f32 v24, v33;
	v24 =	vld [tilespmem:s16+$0x50]  }
0x225: {  	v36 =	vand.u32 $0x7FFFFFFF, v41;
	v35 =	vmax.f32 v6, v39;
	v6 =	vand.u32 $0x7FFFFFFF, v17;
	v33 =	vld [tilespmem:s19+$0x8010]  }
0x226: {  	v23 =	vmax.f32 v23, v36;
	v34 =	vand.u32 $0x7FFFFFFF, v34;
	v17 =	vld [tilespmem:s19+$0x8020];
	v31 =	vand.u32 $0x7FFFFFFF, v31  }
0x227: {  	v28 =	vand.u32 $0x7FFFFFFF, v28;
	v39 =	vmax.f32 v11, v10;
	v36 =	vld [tilespmem:s19+$0x8030];
	v10 =	vmax.f32 v23, v31  }
0x228: {  	v27 =	vmax.f32 v35, v27;
	v11 =	vand.u32 $0x7FFFFFFF, v21;
	v23 =	vld [tilespmem:s19+$0x8040];
	v21 =	vand.u32 $0x7FFFFFFF, v29  }
0x229: {  	v31 =	vand.u32 $0x7FFFFFFF, v32;
	v11 =	vmax.f32 v10, v11;
	v29 =	vld [tilespmem:s20+$0x10];
	v10 =	vand.u32 $0x7FFFFFFF, v24  }
0x22a: {  	v35 =	vand.u32 $0x7FFFFFFF, v40;
	v32 =	vand.u32 $0x7FFFFFFF, v46;
	v11 =	vmax.f32 v11, v21;
	v24 =	vld [tilespmem:s20+$0x0]  }
0x22b: {  	v21 =	vand.u32 $0x7FFFFFFF, v33;
	v33 =	vmax.f32 v39, v37;
	v17 =	vand.u32 $0x7FFFFFFF, v17;
	v37 =	vld [tilespmem:s19+$0x9020]  }
0x22c: {  	v33 =	vmax.f32 v33, v38;
	v17 =	vmax.f32 v15, v17;
	v15 =	vand.u32 $0x7FFFFFFF, v36;
	v36 =	vld [tilespmem:s19+$0x9420]  }
0x22d: {  	v0 =	vmax.f32 v0, v15;
	v23 =	vand.u32 $0x7FFFFFFF, v23;
	v38 =	vld [tilespmem:s19+$0x8410];
	v15 =	vmax.f32 v33, v34  }
0x22e: {  	v33 =	vld [tilespmem:s19+$0x8000];
	v23 =	vmax.f32 v16, v23;
	v0 =	vmax.f32 v0, v26;
	v16 =	vmax.f32 v27, v30  }
0x22f: {  	v26 =	vmax.f32 v17, v28;
	v0 =	vmax.f32 v0, v12;
	v12 =	vmax.f32 v16, v31;
	v16 =	vld [tilespmem:s19+$0x9820]  }
0x230: {  	v17 =	vmax.f32 v23, v22;
	v0 =	vmax.f32 v0, v35;
	v22 =	vld [tilespmem:s19+$0x9010];
	v12 =	vmax.f32 v12, v19  }
0x231: {  	v14 =	vmax.f32 v14, v21;
	v23 =	vand.u32 $0x7FFFFFFF, v37;
	v28 =	vld [tilespmem:s19+$0x8400];
	v0 =	vmax.f32 v0, v45  }
0x232: {  	v25 =	vmax.f32 v26, v25;
	v19 =	vand.u32 $0x7FFFFFFF, v38;
	v0 =	vmax.f32 v0, v43;
	v30 =	vld [tilespmem:s19+$0x9810]  }
0x233: {  	v26 =	vand.u32 $0x7FFFFFFF, v29;
	v14 =	vmax.f32 v14, v19;
	v19 =	vld [tilespmem:s19+$0x9040];
	v0 =	vmax.f32 v0, v44  }
.Ltmp3:
0x234: {  	v25 =	vmax.f32 v25, v32;
	v21 =	vld [tilespmem:s19+$0x8800];
	v14 =	vmax.f32 v14, v42;
	v0 =	vmax.f32 v0, v20;
	(pc) =	sbr.rel @p0 .LBB2_8-.Ltmp3, $4  }
0x235: {  	v29 =	vand.u32 $0x7FFFFFFF, v36;
	v26 =	vmax.f32 v14, v26;
	v22 =	vand.u32 $0x7FFFFFFF, v22;
	v14 =	vld [tilespmem:s19+$0x9440]  }
0x236: {  	v20 =	vand.u32 $0x7FFFFFFF, v24;
	v24 =	vmax.f32 v25, v23;
	v22 =	vmax.f32 v26, v22;
	v23 =	vld [tilespmem:s19+$0x9840]  }
0x237: {  	v25 =	vand.u32 $0x7FFFFFFF, v33;
	v26 =	vmax.f32 v24, v29;
	v27 =	vmax.f32 v22, v18;
	v22 =	vld [tilespmem:s16+$0x0]  }
0x238: {  	s18 =	sadd.s32 $0x80, s18;
	v24 =	vmax.f32 v13, v25;
	v25 =	vand.u32 $0x7FFFFFFF, v28;
	v28 =	vand.u32 $0x7FFFFFFF, v30;
	v18 =	vld [tilespmem:s16+$0x20]  }
0x239: {  	v29 =	vld [tilespmem:s16+$0x40]  }
0x23a: {  	v30 =	vld [tilespmem:s16+$0x10];
	_ =	swait.ge [sflag:s11], $0x8000;
	s16 =	simm.s32 $0x0;
	s17 =	simm.s32 $0x0  }
0x23b: {  	[sflag:s11] =	ssyncset.done $0x0;
	s17 =	sand.u32 $0x6000, s17;
	s18 =	sand.u32 $0x380, s16  }
0x23c: {  	[sflag:s11] =	ssyncadd.s32 $0xFFFF8000;
	s17 =	sor.u32 s18, s17  }
0x23d: {  	v31 =	vld [tilespmem:s17+$0x1010]  }
0x23e: {  	v32 =	vld [tilespmem:s17+$0x1000]  }
0x23f: {  	v33 =	vld [tilespmem:s17+$0xC70]  }
0x240: {  	v34 =	vld [tilespmem:s17+$0x860]  }
0x241: {  	v35 =	vld [tilespmem:s17+$0xC60]  }
0x242: {  	v13 =	vld [tilespmem:s17+$0xC50]  }
0x243: {  	v36 =	vld [tilespmem:s17+$0xC40]  }
0x244: {  	v37 =	vld [tilespmem:s17+$0xC30]  }
0x245: {  	v38 =	vld [tilespmem:s17+$0xC20]  }
0x246: {  	v39 =	vld [tilespmem:s17+$0xC10]  }
0x247: {  	v40 =	vld [tilespmem:s17+$0xC00]  }
0x248: {  	v41 =	vld [tilespmem:s17+$0x460]  }
0x249: {  	v42 =	vld [tilespmem:s17+$0x870]  }
0x24a: {  	v43 =	vld [tilespmem:s17+$0x850]  }
0x24b: {  	v44 =	vld [tilespmem:s17+$0x840]  }
0x24c: {  	v45 =	vld [tilespmem:s17+$0x830]  }
0x24d: {  	v46 =	vld [tilespmem:s17+$0x820]  }
0x24e: {  	v47 =	vld [tilespmem:s17+$0x810]  }
0x24f: {  	v16 =	vand.u32 $0x7FFFFFFF, v16;
	v48 =	vld [tilespmem:s17+$0x800]  }
0x250: {  	v1 =	vmax.f32 v17, v1;
	v17 =	vmax.f32 v27, v28;
	v24 =	vmax.f32 v24, v25;
	v59 =	vld [tilespmem:s17+$0x470]  }
0x251: {  	v21 =	vand.u32 $0x7FFFFFFF, v21;
	v8 =	vmax.f32 v15, v8;
	v19 =	vand.u32 $0x7FFFFFFF, v19;
	v15 =	vld [tilespmem:s17+$0x440]  }
0x252: {  	v16 =	vmax.f32 v26, v16;
	v1 =	vmax.f32 v1, v9;
	v21 =	vmax.f32 v24, v21;
	v9 =	vld [tilespmem:s17+$0x1870]  }
0x253: {  	v8 =	vmax.f32 v8, v7;
	v7 =	vmax.f32 v11, v10;
	v1 =	vmax.f32 v1, v19;
	v19 =	vld [tilespmem:s17+$0x430]  }
0x254: {  	v10 =	vand.u32 $0x7FFFFFFF, v14;
	v23 =	vand.u32 $0x7FFFFFFF, v23;
	v14 =	vmax.f32 v21, v20;
	v11 =	vld [tilespmem:s17+$0x1830]  }
0x255: {  	v5 =	vmax.f32 v8, v5;
	v1 =	vmax.f32 v1, v10;
	v10 =	vld [tilespmem:s17+$0x420];
	v3 =	vmax.f32 v14, v3  }
0x256: {  	v22 =	vand.u32 $0x7FFFFFFF, v22;
	v14 =	vld [tilespmem:s17+$0x410];
	v18 =	vand.u32 $0x7FFFFFFF, v18;
	v3 =	vmax.f32 v3, v4  }
0x257: {  	v60 =	vld [tilespmem:s17+$0x70];
	v1 =	vmax.f32 v1, v23;
	v16 =	vmax.f32 v16, v18;
	v20 =	vand.u32 $0x7FFFFFFF, v30  }
0x258: {  	v61 =	vld [tilespmem:s17+$0x1070];
	v18 =	vand.u32 $0x7FFFFFFF, v29;
	v2 =	vmax.f32 v3, v2;
	v8 =	vmax.f32 v17, v20  }
0x259: {  	v62 =	vld [tilespmem:s17+$0x10];
	v18 =	vmax.f32 v1, v18;
	v1 =	vmax.f32 v12, v6;
	v6 =	vmax.f32 v2, v22  }
0x25a: {  	v63 =	vld [tilespmem:s17+$0x20];
	v12 =	vand.u32 $0x7FFFFFFF, v47;
	v20 =	vand.u32 $0x7FFFFFFF, v46;
	v21 =	vand.u32 $0x7FFFFFFF, v45  }
0x25b: {  	v52 =	vld [tilespmem:s17+$0x1430];
	v23 =	vand.u32 $0x7FFFFFFF, v42;
	v24 =	vand.u32 $0x7FFFFFFF, v40;
	v15 =	vand.u32 $0x7FFFFFFF, v15  }
0x25c: {  	v54 =	vld [tilespmem:s17+$0x0];
	v27 =	vand.u32 $0x7FFFFFFF, v39;
	v29 =	vand.u32 $0x7FFFFFFF, v38;
	v9 =	vand.u32 $0x7FFFFFFF, v9  }
0x25d: {  	v55 =	vld [tilespmem:s17+$0x40];
	v10 =	vand.u32 $0x7FFFFFFF, v10;
	v38 =	vand.u32 $0x7FFFFFFF, v41;
	v26 =	vand.u32 $0x7FFFFFFF, v59  }
0x25e: {  	v4 =	vld [tilespmem:s17+$0x1420];
	v22 =	vand.u32 $0x7FFFFFFF, v60;
	v19 =	vand.u32 $0x7FFFFFFF, v19;
	v39 =	vand.u32 $0x7FFFFFFF, v43  }
0x25f: {  	v49 =	vld [tilespmem:s17+$0x30];
	v35 =	vand.u32 $0x7FFFFFFF, v35;
	v28 =	vand.u32 $0x7FFFFFFF, v62;
	v14 =	vand.u32 $0x7FFFFFFF, v14  }
0x260: {  	v50 =	vld [tilespmem:s17+$0x1020];
	v41 =	vand.u32 $0x7FFFFFFF, v48;
	v11 =	vand.u32 $0x7FFFFFFF, v11;
	v33 =	vand.u32 $0x7FFFFFFF, v33  }
0x261: {  	v51 =	vld [tilespmem:s17+$0x1030];
	v31 =	vand.u32 $0x7FFFFFFF, v31;
	v25 =	vand.u32 $0x7FFFFFFF, v61;
	v30 =	vand.u32 $0x7FFFFFFF, v63  }
0x262: {  	s25 =	sand.u32 $0x7, s16;
	v58 =	vld [tilespmem:s17+$0x1040];
	v59 =	vand.u32 $0x7FFFFFFF, v52;
	v61 =	vand.u32 $0x7FFFFFFF, v54;
	v62 =	vand.u32 $0x7FFFFFFF, v44  }
0x263: {  	s18 =	sshll.u32 s25, $0x7;
	v2 =	vld [tilespmem:s17+$0x400];
	v47 =	vand.u32 $0x7FFFFFFF, v55;
	v3 =	vand.u32 $0x7FFFFFFF, v4;
	v4 =	vand.u32 $0x7FFFFFFF, v34  }
0x264: {  	s18 =	sadd.s32 $0x0, s18;
	v57 =	vld [tilespmem:s17+$0x1400];
	v34 =	vand.u32 $0x7FFFFFFF, v37;
	v5 =	vmax.f32 v5, v22;
	v22 =	vand.u32 $0x7FFFFFFF, v36  }
0x265: {  	s19 =	sor.u32 $0x1C20, s18;
	v17 =	vld [tilespmem:s17+$0x1470];
	v8 =	vmax.f32 v8, v28;
	v28 =	vand.u32 $0x7FFFFFFF, v32;
	v37 =	vand.u32 $0x7FFFFFFF, v49  }
0x266: {  	v53 =	vld [tilespmem:s19+$0x0];
	v16 =	vmax.f32 v16, v30;
	v6 =	vmax.f32 v6, v61;
	v18 =	vmax.f32 v18, v47  }
0x267: {  	v60 =	vld [tilespmem:s17+$0x1800];
	v49 =	vand.u32 $0x7FFFFFFF, v58;
	v0 =	vmax.f32 v0, v37;
	v15 =	vmax.f32 v18, v15  }
0x268: {  	v63 =	vld [tilespmem:s17+$0x1440];
	v10 =	vmax.f32 v16, v10;
	v56 =	vand.u32 $0x7FFFFFFF, v2;
	v2 =	vmax.f32 v8, v14  }
0x269: {  	v48 =	vld [tilespmem:s17+$0x1840];
	v8 =	vand.u32 $0x7FFFFFFF, v50;
	v14 =	vmax.f32 v5, v26;
	v5 =	vand.u32 $0x7FFFFFFF, v51  }
0x26a: {  	s30 =	sor.u32 $0x1C50, s18;
	v55 =	vld [tilespmem:s17+$0x1410];
	v17 =	vand.u32 $0x7FFFFFFF, v17;
	v0 =	vmax.f32 v0, v19;
	v26 =	vand.u32 $0x7FFFFFFF, v57  }
0x26b: {  	s28 =	sor.u32 $0x1C40, s18;
	v58 =	vld [tilespmem:s30+$0x0];
	v10 =	vmax.f32 v10, v20;
	v12 =	vmax.f32 v2, v12;
	v0 =	vmax.f32 v0, v21  }
0x26c: {  	v50 =	vld [tilespmem:s28+$0x0];
	v2 =	vand.u32 $0x7FFFFFFF, v53;
	v6 =	vmax.f32 v6, v56;
	v0 =	vmax.f32 v0, v34  }
0x26d: {  	v51 =	vld [tilespmem:s17+$0x50];
	v18 =	vmax.f32 v6, v41;
	v6 =	vmax.f32 v15, v62;
	v0 =	vmax.f32 v0, v5  }
0x26e: {  	s26 =	sor.u32 $0x1C00, s18;
	v53 =	vld [tilespmem:s17+$0x450];
	v12 =	vmax.f32 v12, v27;
	v5 =	vmax.f32 v6, v22;
	v0 =	vmax.f32 v0, v59  }
0x26f: {  	v19 =	vld [tilespmem:s26+$0x0];
	v54 =	vand.u32 $0x7FFFFFFF, v63;
	v27 =	vmax.f32 v5, v49;
	v5 =	vmax.f32 v0, v11  }
0x270: {  	v61 =	vld [tilespmem:s17+$0x1060];
	v11 =	vmax.f32 v12, v31;
	v0 =	vmax.f32 v27, v54;
	v12 =	vand.u32 $0x7FFFFFFF, v48  }
0x271: {  	v14 =	vmax.f32 v14, v23;
	v15 =	vld [tilespmem:s17+$0x1050];
	v0 =	vmax.f32 v0, v12;
	v12 =	vand.u32 $0x7FFFFFFF, v50  }
0x272: {  	v16 =	vmax.f32 v18, v24;
	v18 =	vld [tilespmem:s17+$0x1450];
	v0 =	vmax.f32 v0, v12;
	v12 =	vand.u32 $0x7FFFFFFF, v51  }
0x273: {  	v57 =	vld [tilespmem:s17+$0x60];
	v52 =	vand.u32 $0x7FFFFFFF, v60;
	v7 =	vmax.f32 v7, v12;
	v12 =	vand.u32 $0x7FFFFFFF, v53  }
0x274: {  	s29 =	sor.u32 $0x1C10, s18;
	v14 =	vmax.f32 v14, v33;
	v6 =	vand.u32 $0x7FFFFFFF, v19;
	v19 =	vld [tilespmem:s17+$0x1810];
	v7 =	vmax.f32 v7, v12  }
0x275: {  	v56 =	vld [tilespmem:s29+$0x0];
	v59 =	vmax.f32 v10, v29;
	v10 =	vand.u32 $0x7FFFFFFF, v13;
	v7 =	vmax.f32 v7, v39  }
0x276: {  	v20 =	vld [tilespmem:s17+$0x1850];
	v12 =	vmax.f32 v14, v25;
	v7 =	vmax.f32 v7, v10;
	v10 =	vand.u32 $0x7FFFFFFF, v15  }
0x277: {  	s20 =	sor.u32 $0x1C30, s18;
	v14 =	vand.u32 $0x7FFFFFFF, v55;
	v7 =	vmax.f32 v7, v10;
	v10 =	vand.u32 $0x7FFFFFFF, v18;
	v18 =	vld [tilespmem:s17+$0x1460]  }
0x278: {  	s31 =	sor.u32 $0x1C60, s18;
	v60 =	vld [tilespmem:s20+$0x0];
	v16 =	vmax.f32 v16, v28;
	v13 =	vmax.f32 v12, v17;
	v12 =	vmax.f32 v11, v14  }
0x279: {  	v62 =	vld [tilespmem:s31+$0x0];
	v17 =	vand.u32 $0x7FFFFFFF, v19;
	v15 =	vmax.f32 v16, v26;
	v16 =	vand.u32 $0x7FFFFFFF, v57  }
0x27a: {  	v14 =	vld [tilespmem:s17+$0x1820];
	v11 =	vmax.f32 v13, v9;
	v13 =	vand.u32 $0x7FFFFFFF, v56;
	v1 =	vmax.f32 v1, v16  }
0x27b: {  	s18 =	sor.u32 $0x1C70, s18;
	v7 =	vmax.f32 v7, v10;
	v10 =	vand.u32 $0x7FFFFFFF, v20;
	v20 =	vld [tilespmem:s17+$0x1860];
	v63 =	vmax.f32 v1, v38  }
0x27c: {  	v1 =	vmax.f32 v7, v10;
	v7 =	vmax.f32 v63, v4;
	v4 =	vand.u32 $0x7FFFFFFF, v18;
	v18 =	vld [tilespmem:s18+$0x0]  }
0x27d: {  	v9 =	vand.u32 $0x7FFFFFFF, v58;
	v15 =	vmax.f32 v15, v52;
	v16 =	vand.u32 $0x7FFFFFFF, v61  }
0x27e: {  	v10 =	vand.u32 $0x7FFFFFFF, v60;
	v1 =	vmax.f32 v1, v9;
	v9 =	vmax.f32 v59, v8  }
0x27f: {  	v8 =	vmax.f32 v7, v35;
	v7 =	vand.u32 $0x7FFFFFFF, v14;
	v3 =	vmax.f32 v9, v3  }
0x280: {  	s19 =	simm.s32 $0xFFFF8400;
	s17 =	simm.s32 $0x80;
	v9 =	vmax.f32 v3, v7;
	v3 =	vand.u32 $0x7FFFFFFF, v62;
	s18 =	simm.s32 $0x1;
	v7 =	vand.u32 $0x7FFFFFFF, v20  }
.LBB2_10:
0x281: {  	s20 =	sand.u32 $0x7, s18;
	s21 =	sadd.s32 $0x8000, s19;
	v12 =	vmax.f32 v12, v17;
	v2 =	vmax.f32 v9, v2;
	v9 =	vand.u32 $0x7FFFFFFF, v18;
	s16 =	sadd.s32 $0x400, s16  }
0x282: {  	s22 =	sand.u32 $0x380, s17;
	v8 =	vmax.f32 v8, v16;
	v6 =	vmax.f32 v15, v6;
	s20 =	sshll.u32 s20, $0x7;
	s21 =	sand.u32 $0x6000, s21;
	v14 =	vmax.f32 v12, v13  }
0x283: {  	p0 =	sne.s32 s17, $0xF80;
	v5 =	vmax.f32 v5, v10;
	v4 =	vmax.f32 v8, v4;
	v9 =	vmax.f32 v11, v9;
	s20 =	sadd.s32 s20, s16;
	s22 =	sor.u32 s22, s21  }
0x284: {  	v4 =	vmax.f32 v4, v7;
	v15 =	vld [tilespmem:s22+$0x1010];
	s25 =	sor.u32 $0x1C00, s20;
	s24 =	sor.u32 $0x1C10, s20;
	s21 =	sor.u32 $0x1C70, s20  }
0x285: {  	s17 =	sadd.s32 $0x80, s17;
	s23 =	sor.u32 $0x1C30, s20;
	v3 =	vmax.f32 v4, v3;
	v16 =	vld [tilespmem:s22+$0x1000]  }
0x286: {  	v17 =	vld [tilespmem:s22+$0xC70]  }
0x287: {  	v8 =	vld [tilespmem:s22+$0x860]  }
0x288: {  	v18 =	vld [tilespmem:s22+$0xC60]  }
0x289: {  	v4 =	vld [tilespmem:s22+$0xC50]  }
0x28a: {  	v19 =	vld [tilespmem:s22+$0xC40]  }
0x28b: {  	v10 =	vld [tilespmem:s22+$0xC30]  }
0x28c: {  	v7 =	vld [tilespmem:s22+$0xC20]  }
0x28d: {  	v11 =	vld [tilespmem:s22+$0xC10]  }
0x28e: {  	v13 =	vld [tilespmem:s22+$0xC00]  }
0x28f: {  	v20 =	vld [tilespmem:s22+$0x460]  }
0x290: {  	v21 =	vld [tilespmem:s22+$0x870]  }
0x291: {  	v22 =	vld [tilespmem:s22+$0x850]  }
0x292: {  	v23 =	vld [tilespmem:s22+$0x840]  }
0x293: {  	v24 =	vld [tilespmem:s22+$0x830]  }
0x294: {  	v12 =	vld [tilespmem:s22+$0x820]  }
0x295: {  	v25 =	vld [tilespmem:s22+$0x810]  }
0x296: {  	v26 =	vld [tilespmem:s22+$0x800]  }
0x297: {  	v27 =	vld [tilespmem:s22+$0x470]  }
0x298: {  	v28 =	vld [tilespmem:s22+$0x440]  }
0x299: {  	v29 =	vld [tilespmem:s22+$0x1870]  }
0x29a: {  	v30 =	vld [tilespmem:s22+$0x430];
	v25 =	vand.u32 $0x7FFFFFFF, v25  }
0x29b: {  	v12 =	vand.u32 $0x7FFFFFFF, v12;
	v31 =	vld [tilespmem:s22+$0x1830]  }
0x29c: {  	v24 =	vand.u32 $0x7FFFFFFF, v24;
	v32 =	vld [tilespmem:s22+$0x420]  }
0x29d: {  	v33 =	vld [tilespmem:s22+$0x410]  }
0x29e: {  	v34 =	vld [tilespmem:s22+$0x1420]  }
0x29f: {  	v35 =	vld [tilespmem:s22+$0x1470]  }
0x2a0: {  	v21 =	vand.u32 $0x7FFFFFFF, v21;
	v36 =	vld [tilespmem:s22+$0x400]  }
0x2a1: {  	v38 =	vand.u32 $0x7FFFFFFF, v13;
	v37 =	vld [tilespmem:s22+$0x70]  }
0x2a2: {  	v39 =	vand.u32 $0x7FFFFFFF, v11;
	v28 =	vand.u32 $0x7FFFFFFF, v28;
	v40 =	vld [tilespmem:s22+$0x1070]  }
0x2a3: {  	v13 =	vand.u32 $0x7FFFFFFF, v7;
	v41 =	vld [tilespmem:s22+$0x10];
	v7 =	vand.u32 $0x7FFFFFFF, v34  }
0x2a4: {  	v8 =	vand.u32 $0x7FFFFFFF, v8;
	v42 =	vand.u32 $0x7FFFFFFF, v10;
	v11 =	vand.u32 $0x7FFFFFFF, v29;
	v34 =	vld [tilespmem:s22+$0x20]  }
0x2a5: {  	v10 =	vand.u32 $0x7FFFFFFF, v20;
	v20 =	vand.u32 $0x7FFFFFFF, v27;
	v32 =	vand.u32 $0x7FFFFFFF, v32;
	v29 =	vld [tilespmem:s22+$0x30]  }
0x2a6: {  	v22 =	vand.u32 $0x7FFFFFFF, v22;
	v30 =	vand.u32 $0x7FFFFFFF, v30;
	v27 =	vand.u32 $0x7FFFFFFF, v37;
	v37 =	vld [tilespmem:s22+$0x1020]  }
0x2a7: {  	v19 =	vand.u32 $0x7FFFFFFF, v19;
	v27 =	vmax.f32 v9, v27;
	v9 =	vand.u32 $0x7FFFFFFF, v18;
	v18 =	vld [tilespmem:s22+$0x1030]  }
0x2a8: {  	s26 =	sor.u32 $0x1C20, s20;
	v26 =	vand.u32 $0x7FFFFFFF, v26;
	v33 =	vand.u32 $0x7FFFFFFF, v33;
	v41 =	vand.u32 $0x7FFFFFFF, v41;
	v43 =	vld [tilespmem:s22+$0x1430]  }
0x2a9: {  	v16 =	vand.u32 $0x7FFFFFFF, v16;
	v31 =	vand.u32 $0x7FFFFFFF, v31;
	v14 =	vmax.f32 v14, v41;
	v41 =	vld [tilespmem:s26+$0x0]  }
0x2aa: {  	v15 =	vand.u32 $0x7FFFFFFF, v15;
	v17 =	vand.u32 $0x7FFFFFFF, v17;
	v44 =	vld [tilespmem:s22+$0x0];
	v29 =	vand.u32 $0x7FFFFFFF, v29  }
0x2ab: {  	v36 =	vand.u32 $0x7FFFFFFF, v36;
	v33 =	vmax.f32 v14, v33;
	v45 =	vld [tilespmem:s22+$0x40];
	v14 =	vand.u32 $0x7FFFFFFF, v37  }
0x2ac: {  	v20 =	vmax.f32 v27, v20;
	v27 =	vand.u32 $0x7FFFFFFF, v40;
	v18 =	vand.u32 $0x7FFFFFFF, v18;
	v37 =	vld [tilespmem:s22+$0x1400]  }
0x2ad: {  	v35 =	vand.u32 $0x7FFFFFFF, v35;
	v34 =	vand.u32 $0x7FFFFFFF, v34;
	v25 =	vmax.f32 v33, v25;
	v33 =	vld [tilespmem:s22+$0x1040]  }
0x2ae: {  	v34 =	vmax.f32 v2, v34;
	v40 =	vand.u32 $0x7FFFFFFF, v43;
	v43 =	vld [tilespmem:s22+$0x1800];
	v2 =	vand.u32 $0x7FFFFFFF, v41  }
0x2af: {  	v23 =	vand.u32 $0x7FFFFFFF, v23;
	v5 =	vmax.f32 v5, v29;
	v41 =	vand.u32 $0x7FFFFFFF, v44;
	v29 =	vld [tilespmem:s22+$0x1440]  }
0x2b0: {  	v5 =	vmax.f32 v5, v30;
	v25 =	vmax.f32 v25, v39;
	v6 =	vmax.f32 v6, v41;
	v30 =	vld [tilespmem:s25+$0x0]  }
0x2b1: {  	v5 =	vmax.f32 v5, v24;
	v39 =	vand.u32 $0x7FFFFFFF, v45;
	s25 =	sor.u32 $0x1C40, s20;
	v6 =	vmax.f32 v6, v36;
	v24 =	vld [tilespmem:s22+$0x1840]  }
0x2b2: {  	v5 =	vmax.f32 v5, v42;
	v0 =	vmax.f32 v0, v39;
	v33 =	vand.u32 $0x7FFFFFFF, v33;
	v36 =	vld [tilespmem:s25+$0x0]  }
0x2b3: {  	v0 =	vmax.f32 v0, v28;
	v26 =	vmax.f32 v6, v26;
	v39 =	vld [tilespmem:s22+$0x50];
	v28 =	vand.u32 $0x7FFFFFFF, v43  }
0x2b4: {  	v5 =	vmax.f32 v5, v18;
	v0 =	vmax.f32 v0, v23;
	v23 =	vand.u32 $0x7FFFFFFF, v37;
	v18 =	vld [tilespmem:s22+$0x1050]  }
0x2b5: {  	v5 =	vmax.f32 v5, v40;
	v0 =	vmax.f32 v0, v19;
	v19 =	vand.u32 $0x7FFFFFFF, v29;
	v37 =	vld [tilespmem:s22+$0x450]  }
0x2b6: {  	v5 =	vmax.f32 v5, v31;
	v0 =	vmax.f32 v0, v33;
	v6 =	vand.u32 $0x7FFFFFFF, v30;
	v29 =	vld [tilespmem:s22+$0x1410]  }
0x2b7: {  	v15 =	vmax.f32 v25, v15;
	v0 =	vmax.f32 v0, v19;
	v24 =	vand.u32 $0x7FFFFFFF, v24;
	v19 =	vld [tilespmem:s22+$0x1810]  }
0x2b8: {  	v20 =	vmax.f32 v20, v21;
	v0 =	vmax.f32 v0, v24;
	v24 =	vand.u32 $0x7FFFFFFF, v36;
	v21 =	vld [tilespmem:s24+$0x0]  }
0x2b9: {  	v25 =	vmax.f32 v34, v32;
	v26 =	vmax.f32 v26, v38;
	v0 =	vmax.f32 v0, v24;
	v30 =	vld [tilespmem:s22+$0x1450]  }
0x2ba: {  	v12 =	vmax.f32 v25, v12;
	v16 =	vmax.f32 v26, v16;
	v24 =	vand.u32 $0x7FFFFFFF, v39;
	v31 =	vld [tilespmem:s22+$0x60]  }
0x2bb: {  	v17 =	vmax.f32 v20, v17;
	s24 =	sor.u32 $0x1C50, s20;
	v1 =	vmax.f32 v1, v24;
	v24 =	vand.u32 $0x7FFFFFFF, v37;
	v20 =	vld [tilespmem:s22+$0x1850]  }
0x2bc: {  	v17 =	vmax.f32 v17, v27;
	v1 =	vmax.f32 v1, v24;
	v24 =	vand.u32 $0x7FFFFFFF, v29;
	v25 =	vld [tilespmem:s24+$0x0]  }
0x2bd: {  	v4 =	vand.u32 $0x7FFFFFFF, v4;
	v1 =	vmax.f32 v1, v22;
	v22 =	vmax.f32 v12, v13;
	v26 =	vld [tilespmem:s23+$0x0]  }
0x2be: {  	v16 =	vmax.f32 v16, v23;
	v1 =	vmax.f32 v1, v4;
	v4 =	vand.u32 $0x7FFFFFFF, v18;
	v27 =	vld [tilespmem:s22+$0x1060]  }
0x2bf: {  	v13 =	vmax.f32 v17, v35;
	v1 =	vmax.f32 v1, v4;
	v4 =	vand.u32 $0x7FFFFFFF, v30;
	v23 =	vld [tilespmem:s22+$0x1460]  }
0x2c0: {  	v12 =	vmax.f32 v15, v24;
	v17 =	vand.u32 $0x7FFFFFFF, v31;
	v1 =	vmax.f32 v1, v4;
	v24 =	vld [tilespmem:s22+$0x1820]  }
0x2c1: {  	s20 =	sor.u32 $0x1C60, s20;
	v11 =	vmax.f32 v13, v11;
	v13 =	vand.u32 $0x7FFFFFFF, v21;
	v4 =	vand.u32 $0x7FFFFFFF, v20;
	v20 =	vld [tilespmem:s22+$0x1860]  }
0x2c2: {  	v15 =	vmax.f32 v16, v28;
	v3 =	vmax.f32 v3, v17;
	v21 =	vand.u32 $0x7FFFFFFF, v25;
	v25 =	vld [tilespmem:s20+$0x0]  }
.Ltmp4:
0x2c3: {  	v17 =	vand.u32 $0x7FFFFFFF, v19;
	v3 =	vmax.f32 v3, v10;
	v1 =	vmax.f32 v1, v4;
	v18 =	vld [tilespmem:s21+$0x0];
	(pc) =	sbr.rel @p0 .LBB2_10-.Ltmp4, $4  }
0x2c4: {  	v10 =	vand.u32 $0x7FFFFFFF, v26;
	v1 =	vmax.f32 v1, v21;
	v16 =	vand.u32 $0x7FFFFFFF, v27  }
0x2c5: {  	v14 =	vmax.f32 v22, v14;
	v3 =	vmax.f32 v3, v8;
	v4 =	vand.u32 $0x7FFFFFFF, v23  }
0x2c6: {  	v8 =	vmax.f32 v3, v9;
	v3 =	vmax.f32 v14, v7;
	v7 =	vand.u32 $0x7FFFFFFF, v24  }
0x2c7: {  	s18 =	sadd.s32 $0x1, s18;
	s19 =	sadd.s32 $0x400, s19;
	v9 =	vmax.f32 v3, v7;
	v7 =	vand.u32 $0x7FFFFFFF, v20;
	v3 =	vand.u32 $0x7FFFFFFF, v25  }
0x2c8: {  	v12 =	vmax.f32 v12, v17  }
0x2c9: {  	v6 =	vmax.f32 v15, v6;
	v12 =	vmax.f32 v12, v13  }
0x2ca: {  	v2 =	vmax.f32 v9, v2;
	v6 =	vmax.f32 v6, v12  }
0x2cb: {  	v8 =	vmax.f32 v8, v16;
	v5 =	vmax.f32 v5, v10;
	v2 =	vmax.f32 v6, v2  }
0x2cc: {  	v4 =	vmax.f32 v8, v4;
	v2 =	vmax.f32 v2, v5  }
0x2cd: {  	v4 =	vmax.f32 v4, v7;
	v0 =	vmax.f32 v2, v0  }
0x2ce: {  	v62 =	vand.u32 $0x7FFFFFFF, v18;
	v3 =	vmax.f32 v4, v3;
	v0 =	vmax.f32 v0, v1  }
0x2cf: {  	s15 =	sadd.s32 $0x1, s15;
	v63 =	vmax.f32 v11, v62;
	v0 =	vmax.f32 v0, v3  }
0x2d0: {  	p0 =	sne.s32 s15, s9;
	v0 =	vmax.f32 v0, v63  }
.Ltmp5:
0x2d1: {  	[tilespmem:$0x10000] =	vst v0;
	(pc) =	sbr.rel @p0 .LBB2_1-.Ltmp5, $4  }
0x2d2: {  	[hbm4b:s8+s2] =	stream.linear.scatter [tilespmem:s13], [sflag:$0x3], $0x10, $0x38;
	[tilespmem:$0x10080] =	vst v63  }
0x2d3: {  	_ =	swait.ge [sflag:s14], $0x10  }
0x2d4: {  	[sflag:s14] =	ssyncset.done $0x0  }
0x2d5: {  	[sflag:s14] =	ssyncadd.s32 $0xFFFFFFF0  }
0x2d6: {  	_ =	sfence.sel $0x180000  }
0x2d7: {  	[bflag:$0x0] =	sbarrier.arrive $0xFFFF  }
0x2d8: {  	p0 =	sne.s32 s1, $0x0;
	_ =	strace $0x90000047  }
0x2d9: {  	s0 =	sadd.s32 @!p0 $0x100000, s0;
	[bflag:$0x2] =	sbarrier.arrive $0xFFFF  }
0x2da: {  	[sflag:s0] =	ssyncadd.tile.s32 @!p0 $0x1;
	_ =	shalt  }
.Lfunc_end2:
_tile_overlayer_lowered:
.L_overlay_start_2:
0x2db: {  	(tag) =	ssettag $0x2  }
0x2dc: {  	s0 =	rddreg [dreg:$0x0];
	s2 =	stileid.u32  }
0x2dd: {  	s1 =	rddreg [dreg:$0x1];
	p0 =	sne.s32 s2, $0x0  }
0x2de: {  	s3 =	rddreg [dreg:$0x2];
	[bflag:$0x3] =	sbarrier.arrive $0xFFFF;
	s2 =	simm.s32 @!p0 $0x1C03  }
0x2df: {  	[timem:s3], [sflag:s2] =	dma.local @!p0 [hbm:s0], s1  }
0x2e0: {  	s0 =	simm.s32 @!p0 $0x3  }
0x2e1: {  	_ =	swait.ge @!p0 [sflag:s0], s1  }
0x2e2: {  	s1 =	ssub.s32 @!p0 $0x0, s1;
	[sflag:s0] =	ssyncset.done @!p0 $0x0  }
0x2e3: {  	[sflag:s0] =	ssyncadd.s32 @!p0 s1  }
0x2e4: {  	[bflag:$0x3] =	sbarrier.arrive $0xFFFF  }
0x2e5: {  	_ =	shalt  }

</sc_bundles>
